<compile_context>
chip_gen: v7x
topology: tpu7x:2x2x1
jax: 0.10.2.dev20260603
libtpu: 0.0.44.dev20260713+nightly
codegen_flags: <defaults>
</compile_context>

<pallas_src>
import functools

import jax
import jax.numpy as jnp
from jax import lax
from jax.experimental import pallas as pl
from jax.experimental.pallas import tpu as pltpu
from jax.experimental.pallas import tpu_sc as plsc

NN = 10000
EE = 320000
DIN = 128
DHID = 256
NCLS = 40
DL3 = 48
BN_EPS = 1e-5

NCORE = 2
NSUB = 16
CHUNK = 128
N_PAD = 10240
E_PAD = 327680
TRASH = NN
R = 1024
NB = N_PAD // R



def _zero_rows(rows_ref, nrows, width):
    z = jnp.zeros((16,), jnp.float32)

    def body(r, _):
        for k in range(width // 16):
            rows_ref[r, pl.ds(k * 16, 16)] = z
        return 0

    lax.fori_loop(0, nrows, body, 0)


def _make_agg(depth, col_split, nbuf, group):
    ept = E_PAD // NSUB if col_split else E_PAD // (NCORE * NSUB)
    n_chunks = ept // CHUNK
    core_stride = E_PAD if col_split else E_PAD // NCORE
    rows_per_tile = N_PAD // NSUB
    wb = rows_per_tile // CHUNK
    n_groups = n_chunks // group

    def body(srcf, dstf, table, out, *scr):
        isg, idg = scr[0], scr[1]
        bufs = scr[2:2 + nbuf]
        acc = scr[2 + nbuf]
        gsems = scr[3 + nbuf:3 + 2 * nbuf]
        ssems = scr[3 + 2 * nbuf:3 + 3 * nbuf]
        c = lax.axis_index("c")
        s = lax.axis_index("s")
        _zero_rows(bufs[0], CHUNK, depth)
        for j in range(wb):
            pltpu.sync_copy(bufs[0], acc.at[pl.ds(s * rows_per_tile + j * CHUNK, CHUNK)])
        plsc.subcore_barrier()

        base0 = c * core_stride + s * ept
        baseq = c * (core_stride // CHUNK) + s * n_chunks

        def ggather(k, buf, sem):
            pltpu.async_copy(table.at[isg.at[pl.ds(k * CHUNK, CHUNK)]], buf, sem)

        def gwait(buf, sem):
            pltpu.make_async_copy(table.at[isg.at[pl.ds(0, CHUNK)]], buf, sem).wait()

        def swait(buf, sem):
            pltpu.make_async_copy(buf, acc.at[idg.at[0]], sem).wait()

        def group_body(g, _):
            pltpu.sync_copy(srcf.at[pl.ds(base0 + g * (group * CHUNK), group * CHUNK)], isg)
            pltpu.sync_copy(dstf.at[pl.ds(baseq + g * group, group)], idg)
            for i in range(nbuf):
                ggather(i, bufs[i], gsems[i])

            if nbuf == 2:
                def pair(p, _):
                    k0 = 2 * p
                    gwait(bufs[0], gsems[0])
                    pltpu.sync_copy(bufs[0], acc.at[idg.at[k0]], add=True)

                    @pl.when(k0 + 2 < group)
                    def _():
                        ggather(k0 + 2, bufs[0], gsems[0])

                    gwait(bufs[1], gsems[1])
                    pltpu.sync_copy(bufs[1], acc.at[idg.at[k0 + 1]], add=True)

                    @pl.when(k0 + 3 < group)
                    def _():
                        ggather(k0 + 3, bufs[1], gsems[1])
                    return 0

                lax.fori_loop(0, group // 2, pair, 0)
                return 0

            def rot(q, _):
                k0 = q * nbuf
                for i in range(nbuf):
                    gwait(bufs[i], gsems[i])
                    pltpu.async_copy(bufs[i], acc.at[idg.at[k0 + i]], ssems[i], add=True)
                for i in range(nbuf):
                    @pl.when(k0 + i + nbuf < group)
                    def _():
                        swait(bufs[i], ssems[i])
                        ggather(k0 + i + nbuf, bufs[i], gsems[i])
                return 0

            lax.fori_loop(0, group // nbuf, rot, 0)
            for i in range(nbuf):
                swait(bufs[i], ssems[i])
            return 0

        lax.fori_loop(0, n_groups, group_body, 0)
        plsc.subcore_barrier()
        for j in range(wb):
            r0 = s * rows_per_tile + j * CHUNK
            pltpu.sync_copy(acc.at[pl.ds(r0, CHUNK)], bufs[0])
            pltpu.sync_copy(bufs[0], out.at[pl.ds(c * N_PAD + r0, CHUNK)])

    return pl.kernel(
        body,
        out_type=jax.ShapeDtypeStruct((NCORE * N_PAD, depth), jnp.float32),
        mesh=plsc.VectorSubcoreMesh(core_axis_name="c", subcore_axis_name="s", num_cores=NCORE, num_subcores=NSUB),
        scratch_types=(
            [
                pltpu.VMEM((group * CHUNK,), jnp.int32),
                pltpu.VMEM((group, CHUNK), jnp.int32),
            ]
            + [pltpu.VMEM((CHUNK, depth), jnp.float32)] * nbuf
            + [pltpu.MemorySpace.VMEM_SHARED((N_PAD, depth), jnp.float32)]
            + [pltpu.SemaphoreType.DMA] * (2 * nbuf)
        ),
        compiler_params=pltpu.CompilerParams(use_tc_tiling_on_sc=False),
        name=f"gcn_agg_d{depth}_{'col' if col_split else 'edge'}",
    )


def _make_degrees():
    ept = E_PAD // (NCORE * NSUB)
    n_chunks = ept // CHUNK
    rows_per_tile = N_PAD // NSUB
    wb = rows_per_tile // CHUNK
    nsem = 8

    def body(srcf, dstf, out_s, out_d, isg, idg, buf, hs, hd, *sems):
        sem_s, sem_d = sems[:nsem], sems[nsem:]
        c = lax.axis_index("c")
        s = lax.axis_index("s")
        _zero_rows(buf, CHUNK, 16)
        for j in range(wb):
            r0 = s * rows_per_tile + j * CHUNK
            pltpu.sync_copy(buf, hs.at[pl.ds(r0, CHUNK)])
            pltpu.sync_copy(buf, hd.at[pl.ds(r0, CHUNK)])
        one = jnp.ones((16,), jnp.float32)

        def fill(r, _):
            buf[r, pl.ds(0, 16)] = one
            return 0

        lax.fori_loop(0, CHUNK, fill, 0)
        rowbase = c * (E_PAD // NCORE // CHUNK) + s * n_chunks
        pltpu.sync_copy(srcf.at[pl.ds(rowbase, n_chunks)], isg)
        pltpu.sync_copy(dstf.at[pl.ds(rowbase, n_chunks)], idg)
        plsc.subcore_barrier()

        def issue(k, i):
            pltpu.async_copy(buf, hs.at[isg.at[k]], sem_s[i], add=True)
            pltpu.async_copy(buf, hd.at[idg.at[k]], sem_d[i], add=True)

        def waits(i):
            pltpu.make_async_copy(buf, hs.at[isg.at[0]], sem_s[i]).wait()
            pltpu.make_async_copy(buf, hd.at[idg.at[0]], sem_d[i]).wait()

        for i in range(nsem):
            issue(i, i)

        def rot(q, _):
            k0 = q * nsem
            for i in range(nsem):
                @pl.when(k0 + i + nsem < n_chunks)
                def _():
                    waits(i)
                    issue(k0 + i + nsem, i)
            return 0

        lax.fori_loop(0, n_chunks // nsem, rot, 0)
        for i in range(nsem):
            waits(i)
        plsc.subcore_barrier()
        for j in range(wb):
            r0 = s * rows_per_tile + j * CHUNK
            pltpu.sync_copy(hs.at[pl.ds(r0, CHUNK)], buf)
            pltpu.sync_copy(buf, out_s.at[pl.ds(c * N_PAD + r0, CHUNK)])
            pltpu.sync_copy(hd.at[pl.ds(r0, CHUNK)], buf)
            pltpu.sync_copy(buf, out_d.at[pl.ds(c * N_PAD + r0, CHUNK)])

    return pl.kernel(
        body,
        out_type=[
            jax.ShapeDtypeStruct((NCORE * N_PAD, 16), jnp.float32),
            jax.ShapeDtypeStruct((NCORE * N_PAD, 16), jnp.float32),
        ],
        mesh=plsc.VectorSubcoreMesh(core_axis_name="c", subcore_axis_name="s", num_cores=NCORE, num_subcores=NSUB),
        scratch_types=(
            [
                pltpu.VMEM((n_chunks, CHUNK), jnp.int32),
                pltpu.VMEM((n_chunks, CHUNK), jnp.int32),
                pltpu.VMEM((CHUNK, 16), jnp.float32),
                pltpu.MemorySpace.VMEM_SHARED((N_PAD, 16), jnp.float32),
                pltpu.MemorySpace.VMEM_SHARED((N_PAD, 16), jnp.float32),
            ]
            + [pltpu.SemaphoreType.DMA] * (2 * nsem)
        ),
        compiler_params=pltpu.CompilerParams(use_tc_tiling_on_sc=False),
        name="gcn_degrees",
    )



_BN_RS = float(1.0 / (1.0 + BN_EPS) ** 0.5)


def _prep_body(x, hs0, hs1, hd0, hd1, xs, ns, nd):
    deg_o = jnp.maximum(hs0[...] + hs1[...], 1.0)
    deg_i = jnp.maximum(hd0[...] + hd1[...], 1.0)
    n_s = lax.rsqrt(deg_o)
    n_d = lax.rsqrt(deg_i)
    xs[...] = x[...] * n_s
    ns[...] = jnp.broadcast_to(n_s, (R, 8))
    nd[...] = jnp.broadcast_to(n_d, (R, 8))


def _tc_prep(x_pad, hs0, hs1, hd0, hd1):
    hspec = pl.BlockSpec((R, 1), lambda i: (i, 0))
    return pl.pallas_call(
        _prep_body,
        grid=(NB,),
        in_specs=[
            pl.BlockSpec((R, DIN), lambda i: (i, 0)),
            hspec, hspec, hspec, hspec,
        ],
        out_specs=[
            pl.BlockSpec((R, DIN), lambda i: (i, 0)),
            pl.BlockSpec((R, 8), lambda i: (i, 0)),
            pl.BlockSpec((R, 8), lambda i: (i, 0)),
        ],
        out_shape=[
            jax.ShapeDtypeStruct((N_PAD, DIN), jnp.float32),
            jax.ShapeDtypeStruct((N_PAD, 8), jnp.float32),
            jax.ShapeDtypeStruct((N_PAD, 8), jnp.float32),
        ],
    )(x_pad, hs0, hs1, hd0, hd1)


def _l1_body(p0, p1, w, b, g, bt, nd, ns, out):
    a = p0[...] + p1[...]
    h = jnp.dot(a, w[...], preferred_element_type=jnp.float32)
    h = h * nd[:, 0:1] + b[...]
    h = (h * _BN_RS) * g[...] + bt[...]
    h = jnp.maximum(h, 0.0)
    out[...] = h * ns[:, 0:1]


def _tc_layer1(agg_x, w1, b1, g1, bt1, nd, ns):
    nspec = pl.BlockSpec((R, 8), lambda c, i: (i, 0))
    pspec = pl.BlockSpec((1, DHID // 2), lambda c, i: (0, c))
    return pl.pallas_call(
        _l1_body,
        grid=(NCORE, NB),
        in_specs=[
            pl.BlockSpec((R, DIN), lambda c, i: (i, 0)),
            pl.BlockSpec((R, DIN), lambda c, i: (NB + i, 0)),
            pl.BlockSpec((DIN, DHID // 2), lambda c, i: (0, c)),
            pspec, pspec, pspec, nspec, nspec,
        ],
        out_specs=pl.BlockSpec((R, DHID // 2), lambda c, i: (c * NB + i, 0)),
        out_shape=jax.ShapeDtypeStruct((NCORE * N_PAD, DHID // 2), jnp.float32),
    )(agg_x, agg_x, w1, b1, g1, bt1, nd, ns)


def _l2_body(a0, a1, w2a, w2b, b, g, bt, w3, nd, ns, out):
    h = jnp.dot(a0[...], w2a[...], preferred_element_type=jnp.float32)
    h += jnp.dot(a1[...], w2b[...], preferred_element_type=jnp.float32)
    h = h * nd[:, 0:1] + b[...]
    h = (h * _BN_RS) * g[...] + bt[...]
    h = jnp.maximum(h, 0.0)
    h = h * ns[:, 0:1]
    out[...] = jnp.dot(h, w3[...], preferred_element_type=jnp.float32)


def _tc_layer2(agg2, w2, b2, g2, bt2, w3p, nd, ns):
    nspec = pl.BlockSpec((R, 8), lambda i: (i, 0))
    pspec = pl.BlockSpec((1, DHID), lambda i: (0, 0))
    half = DHID // 2
    return pl.pallas_call(
        _l2_body,
        grid=(NB,),
        in_specs=[
            pl.BlockSpec((R, half), lambda i: (i, 0)),
            pl.BlockSpec((R, half), lambda i: (NB + i, 0)),
            pl.BlockSpec((half, DHID), lambda i: (0, 0)),
            pl.BlockSpec((half, DHID), lambda i: (0, 0)),
            pspec, pspec, pspec,
            pl.BlockSpec((DHID, DL3), lambda i: (0, 0)),
            nspec, nspec,
        ],
        out_specs=pl.BlockSpec((R, DL3), lambda i: (i, 0)),
        out_shape=jax.ShapeDtypeStruct((N_PAD, DL3), jnp.float32),
    )(agg2, agg2, w2.reshape(2, half, DHID)[0], w2.reshape(2, half, DHID)[1],
      b2, g2, bt2, w3p, nd, ns)


def _final_body(p0, p1, b, nd, out):
    a = (p0[...] + p1[...]) * nd[:, 0:1] + b[...]
    t = a[:, :NCLS]
    m = jnp.max(t, axis=1, keepdims=True)
    e = jnp.exp(t - m)
    se = jnp.sum(e, axis=1, keepdims=True)
    out[...] = (t - m) - jnp.log(se)


def _tc_final(agg3, b3p, nd):
    return pl.pallas_call(
        _final_body,
        grid=(NB,),
        in_specs=[
            pl.BlockSpec((R, DL3), lambda i: (i, 0)),
            pl.BlockSpec((R, DL3), lambda i: (NB + i, 0)),
            pl.BlockSpec((1, DL3), lambda i: (0, 0)),
            pl.BlockSpec((R, 8), lambda i: (i, 0)),
        ],
        out_specs=pl.BlockSpec((R, NCLS), lambda i: (i, 0)),
        out_shape=jax.ShapeDtypeStruct((N_PAD, NCLS), jnp.float32),
    )(agg3, agg3, b3p, nd)



@jax.jit
def kernel(x, edge_index, W1, b1, gamma1, beta1, W2, b2, gamma2, beta2, W3, b3):
    f32 = jnp.float32
    pad_e = E_PAD - EE
    pad_idx = TRASH + jnp.arange(pad_e, dtype=jnp.int32) % (N_PAD - NN)
    src = jnp.concatenate([edge_index[0], pad_idx])
    dst = jnp.concatenate([edge_index[1], pad_idx])
    src2 = jnp.concatenate([src, src + N_PAD])
    dst2 = jnp.concatenate([dst, dst])
    x_pad = jnp.zeros((N_PAD, DIN), f32).at[:NN].set(x)

    src3 = src.reshape(-1, CHUNK)
    dst3 = dst.reshape(-1, CHUNK)
    hist_s, hist_d = _make_degrees()(src3, dst3)
    hs = hist_s[:, :1].reshape(NCORE, N_PAD, 1)
    hd = hist_d[:, :1].reshape(NCORE, N_PAD, 1)
    xs, ns, nd = _tc_prep(x_pad, hs[0], hs[1], hd[0], hd[1])

    dst23 = dst2.reshape(-1, CHUNK)
    agg_x = _make_agg(DIN, col_split=False, nbuf=2, group=40)(src, dst3, xs)
    h1s = _tc_layer1(agg_x, W1, b1.reshape(1, -1), gamma1.reshape(1, -1),
                     beta1.reshape(1, -1), nd, ns)

    agg2 = _make_agg(DHID // 2, col_split=True, nbuf=2, group=40)(src2, dst23, h1s)
    w3p = jnp.zeros((DHID, DL3), f32).at[:, :NCLS].set(W3)
    y3 = _tc_layer2(agg2, W2, b2.reshape(1, -1), gamma2.reshape(1, -1),
                    beta2.reshape(1, -1), w3p, nd, ns)

    agg3 = _make_agg(DL3, col_split=False, nbuf=8, group=80)(src, dst3, y3)
    b3p = jnp.zeros((1, DL3), f32).at[0, :NCLS].set(b3)
    out = _tc_final(agg3, b3p, nd)
    return out[:NN]

# --- scband reference (transcript-rebuilt; emitter-appended) ---
"""Pipeline reference for scband-gcn-85091892068582 (READ-ONLY COPY).

The authoritative reference and input builder live on the scoring server;
editing this copy changes nothing except your own understanding.
"""

import jax, jax.numpy as jnp
import numpy as np

N = 10000
E = 320000
D_IN = 128
D_HID = 256
N_CLASSES = 40
BN_EPS = 1e-5


def setup_inputs(seed: int = 0) -> dict:
    key = jax.random.key(seed)
    ks = jax.random.split(key, 10)
    x = jax.random.normal(ks[0], (N, D_IN), dtype=jnp.float32)
    edge_index = jax.random.randint(ks[1], (2, E), 0, N, dtype=jnp.int32)
    # GraphConv weights (glorot-ish scaling) and biases
    W1 = jax.random.normal(ks[2], (D_IN, D_HID), dtype=jnp.float32) * (1.0 / np.sqrt(D_IN))
    b1 = jnp.zeros((D_HID,), dtype=jnp.float32)
    W2 = jax.random.normal(ks[3], (D_HID, D_HID), dtype=jnp.float32) * (1.0 / np.sqrt(D_HID))
    b2 = jnp.zeros((D_HID,), dtype=jnp.float32)
    W3 = jax.random.normal(ks[4], (D_HID, N_CLASSES), dtype=jnp.float32) * (1.0 / np.sqrt(D_HID))
    b3 = jnp.zeros((N_CLASSES,), dtype=jnp.float32)
    # BatchNorm affine params (eval mode: running_mean=0, running_var=1)
    gamma1 = jnp.ones((D_HID,), dtype=jnp.float32)
    beta1 = jnp.zeros((D_HID,), dtype=jnp.float32)
    gamma2 = jnp.ones((D_HID,), dtype=jnp.float32)
    beta2 = jnp.zeros((D_HID,), dtype=jnp.float32)
    return {"x": x, "edge_index": edge_index, "W1": W1, "b1": b1, "gamma1": gamma1, "beta1": beta1, "W2": W2, "b2": b2, "gamma2": gamma2, "beta2": beta2, "W3": W3, "b3": b3}


def reference(x, edge_index, W1, b1, gamma1, beta1, W2, b2, gamma2, beta2, W3, b3):
    src = edge_index[0]
    dst = edge_index[1]
    ones = jnp.ones((E,), dtype=jnp.float32)
    deg_out = jnp.clip(jax.ops.segment_sum(ones, src, num_segments=N), 1.0, None)
    deg_in = jnp.clip(jax.ops.segment_sum(ones, dst, num_segments=N), 1.0, None)
    norm_s = jax.lax.rsqrt(deg_out)
    norm_d = jax.lax.rsqrt(deg_in)

    def graph_conv(h, W, b):
        # DGL GraphConv norm='both': D^{-1/2} A D^{-1/2} H W + b
        h = h * norm_s[:, None]
        h = h @ W
        m = h[src]  # gather along edges
        agg = jax.ops.segment_sum(m, dst, num_segments=N)  # scatter-add
        return agg * norm_d[:, None] + b

    def bn_eval(h, g, bta):
        # eval-mode BatchNorm1d with running_mean=0, running_var=1
        return (h * jax.lax.rsqrt(jnp.float32(1.0 + BN_EPS))) * g + bta

    h = x
    h = graph_conv(h, W1, b1)
    h = bn_eval(h, gamma1, beta1)
    h = jax.nn.relu(h)
    # dropout is identity in eval mode
    h = graph_conv(h, W2, b2)
    h = bn_eval(h, gamma2, beta2)
    h = jax.nn.relu(h)
    h = graph_conv(h, W3, b3)
    return jax.nn.log_softmax(h, axis=-1)

if __name__ == "__main__":
    import jax
    _d = setup_inputs()
    print(jax.jit(kernel)(*tuple(_d.values())))

</pallas_src>

<mosaic_0001>
#map = affine_map<(d0, d1) -> (0)>
#map1 = affine_map<(d0, d1) -> (0, 0)>
module attributes {stable_mosaic.version = 14 : i64} {
  func.func @gcn_agg_d128_col(%arg0: i32, %arg1: i32, %arg2: memref<655360xi32, #tpu.memory_space<hbm>>, %arg3: memref<5120x128xi32, #tpu.memory_space<hbm>>, %arg4: memref<20480x128xf32, #tpu.memory_space<hbm>>, %arg5: memref<20480x128xf32, #tpu.memory_space<hbm>>, %arg6: memref<5120xi32, #tpu.memory_space<vmem>>, %arg7: memref<40x128xi32, #tpu.memory_space<vmem>>, %arg8: memref<128x128xf32, #tpu.memory_space<vmem>>, %arg9: memref<128x128xf32, #tpu.memory_space<vmem>>, %arg10: memref<10240x128xf32, #tpu.memory_space<vmem_shared>>, %arg11: memref<!tpu.dma_semaphore, #tpu.memory_space<semaphore_mem>>, %arg12: memref<!tpu.dma_semaphore, #tpu.memory_space<semaphore_mem>>, %arg13: memref<!tpu.dma_semaphore, #tpu.memory_space<semaphore_mem>>, %arg14: memref<!tpu.dma_semaphore, #tpu.memory_space<semaphore_mem>>) attributes {dimension_semantics = [#tpu.dimension_semantics<core_parallel>, #tpu.dimension_semantics<subcore_parallel>], iteration_bounds = array<i64: 2, 16>, scalar_prefetch = 0 : i64, scratch_operands = 9 : i64, tpu.core_type = #tpu.core_type<sc_vector_subcore>, window_params = [{transform_indices = #map}, {transform_indices = #map1}, {transform_indices = #map1}, {transform_indices = #map1}]} {
    %broadcast_in_dim3A = arith.constant 0.000000e+00 : f32
    %broadcast_in_dim3A_0 = vector.broadcast %broadcast_in_dim3A : f32 to vector<16xf32>
    %scan3A = arith.constant 0 : i32
    %scan3A_1 = arith.constant 0 : i32
    %scan3A_2 = arith.constant 128 : i32
    %scan3A_3 = arith.addi %scan3A_1, %scan3A_2 : i32
    %scan3A_4 = arith.constant 1 : i32
    %scan3A_5 = scf.for %scan3A_78 = %scan3A_1 to %scan3A_3 step %scan3A_4 iter_args(%scan3A_79 = %scan3A) -> (i32)  : i32 {
      %swap3A = arith.index_cast %scan3A_78 : i32 to index
      %swap3A_80 = arith.constant 0 : index
      %swap3A_81 = tpu.vector_load %arg8[%swap3A, %swap3A_80] {strides = array<i32>} : memref<128x128xf32, #tpu.memory_space<vmem>>, vector<1x16xf32>,
      %swap3A_82 = vector.shape_cast %swap3A_81 : vector<1x16xf32> to vector<16xf32>
      %swap3A_83 = vector.shape_cast %broadcast_in_dim3A_0 : vector<16xf32> to vector<1x16xf32>
      tpu.vector_store %arg8[%swap3A, %swap3A_80], %swap3A_83 {strides = array<i32>} : memref<128x128xf32, #tpu.memory_space<vmem>>, vector<1x16xf32>,
      %swap3A_84 = arith.index_cast %scan3A_78 : i32 to index
      %swap3A_85 = arith.constant 16 : index
      %swap3A_86 = tpu.vector_load %arg8[%swap3A_84, %swap3A_85] {strides = array<i32>} : memref<128x128xf32, #tpu.memory_space<vmem>>, vector<1x16xf32>,
      %swap3A_87 = vector.shape_cast %swap3A_86 : vector<1x16xf32> to vector<16xf32>
      %swap3A_88 = vector.shape_cast %broadcast_in_dim3A_0 : vector<16xf32> to vector<1x16xf32>
      tpu.vector_store %arg8[%swap3A_84, %swap3A_85], %swap3A_88 {strides = array<i32>} : memref<128x128xf32, #tpu.memory_space<vmem>>, vector<1x16xf32>,
      %swap3A_89 = arith.index_cast %scan3A_78 : i32 to index
      %swap3A_90 = arith.constant 32 : index
      %swap3A_91 = tpu.vector_load %arg8[%swap3A_89, %swap3A_90] {strides = array<i32>} : memref<128x128xf32, #tpu.memory_space<vmem>>, vector<1x16xf32>,
      %swap3A_92 = vector.shape_cast %swap3A_91 : vector<1x16xf32> to vector<16xf32>
      %swap3A_93 = vector.shape_cast %broadcast_in_dim3A_0 : vector<16xf32> to vector<1x16xf32>
      tpu.vector_store %arg8[%swap3A_89, %swap3A_90], %swap3A_93 {strides = array<i32>} : memref<128x128xf32, #tpu.memory_space<vmem>>, vector<1x16xf32>,
      %swap3A_94 = arith.index_cast %scan3A_78 : i32 to index
      %swap3A_95 = arith.constant 48 : index
      %swap3A_96 = tpu.vector_load %arg8[%swap3A_94, %swap3A_95] {strides = array<i32>} : memref<128x128xf32, #tpu.memory_space<vmem>>, vector<1x16xf32>,
      %swap3A_97 = vector.shape_cast %swap3A_96 : vector<1x16xf32> to vector<16xf32>
      %swap3A_98 = vector.shape_cast %broadcast_in_dim3A_0 : vector<16xf32> to vector<1x16xf32>
      tpu.vector_store %arg8[%swap3A_94, %swap3A_95], %swap3A_98 {strides = array<i32>} : memref<128x128xf32, #tpu.memory_space<vmem>>, vector<1x16xf32>,
      %swap3A_99 = arith.index_cast %scan3A_78 : i32 to index
      %swap3A_100 = arith.constant 64 : index
      %swap3A_101 = tpu.vector_load %arg8[%swap3A_99, %swap3A_100] {strides = array<i32>} : memref<128x128xf32, #tpu.memory_space<vmem>>, vector<1x16xf32>,
      %swap3A_102 = vector.shape_cast %swap3A_101 : vector<1x16xf32> to vector<16xf32>
      %swap3A_103 = vector.shape_cast %broadcast_in_dim3A_0 : vector<16xf32> to vector<1x16xf32>
      tpu.vector_store %arg8[%swap3A_99, %swap3A_100], %swap3A_103 {strides = array<i32>} : memref<128x128xf32, #tpu.memory_space<vmem>>, vector<1x16xf32>,
      %swap3A_104 = arith.index_cast %scan3A_78 : i32 to index
      %swap3A_105 = arith.constant 80 : index
      %swap3A_106 = tpu.vector_load %arg8[%swap3A_104, %swap3A_105] {strides = array<i32>} : memref<128x128xf32, #tpu.memory_space<vmem>>, vector<1x16xf32>,
      %swap3A_107 = vector.shape_cast %swap3A_106 : vector<1x16xf32> to vector<16xf32>
      %swap3A_108 = vector.shape_cast %broadcast_in_dim3A_0 : vector<16xf32> to vector<1x16xf32>
      tpu.vector_store %arg8[%swap3A_104, %swap3A_105], %swap3A_108 {strides = array<i32>} : memref<128x128xf32, #tpu.memory_space<vmem>>, vector<1x16xf32>,
      %swap3A_109 = arith.index_cast %scan3A_78 : i32 to index
      %swap3A_110 = arith.constant 96 : index
      %swap3A_111 = tpu.vector_load %arg8[%swap3A_109, %swap3A_110] {strides = array<i32>} : memref<128x128xf32, #tpu.memory_space<vmem>>, vector<1x16xf32>,
      %swap3A_112 = vector.shape_cast %swap3A_111 : vector<1x16xf32> to vector<16xf32>
      %swap3A_113 = vector.shape_cast %broadcast_in_dim3A_0 : vector<16xf32> to vector<1x16xf32>
      tpu.vector_store %arg8[%swap3A_109, %swap3A_110], %swap3A_113 {strides = array<i32>} : memref<128x128xf32, #tpu.memory_space<vmem>>, vector<1x16xf32>,
      %swap3A_114 = arith.index_cast %scan3A_78 : i32 to index
      %swap3A_115 = arith.constant 112 : index
      %swap3A_116 = tpu.vector_load %arg8[%swap3A_114, %swap3A_115] {strides = array<i32>} : memref<128x128xf32, #tpu.memory_space<vmem>>, vector<1x16xf32>,
      %swap3A_117 = vector.shape_cast %swap3A_116 : vector<1x16xf32> to vector<16xf32>
      %swap3A_118 = vector.shape_cast %broadcast_in_dim3A_0 : vector<16xf32> to vector<1x16xf32>
      tpu.vector_store %arg8[%swap3A_114, %swap3A_115], %swap3A_118 {strides = array<i32>} : memref<128x128xf32, #tpu.memory_space<vmem>>, vector<1x16xf32>,
      %scan3A_119 = arith.constant 0 : i32
      scf.yield %scan3A_119 : i32
    }
    %scan3A_6 = arith.constant 128 : i32
    %mul3A = arith.constant 640 : i32
    %mul3A_7 = arith.muli %arg1, %mul3A : i32
    %add3A = arith.constant 0 : i32
    %add3A_8 = arith.addi %mul3A_7, %add3A : i32
    "tpu.region"() ({
      %run_scoped3A = tpu.sem_alloc : memref<!tpu.dma_semaphore, #tpu.memory_space<semaphore_mem>>
      %dma_start3A = arith.constant 0 : i32
      %dma_start3A_78 = tpu.memref_slice %arg10[%add3A_8, %dma_start3A] : memref<10240x128xf32, #tpu.memory_space<vmem_shared>> -> memref<128x128xf32, #tpu.memory_space<vmem_shared>>
      %dma_start3A_79 = arith.constant 0 : i32
      %dma_start3A_80 = tpu.memref_slice %arg10[%add3A_8, %dma_start3A_79] : memref<10240x128xf32, #tpu.memory_space<vmem_shared>> -> memref<128x128xf32, #tpu.memory_space<vmem_shared>>
      tpu.enqueue_dma source(%arg8 : memref<128x128xf32, #tpu.memory_space<vmem>>) target(%dma_start3A_80 : memref<128x128xf32, #tpu.memory_space<vmem_shared>>) target_semaphore(%run_scoped3A : memref<!tpu.dma_semaphore, #tpu.memory_space<semaphore_mem>>)
      %dma_wait3A = arith.constant 0 : i32
      %dma_wait3A_81 = tpu.memref_slice %arg10[%add3A_8, %dma_wait3A] : memref<10240x128xf32, #tpu.memory_space<vmem_shared>> -> memref<128x128xf32, #tpu.memory_space<vmem_shared>>
      %dma_wait3A_82 = arith.constant 0 : i32
      %dma_wait3A_83 = tpu.memref_slice %arg10[%add3A_8, %dma_wait3A_82] : memref<10240x128xf32, #tpu.memory_space<vmem_shared>> -> memref<128x128xf32, #tpu.memory_space<vmem_shared>>
      tpu.wait_dma2 semaphore(%run_scoped3A : memref<!tpu.dma_semaphore, #tpu.memory_space<semaphore_mem>>) src(%arg8 : memref<128x128xf32, #tpu.memory_space<vmem>>) dst(%dma_wait3A_83 : memref<128x128xf32, #tpu.memory_space<vmem_shared>>)
      tpu.yield
    }) : () -> ()
    %mul3A_9 = arith.constant 640 : i32
    %mul3A_10 = arith.muli %arg1, %mul3A_9 : i32
    %add3A_11 = arith.constant 128 : i32
    %add3A_12 = arith.addi %mul3A_10, %add3A_11 : i32
    "tpu.region"() ({
      %run_scoped3A = tpu.sem_alloc : memref<!tpu.dma_semaphore, #tpu.memory_space<semaphore_mem>>
      %dma_start3A = arith.constant 0 : i32
      %dma_start3A_78 = tpu.memref_slice %arg10[%add3A_12, %dma_start3A] : memref<10240x128xf32, #tpu.memory_space<vmem_shared>> -> memref<128x128xf32, #tpu.memory_space<vmem_shared>>
      %dma_start3A_79 = arith.constant 0 : i32
      %dma_start3A_80 = tpu.memref_slice %arg10[%add3A_12, %dma_start3A_79] : memref<10240x128xf32, #tpu.memory_space<vmem_shared>> -> memref<128x128xf32, #tpu.memory_space<vmem_shared>>
      tpu.enqueue_dma source(%arg8 : memref<128x128xf32, #tpu.memory_space<vmem>>) target(%dma_start3A_80 : memref<128x128xf32, #tpu.memory_space<vmem_shared>>) target_semaphore(%run_scoped3A : memref<!tpu.dma_semaphore, #tpu.memory_space<semaphore_mem>>)
      %dma_wait3A = arith.constant 0 : i32
      %dma_wait3A_81 = tpu.memref_slice %arg10[%add3A_12, %dma_wait3A] : memref<10240x128xf32, #tpu.memory_space<vmem_shared>> -> memref<128x128xf32, #tpu.memory_space<vmem_shared>>
      %dma_wait3A_82 = arith.constant 0 : i32
      %dma_wait3A_83 = tpu.memref_slice %arg10[%add3A_12, %dma_wait3A_82] : memref<10240x128xf32, #tpu.memory_space<vmem_shared>> -> memref<128x128xf32, #tpu.memory_space<vmem_shared>>
      tpu.wait_dma2 semaphore(%run_scoped3A : memref<!tpu.dma_semaphore, #tpu.memory_space<semaphore_mem>>) src(%arg8 : memref<128x128xf32, #tpu.memory_space<vmem>>) dst(%dma_wait3A_83 : memref<128x128xf32, #tpu.memory_space<vmem_shared>>)
      tpu.yield
    }) : () -> ()
    %mul3A_13 = arith.constant 640 : i32
    %mul3A_14 = arith.muli %arg1, %mul3A_13 : i32
    %add3A_15 = arith.constant 256 : i32
    %add3A_16 = arith.addi %mul3A_14, %add3A_15 : i32
    "tpu.region"() ({
      %run_scoped3A = tpu.sem_alloc : memref<!tpu.dma_semaphore, #tpu.memory_space<semaphore_mem>>
      %dma_start3A = arith.constant 0 : i32
      %dma_start3A_78 = tpu.memref_slice %arg10[%add3A_16, %dma_start3A] : memref<10240x128xf32, #tpu.memory_space<vmem_shared>> -> memref<128x128xf32, #tpu.memory_space<vmem_shared>>
      %dma_start3A_79 = arith.constant 0 : i32
      %dma_start3A_80 = tpu.memref_slice %arg10[%add3A_16, %dma_start3A_79] : memref<10240x128xf32, #tpu.memory_space<vmem_shared>> -> memref<128x128xf32, #tpu.memory_space<vmem_shared>>
      tpu.enqueue_dma source(%arg8 : memref<128x128xf32, #tpu.memory_space<vmem>>) target(%dma_start3A_80 : memref<128x128xf32, #tpu.memory_space<vmem_shared>>) target_semaphore(%run_scoped3A : memref<!tpu.dma_semaphore, #tpu.memory_space<semaphore_mem>>)
      %dma_wait3A = arith.constant 0 : i32
      %dma_wait3A_81 = tpu.memref_slice %arg10[%add3A_16, %dma_wait3A] : memref<10240x128xf32, #tpu.memory_space<vmem_shared>> -> memref<128x128xf32, #tpu.memory_space<vmem_shared>>
      %dma_wait3A_82 = arith.constant 0 : i32
      %dma_wait3A_83 = tpu.memref_slice %arg10[%add3A_16, %dma_wait3A_82] : memref<10240x128xf32, #tpu.memory_space<vmem_shared>> -> memref<128x128xf32, #tpu.memory_space<vmem_shared>>
      tpu.wait_dma2 semaphore(%run_scoped3A : memref<!tpu.dma_semaphore, #tpu.memory_space<semaphore_mem>>) src(%arg8 : memref<128x128xf32, #tpu.memory_space<vmem>>) dst(%dma_wait3A_83 : memref<128x128xf32, #tpu.memory_space<vmem_shared>>)
      tpu.yield
    }) : () -> ()
    %mul3A_17 = arith.constant 640 : i32
    %mul3A_18 = arith.muli %arg1, %mul3A_17 : i32
    %add3A_19 = arith.constant 384 : i32
    %add3A_20 = arith.addi %mul3A_18, %add3A_19 : i32
    "tpu.region"() ({
      %run_scoped3A = tpu.sem_alloc : memref<!tpu.dma_semaphore, #tpu.memory_space<semaphore_mem>>
      %dma_start3A = arith.constant 0 : i32
      %dma_start3A_78 = tpu.memref_slice %arg10[%add3A_20, %dma_start3A] : memref<10240x128xf32, #tpu.memory_space<vmem_shared>> -> memref<128x128xf32, #tpu.memory_space<vmem_shared>>
      %dma_start3A_79 = arith.constant 0 : i32
      %dma_start3A_80 = tpu.memref_slice %arg10[%add3A_20, %dma_start3A_79] : memref<10240x128xf32, #tpu.memory_space<vmem_shared>> -> memref<128x128xf32, #tpu.memory_space<vmem_shared>>
      tpu.enqueue_dma source(%arg8 : memref<128x128xf32, #tpu.memory_space<vmem>>) target(%dma_start3A_80 : memref<128x128xf32, #tpu.memory_space<vmem_shared>>) target_semaphore(%run_scoped3A : memref<!tpu.dma_semaphore, #tpu.memory_space<semaphore_mem>>)
      %dma_wait3A = arith.constant 0 : i32
      %dma_wait3A_81 = tpu.memref_slice %arg10[%add3A_20, %dma_wait3A] : memref<10240x128xf32, #tpu.memory_space<vmem_shared>> -> memref<128x128xf32, #tpu.memory_space<vmem_shared>>
      %dma_wait3A_82 = arith.constant 0 : i32
      %dma_wait3A_83 = tpu.memref_slice %arg10[%add3A_20, %dma_wait3A_82] : memref<10240x128xf32, #tpu.memory_space<vmem_shared>> -> memref<128x128xf32, #tpu.memory_space<vmem_shared>>
      tpu.wait_dma2 semaphore(%run_scoped3A : memref<!tpu.dma_semaphore, #tpu.memory_space<semaphore_mem>>) src(%arg8 : memref<128x128xf32, #tpu.memory_space<vmem>>) dst(%dma_wait3A_83 : memref<128x128xf32, #tpu.memory_space<vmem_shared>>)
      tpu.yield
    }) : () -> ()
    %mul3A_21 = arith.constant 640 : i32
    %mul3A_22 = arith.muli %arg1, %mul3A_21 : i32
    %add3A_23 = arith.constant 512 : i32
    %add3A_24 = arith.addi %mul3A_22, %add3A_23 : i32
    "tpu.region"() ({
      %run_scoped3A = tpu.sem_alloc : memref<!tpu.dma_semaphore, #tpu.memory_space<semaphore_mem>>
      %dma_start3A = arith.constant 0 : i32
      %dma_start3A_78 = tpu.memref_slice %arg10[%add3A_24, %dma_start3A] : memref<10240x128xf32, #tpu.memory_space<vmem_shared>> -> memref<128x128xf32, #tpu.memory_space<vmem_shared>>
      %dma_start3A_79 = arith.constant 0 : i32
      %dma_start3A_80 = tpu.memref_slice %arg10[%add3A_24, %dma_start3A_79] : memref<10240x128xf32, #tpu.memory_space<vmem_shared>> -> memref<128x128xf32, #tpu.memory_space<vmem_shared>>
      tpu.enqueue_dma source(%arg8 : memref<128x128xf32, #tpu.memory_space<vmem>>) target(%dma_start3A_80 : memref<128x128xf32, #tpu.memory_space<vmem_shared>>) target_semaphore(%run_scoped3A : memref<!tpu.dma_semaphore, #tpu.memory_space<semaphore_mem>>)
      %dma_wait3A = arith.constant 0 : i32
      %dma_wait3A_81 = tpu.memref_slice %arg10[%add3A_24, %dma_wait3A] : memref<10240x128xf32, #tpu.memory_space<vmem_shared>> -> memref<128x128xf32, #tpu.memory_space<vmem_shared>>
      %dma_wait3A_82 = arith.constant 0 : i32
      %dma_wait3A_83 = tpu.memref_slice %arg10[%add3A_24, %dma_wait3A_82] : memref<10240x128xf32, #tpu.memory_space<vmem_shared>> -> memref<128x128xf32, #tpu.memory_space<vmem_shared>>
      tpu.wait_dma2 semaphore(%run_scoped3A : memref<!tpu.dma_semaphore, #tpu.memory_space<semaphore_mem>>) src(%arg8 : memref<128x128xf32, #tpu.memory_space<vmem>>) dst(%dma_wait3A_83 : memref<128x128xf32, #tpu.memory_space<vmem_shared>>)
      tpu.yield
    }) : () -> ()
    %barrier3A = arith.constant 0 : index
    tpu.barrier barrier_id(%barrier3A)
    %mul3A_25 = arith.constant 327680 : i32
    %mul3A_26 = arith.muli %arg0, %mul3A_25 : i32
    %mul3A_27 = arith.constant 20480 : i32
    %mul3A_28 = arith.muli %arg1, %mul3A_27 : i32
    %add3A_29 = arith.addi %mul3A_26, %mul3A_28 : i32
    %mul3A_30 = arith.constant 2560 : i32
    %mul3A_31 = arith.muli %arg0, %mul3A_30 : i32
    %mul3A_32 = arith.constant 160 : i32
    %mul3A_33 = arith.muli %arg1, %mul3A_32 : i32
    %add3A_34 = arith.addi %mul3A_31, %mul3A_33 : i32
    %scan3A_35 = arith.constant 0 : i32
    %scan3A_36 = arith.constant 0 : i32
    %scan3A_37 = arith.constant 4 : i32
    %scan3A_38 = arith.addi %scan3A_36, %scan3A_37 : i32
    %scan3A_39 = arith.constant 1 : i32
    %scan3A_40 = scf.for %scan3A_78 = %scan3A_36 to %scan3A_38 step %scan3A_39 iter_args(%scan3A_79 = %scan3A_35) -> (i32)  : i32 {
      %mul3A_80 = arith.constant 5120 : i32
      %mul3A_81 = arith.muli %scan3A_78, %mul3A_80 : i32
      %add3A_82 = arith.addi %add3A_29, %mul3A_81 : i32
      "tpu.region"() ({
        %run_scoped3A = tpu.sem_alloc : memref<!tpu.dma_semaphore, #tpu.memory_space<semaphore_mem>>
        %dma_start3A_103 = tpu.memref_slice %arg2[%add3A_82] : memref<655360xi32, #tpu.memory_space<hbm>> -> memref<5120xi32, #tpu.memory_space<hbm>>
        %dma_start3A_104 = tpu.memref_slice %arg2[%add3A_82] : memref<655360xi32, #tpu.memory_space<hbm>> -> memref<5120xi32, #tpu.memory_space<hbm>>
        tpu.enqueue_dma source(%dma_start3A_104 : memref<5120xi32, #tpu.memory_space<hbm>>) target(%arg6 : memref<5120xi32, #tpu.memory_space<vmem>>) target_semaphore(%run_scoped3A : memref<!tpu.dma_semaphore, #tpu.memory_space<semaphore_mem>>)
        %dma_wait3A = tpu.memref_slice %arg2[%add3A_82] : memref<655360xi32, #tpu.memory_space<hbm>> -> memref<5120xi32, #tpu.memory_space<hbm>>
        %dma_wait3A_105 = tpu.memref_slice %arg2[%add3A_82] : memref<655360xi32, #tpu.memory_space<hbm>> -> memref<5120xi32, #tpu.memory_space<hbm>>
        tpu.wait_dma2 semaphore(%run_scoped3A : memref<!tpu.dma_semaphore, #tpu.memory_space<semaphore_mem>>) src(%dma_wait3A_105 : memref<5120xi32, #tpu.memory_space<hbm>>) dst(%arg6 : memref<5120xi32, #tpu.memory_space<vmem>>)
        tpu.yield
      }) : () -> ()
      %mul3A_83 = arith.constant 40 : i32
      %mul3A_84 = arith.muli %scan3A_78, %mul3A_83 : i32
      %add3A_85 = arith.addi %add3A_34, %mul3A_84 : i32
      "tpu.region"() ({
        %run_scoped3A = tpu.sem_alloc : memref<!tpu.dma_semaphore, #tpu.memory_space<semaphore_mem>>
        %dma_start3A_103 = arith.constant 0 : i32
        %dma_start3A_104 = tpu.memref_slice %arg3[%add3A_85, %dma_start3A_103] : memref<5120x128xi32, #tpu.memory_space<hbm>> -> memref<40x128xi32, #tpu.memory_space<hbm>>
        %dma_start3A_105 = arith.constant 0 : i32
        %dma_start3A_106 = tpu.memref_slice %arg3[%add3A_85, %dma_start3A_105] : memref<5120x128xi32, #tpu.memory_space<hbm>> -> memref<40x128xi32, #tpu.memory_space<hbm>>
        tpu.enqueue_dma source(%dma_start3A_106 : memref<40x128xi32, #tpu.memory_space<hbm>>) target(%arg7 : memref<40x128xi32, #tpu.memory_space<vmem>>) target_semaphore(%run_scoped3A : memref<!tpu.dma_semaphore, #tpu.memory_space<semaphore_mem>>)
        %dma_wait3A = arith.constant 0 : i32
        %dma_wait3A_107 = tpu.memref_slice %arg3[%add3A_85, %dma_wait3A] : memref<5120x128xi32, #tpu.memory_space<hbm>> -> memref<40x128xi32, #tpu.memory_space<hbm>>
        %dma_wait3A_108 = arith.constant 0 : i32
        %dma_wait3A_109 = tpu.memref_slice %arg3[%add3A_85, %dma_wait3A_108] : memref<5120x128xi32, #tpu.memory_space<hbm>> -> memref<40x128xi32, #tpu.memory_space<hbm>>
        tpu.wait_dma2 semaphore(%run_scoped3A : memref<!tpu.dma_semaphore, #tpu.memory_space<semaphore_mem>>) src(%dma_wait3A_109 : memref<40x128xi32, #tpu.memory_space<hbm>>) dst(%arg7 : memref<40x128xi32, #tpu.memory_space<vmem>>)
        tpu.yield
      }) : () -> ()
      %dma_start3A = arith.constant 0 : i32
      %dma_start3A_86 = tpu.memref_slice %arg6[%dma_start3A] : memref<5120xi32, #tpu.memory_space<vmem>> -> memref<128xi32, #tpu.memory_space<vmem>>
      %dma_start3A_87 = arith.constant 0 : i32
      %dma_start3A_88 = arith.constant 0 : i32
      %dma_start3A_89 = tpu.memref_slice %arg4[%dma_start3A_87, %dma_start3A_88] : memref<20480x128xf32, #tpu.memory_space<hbm>> -> memref<20480x128xf32, #tpu.memory_space<hbm>>
      tpu.enqueue_indirect_dma source(%dma_start3A_89 : memref<20480x128xf32, #tpu.memory_space<hbm>>) target(%arg8 : memref<128x128xf32, #tpu.memory_space<vmem>>) offsets(%dma_start3A_86 : memref<128xi32, #tpu.memory_space<vmem>>) semaphore(%arg11 : memref<!tpu.dma_semaphore, #tpu.memory_space<semaphore_mem>>)
      %dma_start3A_90 = arith.constant 128 : i32
      %dma_start3A_91 = tpu.memref_slice %arg6[%dma_start3A_90] : memref<5120xi32, #tpu.memory_space<vmem>> -> memref<128xi32, #tpu.memory_space<vmem>>
      %dma_start3A_92 = arith.constant 0 : i32
      %dma_start3A_93 = arith.constant 0 : i32
      %dma_start3A_94 = tpu.memref_slice %arg4[%dma_start3A_92, %dma_start3A_93] : memref<20480x128xf32, #tpu.memory_space<hbm>> -> memref<20480x128xf32, #tpu.memory_space<hbm>>
      tpu.enqueue_indirect_dma source(%dma_start3A_94 : memref<20480x128xf32, #tpu.memory_space<hbm>>) target(%arg9 : memref<128x128xf32, #tpu.memory_space<vmem>>) offsets(%dma_start3A_91 : memref<128xi32, #tpu.memory_space<vmem>>) semaphore(%arg12 : memref<!tpu.dma_semaphore, #tpu.memory_space<semaphore_mem>>)
      %scan3A_95 = arith.constant 0 : i32
      %scan3A_96 = arith.constant 0 : i32
      %scan3A_97 = arith.constant 20 : i32
      %scan3A_98 = arith.addi %scan3A_96, %scan3A_97 : i32
      %scan3A_99 = arith.constant 1 : i32
      %scan3A_100 = scf.for %scan3A_103 = %scan3A_96 to %scan3A_98 step %scan3A_99 iter_args(%scan3A_104 = %scan3A_95) -> (i32)  : i32 {
        %mul3A_105 = arith.constant 2 : i32
        %mul3A_106 = arith.muli %mul3A_105, %scan3A_103 : i32
        %dma_wait3A = arith.constant 0 : i32
        %dma_wait3A_107 = tpu.memref_slice %arg6[%dma_wait3A] : memref<5120xi32, #tpu.memory_space<vmem>> -> memref<128xi32, #tpu.memory_space<vmem>>
        %dma_wait3A_108 = arith.constant 0 : i32
        %dma_wait3A_109 = arith.constant 0 : i32
        %dma_wait3A_110 = tpu.memref_slice %arg4[%dma_wait3A_108, %dma_wait3A_109] : memref<20480x128xf32, #tpu.memory_space<hbm>> -> memref<20480x128xf32, #tpu.memory_space<hbm>>
        tpu.wait_indirect_dma semaphore(%arg11 : memref<!tpu.dma_semaphore, #tpu.memory_space<semaphore_mem>>) src(%dma_wait3A_110 : memref<20480x128xf32, #tpu.memory_space<hbm>>) dst(%arg8 : memref<128x128xf32, #tpu.memory_space<vmem>>)
        "tpu.region"() ({
          %run_scoped3A = tpu.sem_alloc : memref<!tpu.dma_semaphore, #tpu.memory_space<semaphore_mem>>
          %dma_start3A_130 = arith.constant 0 : i32
          %dma_start3A_131 = tpu.memref_slice %arg7[%mul3A_106, %dma_start3A_130] : memref<40x128xi32, #tpu.memory_space<vmem>> -> memref<1x128xi32, #tpu.memory_space<vmem>>
          %dma_start3A_132 = tpu.memref_squeeze %dma_start3A_131 : memref<1x128xi32, #tpu.memory_space<vmem>> -> memref<128xi32, #tpu.memory_space<vmem>>
          %dma_start3A_133 = arith.constant 0 : i32
          %dma_start3A_134 = arith.constant 0 : i32
          %dma_start3A_135 = tpu.memref_slice %arg10[%dma_start3A_133, %dma_start3A_134] : memref<10240x128xf32, #tpu.memory_space<vmem_shared>> -> memref<10240x128xf32, #tpu.memory_space<vmem_shared>>
          tpu.enqueue_indirect_dma source(%arg8 : memref<128x128xf32, #tpu.memory_space<vmem>>) target(%dma_start3A_135 : memref<10240x128xf32, #tpu.memory_space<vmem_shared>>) offsets(%dma_start3A_132 : memref<128xi32, #tpu.memory_space<vmem>>) semaphore(%run_scoped3A : memref<!tpu.dma_semaphore, #tpu.memory_space<semaphore_mem>>) {add = true}
          %dma_wait3A_136 = arith.constant 0 : i32
          %dma_wait3A_137 = tpu.memref_slice %arg7[%mul3A_106, %dma_wait3A_136] : memref<40x128xi32, #tpu.memory_space<vmem>> -> memref<1x128xi32, #tpu.memory_space<vmem>>
          %dma_wait3A_138 = tpu.memref_squeeze %dma_wait3A_137 : memref<1x128xi32, #tpu.memory_space<vmem>> -> memref<128xi32, #tpu.memory_space<vmem>>
          %dma_wait3A_139 = arith.constant 0 : i32
          %dma_wait3A_140 = arith.constant 0 : i32
          %dma_wait3A_141 = tpu.memref_slice %arg10[%dma_wait3A_139, %dma_wait3A_140] : memref<10240x128xf32, #tpu.memory_space<vmem_shared>> -> memref<10240x128xf32, #tpu.memory_space<vmem_shared>>
          tpu.wait_indirect_dma semaphore(%run_scoped3A : memref<!tpu.dma_semaphore, #tpu.memory_space<semaphore_mem>>) src(%arg8 : memref<128x128xf32, #tpu.memory_space<vmem>>) dst(%dma_wait3A_141 : memref<10240x128xf32, #tpu.memory_space<vmem_shared>>)
          tpu.yield
        }) : () -> ()
        %add3A_111 = arith.constant 2 : i32
        %add3A_112 = arith.addi %mul3A_106, %add3A_111 : i32
        %lt3A = arith.constant 40 : i32
        %lt3A_113 = arith.cmpi slt, %add3A_112, %lt3A : i32
        %convert_element_type3A = arith.extui %lt3A_113 : i1 to i32
        %cond3A = arith.constant 0 : i32
        %cond3A_114 = arith.cmpi ne, %convert_element_type3A, %cond3A : i32
        scf.if %cond3A_114 {
          %add3A_130 = arith.constant 2 : i32
          %add3A_131 = arith.addi %mul3A_106, %add3A_130 : i32
          %mul3A_132 = arith.constant 128 : i32
          %mul3A_133 = arith.muli %add3A_131, %mul3A_132 : i32
          %dma_start3A_134 = tpu.memref_slice %arg6[%mul3A_133] : memref<5120xi32, #tpu.memory_space<vmem>> -> memref<128xi32, #tpu.memory_space<vmem>>
          %dma_start3A_135 = arith.constant 0 : i32
          %dma_start3A_136 = arith.constant 0 : i32
          %dma_start3A_137 = tpu.memref_slice %arg4[%dma_start3A_135, %dma_start3A_136] : memref<20480x128xf32, #tpu.memory_space<hbm>> -> memref<20480x128xf32, #tpu.memory_space<hbm>>
          tpu.enqueue_indirect_dma source(%dma_start3A_137 : memref<20480x128xf32, #tpu.memory_space<hbm>>) target(%arg8 : memref<128x128xf32, #tpu.memory_space<vmem>>) offsets(%dma_start3A_134 : memref<128xi32, #tpu.memory_space<vmem>>) semaphore(%arg11 : memref<!tpu.dma_semaphore, #tpu.memory_space<semaphore_mem>>)
        } else {
        }
        %dma_wait3A_115 = arith.constant 0 : i32
        %dma_wait3A_116 = tpu.memref_slice %arg6[%dma_wait3A_115] : memref<5120xi32, #tpu.memory_space<vmem>> -> memref<128xi32, #tpu.memory_space<vmem>>
        %dma_wait3A_117 = arith.constant 0 : i32
        %dma_wait3A_118 = arith.constant 0 : i32
        %dma_wait3A_119 = tpu.memref_slice %arg4[%dma_wait3A_117, %dma_wait3A_118] : memref<20480x128xf32, #tpu.memory_space<hbm>> -> memref<20480x128xf32, #tpu.memory_space<hbm>>
        tpu.wait_indirect_dma semaphore(%arg12 : memref<!tpu.dma_semaphore, #tpu.memory_space<semaphore_mem>>) src(%dma_wait3A_119 : memref<20480x128xf32, #tpu.memory_space<hbm>>) dst(%arg9 : memref<128x128xf32, #tpu.memory_space<vmem>>)
        %add3A_120 = arith.constant 1 : i32
        %add3A_121 = arith.addi %mul3A_106, %add3A_120 : i32
        "tpu.region"() ({
          %run_scoped3A = tpu.sem_alloc : memref<!tpu.dma_semaphore, #tpu.memory_space<semaphore_mem>>
          %dma_start3A_130 = arith.constant 0 : i32
          %dma_start3A_131 = tpu.memref_slice %arg7[%add3A_121, %dma_start3A_130] : memref<40x128xi32, #tpu.memory_space<vmem>> -> memref<1x128xi32, #tpu.memory_space<vmem>>
          %dma_start3A_132 = tpu.memref_squeeze %dma_start3A_131 : memref<1x128xi32, #tpu.memory_space<vmem>> -> memref<128xi32, #tpu.memory_space<vmem>>
          %dma_start3A_133 = arith.constant 0 : i32
          %dma_start3A_134 = arith.constant 0 : i32
          %dma_start3A_135 = tpu.memref_slice %arg10[%dma_start3A_133, %dma_start3A_134] : memref<10240x128xf32, #tpu.memory_space<vmem_shared>> -> memref<10240x128xf32, #tpu.memory_space<vmem_shared>>
          tpu.enqueue_indirect_dma source(%arg9 : memref<128x128xf32, #tpu.memory_space<vmem>>) target(%dma_start3A_135 : memref<10240x128xf32, #tpu.memory_space<vmem_shared>>) offsets(%dma_start3A_132 : memref<128xi32, #tpu.memory_space<vmem>>) semaphore(%run_scoped3A : memref<!tpu.dma_semaphore, #tpu.memory_space<semaphore_mem>>) {add = true}
          %dma_wait3A_136 = arith.constant 0 : i32
          %dma_wait3A_137 = tpu.memref_slice %arg7[%add3A_121, %dma_wait3A_136] : memref<40x128xi32, #tpu.memory_space<vmem>> -> memref<1x128xi32, #tpu.memory_space<vmem>>
          %dma_wait3A_138 = tpu.memref_squeeze %dma_wait3A_137 : memref<1x128xi32, #tpu.memory_space<vmem>> -> memref<128xi32, #tpu.memory_space<vmem>>
          %dma_wait3A_139 = arith.constant 0 : i32
          %dma_wait3A_140 = arith.constant 0 : i32
          %dma_wait3A_141 = tpu.memref_slice %arg10[%dma_wait3A_139, %dma_wait3A_140] : memref<10240x128xf32, #tpu.memory_space<vmem_shared>> -> memref<10240x128xf32, #tpu.memory_space<vmem_shared>>
          tpu.wait_indirect_dma semaphore(%run_scoped3A : memref<!tpu.dma_semaphore, #tpu.memory_space<semaphore_mem>>) src(%arg9 : memref<128x128xf32, #tpu.memory_space<vmem>>) dst(%dma_wait3A_141 : memref<10240x128xf32, #tpu.memory_space<vmem_shared>>)
          tpu.yield
        }) : () -> ()
        %add3A_122 = arith.constant 3 : i32
        %add3A_123 = arith.addi %mul3A_106, %add3A_122 : i32
        %lt3A_124 = arith.constant 40 : i32
        %lt3A_125 = arith.cmpi slt, %add3A_123, %lt3A_124 : i32
        %convert_element_type3A_126 = arith.extui %lt3A_125 : i1 to i32
        %cond3A_127 = arith.constant 0 : i32
        %cond3A_128 = arith.cmpi ne, %convert_element_type3A_126, %cond3A_127 : i32
        scf.if %cond3A_128 {
          %add3A_130 = arith.constant 3 : i32
          %add3A_131 = arith.addi %mul3A_106, %add3A_130 : i32
          %mul3A_132 = arith.constant 128 : i32
          %mul3A_133 = arith.muli %add3A_131, %mul3A_132 : i32
          %dma_start3A_134 = tpu.memref_slice %arg6[%mul3A_133] : memref<5120xi32, #tpu.memory_space<vmem>> -> memref<128xi32, #tpu.memory_space<vmem>>
          %dma_start3A_135 = arith.constant 0 : i32
          %dma_start3A_136 = arith.constant 0 : i32
          %dma_start3A_137 = tpu.memref_slice %arg4[%dma_start3A_135, %dma_start3A_136] : memref<20480x128xf32, #tpu.memory_space<hbm>> -> memref<20480x128xf32, #tpu.memory_space<hbm>>
          tpu.enqueue_indirect_dma source(%dma_start3A_137 : memref<20480x128xf32, #tpu.memory_space<hbm>>) target(%arg9 : memref<128x128xf32, #tpu.memory_space<vmem>>) offsets(%dma_start3A_134 : memref<128xi32, #tpu.memory_space<vmem>>) semaphore(%arg12 : memref<!tpu.dma_semaphore, #tpu.memory_space<semaphore_mem>>)
        } else {
        }
        %scan3A_129 = arith.constant 0 : i32
        scf.yield %scan3A_129 : i32
      }
      %scan3A_101 = arith.constant 20 : i32
      %scan3A_102 = arith.constant 0 : i32
      scf.yield %scan3A_102 : i32
    }
    %scan3A_41 = arith.constant 4 : i32
    %barrier3A_42 = arith.constant 0 : index
    tpu.barrier barrier_id(%barrier3A_42)
    %mul3A_43 = arith.constant 640 : i32
    %mul3A_44 = arith.muli %arg1, %mul3A_43 : i32
    %add3A_45 = arith.constant 0 : i32
    %add3A_46 = arith.addi %mul3A_44, %add3A_45 : i32
    "tpu.region"() ({
      %run_scoped3A = tpu.sem_alloc : memref<!tpu.dma_semaphore, #tpu.memory_space<semaphore_mem>>
      %dma_start3A = arith.constant 0 : i32
      %dma_start3A_78 = tpu.memref_slice %arg10[%add3A_46, %dma_start3A] : memref<10240x128xf32, #tpu.memory_space<vmem_shared>> -> memref<128x128xf32, #tpu.memory_space<vmem_shared>>
      %dma_start3A_79 = arith.constant 0 : i32
      %dma_start3A_80 = tpu.memref_slice %arg10[%add3A_46, %dma_start3A_79] : memref<10240x128xf32, #tpu.memory_space<vmem_shared>> -> memref<128x128xf32, #tpu.memory_space<vmem_shared>>
      tpu.enqueue_dma source(%dma_start3A_80 : memref<128x128xf32, #tpu.memory_space<vmem_shared>>) target(%arg8 : memref<128x128xf32, #tpu.memory_space<vmem>>) target_semaphore(%run_scoped3A : memref<!tpu.dma_semaphore, #tpu.memory_space<semaphore_mem>>)
      %dma_wait3A = arith.constant 0 : i32
      %dma_wait3A_81 = tpu.memref_slice %arg10[%add3A_46, %dma_wait3A] : memref<10240x128xf32, #tpu.memory_space<vmem_shared>> -> memref<128x128xf32, #tpu.memory_space<vmem_shared>>
      %dma_wait3A_82 = arith.constant 0 : i32
      %dma_wait3A_83 = tpu.memref_slice %arg10[%add3A_46, %dma_wait3A_82] : memref<10240x128xf32, #tpu.memory_space<vmem_shared>> -> memref<128x128xf32, #tpu.memory_space<vmem_shared>>
      tpu.wait_dma2 semaphore(%run_scoped3A : memref<!tpu.dma_semaphore, #tpu.memory_space<semaphore_mem>>) src(%dma_wait3A_83 : memref<128x128xf32, #tpu.memory_space<vmem_shared>>) dst(%arg8 : memref<128x128xf32, #tpu.memory_space<vmem>>)
      tpu.yield
    }) : () -> ()
    %mul3A_47 = arith.constant 10240 : i32
    %mul3A_48 = arith.muli %arg0, %mul3A_47 : i32
    %add3A_49 = arith.addi %mul3A_48, %add3A_46 : i32
    "tpu.region"() ({
      %run_scoped3A = tpu.sem_alloc : memref<!tpu.dma_semaphore, #tpu.memory_space<semaphore_mem>>
      %dma_start3A = arith.constant 0 : i32
      %dma_start3A_78 = tpu.memref_slice %arg5[%add3A_49, %dma_start3A] : memref<20480x128xf32, #tpu.memory_space<hbm>> -> memref<128x128xf32, #tpu.memory_space<hbm>>
      %dma_start3A_79 = arith.constant 0 : i32
      %dma_start3A_80 = tpu.memref_slice %arg5[%add3A_49, %dma_start3A_79] : memref<20480x128xf32, #tpu.memory_space<hbm>> -> memref<128x128xf32, #tpu.memory_space<hbm>>
      tpu.enqueue_dma source(%arg8 : memref<128x128xf32, #tpu.memory_space<vmem>>) target(%dma_start3A_80 : memref<128x128xf32, #tpu.memory_space<hbm>>) target_semaphore(%run_scoped3A : memref<!tpu.dma_semaphore, #tpu.memory_space<semaphore_mem>>)
      %dma_wait3A = arith.constant 0 : i32
      %dma_wait3A_81 = tpu.memref_slice %arg5[%add3A_49, %dma_wait3A] : memref<20480x128xf32, #tpu.memory_space<hbm>> -> memref<128x128xf32, #tpu.memory_space<hbm>>
      %dma_wait3A_82 = arith.constant 0 : i32
      %dma_wait3A_83 = tpu.memref_slice %arg5[%add3A_49, %dma_wait3A_82] : memref<20480x128xf32, #tpu.memory_space<hbm>> -> memref<128x128xf32, #tpu.memory_space<hbm>>
      tpu.wait_dma2 semaphore(%run_scoped3A : memref<!tpu.dma_semaphore, #tpu.memory_space<semaphore_mem>>) src(%arg8 : memref<128x128xf32, #tpu.memory_space<vmem>>) dst(%dma_wait3A_83 : memref<128x128xf32, #tpu.memory_space<hbm>>)
      tpu.yield
    }) : () -> ()
    %mul3A_50 = arith.constant 640 : i32
    %mul3A_51 = arith.muli %arg1, %mul3A_50 : i32
    %add3A_52 = arith.constant 128 : i32
    %add3A_53 = arith.addi %mul3A_51, %add3A_52 : i32
    "tpu.region"() ({
      %run_scoped3A = tpu.sem_alloc : memref<!tpu.dma_semaphore, #tpu.memory_space<semaphore_mem>>
      %dma_start3A = arith.constant 0 : i32
      %dma_start3A_78 = tpu.memref_slice %arg10[%add3A_53, %dma_start3A] : memref<10240x128xf32, #tpu.memory_space<vmem_shared>> -> memref<128x128xf32, #tpu.memory_space<vmem_shared>>
      %dma_start3A_79 = arith.constant 0 : i32
      %dma_start3A_80 = tpu.memref_slice %arg10[%add3A_53, %dma_start3A_79] : memref<10240x128xf32, #tpu.memory_space<vmem_shared>> -> memref<128x128xf32, #tpu.memory_space<vmem_shared>>
      tpu.enqueue_dma source(%dma_start3A_80 : memref<128x128xf32, #tpu.memory_space<vmem_shared>>) target(%arg8 : memref<128x128xf32, #tpu.memory_space<vmem>>) target_semaphore(%run_scoped3A : memref<!tpu.dma_semaphore, #tpu.memory_space<semaphore_mem>>)
      %dma_wait3A = arith.constant 0 : i32
      %dma_wait3A_81 = tpu.memref_slice %arg10[%add3A_53, %dma_wait3A] : memref<10240x128xf32, #tpu.memory_space<vmem_shared>> -> memref<128x128xf32, #tpu.memory_space<vmem_shared>>
      %dma_wait3A_82 = arith.constant 0 : i32
      %dma_wait3A_83 = tpu.memref_slice %arg10[%add3A_53, %dma_wait3A_82] : memref<10240x128xf32, #tpu.memory_space<vmem_shared>> -> memref<128x128xf32, #tpu.memory_space<vmem_shared>>
      tpu.wait_dma2 semaphore(%run_scoped3A : memref<!tpu.dma_semaphore, #tpu.memory_space<semaphore_mem>>) src(%dma_wait3A_83 : memref<128x128xf32, #tpu.memory_space<vmem_shared>>) dst(%arg8 : memref<128x128xf32, #tpu.memory_space<vmem>>)
      tpu.yield
    }) : () -> ()
    %mul3A_54 = arith.constant 10240 : i32
    %mul3A_55 = arith.muli %arg0, %mul3A_54 : i32
    %add3A_56 = arith.addi %mul3A_55, %add3A_53 : i32
    "tpu.region"() ({
      %run_scoped3A = tpu.sem_alloc : memref<!tpu.dma_semaphore, #tpu.memory_space<semaphore_mem>>
      %dma_start3A = arith.constant 0 : i32
      %dma_start3A_78 = tpu.memref_slice %arg5[%add3A_56, %dma_start3A] : memref<20480x128xf32, #tpu.memory_space<hbm>> -> memref<128x128xf32, #tpu.memory_space<hbm>>
      %dma_start3A_79 = arith.constant 0 : i32
      %dma_start3A_80 = tpu.memref_slice %arg5[%add3A_56, %dma_start3A_79] : memref<20480x128xf32, #tpu.memory_space<hbm>> -> memref<128x128xf32, #tpu.memory_space<hbm>>
      tpu.enqueue_dma source(%arg8 : memref<128x128xf32, #tpu.memory_space<vmem>>) target(%dma_start3A_80 : memref<128x128xf32, #tpu.memory_space<hbm>>) target_semaphore(%run_scoped3A : memref<!tpu.dma_semaphore, #tpu.memory_space<semaphore_mem>>)
      %dma_wait3A = arith.constant 0 : i32
      %dma_wait3A_81 = tpu.memref_slice %arg5[%add3A_56, %dma_wait3A] : memref<20480x128xf32, #tpu.memory_space<hbm>> -> memref<128x128xf32, #tpu.memory_space<hbm>>
      %dma_wait3A_82 = arith.constant 0 : i32
      %dma_wait3A_83 = tpu.memref_slice %arg5[%add3A_56, %dma_wait3A_82] : memref<20480x128xf32, #tpu.memory_space<hbm>> -> memref<128x128xf32, #tpu.memory_space<hbm>>
      tpu.wait_dma2 semaphore(%run_scoped3A : memref<!tpu.dma_semaphore, #tpu.memory_space<semaphore_mem>>) src(%arg8 : memref<128x128xf32, #tpu.memory_space<vmem>>) dst(%dma_wait3A_83 : memref<128x128xf32, #tpu.memory_space<hbm>>)
      tpu.yield
    }) : () -> ()
    %mul3A_57 = arith.constant 640 : i32
    %mul3A_58 = arith.muli %arg1, %mul3A_57 : i32
    %add3A_59 = arith.constant 256 : i32
    %add3A_60 = arith.addi %mul3A_58, %add3A_59 : i32
    "tpu.region"() ({
      %run_scoped3A = tpu.sem_alloc : memref<!tpu.dma_semaphore, #tpu.memory_space<semaphore_mem>>
      %dma_start3A = arith.constant 0 : i32
      %dma_start3A_78 = tpu.memref_slice %arg10[%add3A_60, %dma_start3A] : memref<10240x128xf32, #tpu.memory_space<vmem_shared>> -> memref<128x128xf32, #tpu.memory_space<vmem_shared>>
      %dma_start3A_79 = arith.constant 0 : i32
      %dma_start3A_80 = tpu.memref_slice %arg10[%add3A_60, %dma_start3A_79] : memref<10240x128xf32, #tpu.memory_space<vmem_shared>> -> memref<128x128xf32, #tpu.memory_space<vmem_shared>>
      tpu.enqueue_dma source(%dma_start3A_80 : memref<128x128xf32, #tpu.memory_space<vmem_shared>>) target(%arg8 : memref<128x128xf32, #tpu.memory_space<vmem>>) target_semaphore(%run_scoped3A : memref<!tpu.dma_semaphore, #tpu.memory_space<semaphore_mem>>)
      %dma_wait3A = arith.constant 0 : i32
      %dma_wait3A_81 = tpu.memref_slice %arg10[%add3A_60, %dma_wait3A] : memref<10240x128xf32, #tpu.memory_space<vmem_shared>> -> memref<128x128xf32, #tpu.memory_space<vmem_shared>>
      %dma_wait3A_82 = arith.constant 0 : i32
      %dma_wait3A_83 = tpu.memref_slice %arg10[%add3A_60, %dma_wait3A_82] : memref<10240x128xf32, #tpu.memory_space<vmem_shared>> -> memref<128x128xf32, #tpu.memory_space<vmem_shared>>
      tpu.wait_dma2 semaphore(%run_scoped3A : memref<!tpu.dma_semaphore, #tpu.memory_space<semaphore_mem>>) src(%dma_wait3A_83 : memref<128x128xf32, #tpu.memory_space<vmem_shared>>) dst(%arg8 : memref<128x128xf32, #tpu.memory_space<vmem>>)
      tpu.yield
    }) : () -> ()
    %mul3A_61 = arith.constant 10240 : i32
    %mul3A_62 = arith.muli %arg0, %mul3A_61 : i32
    %add3A_63 = arith.addi %mul3A_62, %add3A_60 : i32
    "tpu.region"() ({
      %run_scoped3A = tpu.sem_alloc : memref<!tpu.dma_semaphore, #tpu.memory_space<semaphore_mem>>
      %dma_start3A = arith.constant 0 : i32
      %dma_start3A_78 = tpu.memref_slice %arg5[%add3A_63, %dma_start3A] : memref<20480x128xf32, #tpu.memory_space<hbm>> -> memref<128x128xf32, #tpu.memory_space<hbm>>
      %dma_start3A_79 = arith.constant 0 : i32
      %dma_start3A_80 = tpu.memref_slice %arg5[%add3A_63, %dma_start3A_79] : memref<20480x128xf32, #tpu.memory_space<hbm>> -> memref<128x128xf32, #tpu.memory_space<hbm>>
      tpu.enqueue_dma source(%arg8 : memref<128x128xf32, #tpu.memory_space<vmem>>) target(%dma_start3A_80 : memref<128x128xf32, #tpu.memory_space<hbm>>) target_semaphore(%run_scoped3A : memref<!tpu.dma_semaphore, #tpu.memory_space<semaphore_mem>>)
      %dma_wait3A = arith.constant 0 : i32
      %dma_wait3A_81 = tpu.memref_slice %arg5[%add3A_63, %dma_wait3A] : memref<20480x128xf32, #tpu.memory_space<hbm>> -> memref<128x128xf32, #tpu.memory_space<hbm>>
      %dma_wait3A_82 = arith.constant 0 : i32
      %dma_wait3A_83 = tpu.memref_slice %arg5[%add3A_63, %dma_wait3A_82] : memref<20480x128xf32, #tpu.memory_space<hbm>> -> memref<128x128xf32, #tpu.memory_space<hbm>>
      tpu.wait_dma2 semaphore(%run_scoped3A : memref<!tpu.dma_semaphore, #tpu.memory_space<semaphore_mem>>) src(%arg8 : memref<128x128xf32, #tpu.memory_space<vmem>>) dst(%dma_wait3A_83 : memref<128x128xf32, #tpu.memory_space<hbm>>)
      tpu.yield
    }) : () -> ()
    %mul3A_64 = arith.constant 640 : i32
    %mul3A_65 = arith.muli %arg1, %mul3A_64 : i32
    %add3A_66 = arith.constant 384 : i32
    %add3A_67 = arith.addi %mul3A_65, %add3A_66 : i32
    "tpu.region"() ({
      %run_scoped3A = tpu.sem_alloc : memref<!tpu.dma_semaphore, #tpu.memory_space<semaphore_mem>>
      %dma_start3A = arith.constant 0 : i32
      %dma_start3A_78 = tpu.memref_slice %arg10[%add3A_67, %dma_start3A] : memref<10240x128xf32, #tpu.memory_space<vmem_shared>> -> memref<128x128xf32, #tpu.memory_space<vmem_shared>>
      %dma_start3A_79 = arith.constant 0 : i32
      %dma_start3A_80 = tpu.memref_slice %arg10[%add3A_67, %dma_start3A_79] : memref<10240x128xf32, #tpu.memory_space<vmem_shared>> -> memref<128x128xf32, #tpu.memory_space<vmem_shared>>
      tpu.enqueue_dma source(%dma_start3A_80 : memref<128x128xf32, #tpu.memory_space<vmem_shared>>) target(%arg8 : memref<128x128xf32, #tpu.memory_space<vmem>>) target_semaphore(%run_scoped3A : memref<!tpu.dma_semaphore, #tpu.memory_space<semaphore_mem>>)
      %dma_wait3A = arith.constant 0 : i32
      %dma_wait3A_81 = tpu.memref_slice %arg10[%add3A_67, %dma_wait3A] : memref<10240x128xf32, #tpu.memory_space<vmem_shared>> -> memref<128x128xf32, #tpu.memory_space<vmem_shared>>
      %dma_wait3A_82 = arith.constant 0 : i32
      %dma_wait3A_83 = tpu.memref_slice %arg10[%add3A_67, %dma_wait3A_82] : memref<10240x128xf32, #tpu.memory_space<vmem_shared>> -> memref<128x128xf32, #tpu.memory_space<vmem_shared>>
      tpu.wait_dma2 semaphore(%run_scoped3A : memref<!tpu.dma_semaphore, #tpu.memory_space<semaphore_mem>>) src(%dma_wait3A_83 : memref<128x128xf32, #tpu.memory_space<vmem_shared>>) dst(%arg8 : memref<128x128xf32, #tpu.memory_space<vmem>>)
      tpu.yield
    }) : () -> ()
    %mul3A_68 = arith.constant 10240 : i32
    %mul3A_69 = arith.muli %arg0, %mul3A_68 : i32
    %add3A_70 = arith.addi %mul3A_69, %add3A_67 : i32
    "tpu.region"() ({
      %run_scoped3A = tpu.sem_alloc : memref<!tpu.dma_semaphore, #tpu.memory_space<semaphore_mem>>
      %dma_start3A = arith.constant 0 : i32
      %dma_start3A_78 = tpu.memref_slice %arg5[%add3A_70, %dma_start3A] : memref<20480x128xf32, #tpu.memory_space<hbm>> -> memref<128x128xf32, #tpu.memory_space<hbm>>
      %dma_start3A_79 = arith.constant 0 : i32
      %dma_start3A_80 = tpu.memref_slice %arg5[%add3A_70, %dma_start3A_79] : memref<20480x128xf32, #tpu.memory_space<hbm>> -> memref<128x128xf32, #tpu.memory_space<hbm>>
      tpu.enqueue_dma source(%arg8 : memref<128x128xf32, #tpu.memory_space<vmem>>) target(%dma_start3A_80 : memref<128x128xf32, #tpu.memory_space<hbm>>) target_semaphore(%run_scoped3A : memref<!tpu.dma_semaphore, #tpu.memory_space<semaphore_mem>>)
      %dma_wait3A = arith.constant 0 : i32
      %dma_wait3A_81 = tpu.memref_slice %arg5[%add3A_70, %dma_wait3A] : memref<20480x128xf32, #tpu.memory_space<hbm>> -> memref<128x128xf32, #tpu.memory_space<hbm>>
      %dma_wait3A_82 = arith.constant 0 : i32
      %dma_wait3A_83 = tpu.memref_slice %arg5[%add3A_70, %dma_wait3A_82] : memref<20480x128xf32, #tpu.memory_space<hbm>> -> memref<128x128xf32, #tpu.memory_space<hbm>>
      tpu.wait_dma2 semaphore(%run_scoped3A : memref<!tpu.dma_semaphore, #tpu.memory_space<semaphore_mem>>) src(%arg8 : memref<128x128xf32, #tpu.memory_space<vmem>>) dst(%dma_wait3A_83 : memref<128x128xf32, #tpu.memory_space<hbm>>)
      tpu.yield
    }) : () -> ()
    %mul3A_71 = arith.constant 640 : i32
    %mul3A_72 = arith.muli %arg1, %mul3A_71 : i32
    %add3A_73 = arith.constant 512 : i32
    %add3A_74 = arith.addi %mul3A_72, %add3A_73 : i32
    "tpu.region"() ({
      %run_scoped3A = tpu.sem_alloc : memref<!tpu.dma_semaphore, #tpu.memory_space<semaphore_mem>>
      %dma_start3A = arith.constant 0 : i32
      %dma_start3A_78 = tpu.memref_slice %arg10[%add3A_74, %dma_start3A] : memref<10240x128xf32, #tpu.memory_space<vmem_shared>> -> memref<128x128xf32, #tpu.memory_space<vmem_shared>>
      %dma_start3A_79 = arith.constant 0 : i32
      %dma_start3A_80 = tpu.memref_slice %arg10[%add3A_74, %dma_start3A_79] : memref<10240x128xf32, #tpu.memory_space<vmem_shared>> -> memref<128x128xf32, #tpu.memory_space<vmem_shared>>
      tpu.enqueue_dma source(%dma_start3A_80 : memref<128x128xf32, #tpu.memory_space<vmem_shared>>) target(%arg8 : memref<128x128xf32, #tpu.memory_space<vmem>>) target_semaphore(%run_scoped3A : memref<!tpu.dma_semaphore, #tpu.memory_space<semaphore_mem>>)
      %dma_wait3A = arith.constant 0 : i32
      %dma_wait3A_81 = tpu.memref_slice %arg10[%add3A_74, %dma_wait3A] : memref<10240x128xf32, #tpu.memory_space<vmem_shared>> -> memref<128x128xf32, #tpu.memory_space<vmem_shared>>
      %dma_wait3A_82 = arith.constant 0 : i32
      %dma_wait3A_83 = tpu.memref_slice %arg10[%add3A_74, %dma_wait3A_82] : memref<10240x128xf32, #tpu.memory_space<vmem_shared>> -> memref<128x128xf32, #tpu.memory_space<vmem_shared>>
      tpu.wait_dma2 semaphore(%run_scoped3A : memref<!tpu.dma_semaphore, #tpu.memory_space<semaphore_mem>>) src(%dma_wait3A_83 : memref<128x128xf32, #tpu.memory_space<vmem_shared>>) dst(%arg8 : memref<128x128xf32, #tpu.memory_space<vmem>>)
      tpu.yield
    }) : () -> ()
    %mul3A_75 = arith.constant 10240 : i32
    %mul3A_76 = arith.muli %arg0, %mul3A_75 : i32
    %add3A_77 = arith.addi %mul3A_76, %add3A_74 : i32
    "tpu.region"() ({
      %run_scoped3A = tpu.sem_alloc : memref<!tpu.dma_semaphore, #tpu.memory_space<semaphore_mem>>
      %dma_start3A = arith.constant 0 : i32
      %dma_start3A_78 = tpu.memref_slice %arg5[%add3A_77, %dma_start3A] : memref<20480x128xf32, #tpu.memory_space<hbm>> -> memref<128x128xf32, #tpu.memory_space<hbm>>
      %dma_start3A_79 = arith.constant 0 : i32
      %dma_start3A_80 = tpu.memref_slice %arg5[%add3A_77, %dma_start3A_79] : memref<20480x128xf32, #tpu.memory_space<hbm>> -> memref<128x128xf32, #tpu.memory_space<hbm>>
      tpu.enqueue_dma source(%arg8 : memref<128x128xf32, #tpu.memory_space<vmem>>) target(%dma_start3A_80 : memref<128x128xf32, #tpu.memory_space<hbm>>) target_semaphore(%run_scoped3A : memref<!tpu.dma_semaphore, #tpu.memory_space<semaphore_mem>>)
      %dma_wait3A = arith.constant 0 : i32
      %dma_wait3A_81 = tpu.memref_slice %arg5[%add3A_77, %dma_wait3A] : memref<20480x128xf32, #tpu.memory_space<hbm>> -> memref<128x128xf32, #tpu.memory_space<hbm>>
      %dma_wait3A_82 = arith.constant 0 : i32
      %dma_wait3A_83 = tpu.memref_slice %arg5[%add3A_77, %dma_wait3A_82] : memref<20480x128xf32, #tpu.memory_space<hbm>> -> memref<128x128xf32, #tpu.memory_space<hbm>>
      tpu.wait_dma2 semaphore(%run_scoped3A : memref<!tpu.dma_semaphore, #tpu.memory_space<semaphore_mem>>) src(%arg8 : memref<128x128xf32, #tpu.memory_space<vmem>>) dst(%dma_wait3A_83 : memref<128x128xf32, #tpu.memory_space<hbm>>)
      tpu.yield
    }) : () -> ()
    return
  }
}

#map = affine_map<(d0, d1) -> (0)>
#map1 = affine_map<(d0, d1) -> (0, 0)>
module attributes {stable_mosaic.version = 14 : i64} {
  func.func @gcn_agg_d48_edge(%arg0: i32, %arg1: i32, %arg2: memref<327680xi32, #tpu.memory_space<hbm>>, %arg3: memref<2560x128xi32, #tpu.memory_space<hbm>>, %arg4: memref<10240x48xf32, #tpu.memory_space<hbm>>, %arg5: memref<20480x48xf32, #tpu.memory_space<hbm>>, %arg6: memref<10240xi32, #tpu.memory_space<vmem>>, %arg7: memref<80x128xi32, #tpu.memory_space<vmem>>, %arg8: memref<128x48xf32, #tpu.memory_space<vmem>>, %arg9: memref<128x48xf32, #tpu.memory_space<vmem>>, %arg10: memref<128x48xf32, #tpu.memory_space<vmem>>, %arg11: memref<128x48xf32, #tpu.memory_space<vmem>>, %arg12: memref<128x48xf32, #tpu.memory_space<vmem>>, %arg13: memref<128x48xf32, #tpu.memory_space<vmem>>, %arg14: memref<128x48xf32, #tpu.memory_space<vmem>>, %arg15: memref<128x48xf32, #tpu.memory_space<vmem>>, %arg16: memref<10240x48xf32, #tpu.memory_space<vmem_shared>>, %arg17: memref<!tpu.dma_semaphore, #tpu.memory_space<semaphore_mem>>, %arg18: memref<!tpu.dma_semaphore, #tpu.memory_space<semaphore_mem>>, %arg19: memref<!tpu.dma_semaphore, #tpu.memory_space<semaphore_mem>>, %arg20: memref<!tpu.dma_semaphore, #tpu.memory_space<semaphore_mem>>, %arg21: memref<!tpu.dma_semaphore, #tpu.memory_space<semaphore_mem>>, %arg22: memref<!tpu.dma_semaphore, #tpu.memory_space<semaphore_mem>>, %arg23: memref<!tpu.dma_semaphore, #tpu.memory_space<semaphore_mem>>, %arg24: memref<!tpu.dma_semaphore, #tpu.memory_space<semaphore_mem>>, %arg25: memref<!tpu.dma_semaphore, #tpu.memory_space<semaphore_mem>>, %arg26: memref<!tpu.dma_semaphore, #tpu.memory_space<semaphore_mem>>, %arg27: memref<!tpu.dma_semaphore, #tpu.memory_space<semaphore_mem>>, %arg28: memref<!tpu.dma_semaphore, #tpu.memory_space<semaphore_mem>>, %arg29: memref<!tpu.dma_semaphore, #tpu.memory_space<semaphore_mem>>, %arg30: memref<!tpu.dma_semaphore, #tpu.memory_space<semaphore_mem>>, %arg31: memref<!tpu.dma_semaphore, #tpu.memory_space<semaphore_mem>>, %arg32: memref<!tpu.dma_semaphore, #tpu.memory_space<semaphore_mem>>) attributes {dimension_semantics = [#tpu.dimension_semantics<core_parallel>, #tpu.dimension_semantics<subcore_parallel>], iteration_bounds = array<i64: 2, 16>, scalar_prefetch = 0 : i64, scratch_operands = 27 : i64, tpu.core_type = #tpu.core_type<sc_vector_subcore>, window_params = [{transform_indices = #map}, {transform_indices = #map1}, {transform_indices = #map1}, {transform_indices = #map1}]} {
    %broadcast_in_dim3A = arith.constant 0.000000e+00 : f32
    %broadcast_in_dim3A_0 = vector.broadcast %broadcast_in_dim3A : f32 to vector<16xf32>
    %scan3A = arith.constant 0 : i32
    %scan3A_1 = arith.constant 0 : i32
    %scan3A_2 = arith.constant 128 : i32
    %scan3A_3 = arith.addi %scan3A_1, %scan3A_2 : i32
    %scan3A_4 = arith.constant 1 : i32
    %scan3A_5 = scf.for %scan3A_182 = %scan3A_1 to %scan3A_3 step %scan3A_4 iter_args(%scan3A_183 = %scan3A) -> (i32)  : i32 {
      %swap3A = arith.index_cast %scan3A_182 : i32 to index
      %swap3A_184 = arith.constant 0 : index
      %swap3A_185 = tpu.vector_load %arg8[%swap3A, %swap3A_184] {strides = array<i32>} : memref<128x48xf32, #tpu.memory_space<vmem>>, vector<1x16xf32>,
      %swap3A_186 = vector.shape_cast %swap3A_185 : vector<1x16xf32> to vector<16xf32>
      %swap3A_187 = vector.shape_cast %broadcast_in_dim3A_0 : vector<16xf32> to vector<1x16xf32>
      tpu.vector_store %arg8[%swap3A, %swap3A_184], %swap3A_187 {strides = array<i32>} : memref<128x48xf32, #tpu.memory_space<vmem>>, vector<1x16xf32>,
      %swap3A_188 = arith.index_cast %scan3A_182 : i32 to index
      %swap3A_189 = arith.constant 16 : index
      %swap3A_190 = tpu.vector_load %arg8[%swap3A_188, %swap3A_189] {strides = array<i32>} : memref<128x48xf32, #tpu.memory_space<vmem>>, vector<1x16xf32>,
      %swap3A_191 = vector.shape_cast %swap3A_190 : vector<1x16xf32> to vector<16xf32>
      %swap3A_192 = vector.shape_cast %broadcast_in_dim3A_0 : vector<16xf32> to vector<1x16xf32>
      tpu.vector_store %arg8[%swap3A_188, %swap3A_189], %swap3A_192 {strides = array<i32>} : memref<128x48xf32, #tpu.memory_space<vmem>>, vector<1x16xf32>,
      %swap3A_193 = arith.index_cast %scan3A_182 : i32 to index
      %swap3A_194 = arith.constant 32 : index
      %swap3A_195 = tpu.vector_load %arg8[%swap3A_193, %swap3A_194] {strides = array<i32>} : memref<128x48xf32, #tpu.memory_space<vmem>>, vector<1x16xf32>,
      %swap3A_196 = vector.shape_cast %swap3A_195 : vector<1x16xf32> to vector<16xf32>
      %swap3A_197 = vector.shape_cast %broadcast_in_dim3A_0 : vector<16xf32> to vector<1x16xf32>
      tpu.vector_store %arg8[%swap3A_193, %swap3A_194], %swap3A_197 {strides = array<i32>} : memref<128x48xf32, #tpu.memory_space<vmem>>, vector<1x16xf32>,
      %scan3A_198 = arith.constant 0 : i32
      scf.yield %scan3A_198 : i32
    }
    %scan3A_6 = arith.constant 128 : i32
    %mul3A = arith.constant 640 : i32
    %mul3A_7 = arith.muli %arg1, %mul3A : i32
    %add3A = arith.constant 0 : i32
    %add3A_8 = arith.addi %mul3A_7, %add3A : i32
    "tpu.region"() ({
      %run_scoped3A = tpu.sem_alloc : memref<!tpu.dma_semaphore, #tpu.memory_space<semaphore_mem>>
      %dma_start3A_182 = arith.constant 0 : i32
      %dma_start3A_183 = tpu.memref_slice %arg16[%add3A_8, %dma_start3A_182] : memref<10240x48xf32, #tpu.memory_space<vmem_shared>> -> memref<128x48xf32, #tpu.memory_space<vmem_shared>>
      %dma_start3A_184 = arith.constant 0 : i32
      %dma_start3A_185 = tpu.memref_slice %arg16[%add3A_8, %dma_start3A_184] : memref<10240x48xf32, #tpu.memory_space<vmem_shared>> -> memref<128x48xf32, #tpu.memory_space<vmem_shared>>
      tpu.enqueue_dma source(%arg8 : memref<128x48xf32, #tpu.memory_space<vmem>>) target(%dma_start3A_185 : memref<128x48xf32, #tpu.memory_space<vmem_shared>>) target_semaphore(%run_scoped3A : memref<!tpu.dma_semaphore, #tpu.memory_space<semaphore_mem>>)
      %dma_wait3A_186 = arith.constant 0 : i32
      %dma_wait3A_187 = tpu.memref_slice %arg16[%add3A_8, %dma_wait3A_186] : memref<10240x48xf32, #tpu.memory_space<vmem_shared>> -> memref<128x48xf32, #tpu.memory_space<vmem_shared>>
      %dma_wait3A_188 = arith.constant 0 : i32
      %dma_wait3A_189 = tpu.memref_slice %arg16[%add3A_8, %dma_wait3A_188] : memref<10240x48xf32, #tpu.memory_space<vmem_shared>> -> memref<128x48xf32, #tpu.memory_space<vmem_shared>>
      tpu.wait_dma2 semaphore(%run_scoped3A : memref<!tpu.dma_semaphore, #tpu.memory_space<semaphore_mem>>) src(%arg8 : memref<128x48xf32, #tpu.memory_space<vmem>>) dst(%dma_wait3A_189 : memref<128x48xf32, #tpu.memory_space<vmem_shared>>)
      tpu.yield
    }) : () -> ()
    %mul3A_9 = arith.constant 640 : i32
    %mul3A_10 = arith.muli %arg1, %mul3A_9 : i32
    %add3A_11 = arith.constant 128 : i32
    %add3A_12 = arith.addi %mul3A_10, %add3A_11 : i32
    "tpu.region"() ({
      %run_scoped3A = tpu.sem_alloc : memref<!tpu.dma_semaphore, #tpu.memory_space<semaphore_mem>>
      %dma_start3A_182 = arith.constant 0 : i32
      %dma_start3A_183 = tpu.memref_slice %arg16[%add3A_12, %dma_start3A_182] : memref<10240x48xf32, #tpu.memory_space<vmem_shared>> -> memref<128x48xf32, #tpu.memory_space<vmem_shared>>
      %dma_start3A_184 = arith.constant 0 : i32
      %dma_start3A_185 = tpu.memref_slice %arg16[%add3A_12, %dma_start3A_184] : memref<10240x48xf32, #tpu.memory_space<vmem_shared>> -> memref<128x48xf32, #tpu.memory_space<vmem_shared>>
      tpu.enqueue_dma source(%arg8 : memref<128x48xf32, #tpu.memory_space<vmem>>) target(%dma_start3A_185 : memref<128x48xf32, #tpu.memory_space<vmem_shared>>) target_semaphore(%run_scoped3A : memref<!tpu.dma_semaphore, #tpu.memory_space<semaphore_mem>>)
      %dma_wait3A_186 = arith.constant 0 : i32
      %dma_wait3A_187 = tpu.memref_slice %arg16[%add3A_12, %dma_wait3A_186] : memref<10240x48xf32, #tpu.memory_space<vmem_shared>> -> memref<128x48xf32, #tpu.memory_space<vmem_shared>>
      %dma_wait3A_188 = arith.constant 0 : i32
      %dma_wait3A_189 = tpu.memref_slice %arg16[%add3A_12, %dma_wait3A_188] : memref<10240x48xf32, #tpu.memory_space<vmem_shared>> -> memref<128x48xf32, #tpu.memory_space<vmem_shared>>
      tpu.wait_dma2 semaphore(%run_scoped3A : memref<!tpu.dma_semaphore, #tpu.memory_space<semaphore_mem>>) src(%arg8 : memref<128x48xf32, #tpu.memory_space<vmem>>) dst(%dma_wait3A_189 : memref<128x48xf32, #tpu.memory_space<vmem_shared>>)
      tpu.yield
    }) : () -> ()
    %mul3A_13 = arith.constant 640 : i32
    %mul3A_14 = arith.muli %arg1, %mul3A_13 : i32
    %add3A_15 = arith.constant 256 : i32
    %add3A_16 = arith.addi %mul3A_14, %add3A_15 : i32
    "tpu.region"() ({
      %run_scoped3A = tpu.sem_alloc : memref<!tpu.dma_semaphore, #tpu.memory_space<semaphore_mem>>
      %dma_start3A_182 = arith.constant 0 : i32
      %dma_start3A_183 = tpu.memref_slice %arg16[%add3A_16, %dma_start3A_182] : memref<10240x48xf32, #tpu.memory_space<vmem_shared>> -> memref<128x48xf32, #tpu.memory_space<vmem_shared>>
      %dma_start3A_184 = arith.constant 0 : i32
      %dma_start3A_185 = tpu.memref_slice %arg16[%add3A_16, %dma_start3A_184] : memref<10240x48xf32, #tpu.memory_space<vmem_shared>> -> memref<128x48xf32, #tpu.memory_space<vmem_shared>>
      tpu.enqueue_dma source(%arg8 : memref<128x48xf32, #tpu.memory_space<vmem>>) target(%dma_start3A_185 : memref<128x48xf32, #tpu.memory_space<vmem_shared>>) target_semaphore(%run_scoped3A : memref<!tpu.dma_semaphore, #tpu.memory_space<semaphore_mem>>)
      %dma_wait3A_186 = arith.constant 0 : i32
      %dma_wait3A_187 = tpu.memref_slice %arg16[%add3A_16, %dma_wait3A_186] : memref<10240x48xf32, #tpu.memory_space<vmem_shared>> -> memref<128x48xf32, #tpu.memory_space<vmem_shared>>
      %dma_wait3A_188 = arith.constant 0 : i32
      %dma_wait3A_189 = tpu.memref_slice %arg16[%add3A_16, %dma_wait3A_188] : memref<10240x48xf32, #tpu.memory_space<vmem_shared>> -> memref<128x48xf32, #tpu.memory_space<vmem_shared>>
      tpu.wait_dma2 semaphore(%run_scoped3A : memref<!tpu.dma_semaphore, #tpu.memory_space<semaphore_mem>>) src(%arg8 : memref<128x48xf32, #tpu.memory_space<vmem>>) dst(%dma_wait3A_189 : memref<128x48xf32, #tpu.memory_space<vmem_shared>>)
      tpu.yield
    }) : () -> ()
    %mul3A_17 = arith.constant 640 : i32
    %mul3A_18 = arith.muli %arg1, %mul3A_17 : i32
    %add3A_19 = arith.constant 384 : i32
    %add3A_20 = arith.addi %mul3A_18, %add3A_19 : i32
    "tpu.region"() ({
      %run_scoped3A = tpu.sem_alloc : memref<!tpu.dma_semaphore, #tpu.memory_space<semaphore_mem>>
      %dma_start3A_182 = arith.constant 0 : i32
      %dma_start3A_183 = tpu.memref_slice %arg16[%add3A_20, %dma_start3A_182] : memref<10240x48xf32, #tpu.memory_space<vmem_shared>> -> memref<128x48xf32, #tpu.memory_space<vmem_shared>>
      %dma_start3A_184 = arith.constant 0 : i32
      %dma_start3A_185 = tpu.memref_slice %arg16[%add3A_20, %dma_start3A_184] : memref<10240x48xf32, #tpu.memory_space<vmem_shared>> -> memref<128x48xf32, #tpu.memory_space<vmem_shared>>
      tpu.enqueue_dma source(%arg8 : memref<128x48xf32, #tpu.memory_space<vmem>>) target(%dma_start3A_185 : memref<128x48xf32, #tpu.memory_space<vmem_shared>>) target_semaphore(%run_scoped3A : memref<!tpu.dma_semaphore, #tpu.memory_space<semaphore_mem>>)
      %dma_wait3A_186 = arith.constant 0 : i32
      %dma_wait3A_187 = tpu.memref_slice %arg16[%add3A_20, %dma_wait3A_186] : memref<10240x48xf32, #tpu.memory_space<vmem_shared>> -> memref<128x48xf32, #tpu.memory_space<vmem_shared>>
      %dma_wait3A_188 = arith.constant 0 : i32
      %dma_wait3A_189 = tpu.memref_slice %arg16[%add3A_20, %dma_wait3A_188] : memref<10240x48xf32, #tpu.memory_space<vmem_shared>> -> memref<128x48xf32, #tpu.memory_space<vmem_shared>>
      tpu.wait_dma2 semaphore(%run_scoped3A : memref<!tpu.dma_semaphore, #tpu.memory_space<semaphore_mem>>) src(%arg8 : memref<128x48xf32, #tpu.memory_space<vmem>>) dst(%dma_wait3A_189 : memref<128x48xf32, #tpu.memory_space<vmem_shared>>)
      tpu.yield
    }) : () -> ()
    %mul3A_21 = arith.constant 640 : i32
    %mul3A_22 = arith.muli %arg1, %mul3A_21 : i32
    %add3A_23 = arith.constant 512 : i32
    %add3A_24 = arith.addi %mul3A_22, %add3A_23 : i32
    "tpu.region"() ({
      %run_scoped3A = tpu.sem_alloc : memref<!tpu.dma_semaphore, #tpu.memory_space<semaphore_mem>>
      %dma_start3A_182 = arith.constant 0 : i32
      %dma_start3A_183 = tpu.memref_slice %arg16[%add3A_24, %dma_start3A_182] : memref<10240x48xf32, #tpu.memory_space<vmem_shared>> -> memref<128x48xf32, #tpu.memory_space<vmem_shared>>
      %dma_start3A_184 = arith.constant 0 : i32
      %dma_start3A_185 = tpu.memref_slice %arg16[%add3A_24, %dma_start3A_184] : memref<10240x48xf32, #tpu.memory_space<vmem_shared>> -> memref<128x48xf32, #tpu.memory_space<vmem_shared>>
      tpu.enqueue_dma source(%arg8 : memref<128x48xf32, #tpu.memory_space<vmem>>) target(%dma_start3A_185 : memref<128x48xf32, #tpu.memory_space<vmem_shared>>) target_semaphore(%run_scoped3A : memref<!tpu.dma_semaphore, #tpu.memory_space<semaphore_mem>>)
      %dma_wait3A_186 = arith.constant 0 : i32
      %dma_wait3A_187 = tpu.memref_slice %arg16[%add3A_24, %dma_wait3A_186] : memref<10240x48xf32, #tpu.memory_space<vmem_shared>> -> memref<128x48xf32, #tpu.memory_space<vmem_shared>>
      %dma_wait3A_188 = arith.constant 0 : i32
      %dma_wait3A_189 = tpu.memref_slice %arg16[%add3A_24, %dma_wait3A_188] : memref<10240x48xf32, #tpu.memory_space<vmem_shared>> -> memref<128x48xf32, #tpu.memory_space<vmem_shared>>
      tpu.wait_dma2 semaphore(%run_scoped3A : memref<!tpu.dma_semaphore, #tpu.memory_space<semaphore_mem>>) src(%arg8 : memref<128x48xf32, #tpu.memory_space<vmem>>) dst(%dma_wait3A_189 : memref<128x48xf32, #tpu.memory_space<vmem_shared>>)
      tpu.yield
    }) : () -> ()
    %barrier3A = arith.constant 0 : index
    tpu.barrier barrier_id(%barrier3A)
    %mul3A_25 = arith.constant 163840 : i32
    %mul3A_26 = arith.muli %arg0, %mul3A_25 : i32
    %mul3A_27 = arith.constant 10240 : i32
    %mul3A_28 = arith.muli %arg1, %mul3A_27 : i32
    %add3A_29 = arith.addi %mul3A_26, %mul3A_28 : i32
    %mul3A_30 = arith.constant 1280 : i32
    %mul3A_31 = arith.muli %arg0, %mul3A_30 : i32
    %mul3A_32 = arith.constant 80 : i32
    %mul3A_33 = arith.muli %arg1, %mul3A_32 : i32
    %add3A_34 = arith.addi %mul3A_31, %mul3A_33 : i32
    %scan3A_35 = arith.constant 0 : i32
    %scan3A_36 = arith.constant 0 : i32
    %mul3A_37 = arith.constant 10240 : i32
    %mul3A_38 = arith.muli %scan3A_36, %mul3A_37 : i32
    %add3A_39 = arith.addi %add3A_29, %mul3A_38 : i32
    "tpu.region"() ({
      %run_scoped3A = tpu.sem_alloc : memref<!tpu.dma_semaphore, #tpu.memory_space<semaphore_mem>>
      %dma_start3A_182 = tpu.memref_slice %arg2[%add3A_39] : memref<327680xi32, #tpu.memory_space<hbm>> -> memref<10240xi32, #tpu.memory_space<hbm>>
      %dma_start3A_183 = tpu.memref_slice %arg2[%add3A_39] : memref<327680xi32, #tpu.memory_space<hbm>> -> memref<10240xi32, #tpu.memory_space<hbm>>
      tpu.enqueue_dma source(%dma_start3A_183 : memref<10240xi32, #tpu.memory_space<hbm>>) target(%arg6 : memref<10240xi32, #tpu.memory_space<vmem>>) target_semaphore(%run_scoped3A : memref<!tpu.dma_semaphore, #tpu.memory_space<semaphore_mem>>)
      %dma_wait3A_184 = tpu.memref_slice %arg2[%add3A_39] : memref<327680xi32, #tpu.memory_space<hbm>> -> memref<10240xi32, #tpu.memory_space<hbm>>
      %dma_wait3A_185 = tpu.memref_slice %arg2[%add3A_39] : memref<327680xi32, #tpu.memory_space<hbm>> -> memref<10240xi32, #tpu.memory_space<hbm>>
      tpu.wait_dma2 semaphore(%run_scoped3A : memref<!tpu.dma_semaphore, #tpu.memory_space<semaphore_mem>>) src(%dma_wait3A_185 : memref<10240xi32, #tpu.memory_space<hbm>>) dst(%arg6 : memref<10240xi32, #tpu.memory_space<vmem>>)
      tpu.yield
    }) : () -> ()
    %mul3A_40 = arith.constant 80 : i32
    %mul3A_41 = arith.muli %scan3A_36, %mul3A_40 : i32
    %add3A_42 = arith.addi %add3A_34, %mul3A_41 : i32
    "tpu.region"() ({
      %run_scoped3A = tpu.sem_alloc : memref<!tpu.dma_semaphore, #tpu.memory_space<semaphore_mem>>
      %dma_start3A_182 = arith.constant 0 : i32
      %dma_start3A_183 = tpu.memref_slice %arg3[%add3A_42, %dma_start3A_182] : memref<2560x128xi32, #tpu.memory_space<hbm>> -> memref<80x128xi32, #tpu.memory_space<hbm>>
      %dma_start3A_184 = arith.constant 0 : i32
      %dma_start3A_185 = tpu.memref_slice %arg3[%add3A_42, %dma_start3A_184] : memref<2560x128xi32, #tpu.memory_space<hbm>> -> memref<80x128xi32, #tpu.memory_space<hbm>>
      tpu.enqueue_dma source(%dma_start3A_185 : memref<80x128xi32, #tpu.memory_space<hbm>>) target(%arg7 : memref<80x128xi32, #tpu.memory_space<vmem>>) target_semaphore(%run_scoped3A : memref<!tpu.dma_semaphore, #tpu.memory_space<semaphore_mem>>)
      %dma_wait3A_186 = arith.constant 0 : i32
      %dma_wait3A_187 = tpu.memref_slice %arg3[%add3A_42, %dma_wait3A_186] : memref<2560x128xi32, #tpu.memory_space<hbm>> -> memref<80x128xi32, #tpu.memory_space<hbm>>
      %dma_wait3A_188 = arith.constant 0 : i32
      %dma_wait3A_189 = tpu.memref_slice %arg3[%add3A_42, %dma_wait3A_188] : memref<2560x128xi32, #tpu.memory_space<hbm>> -> memref<80x128xi32, #tpu.memory_space<hbm>>
      tpu.wait_dma2 semaphore(%run_scoped3A : memref<!tpu.dma_semaphore, #tpu.memory_space<semaphore_mem>>) src(%dma_wait3A_189 : memref<80x128xi32, #tpu.memory_space<hbm>>) dst(%arg7 : memref<80x128xi32, #tpu.memory_space<vmem>>)
      tpu.yield
    }) : () -> ()
    %dma_start3A = arith.constant 0 : i32
    %dma_start3A_43 = tpu.memref_slice %arg6[%dma_start3A] : memref<10240xi32, #tpu.memory_space<vmem>> -> memref<128xi32, #tpu.memory_space<vmem>>
    %dma_start3A_44 = arith.constant 0 : i32
    %dma_start3A_45 = arith.constant 0 : i32
    %dma_start3A_46 = tpu.memref_slice %arg4[%dma_start3A_44, %dma_start3A_45] : memref<10240x48xf32, #tpu.memory_space<hbm>> -> memref<10240x48xf32, #tpu.memory_space<hbm>>
    tpu.enqueue_indirect_dma source(%dma_start3A_46 : memref<10240x48xf32, #tpu.memory_space<hbm>>) target(%arg8 : memref<128x48xf32, #tpu.memory_space<vmem>>) offsets(%dma_start3A_43 : memref<128xi32, #tpu.memory_space<vmem>>) semaphore(%arg17 : memref<!tpu.dma_semaphore, #tpu.memory_space<semaphore_mem>>)
    %dma_start3A_47 = arith.constant 128 : i32
    %dma_start3A_48 = tpu.memref_slice %arg6[%dma_start3A_47] : memref<10240xi32, #tpu.memory_space<vmem>> -> memref<128xi32, #tpu.memory_space<vmem>>
    %dma_start3A_49 = arith.constant 0 : i32
    %dma_start3A_50 = arith.constant 0 : i32
    %dma_start3A_51 = tpu.memref_slice %arg4[%dma_start3A_49, %dma_start3A_50] : memref<10240x48xf32, #tpu.memory_space<hbm>> -> memref<10240x48xf32, #tpu.memory_space<hbm>>
    tpu.enqueue_indirect_dma source(%dma_start3A_51 : memref<10240x48xf32, #tpu.memory_space<hbm>>) target(%arg9 : memref<128x48xf32, #tpu.memory_space<vmem>>) offsets(%dma_start3A_48 : memref<128xi32, #tpu.memory_space<vmem>>) semaphore(%arg18 : memref<!tpu.dma_semaphore, #tpu.memory_space<semaphore_mem>>)
    %dma_start3A_52 = arith.constant 256 : i32
    %dma_start3A_53 = tpu.memref_slice %arg6[%dma_start3A_52] : memref<10240xi32, #tpu.memory_space<vmem>> -> memref<128xi32, #tpu.memory_space<vmem>>
    %dma_start3A_54 = arith.constant 0 : i32
    %dma_start3A_55 = arith.constant 0 : i32
    %dma_start3A_56 = tpu.memref_slice %arg4[%dma_start3A_54, %dma_start3A_55] : memref<10240x48xf32, #tpu.memory_space<hbm>> -> memref<10240x48xf32, #tpu.memory_space<hbm>>
    tpu.enqueue_indirect_dma source(%dma_start3A_56 : memref<10240x48xf32, #tpu.memory_space<hbm>>) target(%arg10 : memref<128x48xf32, #tpu.memory_space<vmem>>) offsets(%dma_start3A_53 : memref<128xi32, #tpu.memory_space<vmem>>) semaphore(%arg19 : memref<!tpu.dma_semaphore, #tpu.memory_space<semaphore_mem>>)
    %dma_start3A_57 = arith.constant 384 : i32
    %dma_start3A_58 = tpu.memref_slice %arg6[%dma_start3A_57] : memref<10240xi32, #tpu.memory_space<vmem>> -> memref<128xi32, #tpu.memory_space<vmem>>
    %dma_start3A_59 = arith.constant 0 : i32
    %dma_start3A_60 = arith.constant 0 : i32
    %dma_start3A_61 = tpu.memref_slice %arg4[%dma_start3A_59, %dma_start3A_60] : memref<10240x48xf32, #tpu.memory_space<hbm>> -> memref<10240x48xf32, #tpu.memory_space<hbm>>
    tpu.enqueue_indirect_dma source(%dma_start3A_61 : memref<10240x48xf32, #tpu.memory_space<hbm>>) target(%arg11 : memref<128x48xf32, #tpu.memory_space<vmem>>) offsets(%dma_start3A_58 : memref<128xi32, #tpu.memory_space<vmem>>) semaphore(%arg20 : memref<!tpu.dma_semaphore, #tpu.memory_space<semaphore_mem>>)
    %dma_start3A_62 = arith.constant 512 : i32
    %dma_start3A_63 = tpu.memref_slice %arg6[%dma_start3A_62] : memref<10240xi32, #tpu.memory_space<vmem>> -> memref<128xi32, #tpu.memory_space<vmem>>
    %dma_start3A_64 = arith.constant 0 : i32
    %dma_start3A_65 = arith.constant 0 : i32
    %dma_start3A_66 = tpu.memref_slice %arg4[%dma_start3A_64, %dma_start3A_65] : memref<10240x48xf32, #tpu.memory_space<hbm>> -> memref<10240x48xf32, #tpu.memory_space<hbm>>
    tpu.enqueue_indirect_dma source(%dma_start3A_66 : memref<10240x48xf32, #tpu.memory_space<hbm>>) target(%arg12 : memref<128x48xf32, #tpu.memory_space<vmem>>) offsets(%dma_start3A_63 : memref<128xi32, #tpu.memory_space<vmem>>) semaphore(%arg21 : memref<!tpu.dma_semaphore, #tpu.memory_space<semaphore_mem>>)
    %dma_start3A_67 = arith.constant 640 : i32
    %dma_start3A_68 = tpu.memref_slice %arg6[%dma_start3A_67] : memref<10240xi32, #tpu.memory_space<vmem>> -> memref<128xi32, #tpu.memory_space<vmem>>
    %dma_start3A_69 = arith.constant 0 : i32
    %dma_start3A_70 = arith.constant 0 : i32
    %dma_start3A_71 = tpu.memref_slice %arg4[%dma_start3A_69, %dma_start3A_70] : memref<10240x48xf32, #tpu.memory_space<hbm>> -> memref<10240x48xf32, #tpu.memory_space<hbm>>
    tpu.enqueue_indirect_dma source(%dma_start3A_71 : memref<10240x48xf32, #tpu.memory_space<hbm>>) target(%arg13 : memref<128x48xf32, #tpu.memory_space<vmem>>) offsets(%dma_start3A_68 : memref<128xi32, #tpu.memory_space<vmem>>) semaphore(%arg22 : memref<!tpu.dma_semaphore, #tpu.memory_space<semaphore_mem>>)
    %dma_start3A_72 = arith.constant 768 : i32
    %dma_start3A_73 = tpu.memref_slice %arg6[%dma_start3A_72] : memref<10240xi32, #tpu.memory_space<vmem>> -> memref<128xi32, #tpu.memory_space<vmem>>
    %dma_start3A_74 = arith.constant 0 : i32
    %dma_start3A_75 = arith.constant 0 : i32
    %dma_start3A_76 = tpu.memref_slice %arg4[%dma_start3A_74, %dma_start3A_75] : memref<10240x48xf32, #tpu.memory_space<hbm>> -> memref<10240x48xf32, #tpu.memory_space<hbm>>
    tpu.enqueue_indirect_dma source(%dma_start3A_76 : memref<10240x48xf32, #tpu.memory_space<hbm>>) target(%arg14 : memref<128x48xf32, #tpu.memory_space<vmem>>) offsets(%dma_start3A_73 : memref<128xi32, #tpu.memory_space<vmem>>) semaphore(%arg23 : memref<!tpu.dma_semaphore, #tpu.memory_space<semaphore_mem>>)
    %dma_start3A_77 = arith.constant 896 : i32
    %dma_start3A_78 = tpu.memref_slice %arg6[%dma_start3A_77] : memref<10240xi32, #tpu.memory_space<vmem>> -> memref<128xi32, #tpu.memory_space<vmem>>
    %dma_start3A_79 = arith.constant 0 : i32
    %dma_start3A_80 = arith.constant 0 : i32
    %dma_start3A_81 = tpu.memref_slice %arg4[%dma_start3A_79, %dma_start3A_80] : memref<10240x48xf32, #tpu.memory_space<hbm>> -> memref<10240x48xf32, #tpu.memory_space<hbm>>
    tpu.enqueue_indirect_dma source(%dma_start3A_81 : memref<10240x48xf32, #tpu.memory_space<hbm>>) target(%arg15 : memref<128x48xf32, #tpu.memory_space<vmem>>) offsets(%dma_start3A_78 : memref<128xi32, #tpu.memory_space<vmem>>) semaphore(%arg24 : memref<!tpu.dma_semaphore, #tpu.memory_space<semaphore_mem>>)
    %scan3A_82 = arith.constant 0 : i32
    %scan3A_83 = arith.constant 0 : i32
    %scan3A_84 = arith.constant 10 : i32
    %scan3A_85 = arith.addi %scan3A_83, %scan3A_84 : i32
    %scan3A_86 = arith.constant 1 : i32
    %scan3A_87 = scf.for %scan3A_182 = %scan3A_83 to %scan3A_85 step %scan3A_86 iter_args(%scan3A_183 = %scan3A_82) -> (i32)  : i32 {
      %mul3A_184 = arith.constant 8 : i32
      %mul3A_185 = arith.muli %scan3A_182, %mul3A_184 : i32
      %dma_wait3A_186 = arith.constant 0 : i32
      %dma_wait3A_187 = tpu.memref_slice %arg6[%dma_wait3A_186] : memref<10240xi32, #tpu.memory_space<vmem>> -> memref<128xi32, #tpu.memory_space<vmem>>
      %dma_wait3A_188 = arith.constant 0 : i32
      %dma_wait3A_189 = arith.constant 0 : i32
      %dma_wait3A_190 = tpu.memref_slice %arg4[%dma_wait3A_188, %dma_wait3A_189] : memref<10240x48xf32, #tpu.memory_space<hbm>> -> memref<10240x48xf32, #tpu.memory_space<hbm>>
      tpu.wait_indirect_dma semaphore(%arg17 : memref<!tpu.dma_semaphore, #tpu.memory_space<semaphore_mem>>) src(%dma_wait3A_190 : memref<10240x48xf32, #tpu.memory_space<hbm>>) dst(%arg8 : memref<128x48xf32, #tpu.memory_space<vmem>>)
      %add3A_191 = arith.constant 0 : i32
      %add3A_192 = arith.addi %mul3A_185, %add3A_191 : i32
      %dma_start3A_193 = arith.constant 0 : i32
      %dma_start3A_194 = tpu.memref_slice %arg7[%add3A_192, %dma_start3A_193] : memref<80x128xi32, #tpu.memory_space<vmem>> -> memref<1x128xi32, #tpu.memory_space<vmem>>
      %dma_start3A_195 = tpu.memref_squeeze %dma_start3A_194 : memref<1x128xi32, #tpu.memory_space<vmem>> -> memref<128xi32, #tpu.memory_space<vmem>>
      %dma_start3A_196 = arith.constant 0 : i32
      %dma_start3A_197 = arith.constant 0 : i32
      %dma_start3A_198 = tpu.memref_slice %arg16[%dma_start3A_196, %dma_start3A_197] : memref<10240x48xf32, #tpu.memory_space<vmem_shared>> -> memref<10240x48xf32, #tpu.memory_space<vmem_shared>>
      tpu.enqueue_indirect_dma source(%arg8 : memref<128x48xf32, #tpu.memory_space<vmem>>) target(%dma_start3A_198 : memref<10240x48xf32, #tpu.memory_space<vmem_shared>>) offsets(%dma_start3A_195 : memref<128xi32, #tpu.memory_space<vmem>>) semaphore(%arg25 : memref<!tpu.dma_semaphore, #tpu.memory_space<semaphore_mem>>) {add = true}
      %dma_wait3A_199 = arith.constant 0 : i32
      %dma_wait3A_200 = tpu.memref_slice %arg6[%dma_wait3A_199] : memref<10240xi32, #tpu.memory_space<vmem>> -> memref<128xi32, #tpu.memory_space<vmem>>
      %dma_wait3A_201 = arith.constant 0 : i32
      %dma_wait3A_202 = arith.constant 0 : i32
      %dma_wait3A_203 = tpu.memref_slice %arg4[%dma_wait3A_201, %dma_wait3A_202] : memref<10240x48xf32, #tpu.memory_space<hbm>> -> memref<10240x48xf32, #tpu.memory_space<hbm>>
      tpu.wait_indirect_dma semaphore(%arg18 : memref<!tpu.dma_semaphore, #tpu.memory_space<semaphore_mem>>) src(%dma_wait3A_203 : memref<10240x48xf32, #tpu.memory_space<hbm>>) dst(%arg9 : memref<128x48xf32, #tpu.memory_space<vmem>>)
      %add3A_204 = arith.constant 1 : i32
      %add3A_205 = arith.addi %mul3A_185, %add3A_204 : i32
      %dma_start3A_206 = arith.constant 0 : i32
      %dma_start3A_207 = tpu.memref_slice %arg7[%add3A_205, %dma_start3A_206] : memref<80x128xi32, #tpu.memory_space<vmem>> -> memref<1x128xi32, #tpu.memory_space<vmem>>
      %dma_start3A_208 = tpu.memref_squeeze %dma_start3A_207 : memref<1x128xi32, #tpu.memory_space<vmem>> -> memref<128xi32, #tpu.memory_space<vmem>>
      %dma_start3A_209 = arith.constant 0 : i32
      %dma_start3A_210 = arith.constant 0 : i32
      %dma_start3A_211 = tpu.memref_slice %arg16[%dma_start3A_209, %dma_start3A_210] : memref<10240x48xf32, #tpu.memory_space<vmem_shared>> -> memref<10240x48xf32, #tpu.memory_space<vmem_shared>>
      tpu.enqueue_indirect_dma source(%arg9 : memref<128x48xf32, #tpu.memory_space<vmem>>) target(%dma_start3A_211 : memref<10240x48xf32, #tpu.memory_space<vmem_shared>>) offsets(%dma_start3A_208 : memref<128xi32, #tpu.memory_space<vmem>>) semaphore(%arg26 : memref<!tpu.dma_semaphore, #tpu.memory_space<semaphore_mem>>) {add = true}
      %dma_wait3A_212 = arith.constant 0 : i32
      %dma_wait3A_213 = tpu.memref_slice %arg6[%dma_wait3A_212] : memref<10240xi32, #tpu.memory_space<vmem>> -> memref<128xi32, #tpu.memory_space<vmem>>
      %dma_wait3A_214 = arith.constant 0 : i32
      %dma_wait3A_215 = arith.constant 0 : i32
      %dma_wait3A_216 = tpu.memref_slice %arg4[%dma_wait3A_214, %dma_wait3A_215] : memref<10240x48xf32, #tpu.memory_space<hbm>> -> memref<10240x48xf32, #tpu.memory_space<hbm>>
      tpu.wait_indirect_dma semaphore(%arg19 : memref<!tpu.dma_semaphore, #tpu.memory_space<semaphore_mem>>) src(%dma_wait3A_216 : memref<10240x48xf32, #tpu.memory_space<hbm>>) dst(%arg10 : memref<128x48xf32, #tpu.memory_space<vmem>>)
      %add3A_217 = arith.constant 2 : i32
      %add3A_218 = arith.addi %mul3A_185, %add3A_217 : i32
      %dma_start3A_219 = arith.constant 0 : i32
      %dma_start3A_220 = tpu.memref_slice %arg7[%add3A_218, %dma_start3A_219] : memref<80x128xi32, #tpu.memory_space<vmem>> -> memref<1x128xi32, #tpu.memory_space<vmem>>
      %dma_start3A_221 = tpu.memref_squeeze %dma_start3A_220 : memref<1x128xi32, #tpu.memory_space<vmem>> -> memref<128xi32, #tpu.memory_space<vmem>>
      %dma_start3A_222 = arith.constant 0 : i32
      %dma_start3A_223 = arith.constant 0 : i32
      %dma_start3A_224 = tpu.memref_slice %arg16[%dma_start3A_222, %dma_start3A_223] : memref<10240x48xf32, #tpu.memory_space<vmem_shared>> -> memref<10240x48xf32, #tpu.memory_space<vmem_shared>>
      tpu.enqueue_indirect_dma source(%arg10 : memref<128x48xf32, #tpu.memory_space<vmem>>) target(%dma_start3A_224 : memref<10240x48xf32, #tpu.memory_space<vmem_shared>>) offsets(%dma_start3A_221 : memref<128xi32, #tpu.memory_space<vmem>>) semaphore(%arg27 : memref<!tpu.dma_semaphore, #tpu.memory_space<semaphore_mem>>) {add = true}
      %dma_wait3A_225 = arith.constant 0 : i32
      %dma_wait3A_226 = tpu.memref_slice %arg6[%dma_wait3A_225] : memref<10240xi32, #tpu.memory_space<vmem>> -> memref<128xi32, #tpu.memory_space<vmem>>
      %dma_wait3A_227 = arith.constant 0 : i32
      %dma_wait3A_228 = arith.constant 0 : i32
      %dma_wait3A_229 = tpu.memref_slice %arg4[%dma_wait3A_227, %dma_wait3A_228] : memref<10240x48xf32, #tpu.memory_space<hbm>> -> memref<10240x48xf32, #tpu.memory_space<hbm>>
      tpu.wait_indirect_dma semaphore(%arg20 : memref<!tpu.dma_semaphore, #tpu.memory_space<semaphore_mem>>) src(%dma_wait3A_229 : memref<10240x48xf32, #tpu.memory_space<hbm>>) dst(%arg11 : memref<128x48xf32, #tpu.memory_space<vmem>>)
      %add3A_230 = arith.constant 3 : i32
      %add3A_231 = arith.addi %mul3A_185, %add3A_230 : i32
      %dma_start3A_232 = arith.constant 0 : i32
      %dma_start3A_233 = tpu.memref_slice %arg7[%add3A_231, %dma_start3A_232] : memref<80x128xi32, #tpu.memory_space<vmem>> -> memref<1x128xi32, #tpu.memory_space<vmem>>
      %dma_start3A_234 = tpu.memref_squeeze %dma_start3A_233 : memref<1x128xi32, #tpu.memory_space<vmem>> -> memref<128xi32, #tpu.memory_space<vmem>>
      %dma_start3A_235 = arith.constant 0 : i32
      %dma_start3A_236 = arith.constant 0 : i32
      %dma_start3A_237 = tpu.memref_slice %arg16[%dma_start3A_235, %dma_start3A_236] : memref<10240x48xf32, #tpu.memory_space<vmem_shared>> -> memref<10240x48xf32, #tpu.memory_space<vmem_shared>>
      tpu.enqueue_indirect_dma source(%arg11 : memref<128x48xf32, #tpu.memory_space<vmem>>) target(%dma_start3A_237 : memref<10240x48xf32, #tpu.memory_space<vmem_shared>>) offsets(%dma_start3A_234 : memref<128xi32, #tpu.memory_space<vmem>>) semaphore(%arg28 : memref<!tpu.dma_semaphore, #tpu.memory_space<semaphore_mem>>) {add = true}
      %dma_wait3A_238 = arith.constant 0 : i32
      %dma_wait3A_239 = tpu.memref_slice %arg6[%dma_wait3A_238] : memref<10240xi32, #tpu.memory_space<vmem>> -> memref<128xi32, #tpu.memory_space<vmem>>
      %dma_wait3A_240 = arith.constant 0 : i32
      %dma_wait3A_241 = arith.constant 0 : i32
      %dma_wait3A_242 = tpu.memref_slice %arg4[%dma_wait3A_240, %dma_wait3A_241] : memref<10240x48xf32, #tpu.memory_space<hbm>> -> memref<10240x48xf32, #tpu.memory_space<hbm>>
      tpu.wait_indirect_dma semaphore(%arg21 : memref<!tpu.dma_semaphore, #tpu.memory_space<semaphore_mem>>) src(%dma_wait3A_242 : memref<10240x48xf32, #tpu.memory_space<hbm>>) dst(%arg12 : memref<128x48xf32, #tpu.memory_space<vmem>>)
      %add3A_243 = arith.constant 4 : i32
      %add3A_244 = arith.addi %mul3A_185, %add3A_243 : i32
      %dma_start3A_245 = arith.constant 0 : i32
      %dma_start3A_246 = tpu.memref_slice %arg7[%add3A_244, %dma_start3A_245] : memref<80x128xi32, #tpu.memory_space<vmem>> -> memref<1x128xi32, #tpu.memory_space<vmem>>
      %dma_start3A_247 = tpu.memref_squeeze %dma_start3A_246 : memref<1x128xi32, #tpu.memory_space<vmem>> -> memref<128xi32, #tpu.memory_space<vmem>>
      %dma_start3A_248 = arith.constant 0 : i32
      %dma_start3A_249 = arith.constant 0 : i32
      %dma_start3A_250 = tpu.memref_slice %arg16[%dma_start3A_248, %dma_start3A_249] : memref<10240x48xf32, #tpu.memory_space<vmem_shared>> -> memref<10240x48xf32, #tpu.memory_space<vmem_shared>>
      tpu.enqueue_indirect_dma source(%arg12 : memref<128x48xf32, #tpu.memory_space<vmem>>) target(%dma_start3A_250 : memref<10240x48xf32, #tpu.memory_space<vmem_shared>>) offsets(%dma_start3A_247 : memref<128xi32, #tpu.memory_space<vmem>>) semaphore(%arg29 : memref<!tpu.dma_semaphore, #tpu.memory_space<semaphore_mem>>) {add = true}
      %dma_wait3A_251 = arith.constant 0 : i32
      %dma_wait3A_252 = tpu.memref_slice %arg6[%dma_wait3A_251] : memref<10240xi32, #tpu.memory_space<vmem>> -> memref<128xi32, #tpu.memory_space<vmem>>
      %dma_wait3A_253 = arith.constant 0 : i32
      %dma_wait3A_254 = arith.constant 0 : i32
      %dma_wait3A_255 = tpu.memref_slice %arg4[%dma_wait3A_253, %dma_wait3A_254] : memref<10240x48xf32, #tpu.memory_space<hbm>> -> memref<10240x48xf32, #tpu.memory_space<hbm>>
      tpu.wait_indirect_dma semaphore(%arg22 : memref<!tpu.dma_semaphore, #tpu.memory_space<semaphore_mem>>) src(%dma_wait3A_255 : memref<10240x48xf32, #tpu.memory_space<hbm>>) dst(%arg13 : memref<128x48xf32, #tpu.memory_space<vmem>>)
      %add3A_256 = arith.constant 5 : i32
      %add3A_257 = arith.addi %mul3A_185, %add3A_256 : i32
      %dma_start3A_258 = arith.constant 0 : i32
      %dma_start3A_259 = tpu.memref_slice %arg7[%add3A_257, %dma_start3A_258] : memref<80x128xi32, #tpu.memory_space<vmem>> -> memref<1x128xi32, #tpu.memory_space<vmem>>
      %dma_start3A_260 = tpu.memref_squeeze %dma_start3A_259 : memref<1x128xi32, #tpu.memory_space<vmem>> -> memref<128xi32, #tpu.memory_space<vmem>>
      %dma_start3A_261 = arith.constant 0 : i32
      %dma_start3A_262 = arith.constant 0 : i32
      %dma_start3A_263 = tpu.memref_slice %arg16[%dma_start3A_261, %dma_start3A_262] : memref<10240x48xf32, #tpu.memory_space<vmem_shared>> -> memref<10240x48xf32, #tpu.memory_space<vmem_shared>>
      tpu.enqueue_indirect_dma source(%arg13 : memref<128x48xf32, #tpu.memory_space<vmem>>) target(%dma_start3A_263 : memref<10240x48xf32, #tpu.memory_space<vmem_shared>>) offsets(%dma_start3A_260 : memref<128xi32, #tpu.memory_space<vmem>>) semaphore(%arg30 : memref<!tpu.dma_semaphore, #tpu.memory_space<semaphore_mem>>) {add = true}
      %dma_wait3A_264 = arith.constant 0 : i32
      %dma_wait3A_265 = tpu.memref_slice %arg6[%dma_wait3A_264] : memref<10240xi32, #tpu.memory_space<vmem>> -> memref<128xi32, #tpu.memory_space<vmem>>
      %dma_wait3A_266 = arith.constant 0 : i32
      %dma_wait3A_267 = arith.constant 0 : i32
      %dma_wait3A_268 = tpu.memref_slice %arg4[%dma_wait3A_266, %dma_wait3A_267] : memref<10240x48xf32, #tpu.memory_space<hbm>> -> memref<10240x48xf32, #tpu.memory_space<hbm>>
      tpu.wait_indirect_dma semaphore(%arg23 : memref<!tpu.dma_semaphore, #tpu.memory_space<semaphore_mem>>) src(%dma_wait3A_268 : memref<10240x48xf32, #tpu.memory_space<hbm>>) dst(%arg14 : memref<128x48xf32, #tpu.memory_space<vmem>>)
      %add3A_269 = arith.constant 6 : i32
      %add3A_270 = arith.addi %mul3A_185, %add3A_269 : i32
      %dma_start3A_271 = arith.constant 0 : i32
      %dma_start3A_272 = tpu.memref_slice %arg7[%add3A_270, %dma_start3A_271] : memref<80x128xi32, #tpu.memory_space<vmem>> -> memref<1x128xi32, #tpu.memory_space<vmem>>
      %dma_start3A_273 = tpu.memref_squeeze %dma_start3A_272 : memref<1x128xi32, #tpu.memory_space<vmem>> -> memref<128xi32, #tpu.memory_space<vmem>>
      %dma_start3A_274 = arith.constant 0 : i32
      %dma_start3A_275 = arith.constant 0 : i32
      %dma_start3A_276 = tpu.memref_slice %arg16[%dma_start3A_274, %dma_start3A_275] : memref<10240x48xf32, #tpu.memory_space<vmem_shared>> -> memref<10240x48xf32, #tpu.memory_space<vmem_shared>>
      tpu.enqueue_indirect_dma source(%arg14 : memref<128x48xf32, #tpu.memory_space<vmem>>) target(%dma_start3A_276 : memref<10240x48xf32, #tpu.memory_space<vmem_shared>>) offsets(%dma_start3A_273 : memref<128xi32, #tpu.memory_space<vmem>>) semaphore(%arg31 : memref<!tpu.dma_semaphore, #tpu.memory_space<semaphore_mem>>) {add = true}
      %dma_wait3A_277 = arith.constant 0 : i32
      %dma_wait3A_278 = tpu.memref_slice %arg6[%dma_wait3A_277] : memref<10240xi32, #tpu.memory_space<vmem>> -> memref<128xi32, #tpu.memory_space<vmem>>
      %dma_wait3A_279 = arith.constant 0 : i32
      %dma_wait3A_280 = arith.constant 0 : i32
      %dma_wait3A_281 = tpu.memref_slice %arg4[%dma_wait3A_279, %dma_wait3A_280] : memref<10240x48xf32, #tpu.memory_space<hbm>> -> memref<10240x48xf32, #tpu.memory_space<hbm>>
      tpu.wait_indirect_dma semaphore(%arg24 : memref<!tpu.dma_semaphore, #tpu.memory_space<semaphore_mem>>) src(%dma_wait3A_281 : memref<10240x48xf32, #tpu.memory_space<hbm>>) dst(%arg15 : memref<128x48xf32, #tpu.memory_space<vmem>>)
      %add3A_282 = arith.constant 7 : i32
      %add3A_283 = arith.addi %mul3A_185, %add3A_282 : i32
      %dma_start3A_284 = arith.constant 0 : i32
      %dma_start3A_285 = tpu.memref_slice %arg7[%add3A_283, %dma_start3A_284] : memref<80x128xi32, #tpu.memory_space<vmem>> -> memref<1x128xi32, #tpu.memory_space<vmem>>
      %dma_start3A_286 = tpu.memref_squeeze %dma_start3A_285 : memref<1x128xi32, #tpu.memory_space<vmem>> -> memref<128xi32, #tpu.memory_space<vmem>>
      %dma_start3A_287 = arith.constant 0 : i32
      %dma_start3A_288 = arith.constant 0 : i32
      %dma_start3A_289 = tpu.memref_slice %arg16[%dma_start3A_287, %dma_start3A_288] : memref<10240x48xf32, #tpu.memory_space<vmem_shared>> -> memref<10240x48xf32, #tpu.memory_space<vmem_shared>>
      tpu.enqueue_indirect_dma source(%arg15 : memref<128x48xf32, #tpu.memory_space<vmem>>) target(%dma_start3A_289 : memref<10240x48xf32, #tpu.memory_space<vmem_shared>>) offsets(%dma_start3A_286 : memref<128xi32, #tpu.memory_space<vmem>>) semaphore(%arg32 : memref<!tpu.dma_semaphore, #tpu.memory_space<semaphore_mem>>) {add = true}
      %add3A_290 = arith.constant 0 : i32
      %add3A_291 = arith.addi %mul3A_185, %add3A_290 : i32
      %add3A_292 = arith.constant 8 : i32
      %add3A_293 = arith.addi %add3A_291, %add3A_292 : i32
      %lt3A = arith.constant 80 : i32
      %lt3A_294 = arith.cmpi slt, %add3A_293, %lt3A : i32
      %convert_element_type3A = arith.extui %lt3A_294 : i1 to i32
      %cond3A = arith.constant 0 : i32
      %cond3A_295 = arith.cmpi ne, %convert_element_type3A, %cond3A : i32
      scf.if %cond3A_295 {
        %dma_wait3A_360 = arith.constant 0 : i32
        %dma_wait3A_361 = arith.constant 0 : i32
        %dma_wait3A_362 = tpu.memref_slice %arg7[%dma_wait3A_360, %dma_wait3A_361] : memref<80x128xi32, #tpu.memory_space<vmem>> -> memref<1x128xi32, #tpu.memory_space<vmem>>
        %dma_wait3A_363 = tpu.memref_squeeze %dma_wait3A_362 : memref<1x128xi32, #tpu.memory_space<vmem>> -> memref<128xi32, #tpu.memory_space<vmem>>
        %dma_wait3A_364 = arith.constant 0 : i32
        %dma_wait3A_365 = arith.constant 0 : i32
        %dma_wait3A_366 = tpu.memref_slice %arg16[%dma_wait3A_364, %dma_wait3A_365] : memref<10240x48xf32, #tpu.memory_space<vmem_shared>> -> memref<10240x48xf32, #tpu.memory_space<vmem_shared>>
        tpu.wait_indirect_dma semaphore(%arg25 : memref<!tpu.dma_semaphore, #tpu.memory_space<semaphore_mem>>) src(%arg8 : memref<128x48xf32, #tpu.memory_space<vmem>>) dst(%dma_wait3A_366 : memref<10240x48xf32, #tpu.memory_space<vmem_shared>>)
        %add3A_367 = arith.constant 0 : i32
        %add3A_368 = arith.addi %mul3A_185, %add3A_367 : i32
        %add3A_369 = arith.constant 8 : i32
        %add3A_370 = arith.addi %add3A_368, %add3A_369 : i32
        %mul3A_371 = arith.constant 128 : i32
        %mul3A_372 = arith.muli %add3A_370, %mul3A_371 : i32
        %dma_start3A_373 = tpu.memref_slice %arg6[%mul3A_372] : memref<10240xi32, #tpu.memory_space<vmem>> -> memref<128xi32, #tpu.memory_space<vmem>>
        %dma_start3A_374 = arith.constant 0 : i32
        %dma_start3A_375 = arith.constant 0 : i32
        %dma_start3A_376 = tpu.memref_slice %arg4[%dma_start3A_374, %dma_start3A_375] : memref<10240x48xf32, #tpu.memory_space<hbm>> -> memref<10240x48xf32, #tpu.memory_space<hbm>>
        tpu.enqueue_indirect_dma source(%dma_start3A_376 : memref<10240x48xf32, #tpu.memory_space<hbm>>) target(%arg8 : memref<128x48xf32, #tpu.memory_space<vmem>>) offsets(%dma_start3A_373 : memref<128xi32, #tpu.memory_space<vmem>>) semaphore(%arg17 : memref<!tpu.dma_semaphore, #tpu.memory_space<semaphore_mem>>)
      } else {
      }
      %add3A_296 = arith.constant 1 : i32
      %add3A_297 = arith.addi %mul3A_185, %add3A_296 : i32
      %add3A_298 = arith.constant 8 : i32
      %add3A_299 = arith.addi %add3A_297, %add3A_298 : i32
      %lt3A_300 = arith.constant 80 : i32
      %lt3A_301 = arith.cmpi slt, %add3A_299, %lt3A_300 : i32
      %convert_element_type3A_302 = arith.extui %lt3A_301 : i1 to i32
      %cond3A_303 = arith.constant 0 : i32
      %cond3A_304 = arith.cmpi ne, %convert_element_type3A_302, %cond3A_303 : i32
      scf.if %cond3A_304 {
        %dma_wait3A_360 = arith.constant 0 : i32
        %dma_wait3A_361 = arith.constant 0 : i32
        %dma_wait3A_362 = tpu.memref_slice %arg7[%dma_wait3A_360, %dma_wait3A_361] : memref<80x128xi32, #tpu.memory_space<vmem>> -> memref<1x128xi32, #tpu.memory_space<vmem>>
        %dma_wait3A_363 = tpu.memref_squeeze %dma_wait3A_362 : memref<1x128xi32, #tpu.memory_space<vmem>> -> memref<128xi32, #tpu.memory_space<vmem>>
        %dma_wait3A_364 = arith.constant 0 : i32
        %dma_wait3A_365 = arith.constant 0 : i32
        %dma_wait3A_366 = tpu.memref_slice %arg16[%dma_wait3A_364, %dma_wait3A_365] : memref<10240x48xf32, #tpu.memory_space<vmem_shared>> -> memref<10240x48xf32, #tpu.memory_space<vmem_shared>>
        tpu.wait_indirect_dma semaphore(%arg26 : memref<!tpu.dma_semaphore, #tpu.memory_space<semaphore_mem>>) src(%arg9 : memref<128x48xf32, #tpu.memory_space<vmem>>) dst(%dma_wait3A_366 : memref<10240x48xf32, #tpu.memory_space<vmem_shared>>)
        %add3A_367 = arith.constant 1 : i32
        %add3A_368 = arith.addi %mul3A_185, %add3A_367 : i32
        %add3A_369 = arith.constant 8 : i32
        %add3A_370 = arith.addi %add3A_368, %add3A_369 : i32
        %mul3A_371 = arith.constant 128 : i32
        %mul3A_372 = arith.muli %add3A_370, %mul3A_371 : i32
        %dma_start3A_373 = tpu.memref_slice %arg6[%mul3A_372] : memref<10240xi32, #tpu.memory_space<vmem>> -> memref<128xi32, #tpu.memory_space<vmem>>
        %dma_start3A_374 = arith.constant 0 : i32
        %dma_start3A_375 = arith.constant 0 : i32
        %dma_start3A_376 = tpu.memref_slice %arg4[%dma_start3A_374, %dma_start3A_375] : memref<10240x48xf32, #tpu.memory_space<hbm>> -> memref<10240x48xf32, #tpu.memory_space<hbm>>
        tpu.enqueue_indirect_dma source(%dma_start3A_376 : memref<10240x48xf32, #tpu.memory_space<hbm>>) target(%arg9 : memref<128x48xf32, #tpu.memory_space<vmem>>) offsets(%dma_start3A_373 : memref<128xi32, #tpu.memory_space<vmem>>) semaphore(%arg18 : memref<!tpu.dma_semaphore, #tpu.memory_space<semaphore_mem>>)
      } else {
      }
      %add3A_305 = arith.constant 2 : i32
      %add3A_306 = arith.addi %mul3A_185, %add3A_305 : i32
      %add3A_307 = arith.constant 8 : i32
      %add3A_308 = arith.addi %add3A_306, %add3A_307 : i32
      %lt3A_309 = arith.constant 80 : i32
      %lt3A_310 = arith.cmpi slt, %add3A_308, %lt3A_309 : i32
      %convert_element_type3A_311 = arith.extui %lt3A_310 : i1 to i32
      %cond3A_312 = arith.constant 0 : i32
      %cond3A_313 = arith.cmpi ne, %convert_element_type3A_311, %cond3A_312 : i32
      scf.if %cond3A_313 {
        %dma_wait3A_360 = arith.constant 0 : i32
        %dma_wait3A_361 = arith.constant 0 : i32
        %dma_wait3A_362 = tpu.memref_slice %arg7[%dma_wait3A_360, %dma_wait3A_361] : memref<80x128xi32, #tpu.memory_space<vmem>> -> memref<1x128xi32, #tpu.memory_space<vmem>>
        %dma_wait3A_363 = tpu.memref_squeeze %dma_wait3A_362 : memref<1x128xi32, #tpu.memory_space<vmem>> -> memref<128xi32, #tpu.memory_space<vmem>>
        %dma_wait3A_364 = arith.constant 0 : i32
        %dma_wait3A_365 = arith.constant 0 : i32
        %dma_wait3A_366 = tpu.memref_slice %arg16[%dma_wait3A_364, %dma_wait3A_365] : memref<10240x48xf32, #tpu.memory_space<vmem_shared>> -> memref<10240x48xf32, #tpu.memory_space<vmem_shared>>
        tpu.wait_indirect_dma semaphore(%arg27 : memref<!tpu.dma_semaphore, #tpu.memory_space<semaphore_mem>>) src(%arg10 : memref<128x48xf32, #tpu.memory_space<vmem>>) dst(%dma_wait3A_366 : memref<10240x48xf32, #tpu.memory_space<vmem_shared>>)
        %add3A_367 = arith.constant 2 : i32
        %add3A_368 = arith.addi %mul3A_185, %add3A_367 : i32
        %add3A_369 = arith.constant 8 : i32
        %add3A_370 = arith.addi %add3A_368, %add3A_369 : i32
        %mul3A_371 = arith.constant 128 : i32
        %mul3A_372 = arith.muli %add3A_370, %mul3A_371 : i32
        %dma_start3A_373 = tpu.memref_slice %arg6[%mul3A_372] : memref<10240xi32, #tpu.memory_space<vmem>> -> memref<128xi32, #tpu.memory_space<vmem>>
        %dma_start3A_374 = arith.constant 0 : i32
        %dma_start3A_375 = arith.constant 0 : i32
        %dma_start3A_376 = tpu.memref_slice %arg4[%dma_start3A_374, %dma_start3A_375] : memref<10240x48xf32, #tpu.memory_space<hbm>> -> memref<10240x48xf32, #tpu.memory_space<hbm>>
        tpu.enqueue_indirect_dma source(%dma_start3A_376 : memref<10240x48xf32, #tpu.memory_space<hbm>>) target(%arg10 : memref<128x48xf32, #tpu.memory_space<vmem>>) offsets(%dma_start3A_373 : memref<128xi32, #tpu.memory_space<vmem>>) semaphore(%arg19 : memref<!tpu.dma_semaphore, #tpu.memory_space<semaphore_mem>>)
      } else {
      }
      %add3A_314 = arith.constant 3 : i32
      %add3A_315 = arith.addi %mul3A_185, %add3A_314 : i32
      %add3A_316 = arith.constant 8 : i32
      %add3A_317 = arith.addi %add3A_315, %add3A_316 : i32
      %lt3A_318 = arith.constant 80 : i32
      %lt3A_319 = arith.cmpi slt, %add3A_317, %lt3A_318 : i32
      %convert_element_type3A_320 = arith.extui %lt3A_319 : i1 to i32
      %cond3A_321 = arith.constant 0 : i32
      %cond3A_322 = arith.cmpi ne, %convert_element_type3A_320, %cond3A_321 : i32
      scf.if %cond3A_322 {
        %dma_wait3A_360 = arith.constant 0 : i32
        %dma_wait3A_361 = arith.constant 0 : i32
        %dma_wait3A_362 = tpu.memref_slice %arg7[%dma_wait3A_360, %dma_wait3A_361] : memref<80x128xi32, #tpu.memory_space<vmem>> -> memref<1x128xi32, #tpu.memory_space<vmem>>
        %dma_wait3A_363 = tpu.memref_squeeze %dma_wait3A_362 : memref<1x128xi32, #tpu.memory_space<vmem>> -> memref<128xi32, #tpu.memory_space<vmem>>
        %dma_wait3A_364 = arith.constant 0 : i32
        %dma_wait3A_365 = arith.constant 0 : i32
        %dma_wait3A_366 = tpu.memref_slice %arg16[%dma_wait3A_364, %dma_wait3A_365] : memref<10240x48xf32, #tpu.memory_space<vmem_shared>> -> memref<10240x48xf32, #tpu.memory_space<vmem_shared>>
        tpu.wait_indirect_dma semaphore(%arg28 : memref<!tpu.dma_semaphore, #tpu.memory_space<semaphore_mem>>) src(%arg11 : memref<128x48xf32, #tpu.memory_space<vmem>>) dst(%dma_wait3A_366 : memref<10240x48xf32, #tpu.memory_space<vmem_shared>>)
        %add3A_367 = arith.constant 3 : i32
        %add3A_368 = arith.addi %mul3A_185, %add3A_367 : i32
        %add3A_369 = arith.constant 8 : i32
        %add3A_370 = arith.addi %add3A_368, %add3A_369 : i32
        %mul3A_371 = arith.constant 128 : i32
        %mul3A_372 = arith.muli %add3A_370, %mul3A_371 : i32
        %dma_start3A_373 = tpu.memref_slice %arg6[%mul3A_372] : memref<10240xi32, #tpu.memory_space<vmem>> -> memref<128xi32, #tpu.memory_space<vmem>>
        %dma_start3A_374 = arith.constant 0 : i32
        %dma_start3A_375 = arith.constant 0 : i32
        %dma_start3A_376 = tpu.memref_slice %arg4[%dma_start3A_374, %dma_start3A_375] : memref<10240x48xf32, #tpu.memory_space<hbm>> -> memref<10240x48xf32, #tpu.memory_space<hbm>>
        tpu.enqueue_indirect_dma source(%dma_start3A_376 : memref<10240x48xf32, #tpu.memory_space<hbm>>) target(%arg11 : memref<128x48xf32, #tpu.memory_space<vmem>>) offsets(%dma_start3A_373 : memref<128xi32, #tpu.memory_space<vmem>>) semaphore(%arg20 : memref<!tpu.dma_semaphore, #tpu.memory_space<semaphore_mem>>)
      } else {
      }
      %add3A_323 = arith.constant 4 : i32
      %add3A_324 = arith.addi %mul3A_185, %add3A_323 : i32
      %add3A_325 = arith.constant 8 : i32
      %add3A_326 = arith.addi %add3A_324, %add3A_325 : i32
      %lt3A_327 = arith.constant 80 : i32
      %lt3A_328 = arith.cmpi slt, %add3A_326, %lt3A_327 : i32
      %convert_element_type3A_329 = arith.extui %lt3A_328 : i1 to i32
      %cond3A_330 = arith.constant 0 : i32
      %cond3A_331 = arith.cmpi ne, %convert_element_type3A_329, %cond3A_330 : i32
      scf.if %cond3A_331 {
        %dma_wait3A_360 = arith.constant 0 : i32
        %dma_wait3A_361 = arith.constant 0 : i32
        %dma_wait3A_362 = tpu.memref_slice %arg7[%dma_wait3A_360, %dma_wait3A_361] : memref<80x128xi32, #tpu.memory_space<vmem>> -> memref<1x128xi32, #tpu.memory_space<vmem>>
        %dma_wait3A_363 = tpu.memref_squeeze %dma_wait3A_362 : memref<1x128xi32, #tpu.memory_space<vmem>> -> memref<128xi32, #tpu.memory_space<vmem>>
        %dma_wait3A_364 = arith.constant 0 : i32
        %dma_wait3A_365 = arith.constant 0 : i32
        %dma_wait3A_366 = tpu.memref_slice %arg16[%dma_wait3A_364, %dma_wait3A_365] : memref<10240x48xf32, #tpu.memory_space<vmem_shared>> -> memref<10240x48xf32, #tpu.memory_space<vmem_shared>>
        tpu.wait_indirect_dma semaphore(%arg29 : memref<!tpu.dma_semaphore, #tpu.memory_space<semaphore_mem>>) src(%arg12 : memref<128x48xf32, #tpu.memory_space<vmem>>) dst(%dma_wait3A_366 : memref<10240x48xf32, #tpu.memory_space<vmem_shared>>)
        %add3A_367 = arith.constant 4 : i32
        %add3A_368 = arith.addi %mul3A_185, %add3A_367 : i32
        %add3A_369 = arith.constant 8 : i32
        %add3A_370 = arith.addi %add3A_368, %add3A_369 : i32
        %mul3A_371 = arith.constant 128 : i32
        %mul3A_372 = arith.muli %add3A_370, %mul3A_371 : i32
        %dma_start3A_373 = tpu.memref_slice %arg6[%mul3A_372] : memref<10240xi32, #tpu.memory_space<vmem>> -> memref<128xi32, #tpu.memory_space<vmem>>
        %dma_start3A_374 = arith.constant 0 : i32
        %dma_start3A_375 = arith.constant 0 : i32
        %dma_start3A_376 = tpu.memref_slice %arg4[%dma_start3A_374, %dma_start3A_375] : memref<10240x48xf32, #tpu.memory_space<hbm>> -> memref<10240x48xf32, #tpu.memory_space<hbm>>
        tpu.enqueue_indirect_dma source(%dma_start3A_376 : memref<10240x48xf32, #tpu.memory_space<hbm>>) target(%arg12 : memref<128x48xf32, #tpu.memory_space<vmem>>) offsets(%dma_start3A_373 : memref<128xi32, #tpu.memory_space<vmem>>) semaphore(%arg21 : memref<!tpu.dma_semaphore, #tpu.memory_space<semaphore_mem>>)
      } else {
      }
      %add3A_332 = arith.constant 5 : i32
      %add3A_333 = arith.addi %mul3A_185, %add3A_332 : i32
      %add3A_334 = arith.constant 8 : i32
      %add3A_335 = arith.addi %add3A_333, %add3A_334 : i32
      %lt3A_336 = arith.constant 80 : i32
      %lt3A_337 = arith.cmpi slt, %add3A_335, %lt3A_336 : i32
      %convert_element_type3A_338 = arith.extui %lt3A_337 : i1 to i32
      %cond3A_339 = arith.constant 0 : i32
      %cond3A_340 = arith.cmpi ne, %convert_element_type3A_338, %cond3A_339 : i32
      scf.if %cond3A_340 {
        %dma_wait3A_360 = arith.constant 0 : i32
        %dma_wait3A_361 = arith.constant 0 : i32
        %dma_wait3A_362 = tpu.memref_slice %arg7[%dma_wait3A_360, %dma_wait3A_361] : memref<80x128xi32, #tpu.memory_space<vmem>> -> memref<1x128xi32, #tpu.memory_space<vmem>>
        %dma_wait3A_363 = tpu.memref_squeeze %dma_wait3A_362 : memref<1x128xi32, #tpu.memory_space<vmem>> -> memref<128xi32, #tpu.memory_space<vmem>>
        %dma_wait3A_364 = arith.constant 0 : i32
        %dma_wait3A_365 = arith.constant 0 : i32
        %dma_wait3A_366 = tpu.memref_slice %arg16[%dma_wait3A_364, %dma_wait3A_365] : memref<10240x48xf32, #tpu.memory_space<vmem_shared>> -> memref<10240x48xf32, #tpu.memory_space<vmem_shared>>
        tpu.wait_indirect_dma semaphore(%arg30 : memref<!tpu.dma_semaphore, #tpu.memory_space<semaphore_mem>>) src(%arg13 : memref<128x48xf32, #tpu.memory_space<vmem>>) dst(%dma_wait3A_366 : memref<10240x48xf32, #tpu.memory_space<vmem_shared>>)
        %add3A_367 = arith.constant 5 : i32
        %add3A_368 = arith.addi %mul3A_185, %add3A_367 : i32
        %add3A_369 = arith.constant 8 : i32
        %add3A_370 = arith.addi %add3A_368, %add3A_369 : i32
        %mul3A_371 = arith.constant 128 : i32
        %mul3A_372 = arith.muli %add3A_370, %mul3A_371 : i32
        %dma_start3A_373 = tpu.memref_slice %arg6[%mul3A_372] : memref<10240xi32, #tpu.memory_space<vmem>> -> memref<128xi32, #tpu.memory_space<vmem>>
        %dma_start3A_374 = arith.constant 0 : i32
        %dma_start3A_375 = arith.constant 0 : i32
        %dma_start3A_376 = tpu.memref_slice %arg4[%dma_start3A_374, %dma_start3A_375] : memref<10240x48xf32, #tpu.memory_space<hbm>> -> memref<10240x48xf32, #tpu.memory_space<hbm>>
        tpu.enqueue_indirect_dma source(%dma_start3A_376 : memref<10240x48xf32, #tpu.memory_space<hbm>>) target(%arg13 : memref<128x48xf32, #tpu.memory_space<vmem>>) offsets(%dma_start3A_373 : memref<128xi32, #tpu.memory_space<vmem>>) semaphore(%arg22 : memref<!tpu.dma_semaphore, #tpu.memory_space<semaphore_mem>>)
      } else {
      }
      %add3A_341 = arith.constant 6 : i32
      %add3A_342 = arith.addi %mul3A_185, %add3A_341 : i32
      %add3A_343 = arith.constant 8 : i32
      %add3A_344 = arith.addi %add3A_342, %add3A_343 : i32
      %lt3A_345 = arith.constant 80 : i32
      %lt3A_346 = arith.cmpi slt, %add3A_344, %lt3A_345 : i32
      %convert_element_type3A_347 = arith.extui %lt3A_346 : i1 to i32
      %cond3A_348 = arith.constant 0 : i32
      %cond3A_349 = arith.cmpi ne, %convert_element_type3A_347, %cond3A_348 : i32
      scf.if %cond3A_349 {
        %dma_wait3A_360 = arith.constant 0 : i32
        %dma_wait3A_361 = arith.constant 0 : i32
        %dma_wait3A_362 = tpu.memref_slice %arg7[%dma_wait3A_360, %dma_wait3A_361] : memref<80x128xi32, #tpu.memory_space<vmem>> -> memref<1x128xi32, #tpu.memory_space<vmem>>
        %dma_wait3A_363 = tpu.memref_squeeze %dma_wait3A_362 : memref<1x128xi32, #tpu.memory_space<vmem>> -> memref<128xi32, #tpu.memory_space<vmem>>
        %dma_wait3A_364 = arith.constant 0 : i32
        %dma_wait3A_365 = arith.constant 0 : i32
        %dma_wait3A_366 = tpu.memref_slice %arg16[%dma_wait3A_364, %dma_wait3A_365] : memref<10240x48xf32, #tpu.memory_space<vmem_shared>> -> memref<10240x48xf32, #tpu.memory_space<vmem_shared>>
        tpu.wait_indirect_dma semaphore(%arg31 : memref<!tpu.dma_semaphore, #tpu.memory_space<semaphore_mem>>) src(%arg14 : memref<128x48xf32, #tpu.memory_space<vmem>>) dst(%dma_wait3A_366 : memref<10240x48xf32, #tpu.memory_space<vmem_shared>>)
        %add3A_367 = arith.constant 6 : i32
        %add3A_368 = arith.addi %mul3A_185, %add3A_367 : i32
        %add3A_369 = arith.constant 8 : i32
        %add3A_370 = arith.addi %add3A_368, %add3A_369 : i32
        %mul3A_371 = arith.constant 128 : i32
        %mul3A_372 = arith.muli %add3A_370, %mul3A_371 : i32
        %dma_start3A_373 = tpu.memref_slice %arg6[%mul3A_372] : memref<10240xi32, #tpu.memory_space<vmem>> -> memref<128xi32, #tpu.memory_space<vmem>>
        %dma_start3A_374 = arith.constant 0 : i32
        %dma_start3A_375 = arith.constant 0 : i32
        %dma_start3A_376 = tpu.memref_slice %arg4[%dma_start3A_374, %dma_start3A_375] : memref<10240x48xf32, #tpu.memory_space<hbm>> -> memref<10240x48xf32, #tpu.memory_space<hbm>>
        tpu.enqueue_indirect_dma source(%dma_start3A_376 : memref<10240x48xf32, #tpu.memory_space<hbm>>) target(%arg14 : memref<128x48xf32, #tpu.memory_space<vmem>>) offsets(%dma_start3A_373 : memref<128xi32, #tpu.memory_space<vmem>>) semaphore(%arg23 : memref<!tpu.dma_semaphore, #tpu.memory_space<semaphore_mem>>)
      } else {
      }
      %add3A_350 = arith.constant 7 : i32
      %add3A_351 = arith.addi %mul3A_185, %add3A_350 : i32
      %add3A_352 = arith.constant 8 : i32
      %add3A_353 = arith.addi %add3A_351, %add3A_352 : i32
      %lt3A_354 = arith.constant 80 : i32
      %lt3A_355 = arith.cmpi slt, %add3A_353, %lt3A_354 : i32
      %convert_element_type3A_356 = arith.extui %lt3A_355 : i1 to i32
      %cond3A_357 = arith.constant 0 : i32
      %cond3A_358 = arith.cmpi ne, %convert_element_type3A_356, %cond3A_357 : i32
      scf.if %cond3A_358 {
        %dma_wait3A_360 = arith.constant 0 : i32
        %dma_wait3A_361 = arith.constant 0 : i32
        %dma_wait3A_362 = tpu.memref_slice %arg7[%dma_wait3A_360, %dma_wait3A_361] : memref<80x128xi32, #tpu.memory_space<vmem>> -> memref<1x128xi32, #tpu.memory_space<vmem>>
        %dma_wait3A_363 = tpu.memref_squeeze %dma_wait3A_362 : memref<1x128xi32, #tpu.memory_space<vmem>> -> memref<128xi32, #tpu.memory_space<vmem>>
        %dma_wait3A_364 = arith.constant 0 : i32
        %dma_wait3A_365 = arith.constant 0 : i32
        %dma_wait3A_366 = tpu.memref_slice %arg16[%dma_wait3A_364, %dma_wait3A_365] : memref<10240x48xf32, #tpu.memory_space<vmem_shared>> -> memref<10240x48xf32, #tpu.memory_space<vmem_shared>>
        tpu.wait_indirect_dma semaphore(%arg32 : memref<!tpu.dma_semaphore, #tpu.memory_space<semaphore_mem>>) src(%arg15 : memref<128x48xf32, #tpu.memory_space<vmem>>) dst(%dma_wait3A_366 : memref<10240x48xf32, #tpu.memory_space<vmem_shared>>)
        %add3A_367 = arith.constant 7 : i32
        %add3A_368 = arith.addi %mul3A_185, %add3A_367 : i32
        %add3A_369 = arith.constant 8 : i32
        %add3A_370 = arith.addi %add3A_368, %add3A_369 : i32
        %mul3A_371 = arith.constant 128 : i32
        %mul3A_372 = arith.muli %add3A_370, %mul3A_371 : i32
        %dma_start3A_373 = tpu.memref_slice %arg6[%mul3A_372] : memref<10240xi32, #tpu.memory_space<vmem>> -> memref<128xi32, #tpu.memory_space<vmem>>
        %dma_start3A_374 = arith.constant 0 : i32
        %dma_start3A_375 = arith.constant 0 : i32
        %dma_start3A_376 = tpu.memref_slice %arg4[%dma_start3A_374, %dma_start3A_375] : memref<10240x48xf32, #tpu.memory_space<hbm>> -> memref<10240x48xf32, #tpu.memory_space<hbm>>
        tpu.enqueue_indirect_dma source(%dma_start3A_376 : memref<10240x48xf32, #tpu.memory_space<hbm>>) target(%arg15 : memref<128x48xf32, #tpu.memory_space<vmem>>) offsets(%dma_start3A_373 : memref<128xi32, #tpu.memory_space<vmem>>) semaphore(%arg24 : memref<!tpu.dma_semaphore, #tpu.memory_space<semaphore_mem>>)
      } else {
      }
      %scan3A_359 = arith.constant 0 : i32
      scf.yield %scan3A_359 : i32
    }
    %scan3A_88 = arith.constant 10 : i32
    %dma_wait3A = arith.constant 0 : i32
    %dma_wait3A_89 = arith.constant 0 : i32
    %dma_wait3A_90 = tpu.memref_slice %arg7[%dma_wait3A, %dma_wait3A_89] : memref<80x128xi32, #tpu.memory_space<vmem>> -> memref<1x128xi32, #tpu.memory_space<vmem>>
    %dma_wait3A_91 = tpu.memref_squeeze %dma_wait3A_90 : memref<1x128xi32, #tpu.memory_space<vmem>> -> memref<128xi32, #tpu.memory_space<vmem>>
    %dma_wait3A_92 = arith.constant 0 : i32
    %dma_wait3A_93 = arith.constant 0 : i32
    %dma_wait3A_94 = tpu.memref_slice %arg16[%dma_wait3A_92, %dma_wait3A_93] : memref<10240x48xf32, #tpu.memory_space<vmem_shared>> -> memref<10240x48xf32, #tpu.memory_space<vmem_shared>>
    tpu.wait_indirect_dma semaphore(%arg25 : memref<!tpu.dma_semaphore, #tpu.memory_space<semaphore_mem>>) src(%arg8 : memref<128x48xf32, #tpu.memory_space<vmem>>) dst(%dma_wait3A_94 : memref<10240x48xf32, #tpu.memory_space<vmem_shared>>)
    %dma_wait3A_95 = arith.constant 0 : i32
    %dma_wait3A_96 = arith.constant 0 : i32
    %dma_wait3A_97 = tpu.memref_slice %arg7[%dma_wait3A_95, %dma_wait3A_96] : memref<80x128xi32, #tpu.memory_space<vmem>> -> memref<1x128xi32, #tpu.memory_space<vmem>>
    %dma_wait3A_98 = tpu.memref_squeeze %dma_wait3A_97 : memref<1x128xi32, #tpu.memory_space<vmem>> -> memref<128xi32, #tpu.memory_space<vmem>>
    %dma_wait3A_99 = arith.constant 0 : i32
    %dma_wait3A_100 = arith.constant 0 : i32
    %dma_wait3A_101 = tpu.memref_slice %arg16[%dma_wait3A_99, %dma_wait3A_100] : memref<10240x48xf32, #tpu.memory_space<vmem_shared>> -> memref<10240x48xf32, #tpu.memory_space<vmem_shared>>
    tpu.wait_indirect_dma semaphore(%arg26 : memref<!tpu.dma_semaphore, #tpu.memory_space<semaphore_mem>>) src(%arg9 : memref<128x48xf32, #tpu.memory_space<vmem>>) dst(%dma_wait3A_101 : memref<10240x48xf32, #tpu.memory_space<vmem_shared>>)
    %dma_wait3A_102 = arith.constant 0 : i32
    %dma_wait3A_103 = arith.constant 0 : i32
    %dma_wait3A_104 = tpu.memref_slice %arg7[%dma_wait3A_102, %dma_wait3A_103] : memref<80x128xi32, #tpu.memory_space<vmem>> -> memref<1x128xi32, #tpu.memory_space<vmem>>
    %dma_wait3A_105 = tpu.memref_squeeze %dma_wait3A_104 : memref<1x128xi32, #tpu.memory_space<vmem>> -> memref<128xi32, #tpu.memory_space<vmem>>
    %dma_wait3A_106 = arith.constant 0 : i32
    %dma_wait3A_107 = arith.constant 0 : i32
    %dma_wait3A_108 = tpu.memref_slice %arg16[%dma_wait3A_106, %dma_wait3A_107] : memref<10240x48xf32, #tpu.memory_space<vmem_shared>> -> memref<10240x48xf32, #tpu.memory_space<vmem_shared>>
    tpu.wait_indirect_dma semaphore(%arg27 : memref<!tpu.dma_semaphore, #tpu.memory_space<semaphore_mem>>) src(%arg10 : memref<128x48xf32, #tpu.memory_space<vmem>>) dst(%dma_wait3A_108 : memref<10240x48xf32, #tpu.memory_space<vmem_shared>>)
    %dma_wait3A_109 = arith.constant 0 : i32
    %dma_wait3A_110 = arith.constant 0 : i32
    %dma_wait3A_111 = tpu.memref_slice %arg7[%dma_wait3A_109, %dma_wait3A_110] : memref<80x128xi32, #tpu.memory_space<vmem>> -> memref<1x128xi32, #tpu.memory_space<vmem>>
    %dma_wait3A_112 = tpu.memref_squeeze %dma_wait3A_111 : memref<1x128xi32, #tpu.memory_space<vmem>> -> memref<128xi32, #tpu.memory_space<vmem>>
    %dma_wait3A_113 = arith.constant 0 : i32
    %dma_wait3A_114 = arith.constant 0 : i32
    %dma_wait3A_115 = tpu.memref_slice %arg16[%dma_wait3A_113, %dma_wait3A_114] : memref<10240x48xf32, #tpu.memory_space<vmem_shared>> -> memref<10240x48xf32, #tpu.memory_space<vmem_shared>>
    tpu.wait_indirect_dma semaphore(%arg28 : memref<!tpu.dma_semaphore, #tpu.memory_space<semaphore_mem>>) src(%arg11 : memref<128x48xf32, #tpu.memory_space<vmem>>) dst(%dma_wait3A_115 : memref<10240x48xf32, #tpu.memory_space<vmem_shared>>)
    %dma_wait3A_116 = arith.constant 0 : i32
    %dma_wait3A_117 = arith.constant 0 : i32
    %dma_wait3A_118 = tpu.memref_slice %arg7[%dma_wait3A_116, %dma_wait3A_117] : memref<80x128xi32, #tpu.memory_space<vmem>> -> memref<1x128xi32, #tpu.memory_space<vmem>>
    %dma_wait3A_119 = tpu.memref_squeeze %dma_wait3A_118 : memref<1x128xi32, #tpu.memory_space<vmem>> -> memref<128xi32, #tpu.memory_space<vmem>>
    %dma_wait3A_120 = arith.constant 0 : i32
    %dma_wait3A_121 = arith.constant 0 : i32
    %dma_wait3A_122 = tpu.memref_slice %arg16[%dma_wait3A_120, %dma_wait3A_121] : memref<10240x48xf32, #tpu.memory_space<vmem_shared>> -> memref<10240x48xf32, #tpu.memory_space<vmem_shared>>
    tpu.wait_indirect_dma semaphore(%arg29 : memref<!tpu.dma_semaphore, #tpu.memory_space<semaphore_mem>>) src(%arg12 : memref<128x48xf32, #tpu.memory_space<vmem>>) dst(%dma_wait3A_122 : memref<10240x48xf32, #tpu.memory_space<vmem_shared>>)
    %dma_wait3A_123 = arith.constant 0 : i32
    %dma_wait3A_124 = arith.constant 0 : i32
    %dma_wait3A_125 = tpu.memref_slice %arg7[%dma_wait3A_123, %dma_wait3A_124] : memref<80x128xi32, #tpu.memory_space<vmem>> -> memref<1x128xi32, #tpu.memory_space<vmem>>
    %dma_wait3A_126 = tpu.memref_squeeze %dma_wait3A_125 : memref<1x128xi32, #tpu.memory_space<vmem>> -> memref<128xi32, #tpu.memory_space<vmem>>
    %dma_wait3A_127 = arith.constant 0 : i32
    %dma_wait3A_128 = arith.constant 0 : i32
    %dma_wait3A_129 = tpu.memref_slice %arg16[%dma_wait3A_127, %dma_wait3A_128] : memref<10240x48xf32, #tpu.memory_space<vmem_shared>> -> memref<10240x48xf32, #tpu.memory_space<vmem_shared>>
    tpu.wait_indirect_dma semaphore(%arg30 : memref<!tpu.dma_semaphore, #tpu.memory_space<semaphore_mem>>) src(%arg13 : memref<128x48xf32, #tpu.memory_space<vmem>>) dst(%dma_wait3A_129 : memref<10240x48xf32, #tpu.memory_space<vmem_shared>>)
    %dma_wait3A_130 = arith.constant 0 : i32
    %dma_wait3A_131 = arith.constant 0 : i32
    %dma_wait3A_132 = tpu.memref_slice %arg7[%dma_wait3A_130, %dma_wait3A_131] : memref<80x128xi32, #tpu.memory_space<vmem>> -> memref<1x128xi32, #tpu.memory_space<vmem>>
    %dma_wait3A_133 = tpu.memref_squeeze %dma_wait3A_132 : memref<1x128xi32, #tpu.memory_space<vmem>> -> memref<128xi32, #tpu.memory_space<vmem>>
    %dma_wait3A_134 = arith.constant 0 : i32
    %dma_wait3A_135 = arith.constant 0 : i32
    %dma_wait3A_136 = tpu.memref_slice %arg16[%dma_wait3A_134, %dma_wait3A_135] : memref<10240x48xf32, #tpu.memory_space<vmem_shared>> -> memref<10240x48xf32, #tpu.memory_space<vmem_shared>>
    tpu.wait_indirect_dma semaphore(%arg31 : memref<!tpu.dma_semaphore, #tpu.memory_space<semaphore_mem>>) src(%arg14 : memref<128x48xf32, #tpu.memory_space<vmem>>) dst(%dma_wait3A_136 : memref<10240x48xf32, #tpu.memory_space<vmem_shared>>)
    %dma_wait3A_137 = arith.constant 0 : i32
    %dma_wait3A_138 = arith.constant 0 : i32
    %dma_wait3A_139 = tpu.memref_slice %arg7[%dma_wait3A_137, %dma_wait3A_138] : memref<80x128xi32, #tpu.memory_space<vmem>> -> memref<1x128xi32, #tpu.memory_space<vmem>>
    %dma_wait3A_140 = tpu.memref_squeeze %dma_wait3A_139 : memref<1x128xi32, #tpu.memory_space<vmem>> -> memref<128xi32, #tpu.memory_space<vmem>>
    %dma_wait3A_141 = arith.constant 0 : i32
    %dma_wait3A_142 = arith.constant 0 : i32
    %dma_wait3A_143 = tpu.memref_slice %arg16[%dma_wait3A_141, %dma_wait3A_142] : memref<10240x48xf32, #tpu.memory_space<vmem_shared>> -> memref<10240x48xf32, #tpu.memory_space<vmem_shared>>
    tpu.wait_indirect_dma semaphore(%arg32 : memref<!tpu.dma_semaphore, #tpu.memory_space<semaphore_mem>>) src(%arg15 : memref<128x48xf32, #tpu.memory_space<vmem>>) dst(%dma_wait3A_143 : memref<10240x48xf32, #tpu.memory_space<vmem_shared>>)
    %scan3A_144 = arith.constant 0 : i32
    %scan3A_145 = arith.constant 1 : i32
    %barrier3A_146 = arith.constant 0 : index
    tpu.barrier barrier_id(%barrier3A_146)
    %mul3A_147 = arith.constant 640 : i32
    %mul3A_148 = arith.muli %arg1, %mul3A_147 : i32
    %add3A_149 = arith.constant 0 : i32
    %add3A_150 = arith.addi %mul3A_148, %add3A_149 : i32
    "tpu.region"() ({
      %run_scoped3A = tpu.sem_alloc : memref<!tpu.dma_semaphore, #tpu.memory_space<semaphore_mem>>
      %dma_start3A_182 = arith.constant 0 : i32
      %dma_start3A_183 = tpu.memref_slice %arg16[%add3A_150, %dma_start3A_182] : memref<10240x48xf32, #tpu.memory_space<vmem_shared>> -> memref<128x48xf32, #tpu.memory_space<vmem_shared>>
      %dma_start3A_184 = arith.constant 0 : i32
      %dma_start3A_185 = tpu.memref_slice %arg16[%add3A_150, %dma_start3A_184] : memref<10240x48xf32, #tpu.memory_space<vmem_shared>> -> memref<128x48xf32, #tpu.memory_space<vmem_shared>>
      tpu.enqueue_dma source(%dma_start3A_185 : memref<128x48xf32, #tpu.memory_space<vmem_shared>>) target(%arg8 : memref<128x48xf32, #tpu.memory_space<vmem>>) target_semaphore(%run_scoped3A : memref<!tpu.dma_semaphore, #tpu.memory_space<semaphore_mem>>)
      %dma_wait3A_186 = arith.constant 0 : i32
      %dma_wait3A_187 = tpu.memref_slice %arg16[%add3A_150, %dma_wait3A_186] : memref<10240x48xf32, #tpu.memory_space<vmem_shared>> -> memref<128x48xf32, #tpu.memory_space<vmem_shared>>
      %dma_wait3A_188 = arith.constant 0 : i32
      %dma_wait3A_189 = tpu.memref_slice %arg16[%add3A_150, %dma_wait3A_188] : memref<10240x48xf32, #tpu.memory_space<vmem_shared>> -> memref<128x48xf32, #tpu.memory_space<vmem_shared>>
      tpu.wait_dma2 semaphore(%run_scoped3A : memref<!tpu.dma_semaphore, #tpu.memory_space<semaphore_mem>>) src(%dma_wait3A_189 : memref<128x48xf32, #tpu.memory_space<vmem_shared>>) dst(%arg8 : memref<128x48xf32, #tpu.memory_space<vmem>>)
      tpu.yield
    }) : () -> ()
    %mul3A_151 = arith.constant 10240 : i32
    %mul3A_152 = arith.muli %arg0, %mul3A_151 : i32
    %add3A_153 = arith.addi %mul3A_152, %add3A_150 : i32
    "tpu.region"() ({
      %run_scoped3A = tpu.sem_alloc : memref<!tpu.dma_semaphore, #tpu.memory_space<semaphore_mem>>
      %dma_start3A_182 = arith.constant 0 : i32
      %dma_start3A_183 = tpu.memref_slice %arg5[%add3A_153, %dma_start3A_182] : memref<20480x48xf32, #tpu.memory_space<hbm>> -> memref<128x48xf32, #tpu.memory_space<hbm>>
      %dma_start3A_184 = arith.constant 0 : i32
      %dma_start3A_185 = tpu.memref_slice %arg5[%add3A_153, %dma_start3A_184] : memref<20480x48xf32, #tpu.memory_space<hbm>> -> memref<128x48xf32, #tpu.memory_space<hbm>>
      tpu.enqueue_dma source(%arg8 : memref<128x48xf32, #tpu.memory_space<vmem>>) target(%dma_start3A_185 : memref<128x48xf32, #tpu.memory_space<hbm>>) target_semaphore(%run_scoped3A : memref<!tpu.dma_semaphore, #tpu.memory_space<semaphore_mem>>)
      %dma_wait3A_186 = arith.constant 0 : i32
      %dma_wait3A_187 = tpu.memref_slice %arg5[%add3A_153, %dma_wait3A_186] : memref<20480x48xf32, #tpu.memory_space<hbm>> -> memref<128x48xf32, #tpu.memory_space<hbm>>
      %dma_wait3A_188 = arith.constant 0 : i32
      %dma_wait3A_189 = tpu.memref_slice %arg5[%add3A_153, %dma_wait3A_188] : memref<20480x48xf32, #tpu.memory_space<hbm>> -> memref<128x48xf32, #tpu.memory_space<hbm>>
      tpu.wait_dma2 semaphore(%run_scoped3A : memref<!tpu.dma_semaphore, #tpu.memory_space<semaphore_mem>>) src(%arg8 : memref<128x48xf32, #tpu.memory_space<vmem>>) dst(%dma_wait3A_189 : memref<128x48xf32, #tpu.memory_space<hbm>>)
      tpu.yield
    }) : () -> ()
    %mul3A_154 = arith.constant 640 : i32
    %mul3A_155 = arith.muli %arg1, %mul3A_154 : i32
    %add3A_156 = arith.constant 128 : i32
    %add3A_157 = arith.addi %mul3A_155, %add3A_156 : i32
    "tpu.region"() ({
      %run_scoped3A = tpu.sem_alloc : memref<!tpu.dma_semaphore, #tpu.memory_space<semaphore_mem>>
      %dma_start3A_182 = arith.constant 0 : i32
      %dma_start3A_183 = tpu.memref_slice %arg16[%add3A_157, %dma_start3A_182] : memref<10240x48xf32, #tpu.memory_space<vmem_shared>> -> memref<128x48xf32, #tpu.memory_space<vmem_shared>>
      %dma_start3A_184 = arith.constant 0 : i32
      %dma_start3A_185 = tpu.memref_slice %arg16[%add3A_157, %dma_start3A_184] : memref<10240x48xf32, #tpu.memory_space<vmem_shared>> -> memref<128x48xf32, #tpu.memory_space<vmem_shared>>
      tpu.enqueue_dma source(%dma_start3A_185 : memref<128x48xf32, #tpu.memory_space<vmem_shared>>) target(%arg8 : memref<128x48xf32, #tpu.memory_space<vmem>>) target_semaphore(%run_scoped3A : memref<!tpu.dma_semaphore, #tpu.memory_space<semaphore_mem>>)
      %dma_wait3A_186 = arith.constant 0 : i32
      %dma_wait3A_187 = tpu.memref_slice %arg16[%add3A_157, %dma_wait3A_186] : memref<10240x48xf32, #tpu.memory_space<vmem_shared>> -> memref<128x48xf32, #tpu.memory_space<vmem_shared>>
      %dma_wait3A_188 = arith.constant 0 : i32
      %dma_wait3A_189 = tpu.memref_slice %arg16[%add3A_157, %dma_wait3A_188] : memref<10240x48xf32, #tpu.memory_space<vmem_shared>> -> memref<128x48xf32, #tpu.memory_space<vmem_shared>>
      tpu.wait_dma2 semaphore(%run_scoped3A : memref<!tpu.dma_semaphore, #tpu.memory_space<semaphore_mem>>) src(%dma_wait3A_189 : memref<128x48xf32, #tpu.memory_space<vmem_shared>>) dst(%arg8 : memref<128x48xf32, #tpu.memory_space<vmem>>)
      tpu.yield
    }) : () -> ()
    %mul3A_158 = arith.constant 10240 : i32
    %mul3A_159 = arith.muli %arg0, %mul3A_158 : i32
    %add3A_160 = arith.addi %mul3A_159, %add3A_157 : i32
    "tpu.region"() ({
      %run_scoped3A = tpu.sem_alloc : memref<!tpu.dma_semaphore, #tpu.memory_space<semaphore_mem>>
      %dma_start3A_182 = arith.constant 0 : i32
      %dma_start3A_183 = tpu.memref_slice %arg5[%add3A_160, %dma_start3A_182] : memref<20480x48xf32, #tpu.memory_space<hbm>> -> memref<128x48xf32, #tpu.memory_space<hbm>>
      %dma_start3A_184 = arith.constant 0 : i32
      %dma_start3A_185 = tpu.memref_slice %arg5[%add3A_160, %dma_start3A_184] : memref<20480x48xf32, #tpu.memory_space<hbm>> -> memref<128x48xf32, #tpu.memory_space<hbm>>
      tpu.enqueue_dma source(%arg8 : memref<128x48xf32, #tpu.memory_space<vmem>>) target(%dma_start3A_185 : memref<128x48xf32, #tpu.memory_space<hbm>>) target_semaphore(%run_scoped3A : memref<!tpu.dma_semaphore, #tpu.memory_space<semaphore_mem>>)
      %dma_wait3A_186 = arith.constant 0 : i32
      %dma_wait3A_187 = tpu.memref_slice %arg5[%add3A_160, %dma_wait3A_186] : memref<20480x48xf32, #tpu.memory_space<hbm>> -> memref<128x48xf32, #tpu.memory_space<hbm>>
      %dma_wait3A_188 = arith.constant 0 : i32
      %dma_wait3A_189 = tpu.memref_slice %arg5[%add3A_160, %dma_wait3A_188] : memref<20480x48xf32, #tpu.memory_space<hbm>> -> memref<128x48xf32, #tpu.memory_space<hbm>>
      tpu.wait_dma2 semaphore(%run_scoped3A : memref<!tpu.dma_semaphore, #tpu.memory_space<semaphore_mem>>) src(%arg8 : memref<128x48xf32, #tpu.memory_space<vmem>>) dst(%dma_wait3A_189 : memref<128x48xf32, #tpu.memory_space<hbm>>)
      tpu.yield
    }) : () -> ()
    %mul3A_161 = arith.constant 640 : i32
    %mul3A_162 = arith.muli %arg1, %mul3A_161 : i32
    %add3A_163 = arith.constant 256 : i32
    %add3A_164 = arith.addi %mul3A_162, %add3A_163 : i32
    "tpu.region"() ({
      %run_scoped3A = tpu.sem_alloc : memref<!tpu.dma_semaphore, #tpu.memory_space<semaphore_mem>>
      %dma_start3A_182 = arith.constant 0 : i32
      %dma_start3A_183 = tpu.memref_slice %arg16[%add3A_164, %dma_start3A_182] : memref<10240x48xf32, #tpu.memory_space<vmem_shared>> -> memref<128x48xf32, #tpu.memory_space<vmem_shared>>
      %dma_start3A_184 = arith.constant 0 : i32
      %dma_start3A_185 = tpu.memref_slice %arg16[%add3A_164, %dma_start3A_184] : memref<10240x48xf32, #tpu.memory_space<vmem_shared>> -> memref<128x48xf32, #tpu.memory_space<vmem_shared>>
      tpu.enqueue_dma source(%dma_start3A_185 : memref<128x48xf32, #tpu.memory_space<vmem_shared>>) target(%arg8 : memref<128x48xf32, #tpu.memory_space<vmem>>) target_semaphore(%run_scoped3A : memref<!tpu.dma_semaphore, #tpu.memory_space<semaphore_mem>>)
      %dma_wait3A_186 = arith.constant 0 : i32
      %dma_wait3A_187 = tpu.memref_slice %arg16[%add3A_164, %dma_wait3A_186] : memref<10240x48xf32, #tpu.memory_space<vmem_shared>> -> memref<128x48xf32, #tpu.memory_space<vmem_shared>>
      %dma_wait3A_188 = arith.constant 0 : i32
      %dma_wait3A_189 = tpu.memref_slice %arg16[%add3A_164, %dma_wait3A_188] : memref<10240x48xf32, #tpu.memory_space<vmem_shared>> -> memref<128x48xf32, #tpu.memory_space<vmem_shared>>
      tpu.wait_dma2 semaphore(%run_scoped3A : memref<!tpu.dma_semaphore, #tpu.memory_space<semaphore_mem>>) src(%dma_wait3A_189 : memref<128x48xf32, #tpu.memory_space<vmem_shared>>) dst(%arg8 : memref<128x48xf32, #tpu.memory_space<vmem>>)
      tpu.yield
    }) : () -> ()
    %mul3A_165 = arith.constant 10240 : i32
    %mul3A_166 = arith.muli %arg0, %mul3A_165 : i32
    %add3A_167 = arith.addi %mul3A_166, %add3A_164 : i32
    "tpu.region"() ({
      %run_scoped3A = tpu.sem_alloc : memref<!tpu.dma_semaphore, #tpu.memory_space<semaphore_mem>>
      %dma_start3A_182 = arith.constant 0 : i32
      %dma_start3A_183 = tpu.memref_slice %arg5[%add3A_167, %dma_start3A_182] : memref<20480x48xf32, #tpu.memory_space<hbm>> -> memref<128x48xf32, #tpu.memory_space<hbm>>
      %dma_start3A_184 = arith.constant 0 : i32
      %dma_start3A_185 = tpu.memref_slice %arg5[%add3A_167, %dma_start3A_184] : memref<20480x48xf32, #tpu.memory_space<hbm>> -> memref<128x48xf32, #tpu.memory_space<hbm>>
      tpu.enqueue_dma source(%arg8 : memref<128x48xf32, #tpu.memory_space<vmem>>) target(%dma_start3A_185 : memref<128x48xf32, #tpu.memory_space<hbm>>) target_semaphore(%run_scoped3A : memref<!tpu.dma_semaphore, #tpu.memory_space<semaphore_mem>>)
      %dma_wait3A_186 = arith.constant 0 : i32
      %dma_wait3A_187 = tpu.memref_slice %arg5[%add3A_167, %dma_wait3A_186] : memref<20480x48xf32, #tpu.memory_space<hbm>> -> memref<128x48xf32, #tpu.memory_space<hbm>>
      %dma_wait3A_188 = arith.constant 0 : i32
      %dma_wait3A_189 = tpu.memref_slice %arg5[%add3A_167, %dma_wait3A_188] : memref<20480x48xf32, #tpu.memory_space<hbm>> -> memref<128x48xf32, #tpu.memory_space<hbm>>
      tpu.wait_dma2 semaphore(%run_scoped3A : memref<!tpu.dma_semaphore, #tpu.memory_space<semaphore_mem>>) src(%arg8 : memref<128x48xf32, #tpu.memory_space<vmem>>) dst(%dma_wait3A_189 : memref<128x48xf32, #tpu.memory_space<hbm>>)
      tpu.yield
    }) : () -> ()
    %mul3A_168 = arith.constant 640 : i32
    %mul3A_169 = arith.muli %arg1, %mul3A_168 : i32
    %add3A_170 = arith.constant 384 : i32
    %add3A_171 = arith.addi %mul3A_169, %add3A_170 : i32
    "tpu.region"() ({
      %run_scoped3A = tpu.sem_alloc : memref<!tpu.dma_semaphore, #tpu.memory_space<semaphore_mem>>
      %dma_start3A_182 = arith.constant 0 : i32
      %dma_start3A_183 = tpu.memref_slice %arg16[%add3A_171, %dma_start3A_182] : memref<10240x48xf32, #tpu.memory_space<vmem_shared>> -> memref<128x48xf32, #tpu.memory_space<vmem_shared>>
      %dma_start3A_184 = arith.constant 0 : i32
      %dma_start3A_185 = tpu.memref_slice %arg16[%add3A_171, %dma_start3A_184] : memref<10240x48xf32, #tpu.memory_space<vmem_shared>> -> memref<128x48xf32, #tpu.memory_space<vmem_shared>>
      tpu.enqueue_dma source(%dma_start3A_185 : memref<128x48xf32, #tpu.memory_space<vmem_shared>>) target(%arg8 : memref<128x48xf32, #tpu.memory_space<vmem>>) target_semaphore(%run_scoped3A : memref<!tpu.dma_semaphore, #tpu.memory_space<semaphore_mem>>)
      %dma_wait3A_186 = arith.constant 0 : i32
      %dma_wait3A_187 = tpu.memref_slice %arg16[%add3A_171, %dma_wait3A_186] : memref<10240x48xf32, #tpu.memory_space<vmem_shared>> -> memref<128x48xf32, #tpu.memory_space<vmem_shared>>
      %dma_wait3A_188 = arith.constant 0 : i32
      %dma_wait3A_189 = tpu.memref_slice %arg16[%add3A_171, %dma_wait3A_188] : memref<10240x48xf32, #tpu.memory_space<vmem_shared>> -> memref<128x48xf32, #tpu.memory_space<vmem_shared>>
      tpu.wait_dma2 semaphore(%run_scoped3A : memref<!tpu.dma_semaphore, #tpu.memory_space<semaphore_mem>>) src(%dma_wait3A_189 : memref<128x48xf32, #tpu.memory_space<vmem_shared>>) dst(%arg8 : memref<128x48xf32, #tpu.memory_space<vmem>>)
      tpu.yield
    }) : () -> ()
    %mul3A_172 = arith.constant 10240 : i32
    %mul3A_173 = arith.muli %arg0, %mul3A_172 : i32
    %add3A_174 = arith.addi %mul3A_173, %add3A_171 : i32
    "tpu.region"() ({
      %run_scoped3A = tpu.sem_alloc : memref<!tpu.dma_semaphore, #tpu.memory_space<semaphore_mem>>
      %dma_start3A_182 = arith.constant 0 : i32
      %dma_start3A_183 = tpu.memref_slice %arg5[%add3A_174, %dma_start3A_182] : memref<20480x48xf32, #tpu.memory_space<hbm>> -> memref<128x48xf32, #tpu.memory_space<hbm>>
      %dma_start3A_184 = arith.constant 0 : i32
      %dma_start3A_185 = tpu.memref_slice %arg5[%add3A_174, %dma_start3A_184] : memref<20480x48xf32, #tpu.memory_space<hbm>> -> memref<128x48xf32, #tpu.memory_space<hbm>>
      tpu.enqueue_dma source(%arg8 : memref<128x48xf32, #tpu.memory_space<vmem>>) target(%dma_start3A_185 : memref<128x48xf32, #tpu.memory_space<hbm>>) target_semaphore(%run_scoped3A : memref<!tpu.dma_semaphore, #tpu.memory_space<semaphore_mem>>)
      %dma_wait3A_186 = arith.constant 0 : i32
      %dma_wait3A_187 = tpu.memref_slice %arg5[%add3A_174, %dma_wait3A_186] : memref<20480x48xf32, #tpu.memory_space<hbm>> -> memref<128x48xf32, #tpu.memory_space<hbm>>
      %dma_wait3A_188 = arith.constant 0 : i32
      %dma_wait3A_189 = tpu.memref_slice %arg5[%add3A_174, %dma_wait3A_188] : memref<20480x48xf32, #tpu.memory_space<hbm>> -> memref<128x48xf32, #tpu.memory_space<hbm>>
      tpu.wait_dma2 semaphore(%run_scoped3A : memref<!tpu.dma_semaphore, #tpu.memory_space<semaphore_mem>>) src(%arg8 : memref<128x48xf32, #tpu.memory_space<vmem>>) dst(%dma_wait3A_189 : memref<128x48xf32, #tpu.memory_space<hbm>>)
      tpu.yield
    }) : () -> ()
    %mul3A_175 = arith.constant 640 : i32
    %mul3A_176 = arith.muli %arg1, %mul3A_175 : i32
    %add3A_177 = arith.constant 512 : i32
    %add3A_178 = arith.addi %mul3A_176, %add3A_177 : i32
    "tpu.region"() ({
      %run_scoped3A = tpu.sem_alloc : memref<!tpu.dma_semaphore, #tpu.memory_space<semaphore_mem>>
      %dma_start3A_182 = arith.constant 0 : i32
      %dma_start3A_183 = tpu.memref_slice %arg16[%add3A_178, %dma_start3A_182] : memref<10240x48xf32, #tpu.memory_space<vmem_shared>> -> memref<128x48xf32, #tpu.memory_space<vmem_shared>>
      %dma_start3A_184 = arith.constant 0 : i32
      %dma_start3A_185 = tpu.memref_slice %arg16[%add3A_178, %dma_start3A_184] : memref<10240x48xf32, #tpu.memory_space<vmem_shared>> -> memref<128x48xf32, #tpu.memory_space<vmem_shared>>
      tpu.enqueue_dma source(%dma_start3A_185 : memref<128x48xf32, #tpu.memory_space<vmem_shared>>) target(%arg8 : memref<128x48xf32, #tpu.memory_space<vmem>>) target_semaphore(%run_scoped3A : memref<!tpu.dma_semaphore, #tpu.memory_space<semaphore_mem>>)
      %dma_wait3A_186 = arith.constant 0 : i32
      %dma_wait3A_187 = tpu.memref_slice %arg16[%add3A_178, %dma_wait3A_186] : memref<10240x48xf32, #tpu.memory_space<vmem_shared>> -> memref<128x48xf32, #tpu.memory_space<vmem_shared>>
      %dma_wait3A_188 = arith.constant 0 : i32
      %dma_wait3A_189 = tpu.memref_slice %arg16[%add3A_178, %dma_wait3A_188] : memref<10240x48xf32, #tpu.memory_space<vmem_shared>> -> memref<128x48xf32, #tpu.memory_space<vmem_shared>>
      tpu.wait_dma2 semaphore(%run_scoped3A : memref<!tpu.dma_semaphore, #tpu.memory_space<semaphore_mem>>) src(%dma_wait3A_189 : memref<128x48xf32, #tpu.memory_space<vmem_shared>>) dst(%arg8 : memref<128x48xf32, #tpu.memory_space<vmem>>)
      tpu.yield
    }) : () -> ()
    %mul3A_179 = arith.constant 10240 : i32
    %mul3A_180 = arith.muli %arg0, %mul3A_179 : i32
    %add3A_181 = arith.addi %mul3A_180, %add3A_178 : i32
    "tpu.region"() ({
      %run_scoped3A = tpu.sem_alloc : memref<!tpu.dma_semaphore, #tpu.memory_space<semaphore_mem>>
      %dma_start3A_182 = arith.constant 0 : i32
      %dma_start3A_183 = tpu.memref_slice %arg5[%add3A_181, %dma_start3A_182] : memref<20480x48xf32, #tpu.memory_space<hbm>> -> memref<128x48xf32, #tpu.memory_space<hbm>>
      %dma_start3A_184 = arith.constant 0 : i32
      %dma_start3A_185 = tpu.memref_slice %arg5[%add3A_181, %dma_start3A_184] : memref<20480x48xf32, #tpu.memory_space<hbm>> -> memref<128x48xf32, #tpu.memory_space<hbm>>
      tpu.enqueue_dma source(%arg8 : memref<128x48xf32, #tpu.memory_space<vmem>>) target(%dma_start3A_185 : memref<128x48xf32, #tpu.memory_space<hbm>>) target_semaphore(%run_scoped3A : memref<!tpu.dma_semaphore, #tpu.memory_space<semaphore_mem>>)
      %dma_wait3A_186 = arith.constant 0 : i32
      %dma_wait3A_187 = tpu.memref_slice %arg5[%add3A_181, %dma_wait3A_186] : memref<20480x48xf32, #tpu.memory_space<hbm>> -> memref<128x48xf32, #tpu.memory_space<hbm>>
      %dma_wait3A_188 = arith.constant 0 : i32
      %dma_wait3A_189 = tpu.memref_slice %arg5[%add3A_181, %dma_wait3A_188] : memref<20480x48xf32, #tpu.memory_space<hbm>> -> memref<128x48xf32, #tpu.memory_space<hbm>>
      tpu.wait_dma2 semaphore(%run_scoped3A : memref<!tpu.dma_semaphore, #tpu.memory_space<semaphore_mem>>) src(%arg8 : memref<128x48xf32, #tpu.memory_space<vmem>>) dst(%dma_wait3A_189 : memref<128x48xf32, #tpu.memory_space<hbm>>)
      tpu.yield
    }) : () -> ()
    return
  }
}

#map = affine_map<(d0, d1) -> (0, 0)>
module attributes {stable_mosaic.version = 14 : i64} {
  func.func @gcn_degrees(%arg0: i32, %arg1: i32, %arg2: memref<2560x128xi32, #tpu.memory_space<hbm>>, %arg3: memref<2560x128xi32, #tpu.memory_space<hbm>>, %arg4: memref<20480x16xf32, #tpu.memory_space<hbm>>, %arg5: memref<20480x16xf32, #tpu.memory_space<hbm>>, %arg6: memref<80x128xi32, #tpu.memory_space<vmem>>, %arg7: memref<80x128xi32, #tpu.memory_space<vmem>>, %arg8: memref<128x16xf32, #tpu.memory_space<vmem>>, %arg9: memref<10240x16xf32, #tpu.memory_space<vmem_shared>>, %arg10: memref<10240x16xf32, #tpu.memory_space<vmem_shared>>, %arg11: memref<!tpu.dma_semaphore, #tpu.memory_space<semaphore_mem>>, %arg12: memref<!tpu.dma_semaphore, #tpu.memory_space<semaphore_mem>>, %arg13: memref<!tpu.dma_semaphore, #tpu.memory_space<semaphore_mem>>, %arg14: memref<!tpu.dma_semaphore, #tpu.memory_space<semaphore_mem>>, %arg15: memref<!tpu.dma_semaphore, #tpu.memory_space<semaphore_mem>>, %arg16: memref<!tpu.dma_semaphore, #tpu.memory_space<semaphore_mem>>, %arg17: memref<!tpu.dma_semaphore, #tpu.memory_space<semaphore_mem>>, %arg18: memref<!tpu.dma_semaphore, #tpu.memory_space<semaphore_mem>>, %arg19: memref<!tpu.dma_semaphore, #tpu.memory_space<semaphore_mem>>, %arg20: memref<!tpu.dma_semaphore, #tpu.memory_space<semaphore_mem>>, %arg21: memref<!tpu.dma_semaphore, #tpu.memory_space<semaphore_mem>>, %arg22: memref<!tpu.dma_semaphore, #tpu.memory_space<semaphore_mem>>, %arg23: memref<!tpu.dma_semaphore, #tpu.memory_space<semaphore_mem>>, %arg24: memref<!tpu.dma_semaphore, #tpu.memory_space<semaphore_mem>>, %arg25: memref<!tpu.dma_semaphore, #tpu.memory_space<semaphore_mem>>, %arg26: memref<!tpu.dma_semaphore, #tpu.memory_space<semaphore_mem>>) attributes {dimension_semantics = [#tpu.dimension_semantics<core_parallel>, #tpu.dimension_semantics<subcore_parallel>], iteration_bounds = array<i64: 2, 16>, scalar_prefetch = 0 : i64, scratch_operands = 21 : i64, tpu.core_type = #tpu.core_type<sc_vector_subcore>, window_params = [{transform_indices = #map}, {transform_indices = #map}, {transform_indices = #map}, {transform_indices = #map}]} {
    %broadcast_in_dim3A = arith.constant 0.000000e+00 : f32
    %broadcast_in_dim3A_0 = vector.broadcast %broadcast_in_dim3A : f32 to vector<16xf32>
    %scan3A = arith.constant 0 : i32
    %scan3A_1 = arith.constant 0 : i32
    %scan3A_2 = arith.constant 128 : i32
    %scan3A_3 = arith.addi %scan3A_1, %scan3A_2 : i32
    %scan3A_4 = arith.constant 1 : i32
    %scan3A_5 = scf.for %scan3A_319 = %scan3A_1 to %scan3A_3 step %scan3A_4 iter_args(%scan3A_320 = %scan3A) -> (i32)  : i32 {
      %swap3A = arith.index_cast %scan3A_319 : i32 to index
      %swap3A_321 = arith.constant 0 : index
      %swap3A_322 = tpu.vector_load %arg8[%swap3A, %swap3A_321] {strides = array<i32>} : memref<128x16xf32, #tpu.memory_space<vmem>>, vector<1x16xf32>,
      %swap3A_323 = vector.shape_cast %swap3A_322 : vector<1x16xf32> to vector<16xf32>
      %swap3A_324 = vector.shape_cast %broadcast_in_dim3A_0 : vector<16xf32> to vector<1x16xf32>
      tpu.vector_store %arg8[%swap3A, %swap3A_321], %swap3A_324 {strides = array<i32>} : memref<128x16xf32, #tpu.memory_space<vmem>>, vector<1x16xf32>,
      %scan3A_325 = arith.constant 0 : i32
      scf.yield %scan3A_325 : i32
    }
    %scan3A_6 = arith.constant 128 : i32
    %mul3A = arith.constant 640 : i32
    %mul3A_7 = arith.muli %arg1, %mul3A : i32
    %add3A = arith.constant 0 : i32
    %add3A_8 = arith.addi %mul3A_7, %add3A : i32
    "tpu.region"() ({
      %run_scoped3A = tpu.sem_alloc : memref<!tpu.dma_semaphore, #tpu.memory_space<semaphore_mem>>
      %dma_start3A_319 = arith.constant 0 : i32
      %dma_start3A_320 = tpu.memref_slice %arg9[%add3A_8, %dma_start3A_319] : memref<10240x16xf32, #tpu.memory_space<vmem_shared>> -> memref<128x16xf32, #tpu.memory_space<vmem_shared>>
      %dma_start3A_321 = arith.constant 0 : i32
      %dma_start3A_322 = tpu.memref_slice %arg9[%add3A_8, %dma_start3A_321] : memref<10240x16xf32, #tpu.memory_space<vmem_shared>> -> memref<128x16xf32, #tpu.memory_space<vmem_shared>>
      tpu.enqueue_dma source(%arg8 : memref<128x16xf32, #tpu.memory_space<vmem>>) target(%dma_start3A_322 : memref<128x16xf32, #tpu.memory_space<vmem_shared>>) target_semaphore(%run_scoped3A : memref<!tpu.dma_semaphore, #tpu.memory_space<semaphore_mem>>)
      %dma_wait3A_323 = arith.constant 0 : i32
      %dma_wait3A_324 = tpu.memref_slice %arg9[%add3A_8, %dma_wait3A_323] : memref<10240x16xf32, #tpu.memory_space<vmem_shared>> -> memref<128x16xf32, #tpu.memory_space<vmem_shared>>
      %dma_wait3A_325 = arith.constant 0 : i32
      %dma_wait3A_326 = tpu.memref_slice %arg9[%add3A_8, %dma_wait3A_325] : memref<10240x16xf32, #tpu.memory_space<vmem_shared>> -> memref<128x16xf32, #tpu.memory_space<vmem_shared>>
      tpu.wait_dma2 semaphore(%run_scoped3A : memref<!tpu.dma_semaphore, #tpu.memory_space<semaphore_mem>>) src(%arg8 : memref<128x16xf32, #tpu.memory_space<vmem>>) dst(%dma_wait3A_326 : memref<128x16xf32, #tpu.memory_space<vmem_shared>>)
      tpu.yield
    }) : () -> ()
    "tpu.region"() ({
      %run_scoped3A = tpu.sem_alloc : memref<!tpu.dma_semaphore, #tpu.memory_space<semaphore_mem>>
      %dma_start3A_319 = arith.constant 0 : i32
      %dma_start3A_320 = tpu.memref_slice %arg10[%add3A_8, %dma_start3A_319] : memref<10240x16xf32, #tpu.memory_space<vmem_shared>> -> memref<128x16xf32, #tpu.memory_space<vmem_shared>>
      %dma_start3A_321 = arith.constant 0 : i32
      %dma_start3A_322 = tpu.memref_slice %arg10[%add3A_8, %dma_start3A_321] : memref<10240x16xf32, #tpu.memory_space<vmem_shared>> -> memref<128x16xf32, #tpu.memory_space<vmem_shared>>
      tpu.enqueue_dma source(%arg8 : memref<128x16xf32, #tpu.memory_space<vmem>>) target(%dma_start3A_322 : memref<128x16xf32, #tpu.memory_space<vmem_shared>>) target_semaphore(%run_scoped3A : memref<!tpu.dma_semaphore, #tpu.memory_space<semaphore_mem>>)
      %dma_wait3A_323 = arith.constant 0 : i32
      %dma_wait3A_324 = tpu.memref_slice %arg10[%add3A_8, %dma_wait3A_323] : memref<10240x16xf32, #tpu.memory_space<vmem_shared>> -> memref<128x16xf32, #tpu.memory_space<vmem_shared>>
      %dma_wait3A_325 = arith.constant 0 : i32
      %dma_wait3A_326 = tpu.memref_slice %arg10[%add3A_8, %dma_wait3A_325] : memref<10240x16xf32, #tpu.memory_space<vmem_shared>> -> memref<128x16xf32, #tpu.memory_space<vmem_shared>>
      tpu.wait_dma2 semaphore(%run_scoped3A : memref<!tpu.dma_semaphore, #tpu.memory_space<semaphore_mem>>) src(%arg8 : memref<128x16xf32, #tpu.memory_space<vmem>>) dst(%dma_wait3A_326 : memref<128x16xf32, #tpu.memory_space<vmem_shared>>)
      tpu.yield
    }) : () -> ()
    %mul3A_9 = arith.constant 640 : i32
    %mul3A_10 = arith.muli %arg1, %mul3A_9 : i32
    %add3A_11 = arith.constant 128 : i32
    %add3A_12 = arith.addi %mul3A_10, %add3A_11 : i32
    "tpu.region"() ({
      %run_scoped3A = tpu.sem_alloc : memref<!tpu.dma_semaphore, #tpu.memory_space<semaphore_mem>>
      %dma_start3A_319 = arith.constant 0 : i32
      %dma_start3A_320 = tpu.memref_slice %arg9[%add3A_12, %dma_start3A_319] : memref<10240x16xf32, #tpu.memory_space<vmem_shared>> -> memref<128x16xf32, #tpu.memory_space<vmem_shared>>
      %dma_start3A_321 = arith.constant 0 : i32
      %dma_start3A_322 = tpu.memref_slice %arg9[%add3A_12, %dma_start3A_321] : memref<10240x16xf32, #tpu.memory_space<vmem_shared>> -> memref<128x16xf32, #tpu.memory_space<vmem_shared>>
      tpu.enqueue_dma source(%arg8 : memref<128x16xf32, #tpu.memory_space<vmem>>) target(%dma_start3A_322 : memref<128x16xf32, #tpu.memory_space<vmem_shared>>) target_semaphore(%run_scoped3A : memref<!tpu.dma_semaphore, #tpu.memory_space<semaphore_mem>>)
      %dma_wait3A_323 = arith.constant 0 : i32
      %dma_wait3A_324 = tpu.memref_slice %arg9[%add3A_12, %dma_wait3A_323] : memref<10240x16xf32, #tpu.memory_space<vmem_shared>> -> memref<128x16xf32, #tpu.memory_space<vmem_shared>>
      %dma_wait3A_325 = arith.constant 0 : i32
      %dma_wait3A_326 = tpu.memref_slice %arg9[%add3A_12, %dma_wait3A_325] : memref<10240x16xf32, #tpu.memory_space<vmem_shared>> -> memref<128x16xf32, #tpu.memory_space<vmem_shared>>
      tpu.wait_dma2 semaphore(%run_scoped3A : memref<!tpu.dma_semaphore, #tpu.memory_space<semaphore_mem>>) src(%arg8 : memref<128x16xf32, #tpu.memory_space<vmem>>) dst(%dma_wait3A_326 : memref<128x16xf32, #tpu.memory_space<vmem_shared>>)
      tpu.yield
    }) : () -> ()
    "tpu.region"() ({
      %run_scoped3A = tpu.sem_alloc : memref<!tpu.dma_semaphore, #tpu.memory_space<semaphore_mem>>
      %dma_start3A_319 = arith.constant 0 : i32
      %dma_start3A_320 = tpu.memref_slice %arg10[%add3A_12, %dma_start3A_319] : memref<10240x16xf32, #tpu.memory_space<vmem_shared>> -> memref<128x16xf32, #tpu.memory_space<vmem_shared>>
      %dma_start3A_321 = arith.constant 0 : i32
      %dma_start3A_322 = tpu.memref_slice %arg10[%add3A_12, %dma_start3A_321] : memref<10240x16xf32, #tpu.memory_space<vmem_shared>> -> memref<128x16xf32, #tpu.memory_space<vmem_shared>>
      tpu.enqueue_dma source(%arg8 : memref<128x16xf32, #tpu.memory_space<vmem>>) target(%dma_start3A_322 : memref<128x16xf32, #tpu.memory_space<vmem_shared>>) target_semaphore(%run_scoped3A : memref<!tpu.dma_semaphore, #tpu.memory_space<semaphore_mem>>)
      %dma_wait3A_323 = arith.constant 0 : i32
      %dma_wait3A_324 = tpu.memref_slice %arg10[%add3A_12, %dma_wait3A_323] : memref<10240x16xf32, #tpu.memory_space<vmem_shared>> -> memref<128x16xf32, #tpu.memory_space<vmem_shared>>
      %dma_wait3A_325 = arith.constant 0 : i32
      %dma_wait3A_326 = tpu.memref_slice %arg10[%add3A_12, %dma_wait3A_325] : memref<10240x16xf32, #tpu.memory_space<vmem_shared>> -> memref<128x16xf32, #tpu.memory_space<vmem_shared>>
      tpu.wait_dma2 semaphore(%run_scoped3A : memref<!tpu.dma_semaphore, #tpu.memory_space<semaphore_mem>>) src(%arg8 : memref<128x16xf32, #tpu.memory_space<vmem>>) dst(%dma_wait3A_326 : memref<128x16xf32, #tpu.memory_space<vmem_shared>>)
      tpu.yield
    }) : () -> ()
    %mul3A_13 = arith.constant 640 : i32
    %mul3A_14 = arith.muli %arg1, %mul3A_13 : i32
    %add3A_15 = arith.constant 256 : i32
    %add3A_16 = arith.addi %mul3A_14, %add3A_15 : i32
    "tpu.region"() ({
      %run_scoped3A = tpu.sem_alloc : memref<!tpu.dma_semaphore, #tpu.memory_space<semaphore_mem>>
      %dma_start3A_319 = arith.constant 0 : i32
      %dma_start3A_320 = tpu.memref_slice %arg9[%add3A_16, %dma_start3A_319] : memref<10240x16xf32, #tpu.memory_space<vmem_shared>> -> memref<128x16xf32, #tpu.memory_space<vmem_shared>>
      %dma_start3A_321 = arith.constant 0 : i32
      %dma_start3A_322 = tpu.memref_slice %arg9[%add3A_16, %dma_start3A_321] : memref<10240x16xf32, #tpu.memory_space<vmem_shared>> -> memref<128x16xf32, #tpu.memory_space<vmem_shared>>
      tpu.enqueue_dma source(%arg8 : memref<128x16xf32, #tpu.memory_space<vmem>>) target(%dma_start3A_322 : memref<128x16xf32, #tpu.memory_space<vmem_shared>>) target_semaphore(%run_scoped3A : memref<!tpu.dma_semaphore, #tpu.memory_space<semaphore_mem>>)
      %dma_wait3A_323 = arith.constant 0 : i32
      %dma_wait3A_324 = tpu.memref_slice %arg9[%add3A_16, %dma_wait3A_323] : memref<10240x16xf32, #tpu.memory_space<vmem_shared>> -> memref<128x16xf32, #tpu.memory_space<vmem_shared>>
      %dma_wait3A_325 = arith.constant 0 : i32
      %dma_wait3A_326 = tpu.memref_slice %arg9[%add3A_16, %dma_wait3A_325] : memref<10240x16xf32, #tpu.memory_space<vmem_shared>> -> memref<128x16xf32, #tpu.memory_space<vmem_shared>>
      tpu.wait_dma2 semaphore(%run_scoped3A : memref<!tpu.dma_semaphore, #tpu.memory_space<semaphore_mem>>) src(%arg8 : memref<128x16xf32, #tpu.memory_space<vmem>>) dst(%dma_wait3A_326 : memref<128x16xf32, #tpu.memory_space<vmem_shared>>)
      tpu.yield
    }) : () -> ()
    "tpu.region"() ({
      %run_scoped3A = tpu.sem_alloc : memref<!tpu.dma_semaphore, #tpu.memory_space<semaphore_mem>>
      %dma_start3A_319 = arith.constant 0 : i32
      %dma_start3A_320 = tpu.memref_slice %arg10[%add3A_16, %dma_start3A_319] : memref<10240x16xf32, #tpu.memory_space<vmem_shared>> -> memref<128x16xf32, #tpu.memory_space<vmem_shared>>
      %dma_start3A_321 = arith.constant 0 : i32
      %dma_start3A_322 = tpu.memref_slice %arg10[%add3A_16, %dma_start3A_321] : memref<10240x16xf32, #tpu.memory_space<vmem_shared>> -> memref<128x16xf32, #tpu.memory_space<vmem_shared>>
      tpu.enqueue_dma source(%arg8 : memref<128x16xf32, #tpu.memory_space<vmem>>) target(%dma_start3A_322 : memref<128x16xf32, #tpu.memory_space<vmem_shared>>) target_semaphore(%run_scoped3A : memref<!tpu.dma_semaphore, #tpu.memory_space<semaphore_mem>>)
      %dma_wait3A_323 = arith.constant 0 : i32
      %dma_wait3A_324 = tpu.memref_slice %arg10[%add3A_16, %dma_wait3A_323] : memref<10240x16xf32, #tpu.memory_space<vmem_shared>> -> memref<128x16xf32, #tpu.memory_space<vmem_shared>>
      %dma_wait3A_325 = arith.constant 0 : i32
      %dma_wait3A_326 = tpu.memref_slice %arg10[%add3A_16, %dma_wait3A_325] : memref<10240x16xf32, #tpu.memory_space<vmem_shared>> -> memref<128x16xf32, #tpu.memory_space<vmem_shared>>
      tpu.wait_dma2 semaphore(%run_scoped3A : memref<!tpu.dma_semaphore, #tpu.memory_space<semaphore_mem>>) src(%arg8 : memref<128x16xf32, #tpu.memory_space<vmem>>) dst(%dma_wait3A_326 : memref<128x16xf32, #tpu.memory_space<vmem_shared>>)
      tpu.yield
    }) : () -> ()
    %mul3A_17 = arith.constant 640 : i32
    %mul3A_18 = arith.muli %arg1, %mul3A_17 : i32
    %add3A_19 = arith.constant 384 : i32
    %add3A_20 = arith.addi %mul3A_18, %add3A_19 : i32
    "tpu.region"() ({
      %run_scoped3A = tpu.sem_alloc : memref<!tpu.dma_semaphore, #tpu.memory_space<semaphore_mem>>
      %dma_start3A_319 = arith.constant 0 : i32
      %dma_start3A_320 = tpu.memref_slice %arg9[%add3A_20, %dma_start3A_319] : memref<10240x16xf32, #tpu.memory_space<vmem_shared>> -> memref<128x16xf32, #tpu.memory_space<vmem_shared>>
      %dma_start3A_321 = arith.constant 0 : i32
      %dma_start3A_322 = tpu.memref_slice %arg9[%add3A_20, %dma_start3A_321] : memref<10240x16xf32, #tpu.memory_space<vmem_shared>> -> memref<128x16xf32, #tpu.memory_space<vmem_shared>>
      tpu.enqueue_dma source(%arg8 : memref<128x16xf32, #tpu.memory_space<vmem>>) target(%dma_start3A_322 : memref<128x16xf32, #tpu.memory_space<vmem_shared>>) target_semaphore(%run_scoped3A : memref<!tpu.dma_semaphore, #tpu.memory_space<semaphore_mem>>)
      %dma_wait3A_323 = arith.constant 0 : i32
      %dma_wait3A_324 = tpu.memref_slice %arg9[%add3A_20, %dma_wait3A_323] : memref<10240x16xf32, #tpu.memory_space<vmem_shared>> -> memref<128x16xf32, #tpu.memory_space<vmem_shared>>
      %dma_wait3A_325 = arith.constant 0 : i32
      %dma_wait3A_326 = tpu.memref_slice %arg9[%add3A_20, %dma_wait3A_325] : memref<10240x16xf32, #tpu.memory_space<vmem_shared>> -> memref<128x16xf32, #tpu.memory_space<vmem_shared>>
      tpu.wait_dma2 semaphore(%run_scoped3A : memref<!tpu.dma_semaphore, #tpu.memory_space<semaphore_mem>>) src(%arg8 : memref<128x16xf32, #tpu.memory_space<vmem>>) dst(%dma_wait3A_326 : memref<128x16xf32, #tpu.memory_space<vmem_shared>>)
      tpu.yield
    }) : () -> ()
    "tpu.region"() ({
      %run_scoped3A = tpu.sem_alloc : memref<!tpu.dma_semaphore, #tpu.memory_space<semaphore_mem>>
      %dma_start3A_319 = arith.constant 0 : i32
      %dma_start3A_320 = tpu.memref_slice %arg10[%add3A_20, %dma_start3A_319] : memref<10240x16xf32, #tpu.memory_space<vmem_shared>> -> memref<128x16xf32, #tpu.memory_space<vmem_shared>>
      %dma_start3A_321 = arith.constant 0 : i32
      %dma_start3A_322 = tpu.memref_slice %arg10[%add3A_20, %dma_start3A_321] : memref<10240x16xf32, #tpu.memory_space<vmem_shared>> -> memref<128x16xf32, #tpu.memory_space<vmem_shared>>
      tpu.enqueue_dma source(%arg8 : memref<128x16xf32, #tpu.memory_space<vmem>>) target(%dma_start3A_322 : memref<128x16xf32, #tpu.memory_space<vmem_shared>>) target_semaphore(%run_scoped3A : memref<!tpu.dma_semaphore, #tpu.memory_space<semaphore_mem>>)
      %dma_wait3A_323 = arith.constant 0 : i32
      %dma_wait3A_324 = tpu.memref_slice %arg10[%add3A_20, %dma_wait3A_323] : memref<10240x16xf32, #tpu.memory_space<vmem_shared>> -> memref<128x16xf32, #tpu.memory_space<vmem_shared>>
      %dma_wait3A_325 = arith.constant 0 : i32
      %dma_wait3A_326 = tpu.memref_slice %arg10[%add3A_20, %dma_wait3A_325] : memref<10240x16xf32, #tpu.memory_space<vmem_shared>> -> memref<128x16xf32, #tpu.memory_space<vmem_shared>>
      tpu.wait_dma2 semaphore(%run_scoped3A : memref<!tpu.dma_semaphore, #tpu.memory_space<semaphore_mem>>) src(%arg8 : memref<128x16xf32, #tpu.memory_space<vmem>>) dst(%dma_wait3A_326 : memref<128x16xf32, #tpu.memory_space<vmem_shared>>)
      tpu.yield
    }) : () -> ()
    %mul3A_21 = arith.constant 640 : i32
    %mul3A_22 = arith.muli %arg1, %mul3A_21 : i32
    %add3A_23 = arith.constant 512 : i32
    %add3A_24 = arith.addi %mul3A_22, %add3A_23 : i32
    "tpu.region"() ({
      %run_scoped3A = tpu.sem_alloc : memref<!tpu.dma_semaphore, #tpu.memory_space<semaphore_mem>>
      %dma_start3A_319 = arith.constant 0 : i32
      %dma_start3A_320 = tpu.memref_slice %arg9[%add3A_24, %dma_start3A_319] : memref<10240x16xf32, #tpu.memory_space<vmem_shared>> -> memref<128x16xf32, #tpu.memory_space<vmem_shared>>
      %dma_start3A_321 = arith.constant 0 : i32
      %dma_start3A_322 = tpu.memref_slice %arg9[%add3A_24, %dma_start3A_321] : memref<10240x16xf32, #tpu.memory_space<vmem_shared>> -> memref<128x16xf32, #tpu.memory_space<vmem_shared>>
      tpu.enqueue_dma source(%arg8 : memref<128x16xf32, #tpu.memory_space<vmem>>) target(%dma_start3A_322 : memref<128x16xf32, #tpu.memory_space<vmem_shared>>) target_semaphore(%run_scoped3A : memref<!tpu.dma_semaphore, #tpu.memory_space<semaphore_mem>>)
      %dma_wait3A_323 = arith.constant 0 : i32
      %dma_wait3A_324 = tpu.memref_slice %arg9[%add3A_24, %dma_wait3A_323] : memref<10240x16xf32, #tpu.memory_space<vmem_shared>> -> memref<128x16xf32, #tpu.memory_space<vmem_shared>>
      %dma_wait3A_325 = arith.constant 0 : i32
      %dma_wait3A_326 = tpu.memref_slice %arg9[%add3A_24, %dma_wait3A_325] : memref<10240x16xf32, #tpu.memory_space<vmem_shared>> -> memref<128x16xf32, #tpu.memory_space<vmem_shared>>
      tpu.wait_dma2 semaphore(%run_scoped3A : memref<!tpu.dma_semaphore, #tpu.memory_space<semaphore_mem>>) src(%arg8 : memref<128x16xf32, #tpu.memory_space<vmem>>) dst(%dma_wait3A_326 : memref<128x16xf32, #tpu.memory_space<vmem_shared>>)
      tpu.yield
    }) : () -> ()
    "tpu.region"() ({
      %run_scoped3A = tpu.sem_alloc : memref<!tpu.dma_semaphore, #tpu.memory_space<semaphore_mem>>
      %dma_start3A_319 = arith.constant 0 : i32
      %dma_start3A_320 = tpu.memref_slice %arg10[%add3A_24, %dma_start3A_319] : memref<10240x16xf32, #tpu.memory_space<vmem_shared>> -> memref<128x16xf32, #tpu.memory_space<vmem_shared>>
      %dma_start3A_321 = arith.constant 0 : i32
      %dma_start3A_322 = tpu.memref_slice %arg10[%add3A_24, %dma_start3A_321] : memref<10240x16xf32, #tpu.memory_space<vmem_shared>> -> memref<128x16xf32, #tpu.memory_space<vmem_shared>>
      tpu.enqueue_dma source(%arg8 : memref<128x16xf32, #tpu.memory_space<vmem>>) target(%dma_start3A_322 : memref<128x16xf32, #tpu.memory_space<vmem_shared>>) target_semaphore(%run_scoped3A : memref<!tpu.dma_semaphore, #tpu.memory_space<semaphore_mem>>)
      %dma_wait3A_323 = arith.constant 0 : i32
      %dma_wait3A_324 = tpu.memref_slice %arg10[%add3A_24, %dma_wait3A_323] : memref<10240x16xf32, #tpu.memory_space<vmem_shared>> -> memref<128x16xf32, #tpu.memory_space<vmem_shared>>
      %dma_wait3A_325 = arith.constant 0 : i32
      %dma_wait3A_326 = tpu.memref_slice %arg10[%add3A_24, %dma_wait3A_325] : memref<10240x16xf32, #tpu.memory_space<vmem_shared>> -> memref<128x16xf32, #tpu.memory_space<vmem_shared>>
      tpu.wait_dma2 semaphore(%run_scoped3A : memref<!tpu.dma_semaphore, #tpu.memory_space<semaphore_mem>>) src(%arg8 : memref<128x16xf32, #tpu.memory_space<vmem>>) dst(%dma_wait3A_326 : memref<128x16xf32, #tpu.memory_space<vmem_shared>>)
      tpu.yield
    }) : () -> ()
    %broadcast_in_dim3A_25 = arith.constant 1.000000e+00 : f32
    %broadcast_in_dim3A_26 = vector.broadcast %broadcast_in_dim3A_25 : f32 to vector<16xf32>
    %scan3A_27 = arith.constant 0 : i32
    %scan3A_28 = arith.constant 0 : i32
    %scan3A_29 = arith.constant 128 : i32
    %scan3A_30 = arith.addi %scan3A_28, %scan3A_29 : i32
    %scan3A_31 = arith.constant 1 : i32
    %scan3A_32 = scf.for %scan3A_319 = %scan3A_28 to %scan3A_30 step %scan3A_31 iter_args(%scan3A_320 = %scan3A_27) -> (i32)  : i32 {
      %swap3A = arith.index_cast %scan3A_319 : i32 to index
      %swap3A_321 = arith.constant 0 : index
      %swap3A_322 = tpu.vector_load %arg8[%swap3A, %swap3A_321] {strides = array<i32>} : memref<128x16xf32, #tpu.memory_space<vmem>>, vector<1x16xf32>,
      %swap3A_323 = vector.shape_cast %swap3A_322 : vector<1x16xf32> to vector<16xf32>
      %swap3A_324 = vector.shape_cast %broadcast_in_dim3A_26 : vector<16xf32> to vector<1x16xf32>
      tpu.vector_store %arg8[%swap3A, %swap3A_321], %swap3A_324 {strides = array<i32>} : memref<128x16xf32, #tpu.memory_space<vmem>>, vector<1x16xf32>,
      %scan3A_325 = arith.constant 0 : i32
      scf.yield %scan3A_325 : i32
    }
    %scan3A_33 = arith.constant 128 : i32
    %mul3A_34 = arith.constant 1280 : i32
    %mul3A_35 = arith.muli %arg0, %mul3A_34 : i32
    %mul3A_36 = arith.constant 80 : i32
    %mul3A_37 = arith.muli %arg1, %mul3A_36 : i32
    %add3A_38 = arith.addi %mul3A_35, %mul3A_37 : i32
    "tpu.region"() ({
      %run_scoped3A = tpu.sem_alloc : memref<!tpu.dma_semaphore, #tpu.memory_space<semaphore_mem>>
      %dma_start3A_319 = arith.constant 0 : i32
      %dma_start3A_320 = tpu.memref_slice %arg2[%add3A_38, %dma_start3A_319] : memref<2560x128xi32, #tpu.memory_space<hbm>> -> memref<80x128xi32, #tpu.memory_space<hbm>>
      %dma_start3A_321 = arith.constant 0 : i32
      %dma_start3A_322 = tpu.memref_slice %arg2[%add3A_38, %dma_start3A_321] : memref<2560x128xi32, #tpu.memory_space<hbm>> -> memref<80x128xi32, #tpu.memory_space<hbm>>
      tpu.enqueue_dma source(%dma_start3A_322 : memref<80x128xi32, #tpu.memory_space<hbm>>) target(%arg6 : memref<80x128xi32, #tpu.memory_space<vmem>>) target_semaphore(%run_scoped3A : memref<!tpu.dma_semaphore, #tpu.memory_space<semaphore_mem>>)
      %dma_wait3A_323 = arith.constant 0 : i32
      %dma_wait3A_324 = tpu.memref_slice %arg2[%add3A_38, %dma_wait3A_323] : memref<2560x128xi32, #tpu.memory_space<hbm>> -> memref<80x128xi32, #tpu.memory_space<hbm>>
      %dma_wait3A_325 = arith.constant 0 : i32
      %dma_wait3A_326 = tpu.memref_slice %arg2[%add3A_38, %dma_wait3A_325] : memref<2560x128xi32, #tpu.memory_space<hbm>> -> memref<80x128xi32, #tpu.memory_space<hbm>>
      tpu.wait_dma2 semaphore(%run_scoped3A : memref<!tpu.dma_semaphore, #tpu.memory_space<semaphore_mem>>) src(%dma_wait3A_326 : memref<80x128xi32, #tpu.memory_space<hbm>>) dst(%arg6 : memref<80x128xi32, #tpu.memory_space<vmem>>)
      tpu.yield
    }) : () -> ()
    "tpu.region"() ({
      %run_scoped3A = tpu.sem_alloc : memref<!tpu.dma_semaphore, #tpu.memory_space<semaphore_mem>>
      %dma_start3A_319 = arith.constant 0 : i32
      %dma_start3A_320 = tpu.memref_slice %arg3[%add3A_38, %dma_start3A_319] : memref<2560x128xi32, #tpu.memory_space<hbm>> -> memref<80x128xi32, #tpu.memory_space<hbm>>
      %dma_start3A_321 = arith.constant 0 : i32
      %dma_start3A_322 = tpu.memref_slice %arg3[%add3A_38, %dma_start3A_321] : memref<2560x128xi32, #tpu.memory_space<hbm>> -> memref<80x128xi32, #tpu.memory_space<hbm>>
      tpu.enqueue_dma source(%dma_start3A_322 : memref<80x128xi32, #tpu.memory_space<hbm>>) target(%arg7 : memref<80x128xi32, #tpu.memory_space<vmem>>) target_semaphore(%run_scoped3A : memref<!tpu.dma_semaphore, #tpu.memory_space<semaphore_mem>>)
      %dma_wait3A_323 = arith.constant 0 : i32
      %dma_wait3A_324 = tpu.memref_slice %arg3[%add3A_38, %dma_wait3A_323] : memref<2560x128xi32, #tpu.memory_space<hbm>> -> memref<80x128xi32, #tpu.memory_space<hbm>>
      %dma_wait3A_325 = arith.constant 0 : i32
      %dma_wait3A_326 = tpu.memref_slice %arg3[%add3A_38, %dma_wait3A_325] : memref<2560x128xi32, #tpu.memory_space<hbm>> -> memref<80x128xi32, #tpu.memory_space<hbm>>
      tpu.wait_dma2 semaphore(%run_scoped3A : memref<!tpu.dma_semaphore, #tpu.memory_space<semaphore_mem>>) src(%dma_wait3A_326 : memref<80x128xi32, #tpu.memory_space<hbm>>) dst(%arg7 : memref<80x128xi32, #tpu.memory_space<vmem>>)
      tpu.yield
    }) : () -> ()
    %barrier3A = arith.constant 0 : index
    tpu.barrier barrier_id(%barrier3A)
    %dma_start3A = arith.constant 0 : i32
    %dma_start3A_39 = arith.constant 0 : i32
    %dma_start3A_40 = tpu.memref_slice %arg6[%dma_start3A, %dma_start3A_39] : memref<80x128xi32, #tpu.memory_space<vmem>> -> memref<1x128xi32, #tpu.memory_space<vmem>>
    %dma_start3A_41 = tpu.memref_squeeze %dma_start3A_40 : memref<1x128xi32, #tpu.memory_space<vmem>> -> memref<128xi32, #tpu.memory_space<vmem>>
    %dma_start3A_42 = arith.constant 0 : i32
    %dma_start3A_43 = arith.constant 0 : i32
    %dma_start3A_44 = tpu.memref_slice %arg9[%dma_start3A_42, %dma_start3A_43] : memref<10240x16xf32, #tpu.memory_space<vmem_shared>> -> memref<10240x16xf32, #tpu.memory_space<vmem_shared>>
    tpu.enqueue_indirect_dma source(%arg8 : memref<128x16xf32, #tpu.memory_space<vmem>>) target(%dma_start3A_44 : memref<10240x16xf32, #tpu.memory_space<vmem_shared>>) offsets(%dma_start3A_41 : memref<128xi32, #tpu.memory_space<vmem>>) semaphore(%arg11 : memref<!tpu.dma_semaphore, #tpu.memory_space<semaphore_mem>>) {add = true}
    %dma_start3A_45 = arith.constant 0 : i32
    %dma_start3A_46 = arith.constant 0 : i32
    %dma_start3A_47 = tpu.memref_slice %arg7[%dma_start3A_45, %dma_start3A_46] : memref<80x128xi32, #tpu.memory_space<vmem>> -> memref<1x128xi32, #tpu.memory_space<vmem>>
    %dma_start3A_48 = tpu.memref_squeeze %dma_start3A_47 : memref<1x128xi32, #tpu.memory_space<vmem>> -> memref<128xi32, #tpu.memory_space<vmem>>
    %dma_start3A_49 = arith.constant 0 : i32
    %dma_start3A_50 = arith.constant 0 : i32
    %dma_start3A_51 = tpu.memref_slice %arg10[%dma_start3A_49, %dma_start3A_50] : memref<10240x16xf32, #tpu.memory_space<vmem_shared>> -> memref<10240x16xf32, #tpu.memory_space<vmem_shared>>
    tpu.enqueue_indirect_dma source(%arg8 : memref<128x16xf32, #tpu.memory_space<vmem>>) target(%dma_start3A_51 : memref<10240x16xf32, #tpu.memory_space<vmem_shared>>) offsets(%dma_start3A_48 : memref<128xi32, #tpu.memory_space<vmem>>) semaphore(%arg19 : memref<!tpu.dma_semaphore, #tpu.memory_space<semaphore_mem>>) {add = true}
    %dma_start3A_52 = arith.constant 1 : i32
    %dma_start3A_53 = arith.constant 0 : i32
    %dma_start3A_54 = tpu.memref_slice %arg6[%dma_start3A_52, %dma_start3A_53] : memref<80x128xi32, #tpu.memory_space<vmem>> -> memref<1x128xi32, #tpu.memory_space<vmem>>
    %dma_start3A_55 = tpu.memref_squeeze %dma_start3A_54 : memref<1x128xi32, #tpu.memory_space<vmem>> -> memref<128xi32, #tpu.memory_space<vmem>>
    %dma_start3A_56 = arith.constant 0 : i32
    %dma_start3A_57 = arith.constant 0 : i32
    %dma_start3A_58 = tpu.memref_slice %arg9[%dma_start3A_56, %dma_start3A_57] : memref<10240x16xf32, #tpu.memory_space<vmem_shared>> -> memref<10240x16xf32, #tpu.memory_space<vmem_shared>>
    tpu.enqueue_indirect_dma source(%arg8 : memref<128x16xf32, #tpu.memory_space<vmem>>) target(%dma_start3A_58 : memref<10240x16xf32, #tpu.memory_space<vmem_shared>>) offsets(%dma_start3A_55 : memref<128xi32, #tpu.memory_space<vmem>>) semaphore(%arg12 : memref<!tpu.dma_semaphore, #tpu.memory_space<semaphore_mem>>) {add = true}
    %dma_start3A_59 = arith.constant 1 : i32
    %dma_start3A_60 = arith.constant 0 : i32
    %dma_start3A_61 = tpu.memref_slice %arg7[%dma_start3A_59, %dma_start3A_60] : memref<80x128xi32, #tpu.memory_space<vmem>> -> memref<1x128xi32, #tpu.memory_space<vmem>>
    %dma_start3A_62 = tpu.memref_squeeze %dma_start3A_61 : memref<1x128xi32, #tpu.memory_space<vmem>> -> memref<128xi32, #tpu.memory_space<vmem>>
    %dma_start3A_63 = arith.constant 0 : i32
    %dma_start3A_64 = arith.constant 0 : i32
    %dma_start3A_65 = tpu.memref_slice %arg10[%dma_start3A_63, %dma_start3A_64] : memref<10240x16xf32, #tpu.memory_space<vmem_shared>> -> memref<10240x16xf32, #tpu.memory_space<vmem_shared>>
    tpu.enqueue_indirect_dma source(%arg8 : memref<128x16xf32, #tpu.memory_space<vmem>>) target(%dma_start3A_65 : memref<10240x16xf32, #tpu.memory_space<vmem_shared>>) offsets(%dma_start3A_62 : memref<128xi32, #tpu.memory_space<vmem>>) semaphore(%arg20 : memref<!tpu.dma_semaphore, #tpu.memory_space<semaphore_mem>>) {add = true}
    %dma_start3A_66 = arith.constant 2 : i32
    %dma_start3A_67 = arith.constant 0 : i32
    %dma_start3A_68 = tpu.memref_slice %arg6[%dma_start3A_66, %dma_start3A_67] : memref<80x128xi32, #tpu.memory_space<vmem>> -> memref<1x128xi32, #tpu.memory_space<vmem>>
    %dma_start3A_69 = tpu.memref_squeeze %dma_start3A_68 : memref<1x128xi32, #tpu.memory_space<vmem>> -> memref<128xi32, #tpu.memory_space<vmem>>
    %dma_start3A_70 = arith.constant 0 : i32
    %dma_start3A_71 = arith.constant 0 : i32
    %dma_start3A_72 = tpu.memref_slice %arg9[%dma_start3A_70, %dma_start3A_71] : memref<10240x16xf32, #tpu.memory_space<vmem_shared>> -> memref<10240x16xf32, #tpu.memory_space<vmem_shared>>
    tpu.enqueue_indirect_dma source(%arg8 : memref<128x16xf32, #tpu.memory_space<vmem>>) target(%dma_start3A_72 : memref<10240x16xf32, #tpu.memory_space<vmem_shared>>) offsets(%dma_start3A_69 : memref<128xi32, #tpu.memory_space<vmem>>) semaphore(%arg13 : memref<!tpu.dma_semaphore, #tpu.memory_space<semaphore_mem>>) {add = true}
    %dma_start3A_73 = arith.constant 2 : i32
    %dma_start3A_74 = arith.constant 0 : i32
    %dma_start3A_75 = tpu.memref_slice %arg7[%dma_start3A_73, %dma_start3A_74] : memref<80x128xi32, #tpu.memory_space<vmem>> -> memref<1x128xi32, #tpu.memory_space<vmem>>
    %dma_start3A_76 = tpu.memref_squeeze %dma_start3A_75 : memref<1x128xi32, #tpu.memory_space<vmem>> -> memref<128xi32, #tpu.memory_space<vmem>>
    %dma_start3A_77 = arith.constant 0 : i32
    %dma_start3A_78 = arith.constant 0 : i32
    %dma_start3A_79 = tpu.memref_slice %arg10[%dma_start3A_77, %dma_start3A_78] : memref<10240x16xf32, #tpu.memory_space<vmem_shared>> -> memref<10240x16xf32, #tpu.memory_space<vmem_shared>>
    tpu.enqueue_indirect_dma source(%arg8 : memref<128x16xf32, #tpu.memory_space<vmem>>) target(%dma_start3A_79 : memref<10240x16xf32, #tpu.memory_space<vmem_shared>>) offsets(%dma_start3A_76 : memref<128xi32, #tpu.memory_space<vmem>>) semaphore(%arg21 : memref<!tpu.dma_semaphore, #tpu.memory_space<semaphore_mem>>) {add = true}
    %dma_start3A_80 = arith.constant 3 : i32
    %dma_start3A_81 = arith.constant 0 : i32
    %dma_start3A_82 = tpu.memref_slice %arg6[%dma_start3A_80, %dma_start3A_81] : memref<80x128xi32, #tpu.memory_space<vmem>> -> memref<1x128xi32, #tpu.memory_space<vmem>>
    %dma_start3A_83 = tpu.memref_squeeze %dma_start3A_82 : memref<1x128xi32, #tpu.memory_space<vmem>> -> memref<128xi32, #tpu.memory_space<vmem>>
    %dma_start3A_84 = arith.constant 0 : i32
    %dma_start3A_85 = arith.constant 0 : i32
    %dma_start3A_86 = tpu.memref_slice %arg9[%dma_start3A_84, %dma_start3A_85] : memref<10240x16xf32, #tpu.memory_space<vmem_shared>> -> memref<10240x16xf32, #tpu.memory_space<vmem_shared>>
    tpu.enqueue_indirect_dma source(%arg8 : memref<128x16xf32, #tpu.memory_space<vmem>>) target(%dma_start3A_86 : memref<10240x16xf32, #tpu.memory_space<vmem_shared>>) offsets(%dma_start3A_83 : memref<128xi32, #tpu.memory_space<vmem>>) semaphore(%arg14 : memref<!tpu.dma_semaphore, #tpu.memory_space<semaphore_mem>>) {add = true}
    %dma_start3A_87 = arith.constant 3 : i32
    %dma_start3A_88 = arith.constant 0 : i32
    %dma_start3A_89 = tpu.memref_slice %arg7[%dma_start3A_87, %dma_start3A_88] : memref<80x128xi32, #tpu.memory_space<vmem>> -> memref<1x128xi32, #tpu.memory_space<vmem>>
    %dma_start3A_90 = tpu.memref_squeeze %dma_start3A_89 : memref<1x128xi32, #tpu.memory_space<vmem>> -> memref<128xi32, #tpu.memory_space<vmem>>
    %dma_start3A_91 = arith.constant 0 : i32
    %dma_start3A_92 = arith.constant 0 : i32
    %dma_start3A_93 = tpu.memref_slice %arg10[%dma_start3A_91, %dma_start3A_92] : memref<10240x16xf32, #tpu.memory_space<vmem_shared>> -> memref<10240x16xf32, #tpu.memory_space<vmem_shared>>
    tpu.enqueue_indirect_dma source(%arg8 : memref<128x16xf32, #tpu.memory_space<vmem>>) target(%dma_start3A_93 : memref<10240x16xf32, #tpu.memory_space<vmem_shared>>) offsets(%dma_start3A_90 : memref<128xi32, #tpu.memory_space<vmem>>) semaphore(%arg22 : memref<!tpu.dma_semaphore, #tpu.memory_space<semaphore_mem>>) {add = true}
    %dma_start3A_94 = arith.constant 4 : i32
    %dma_start3A_95 = arith.constant 0 : i32
    %dma_start3A_96 = tpu.memref_slice %arg6[%dma_start3A_94, %dma_start3A_95] : memref<80x128xi32, #tpu.memory_space<vmem>> -> memref<1x128xi32, #tpu.memory_space<vmem>>
    %dma_start3A_97 = tpu.memref_squeeze %dma_start3A_96 : memref<1x128xi32, #tpu.memory_space<vmem>> -> memref<128xi32, #tpu.memory_space<vmem>>
    %dma_start3A_98 = arith.constant 0 : i32
    %dma_start3A_99 = arith.constant 0 : i32
    %dma_start3A_100 = tpu.memref_slice %arg9[%dma_start3A_98, %dma_start3A_99] : memref<10240x16xf32, #tpu.memory_space<vmem_shared>> -> memref<10240x16xf32, #tpu.memory_space<vmem_shared>>
    tpu.enqueue_indirect_dma source(%arg8 : memref<128x16xf32, #tpu.memory_space<vmem>>) target(%dma_start3A_100 : memref<10240x16xf32, #tpu.memory_space<vmem_shared>>) offsets(%dma_start3A_97 : memref<128xi32, #tpu.memory_space<vmem>>) semaphore(%arg15 : memref<!tpu.dma_semaphore, #tpu.memory_space<semaphore_mem>>) {add = true}
    %dma_start3A_101 = arith.constant 4 : i32
    %dma_start3A_102 = arith.constant 0 : i32
    %dma_start3A_103 = tpu.memref_slice %arg7[%dma_start3A_101, %dma_start3A_102] : memref<80x128xi32, #tpu.memory_space<vmem>> -> memref<1x128xi32, #tpu.memory_space<vmem>>
    %dma_start3A_104 = tpu.memref_squeeze %dma_start3A_103 : memref<1x128xi32, #tpu.memory_space<vmem>> -> memref<128xi32, #tpu.memory_space<vmem>>
    %dma_start3A_105 = arith.constant 0 : i32
    %dma_start3A_106 = arith.constant 0 : i32
    %dma_start3A_107 = tpu.memref_slice %arg10[%dma_start3A_105, %dma_start3A_106] : memref<10240x16xf32, #tpu.memory_space<vmem_shared>> -> memref<10240x16xf32, #tpu.memory_space<vmem_shared>>
    tpu.enqueue_indirect_dma source(%arg8 : memref<128x16xf32, #tpu.memory_space<vmem>>) target(%dma_start3A_107 : memref<10240x16xf32, #tpu.memory_space<vmem_shared>>) offsets(%dma_start3A_104 : memref<128xi32, #tpu.memory_space<vmem>>) semaphore(%arg23 : memref<!tpu.dma_semaphore, #tpu.memory_space<semaphore_mem>>) {add = true}
    %dma_start3A_108 = arith.constant 5 : i32
    %dma_start3A_109 = arith.constant 0 : i32
    %dma_start3A_110 = tpu.memref_slice %arg6[%dma_start3A_108, %dma_start3A_109] : memref<80x128xi32, #tpu.memory_space<vmem>> -> memref<1x128xi32, #tpu.memory_space<vmem>>
    %dma_start3A_111 = tpu.memref_squeeze %dma_start3A_110 : memref<1x128xi32, #tpu.memory_space<vmem>> -> memref<128xi32, #tpu.memory_space<vmem>>
    %dma_start3A_112 = arith.constant 0 : i32
    %dma_start3A_113 = arith.constant 0 : i32
    %dma_start3A_114 = tpu.memref_slice %arg9[%dma_start3A_112, %dma_start3A_113] : memref<10240x16xf32, #tpu.memory_space<vmem_shared>> -> memref<10240x16xf32, #tpu.memory_space<vmem_shared>>
    tpu.enqueue_indirect_dma source(%arg8 : memref<128x16xf32, #tpu.memory_space<vmem>>) target(%dma_start3A_114 : memref<10240x16xf32, #tpu.memory_space<vmem_shared>>) offsets(%dma_start3A_111 : memref<128xi32, #tpu.memory_space<vmem>>) semaphore(%arg16 : memref<!tpu.dma_semaphore, #tpu.memory_space<semaphore_mem>>) {add = true}
    %dma_start3A_115 = arith.constant 5 : i32
    %dma_start3A_116 = arith.constant 0 : i32
    %dma_start3A_117 = tpu.memref_slice %arg7[%dma_start3A_115, %dma_start3A_116] : memref<80x128xi32, #tpu.memory_space<vmem>> -> memref<1x128xi32, #tpu.memory_space<vmem>>
    %dma_start3A_118 = tpu.memref_squeeze %dma_start3A_117 : memref<1x128xi32, #tpu.memory_space<vmem>> -> memref<128xi32, #tpu.memory_space<vmem>>
    %dma_start3A_119 = arith.constant 0 : i32
    %dma_start3A_120 = arith.constant 0 : i32
    %dma_start3A_121 = tpu.memref_slice %arg10[%dma_start3A_119, %dma_start3A_120] : memref<10240x16xf32, #tpu.memory_space<vmem_shared>> -> memref<10240x16xf32, #tpu.memory_space<vmem_shared>>
    tpu.enqueue_indirect_dma source(%arg8 : memref<128x16xf32, #tpu.memory_space<vmem>>) target(%dma_start3A_121 : memref<10240x16xf32, #tpu.memory_space<vmem_shared>>) offsets(%dma_start3A_118 : memref<128xi32, #tpu.memory_space<vmem>>) semaphore(%arg24 : memref<!tpu.dma_semaphore, #tpu.memory_space<semaphore_mem>>) {add = true}
    %dma_start3A_122 = arith.constant 6 : i32
    %dma_start3A_123 = arith.constant 0 : i32
    %dma_start3A_124 = tpu.memref_slice %arg6[%dma_start3A_122, %dma_start3A_123] : memref<80x128xi32, #tpu.memory_space<vmem>> -> memref<1x128xi32, #tpu.memory_space<vmem>>
    %dma_start3A_125 = tpu.memref_squeeze %dma_start3A_124 : memref<1x128xi32, #tpu.memory_space<vmem>> -> memref<128xi32, #tpu.memory_space<vmem>>
    %dma_start3A_126 = arith.constant 0 : i32
    %dma_start3A_127 = arith.constant 0 : i32
    %dma_start3A_128 = tpu.memref_slice %arg9[%dma_start3A_126, %dma_start3A_127] : memref<10240x16xf32, #tpu.memory_space<vmem_shared>> -> memref<10240x16xf32, #tpu.memory_space<vmem_shared>>
    tpu.enqueue_indirect_dma source(%arg8 : memref<128x16xf32, #tpu.memory_space<vmem>>) target(%dma_start3A_128 : memref<10240x16xf32, #tpu.memory_space<vmem_shared>>) offsets(%dma_start3A_125 : memref<128xi32, #tpu.memory_space<vmem>>) semaphore(%arg17 : memref<!tpu.dma_semaphore, #tpu.memory_space<semaphore_mem>>) {add = true}
    %dma_start3A_129 = arith.constant 6 : i32
    %dma_start3A_130 = arith.constant 0 : i32
    %dma_start3A_131 = tpu.memref_slice %arg7[%dma_start3A_129, %dma_start3A_130] : memref<80x128xi32, #tpu.memory_space<vmem>> -> memref<1x128xi32, #tpu.memory_space<vmem>>
    %dma_start3A_132 = tpu.memref_squeeze %dma_start3A_131 : memref<1x128xi32, #tpu.memory_space<vmem>> -> memref<128xi32, #tpu.memory_space<vmem>>
    %dma_start3A_133 = arith.constant 0 : i32
    %dma_start3A_134 = arith.constant 0 : i32
    %dma_start3A_135 = tpu.memref_slice %arg10[%dma_start3A_133, %dma_start3A_134] : memref<10240x16xf32, #tpu.memory_space<vmem_shared>> -> memref<10240x16xf32, #tpu.memory_space<vmem_shared>>
    tpu.enqueue_indirect_dma source(%arg8 : memref<128x16xf32, #tpu.memory_space<vmem>>) target(%dma_start3A_135 : memref<10240x16xf32, #tpu.memory_space<vmem_shared>>) offsets(%dma_start3A_132 : memref<128xi32, #tpu.memory_space<vmem>>) semaphore(%arg25 : memref<!tpu.dma_semaphore, #tpu.memory_space<semaphore_mem>>) {add = true}
    %dma_start3A_136 = arith.constant 7 : i32
    %dma_start3A_137 = arith.constant 0 : i32
    %dma_start3A_138 = tpu.memref_slice %arg6[%dma_start3A_136, %dma_start3A_137] : memref<80x128xi32, #tpu.memory_space<vmem>> -> memref<1x128xi32, #tpu.memory_space<vmem>>
    %dma_start3A_139 = tpu.memref_squeeze %dma_start3A_138 : memref<1x128xi32, #tpu.memory_space<vmem>> -> memref<128xi32, #tpu.memory_space<vmem>>
    %dma_start3A_140 = arith.constant 0 : i32
    %dma_start3A_141 = arith.constant 0 : i32
    %dma_start3A_142 = tpu.memref_slice %arg9[%dma_start3A_140, %dma_start3A_141] : memref<10240x16xf32, #tpu.memory_space<vmem_shared>> -> memref<10240x16xf32, #tpu.memory_space<vmem_shared>>
    tpu.enqueue_indirect_dma source(%arg8 : memref<128x16xf32, #tpu.memory_space<vmem>>) target(%dma_start3A_142 : memref<10240x16xf32, #tpu.memory_space<vmem_shared>>) offsets(%dma_start3A_139 : memref<128xi32, #tpu.memory_space<vmem>>) semaphore(%arg18 : memref<!tpu.dma_semaphore, #tpu.memory_space<semaphore_mem>>) {add = true}
    %dma_start3A_143 = arith.constant 7 : i32
    %dma_start3A_144 = arith.constant 0 : i32
    %dma_start3A_145 = tpu.memref_slice %arg7[%dma_start3A_143, %dma_start3A_144] : memref<80x128xi32, #tpu.memory_space<vmem>> -> memref<1x128xi32, #tpu.memory_space<vmem>>
    %dma_start3A_146 = tpu.memref_squeeze %dma_start3A_145 : memref<1x128xi32, #tpu.memory_space<vmem>> -> memref<128xi32, #tpu.memory_space<vmem>>
    %dma_start3A_147 = arith.constant 0 : i32
    %dma_start3A_148 = arith.constant 0 : i32
    %dma_start3A_149 = tpu.memref_slice %arg10[%dma_start3A_147, %dma_start3A_148] : memref<10240x16xf32, #tpu.memory_space<vmem_shared>> -> memref<10240x16xf32, #tpu.memory_space<vmem_shared>>
    tpu.enqueue_indirect_dma source(%arg8 : memref<128x16xf32, #tpu.memory_space<vmem>>) target(%dma_start3A_149 : memref<10240x16xf32, #tpu.memory_space<vmem_shared>>) offsets(%dma_start3A_146 : memref<128xi32, #tpu.memory_space<vmem>>) semaphore(%arg26 : memref<!tpu.dma_semaphore, #tpu.memory_space<semaphore_mem>>) {add = true}
    %scan3A_150 = arith.constant 0 : i32
    %scan3A_151 = arith.constant 0 : i32
    %scan3A_152 = arith.constant 10 : i32
    %scan3A_153 = arith.addi %scan3A_151, %scan3A_152 : i32
    %scan3A_154 = arith.constant 1 : i32
    %scan3A_155 = scf.for %scan3A_319 = %scan3A_151 to %scan3A_153 step %scan3A_154 iter_args(%scan3A_320 = %scan3A_150) -> (i32)  : i32 {
      %mul3A_321 = arith.constant 8 : i32
      %mul3A_322 = arith.muli %scan3A_319, %mul3A_321 : i32
      %add3A_323 = arith.constant 0 : i32
      %add3A_324 = arith.addi %mul3A_322, %add3A_323 : i32
      %add3A_325 = arith.constant 8 : i32
      %add3A_326 = arith.addi %add3A_324, %add3A_325 : i32
      %lt3A = arith.constant 80 : i32
      %lt3A_327 = arith.cmpi slt, %add3A_326, %lt3A : i32
      %convert_element_type3A = arith.extui %lt3A_327 : i1 to i32
      %cond3A = arith.constant 0 : i32
      %cond3A_328 = arith.cmpi ne, %convert_element_type3A, %cond3A : i32
      scf.if %cond3A_328 {
        %dma_wait3A_393 = arith.constant 0 : i32
        %dma_wait3A_394 = arith.constant 0 : i32
        %dma_wait3A_395 = tpu.memref_slice %arg6[%dma_wait3A_393, %dma_wait3A_394] : memref<80x128xi32, #tpu.memory_space<vmem>> -> memref<1x128xi32, #tpu.memory_space<vmem>>
        %dma_wait3A_396 = tpu.memref_squeeze %dma_wait3A_395 : memref<1x128xi32, #tpu.memory_space<vmem>> -> memref<128xi32, #tpu.memory_space<vmem>>
        %dma_wait3A_397 = arith.constant 0 : i32
        %dma_wait3A_398 = arith.constant 0 : i32
        %dma_wait3A_399 = tpu.memref_slice %arg9[%dma_wait3A_397, %dma_wait3A_398] : memref<10240x16xf32, #tpu.memory_space<vmem_shared>> -> memref<10240x16xf32, #tpu.memory_space<vmem_shared>>
        tpu.wait_indirect_dma semaphore(%arg11 : memref<!tpu.dma_semaphore, #tpu.memory_space<semaphore_mem>>) src(%arg8 : memref<128x16xf32, #tpu.memory_space<vmem>>) dst(%dma_wait3A_399 : memref<10240x16xf32, #tpu.memory_space<vmem_shared>>)
        %dma_wait3A_400 = arith.constant 0 : i32
        %dma_wait3A_401 = arith.constant 0 : i32
        %dma_wait3A_402 = tpu.memref_slice %arg7[%dma_wait3A_400, %dma_wait3A_401] : memref<80x128xi32, #tpu.memory_space<vmem>> -> memref<1x128xi32, #tpu.memory_space<vmem>>
        %dma_wait3A_403 = tpu.memref_squeeze %dma_wait3A_402 : memref<1x128xi32, #tpu.memory_space<vmem>> -> memref<128xi32, #tpu.memory_space<vmem>>
        %dma_wait3A_404 = arith.constant 0 : i32
        %dma_wait3A_405 = arith.constant 0 : i32
        %dma_wait3A_406 = tpu.memref_slice %arg10[%dma_wait3A_404, %dma_wait3A_405] : memref<10240x16xf32, #tpu.memory_space<vmem_shared>> -> memref<10240x16xf32, #tpu.memory_space<vmem_shared>>
        tpu.wait_indirect_dma semaphore(%arg19 : memref<!tpu.dma_semaphore, #tpu.memory_space<semaphore_mem>>) src(%arg8 : memref<128x16xf32, #tpu.memory_space<vmem>>) dst(%dma_wait3A_406 : memref<10240x16xf32, #tpu.memory_space<vmem_shared>>)
        %add3A_407 = arith.constant 0 : i32
        %add3A_408 = arith.addi %mul3A_322, %add3A_407 : i32
        %add3A_409 = arith.constant 8 : i32
        %add3A_410 = arith.addi %add3A_408, %add3A_409 : i32
        %dma_start3A_411 = arith.constant 0 : i32
        %dma_start3A_412 = tpu.memref_slice %arg6[%add3A_410, %dma_start3A_411] : memref<80x128xi32, #tpu.memory_space<vmem>> -> memref<1x128xi32, #tpu.memory_space<vmem>>
        %dma_start3A_413 = tpu.memref_squeeze %dma_start3A_412 : memref<1x128xi32, #tpu.memory_space<vmem>> -> memref<128xi32, #tpu.memory_space<vmem>>
        %dma_start3A_414 = arith.constant 0 : i32
        %dma_start3A_415 = arith.constant 0 : i32
        %dma_start3A_416 = tpu.memref_slice %arg9[%dma_start3A_414, %dma_start3A_415] : memref<10240x16xf32, #tpu.memory_space<vmem_shared>> -> memref<10240x16xf32, #tpu.memory_space<vmem_shared>>
        tpu.enqueue_indirect_dma source(%arg8 : memref<128x16xf32, #tpu.memory_space<vmem>>) target(%dma_start3A_416 : memref<10240x16xf32, #tpu.memory_space<vmem_shared>>) offsets(%dma_start3A_413 : memref<128xi32, #tpu.memory_space<vmem>>) semaphore(%arg11 : memref<!tpu.dma_semaphore, #tpu.memory_space<semaphore_mem>>) {add = true}
        %dma_start3A_417 = arith.constant 0 : i32
        %dma_start3A_418 = tpu.memref_slice %arg7[%add3A_410, %dma_start3A_417] : memref<80x128xi32, #tpu.memory_space<vmem>> -> memref<1x128xi32, #tpu.memory_space<vmem>>
        %dma_start3A_419 = tpu.memref_squeeze %dma_start3A_418 : memref<1x128xi32, #tpu.memory_space<vmem>> -> memref<128xi32, #tpu.memory_space<vmem>>
        %dma_start3A_420 = arith.constant 0 : i32
        %dma_start3A_421 = arith.constant 0 : i32
        %dma_start3A_422 = tpu.memref_slice %arg10[%dma_start3A_420, %dma_start3A_421] : memref<10240x16xf32, #tpu.memory_space<vmem_shared>> -> memref<10240x16xf32, #tpu.memory_space<vmem_shared>>
        tpu.enqueue_indirect_dma source(%arg8 : memref<128x16xf32, #tpu.memory_space<vmem>>) target(%dma_start3A_422 : memref<10240x16xf32, #tpu.memory_space<vmem_shared>>) offsets(%dma_start3A_419 : memref<128xi32, #tpu.memory_space<vmem>>) semaphore(%arg19 : memref<!tpu.dma_semaphore, #tpu.memory_space<semaphore_mem>>) {add = true}
      } else {
      }
      %add3A_329 = arith.constant 1 : i32
      %add3A_330 = arith.addi %mul3A_322, %add3A_329 : i32
      %add3A_331 = arith.constant 8 : i32
      %add3A_332 = arith.addi %add3A_330, %add3A_331 : i32
      %lt3A_333 = arith.constant 80 : i32
      %lt3A_334 = arith.cmpi slt, %add3A_332, %lt3A_333 : i32
      %convert_element_type3A_335 = arith.extui %lt3A_334 : i1 to i32
      %cond3A_336 = arith.constant 0 : i32
      %cond3A_337 = arith.cmpi ne, %convert_element_type3A_335, %cond3A_336 : i32
      scf.if %cond3A_337 {
        %dma_wait3A_393 = arith.constant 0 : i32
        %dma_wait3A_394 = arith.constant 0 : i32
        %dma_wait3A_395 = tpu.memref_slice %arg6[%dma_wait3A_393, %dma_wait3A_394] : memref<80x128xi32, #tpu.memory_space<vmem>> -> memref<1x128xi32, #tpu.memory_space<vmem>>
        %dma_wait3A_396 = tpu.memref_squeeze %dma_wait3A_395 : memref<1x128xi32, #tpu.memory_space<vmem>> -> memref<128xi32, #tpu.memory_space<vmem>>
        %dma_wait3A_397 = arith.constant 0 : i32
        %dma_wait3A_398 = arith.constant 0 : i32
        %dma_wait3A_399 = tpu.memref_slice %arg9[%dma_wait3A_397, %dma_wait3A_398] : memref<10240x16xf32, #tpu.memory_space<vmem_shared>> -> memref<10240x16xf32, #tpu.memory_space<vmem_shared>>
        tpu.wait_indirect_dma semaphore(%arg12 : memref<!tpu.dma_semaphore, #tpu.memory_space<semaphore_mem>>) src(%arg8 : memref<128x16xf32, #tpu.memory_space<vmem>>) dst(%dma_wait3A_399 : memref<10240x16xf32, #tpu.memory_space<vmem_shared>>)
        %dma_wait3A_400 = arith.constant 0 : i32
        %dma_wait3A_401 = arith.constant 0 : i32
        %dma_wait3A_402 = tpu.memref_slice %arg7[%dma_wait3A_400, %dma_wait3A_401] : memref<80x128xi32, #tpu.memory_space<vmem>> -> memref<1x128xi32, #tpu.memory_space<vmem>>
        %dma_wait3A_403 = tpu.memref_squeeze %dma_wait3A_402 : memref<1x128xi32, #tpu.memory_space<vmem>> -> memref<128xi32, #tpu.memory_space<vmem>>
        %dma_wait3A_404 = arith.constant 0 : i32
        %dma_wait3A_405 = arith.constant 0 : i32
        %dma_wait3A_406 = tpu.memref_slice %arg10[%dma_wait3A_404, %dma_wait3A_405] : memref<10240x16xf32, #tpu.memory_space<vmem_shared>> -> memref<10240x16xf32, #tpu.memory_space<vmem_shared>>
        tpu.wait_indirect_dma semaphore(%arg20 : memref<!tpu.dma_semaphore, #tpu.memory_space<semaphore_mem>>) src(%arg8 : memref<128x16xf32, #tpu.memory_space<vmem>>) dst(%dma_wait3A_406 : memref<10240x16xf32, #tpu.memory_space<vmem_shared>>)
        %add3A_407 = arith.constant 1 : i32
        %add3A_408 = arith.addi %mul3A_322, %add3A_407 : i32
        %add3A_409 = arith.constant 8 : i32
        %add3A_410 = arith.addi %add3A_408, %add3A_409 : i32
        %dma_start3A_411 = arith.constant 0 : i32
        %dma_start3A_412 = tpu.memref_slice %arg6[%add3A_410, %dma_start3A_411] : memref<80x128xi32, #tpu.memory_space<vmem>> -> memref<1x128xi32, #tpu.memory_space<vmem>>
        %dma_start3A_413 = tpu.memref_squeeze %dma_start3A_412 : memref<1x128xi32, #tpu.memory_space<vmem>> -> memref<128xi32, #tpu.memory_space<vmem>>
        %dma_start3A_414 = arith.constant 0 : i32
        %dma_start3A_415 = arith.constant 0 : i32
        %dma_start3A_416 = tpu.memref_slice %arg9[%dma_start3A_414, %dma_start3A_415] : memref<10240x16xf32, #tpu.memory_space<vmem_shared>> -> memref<10240x16xf32, #tpu.memory_space<vmem_shared>>
        tpu.enqueue_indirect_dma source(%arg8 : memref<128x16xf32, #tpu.memory_space<vmem>>) target(%dma_start3A_416 : memref<10240x16xf32, #tpu.memory_space<vmem_shared>>) offsets(%dma_start3A_413 : memref<128xi32, #tpu.memory_space<vmem>>) semaphore(%arg12 : memref<!tpu.dma_semaphore, #tpu.memory_space<semaphore_mem>>) {add = true}
        %dma_start3A_417 = arith.constant 0 : i32
        %dma_start3A_418 = tpu.memref_slice %arg7[%add3A_410, %dma_start3A_417] : memref<80x128xi32, #tpu.memory_space<vmem>> -> memref<1x128xi32, #tpu.memory_space<vmem>>
        %dma_start3A_419 = tpu.memref_squeeze %dma_start3A_418 : memref<1x128xi32, #tpu.memory_space<vmem>> -> memref<128xi32, #tpu.memory_space<vmem>>
        %dma_start3A_420 = arith.constant 0 : i32
        %dma_start3A_421 = arith.constant 0 : i32
        %dma_start3A_422 = tpu.memref_slice %arg10[%dma_start3A_420, %dma_start3A_421] : memref<10240x16xf32, #tpu.memory_space<vmem_shared>> -> memref<10240x16xf32, #tpu.memory_space<vmem_shared>>
        tpu.enqueue_indirect_dma source(%arg8 : memref<128x16xf32, #tpu.memory_space<vmem>>) target(%dma_start3A_422 : memref<10240x16xf32, #tpu.memory_space<vmem_shared>>) offsets(%dma_start3A_419 : memref<128xi32, #tpu.memory_space<vmem>>) semaphore(%arg20 : memref<!tpu.dma_semaphore, #tpu.memory_space<semaphore_mem>>) {add = true}
      } else {
      }
      %add3A_338 = arith.constant 2 : i32
      %add3A_339 = arith.addi %mul3A_322, %add3A_338 : i32
      %add3A_340 = arith.constant 8 : i32
      %add3A_341 = arith.addi %add3A_339, %add3A_340 : i32
      %lt3A_342 = arith.constant 80 : i32
      %lt3A_343 = arith.cmpi slt, %add3A_341, %lt3A_342 : i32
      %convert_element_type3A_344 = arith.extui %lt3A_343 : i1 to i32
      %cond3A_345 = arith.constant 0 : i32
      %cond3A_346 = arith.cmpi ne, %convert_element_type3A_344, %cond3A_345 : i32
      scf.if %cond3A_346 {
        %dma_wait3A_393 = arith.constant 0 : i32
        %dma_wait3A_394 = arith.constant 0 : i32
        %dma_wait3A_395 = tpu.memref_slice %arg6[%dma_wait3A_393, %dma_wait3A_394] : memref<80x128xi32, #tpu.memory_space<vmem>> -> memref<1x128xi32, #tpu.memory_space<vmem>>
        %dma_wait3A_396 = tpu.memref_squeeze %dma_wait3A_395 : memref<1x128xi32, #tpu.memory_space<vmem>> -> memref<128xi32, #tpu.memory_space<vmem>>
        %dma_wait3A_397 = arith.constant 0 : i32
        %dma_wait3A_398 = arith.constant 0 : i32
        %dma_wait3A_399 = tpu.memref_slice %arg9[%dma_wait3A_397, %dma_wait3A_398] : memref<10240x16xf32, #tpu.memory_space<vmem_shared>> -> memref<10240x16xf32, #tpu.memory_space<vmem_shared>>
        tpu.wait_indirect_dma semaphore(%arg13 : memref<!tpu.dma_semaphore, #tpu.memory_space<semaphore_mem>>) src(%arg8 : memref<128x16xf32, #tpu.memory_space<vmem>>) dst(%dma_wait3A_399 : memref<10240x16xf32, #tpu.memory_space<vmem_shared>>)
        %dma_wait3A_400 = arith.constant 0 : i32
        %dma_wait3A_401 = arith.constant 0 : i32
        %dma_wait3A_402 = tpu.memref_slice %arg7[%dma_wait3A_400, %dma_wait3A_401] : memref<80x128xi32, #tpu.memory_space<vmem>> -> memref<1x128xi32, #tpu.memory_space<vmem>>
        %dma_wait3A_403 = tpu.memref_squeeze %dma_wait3A_402 : memref<1x128xi32, #tpu.memory_space<vmem>> -> memref<128xi32, #tpu.memory_space<vmem>>
        %dma_wait3A_404 = arith.constant 0 : i32
        %dma_wait3A_405 = arith.constant 0 : i32
        %dma_wait3A_406 = tpu.memref_slice %arg10[%dma_wait3A_404, %dma_wait3A_405] : memref<10240x16xf32, #tpu.memory_space<vmem_shared>> -> memref<10240x16xf32, #tpu.memory_space<vmem_shared>>
        tpu.wait_indirect_dma semaphore(%arg21 : memref<!tpu.dma_semaphore, #tpu.memory_space<semaphore_mem>>) src(%arg8 : memref<128x16xf32, #tpu.memory_space<vmem>>) dst(%dma_wait3A_406 : memref<10240x16xf32, #tpu.memory_space<vmem_shared>>)
        %add3A_407 = arith.constant 2 : i32
        %add3A_408 = arith.addi %mul3A_322, %add3A_407 : i32
        %add3A_409 = arith.constant 8 : i32
        %add3A_410 = arith.addi %add3A_408, %add3A_409 : i32
        %dma_start3A_411 = arith.constant 0 : i32
        %dma_start3A_412 = tpu.memref_slice %arg6[%add3A_410, %dma_start3A_411] : memref<80x128xi32, #tpu.memory_space<vmem>> -> memref<1x128xi32, #tpu.memory_space<vmem>>
        %dma_start3A_413 = tpu.memref_squeeze %dma_start3A_412 : memref<1x128xi32, #tpu.memory_space<vmem>> -> memref<128xi32, #tpu.memory_space<vmem>>
        %dma_start3A_414 = arith.constant 0 : i32
        %dma_start3A_415 = arith.constant 0 : i32
        %dma_start3A_416 = tpu.memref_slice %arg9[%dma_start3A_414, %dma_start3A_415] : memref<10240x16xf32, #tpu.memory_space<vmem_shared>> -> memref<10240x16xf32, #tpu.memory_space<vmem_shared>>
        tpu.enqueue_indirect_dma source(%arg8 : memref<128x16xf32, #tpu.memory_space<vmem>>) target(%dma_start3A_416 : memref<10240x16xf32, #tpu.memory_space<vmem_shared>>) offsets(%dma_start3A_413 : memref<128xi32, #tpu.memory_space<vmem>>) semaphore(%arg13 : memref<!tpu.dma_semaphore, #tpu.memory_space<semaphore_mem>>) {add = true}
        %dma_start3A_417 = arith.constant 0 : i32
        %dma_start3A_418 = tpu.memref_slice %arg7[%add3A_410, %dma_start3A_417] : memref<80x128xi32, #tpu.memory_space<vmem>> -> memref<1x128xi32, #tpu.memory_space<vmem>>
        %dma_start3A_419 = tpu.memref_squeeze %dma_start3A_418 : memref<1x128xi32, #tpu.memory_space<vmem>> -> memref<128xi32, #tpu.memory_space<vmem>>
        %dma_start3A_420 = arith.constant 0 : i32
        %dma_start3A_421 = arith.constant 0 : i32
        %dma_start3A_422 = tpu.memref_slice %arg10[%dma_start3A_420, %dma_start3A_421] : memref<10240x16xf32, #tpu.memory_space<vmem_shared>> -> memref<10240x16xf32, #tpu.memory_space<vmem_shared>>
        tpu.enqueue_indirect_dma source(%arg8 : memref<128x16xf32, #tpu.memory_space<vmem>>) target(%dma_start3A_422 : memref<10240x16xf32, #tpu.memory_space<vmem_shared>>) offsets(%dma_start3A_419 : memref<128xi32, #tpu.memory_space<vmem>>) semaphore(%arg21 : memref<!tpu.dma_semaphore, #tpu.memory_space<semaphore_mem>>) {add = true}
      } else {
      }
      %add3A_347 = arith.constant 3 : i32
      %add3A_348 = arith.addi %mul3A_322, %add3A_347 : i32
      %add3A_349 = arith.constant 8 : i32
      %add3A_350 = arith.addi %add3A_348, %add3A_349 : i32
      %lt3A_351 = arith.constant 80 : i32
      %lt3A_352 = arith.cmpi slt, %add3A_350, %lt3A_351 : i32
      %convert_element_type3A_353 = arith.extui %lt3A_352 : i1 to i32
      %cond3A_354 = arith.constant 0 : i32
      %cond3A_355 = arith.cmpi ne, %convert_element_type3A_353, %cond3A_354 : i32
      scf.if %cond3A_355 {
        %dma_wait3A_393 = arith.constant 0 : i32
        %dma_wait3A_394 = arith.constant 0 : i32
        %dma_wait3A_395 = tpu.memref_slice %arg6[%dma_wait3A_393, %dma_wait3A_394] : memref<80x128xi32, #tpu.memory_space<vmem>> -> memref<1x128xi32, #tpu.memory_space<vmem>>
        %dma_wait3A_396 = tpu.memref_squeeze %dma_wait3A_395 : memref<1x128xi32, #tpu.memory_space<vmem>> -> memref<128xi32, #tpu.memory_space<vmem>>
        %dma_wait3A_397 = arith.constant 0 : i32
        %dma_wait3A_398 = arith.constant 0 : i32
        %dma_wait3A_399 = tpu.memref_slice %arg9[%dma_wait3A_397, %dma_wait3A_398] : memref<10240x16xf32, #tpu.memory_space<vmem_shared>> -> memref<10240x16xf32, #tpu.memory_space<vmem_shared>>
        tpu.wait_indirect_dma semaphore(%arg14 : memref<!tpu.dma_semaphore, #tpu.memory_space<semaphore_mem>>) src(%arg8 : memref<128x16xf32, #tpu.memory_space<vmem>>) dst(%dma_wait3A_399 : memref<10240x16xf32, #tpu.memory_space<vmem_shared>>)
        %dma_wait3A_400 = arith.constant 0 : i32
        %dma_wait3A_401 = arith.constant 0 : i32
        %dma_wait3A_402 = tpu.memref_slice %arg7[%dma_wait3A_400, %dma_wait3A_401] : memref<80x128xi32, #tpu.memory_space<vmem>> -> memref<1x128xi32, #tpu.memory_space<vmem>>
        %dma_wait3A_403 = tpu.memref_squeeze %dma_wait3A_402 : memref<1x128xi32, #tpu.memory_space<vmem>> -> memref<128xi32, #tpu.memory_space<vmem>>
        %dma_wait3A_404 = arith.constant 0 : i32
        %dma_wait3A_405 = arith.constant 0 : i32
        %dma_wait3A_406 = tpu.memref_slice %arg10[%dma_wait3A_404, %dma_wait3A_405] : memref<10240x16xf32, #tpu.memory_space<vmem_shared>> -> memref<10240x16xf32, #tpu.memory_space<vmem_shared>>
        tpu.wait_indirect_dma semaphore(%arg22 : memref<!tpu.dma_semaphore, #tpu.memory_space<semaphore_mem>>) src(%arg8 : memref<128x16xf32, #tpu.memory_space<vmem>>) dst(%dma_wait3A_406 : memref<10240x16xf32, #tpu.memory_space<vmem_shared>>)
        %add3A_407 = arith.constant 3 : i32
        %add3A_408 = arith.addi %mul3A_322, %add3A_407 : i32
        %add3A_409 = arith.constant 8 : i32
        %add3A_410 = arith.addi %add3A_408, %add3A_409 : i32
        %dma_start3A_411 = arith.constant 0 : i32
        %dma_start3A_412 = tpu.memref_slice %arg6[%add3A_410, %dma_start3A_411] : memref<80x128xi32, #tpu.memory_space<vmem>> -> memref<1x128xi32, #tpu.memory_space<vmem>>
        %dma_start3A_413 = tpu.memref_squeeze %dma_start3A_412 : memref<1x128xi32, #tpu.memory_space<vmem>> -> memref<128xi32, #tpu.memory_space<vmem>>
        %dma_start3A_414 = arith.constant 0 : i32
        %dma_start3A_415 = arith.constant 0 : i32
        %dma_start3A_416 = tpu.memref_slice %arg9[%dma_start3A_414, %dma_start3A_415] : memref<10240x16xf32, #tpu.memory_space<vmem_shared>> -> memref<10240x16xf32, #tpu.memory_space<vmem_shared>>
        tpu.enqueue_indirect_dma source(%arg8 : memref<128x16xf32, #tpu.memory_space<vmem>>) target(%dma_start3A_416 : memref<10240x16xf32, #tpu.memory_space<vmem_shared>>) offsets(%dma_start3A_413 : memref<128xi32, #tpu.memory_space<vmem>>) semaphore(%arg14 : memref<!tpu.dma_semaphore, #tpu.memory_space<semaphore_mem>>) {add = true}
        %dma_start3A_417 = arith.constant 0 : i32
        %dma_start3A_418 = tpu.memref_slice %arg7[%add3A_410, %dma_start3A_417] : memref<80x128xi32, #tpu.memory_space<vmem>> -> memref<1x128xi32, #tpu.memory_space<vmem>>
        %dma_start3A_419 = tpu.memref_squeeze %dma_start3A_418 : memref<1x128xi32, #tpu.memory_space<vmem>> -> memref<128xi32, #tpu.memory_space<vmem>>
        %dma_start3A_420 = arith.constant 0 : i32
        %dma_start3A_421 = arith.constant 0 : i32
        %dma_start3A_422 = tpu.memref_slice %arg10[%dma_start3A_420, %dma_start3A_421] : memref<10240x16xf32, #tpu.memory_space<vmem_shared>> -> memref<10240x16xf32, #tpu.memory_space<vmem_shared>>
        tpu.enqueue_indirect_dma source(%arg8 : memref<128x16xf32, #tpu.memory_space<vmem>>) target(%dma_start3A_422 : memref<10240x16xf32, #tpu.memory_space<vmem_shared>>) offsets(%dma_start3A_419 : memref<128xi32, #tpu.memory_space<vmem>>) semaphore(%arg22 : memref<!tpu.dma_semaphore, #tpu.memory_space<semaphore_mem>>) {add = true}
      } else {
      }
      %add3A_356 = arith.constant 4 : i32
      %add3A_357 = arith.addi %mul3A_322, %add3A_356 : i32
      %add3A_358 = arith.constant 8 : i32
      %add3A_359 = arith.addi %add3A_357, %add3A_358 : i32
      %lt3A_360 = arith.constant 80 : i32
      %lt3A_361 = arith.cmpi slt, %add3A_359, %lt3A_360 : i32
      %convert_element_type3A_362 = arith.extui %lt3A_361 : i1 to i32
      %cond3A_363 = arith.constant 0 : i32
      %cond3A_364 = arith.cmpi ne, %convert_element_type3A_362, %cond3A_363 : i32
      scf.if %cond3A_364 {
        %dma_wait3A_393 = arith.constant 0 : i32
        %dma_wait3A_394 = arith.constant 0 : i32
        %dma_wait3A_395 = tpu.memref_slice %arg6[%dma_wait3A_393, %dma_wait3A_394] : memref<80x128xi32, #tpu.memory_space<vmem>> -> memref<1x128xi32, #tpu.memory_space<vmem>>
        %dma_wait3A_396 = tpu.memref_squeeze %dma_wait3A_395 : memref<1x128xi32, #tpu.memory_space<vmem>> -> memref<128xi32, #tpu.memory_space<vmem>>
        %dma_wait3A_397 = arith.constant 0 : i32
        %dma_wait3A_398 = arith.constant 0 : i32
        %dma_wait3A_399 = tpu.memref_slice %arg9[%dma_wait3A_397, %dma_wait3A_398] : memref<10240x16xf32, #tpu.memory_space<vmem_shared>> -> memref<10240x16xf32, #tpu.memory_space<vmem_shared>>
        tpu.wait_indirect_dma semaphore(%arg15 : memref<!tpu.dma_semaphore, #tpu.memory_space<semaphore_mem>>) src(%arg8 : memref<128x16xf32, #tpu.memory_space<vmem>>) dst(%dma_wait3A_399 : memref<10240x16xf32, #tpu.memory_space<vmem_shared>>)
        %dma_wait3A_400 = arith.constant 0 : i32
        %dma_wait3A_401 = arith.constant 0 : i32
        %dma_wait3A_402 = tpu.memref_slice %arg7[%dma_wait3A_400, %dma_wait3A_401] : memref<80x128xi32, #tpu.memory_space<vmem>> -> memref<1x128xi32, #tpu.memory_space<vmem>>
        %dma_wait3A_403 = tpu.memref_squeeze %dma_wait3A_402 : memref<1x128xi32, #tpu.memory_space<vmem>> -> memref<128xi32, #tpu.memory_space<vmem>>
        %dma_wait3A_404 = arith.constant 0 : i32
        %dma_wait3A_405 = arith.constant 0 : i32
        %dma_wait3A_406 = tpu.memref_slice %arg10[%dma_wait3A_404, %dma_wait3A_405] : memref<10240x16xf32, #tpu.memory_space<vmem_shared>> -> memref<10240x16xf32, #tpu.memory_space<vmem_shared>>
        tpu.wait_indirect_dma semaphore(%arg23 : memref<!tpu.dma_semaphore, #tpu.memory_space<semaphore_mem>>) src(%arg8 : memref<128x16xf32, #tpu.memory_space<vmem>>) dst(%dma_wait3A_406 : memref<10240x16xf32, #tpu.memory_space<vmem_shared>>)
        %add3A_407 = arith.constant 4 : i32
        %add3A_408 = arith.addi %mul3A_322, %add3A_407 : i32
        %add3A_409 = arith.constant 8 : i32
        %add3A_410 = arith.addi %add3A_408, %add3A_409 : i32
        %dma_start3A_411 = arith.constant 0 : i32
        %dma_start3A_412 = tpu.memref_slice %arg6[%add3A_410, %dma_start3A_411] : memref<80x128xi32, #tpu.memory_space<vmem>> -> memref<1x128xi32, #tpu.memory_space<vmem>>
        %dma_start3A_413 = tpu.memref_squeeze %dma_start3A_412 : memref<1x128xi32, #tpu.memory_space<vmem>> -> memref<128xi32, #tpu.memory_space<vmem>>
        %dma_start3A_414 = arith.constant 0 : i32
        %dma_start3A_415 = arith.constant 0 : i32
        %dma_start3A_416 = tpu.memref_slice %arg9[%dma_start3A_414, %dma_start3A_415] : memref<10240x16xf32, #tpu.memory_space<vmem_shared>> -> memref<10240x16xf32, #tpu.memory_space<vmem_shared>>
        tpu.enqueue_indirect_dma source(%arg8 : memref<128x16xf32, #tpu.memory_space<vmem>>) target(%dma_start3A_416 : memref<10240x16xf32, #tpu.memory_space<vmem_shared>>) offsets(%dma_start3A_413 : memref<128xi32, #tpu.memory_space<vmem>>) semaphore(%arg15 : memref<!tpu.dma_semaphore, #tpu.memory_space<semaphore_mem>>) {add = true}
        %dma_start3A_417 = arith.constant 0 : i32
        %dma_start3A_418 = tpu.memref_slice %arg7[%add3A_410, %dma_start3A_417] : memref<80x128xi32, #tpu.memory_space<vmem>> -> memref<1x128xi32, #tpu.memory_space<vmem>>
        %dma_start3A_419 = tpu.memref_squeeze %dma_start3A_418 : memref<1x128xi32, #tpu.memory_space<vmem>> -> memref<128xi32, #tpu.memory_space<vmem>>
        %dma_start3A_420 = arith.constant 0 : i32
        %dma_start3A_421 = arith.constant 0 : i32
        %dma_start3A_422 = tpu.memref_slice %arg10[%dma_start3A_420, %dma_start3A_421] : memref<10240x16xf32, #tpu.memory_space<vmem_shared>> -> memref<10240x16xf32, #tpu.memory_space<vmem_shared>>
        tpu.enqueue_indirect_dma source(%arg8 : memref<128x16xf32, #tpu.memory_space<vmem>>) target(%dma_start3A_422 : memref<10240x16xf32, #tpu.memory_space<vmem_shared>>) offsets(%dma_start3A_419 : memref<128xi32, #tpu.memory_space<vmem>>) semaphore(%arg23 : memref<!tpu.dma_semaphore, #tpu.memory_space<semaphore_mem>>) {add = true}
      } else {
      }
      %add3A_365 = arith.constant 5 : i32
      %add3A_366 = arith.addi %mul3A_322, %add3A_365 : i32
      %add3A_367 = arith.constant 8 : i32
      %add3A_368 = arith.addi %add3A_366, %add3A_367 : i32
      %lt3A_369 = arith.constant 80 : i32
      %lt3A_370 = arith.cmpi slt, %add3A_368, %lt3A_369 : i32
      %convert_element_type3A_371 = arith.extui %lt3A_370 : i1 to i32
      %cond3A_372 = arith.constant 0 : i32
      %cond3A_373 = arith.cmpi ne, %convert_element_type3A_371, %cond3A_372 : i32
      scf.if %cond3A_373 {
        %dma_wait3A_393 = arith.constant 0 : i32
        %dma_wait3A_394 = arith.constant 0 : i32
        %dma_wait3A_395 = tpu.memref_slice %arg6[%dma_wait3A_393, %dma_wait3A_394] : memref<80x128xi32, #tpu.memory_space<vmem>> -> memref<1x128xi32, #tpu.memory_space<vmem>>
        %dma_wait3A_396 = tpu.memref_squeeze %dma_wait3A_395 : memref<1x128xi32, #tpu.memory_space<vmem>> -> memref<128xi32, #tpu.memory_space<vmem>>
        %dma_wait3A_397 = arith.constant 0 : i32
        %dma_wait3A_398 = arith.constant 0 : i32
        %dma_wait3A_399 = tpu.memref_slice %arg9[%dma_wait3A_397, %dma_wait3A_398] : memref<10240x16xf32, #tpu.memory_space<vmem_shared>> -> memref<10240x16xf32, #tpu.memory_space<vmem_shared>>
        tpu.wait_indirect_dma semaphore(%arg16 : memref<!tpu.dma_semaphore, #tpu.memory_space<semaphore_mem>>) src(%arg8 : memref<128x16xf32, #tpu.memory_space<vmem>>) dst(%dma_wait3A_399 : memref<10240x16xf32, #tpu.memory_space<vmem_shared>>)
        %dma_wait3A_400 = arith.constant 0 : i32
        %dma_wait3A_401 = arith.constant 0 : i32
        %dma_wait3A_402 = tpu.memref_slice %arg7[%dma_wait3A_400, %dma_wait3A_401] : memref<80x128xi32, #tpu.memory_space<vmem>> -> memref<1x128xi32, #tpu.memory_space<vmem>>
        %dma_wait3A_403 = tpu.memref_squeeze %dma_wait3A_402 : memref<1x128xi32, #tpu.memory_space<vmem>> -> memref<128xi32, #tpu.memory_space<vmem>>
        %dma_wait3A_404 = arith.constant 0 : i32
        %dma_wait3A_405 = arith.constant 0 : i32
        %dma_wait3A_406 = tpu.memref_slice %arg10[%dma_wait3A_404, %dma_wait3A_405] : memref<10240x16xf32, #tpu.memory_space<vmem_shared>> -> memref<10240x16xf32, #tpu.memory_space<vmem_shared>>
        tpu.wait_indirect_dma semaphore(%arg24 : memref<!tpu.dma_semaphore, #tpu.memory_space<semaphore_mem>>) src(%arg8 : memref<128x16xf32, #tpu.memory_space<vmem>>) dst(%dma_wait3A_406 : memref<10240x16xf32, #tpu.memory_space<vmem_shared>>)
        %add3A_407 = arith.constant 5 : i32
        %add3A_408 = arith.addi %mul3A_322, %add3A_407 : i32
        %add3A_409 = arith.constant 8 : i32
        %add3A_410 = arith.addi %add3A_408, %add3A_409 : i32
        %dma_start3A_411 = arith.constant 0 : i32
        %dma_start3A_412 = tpu.memref_slice %arg6[%add3A_410, %dma_start3A_411] : memref<80x128xi32, #tpu.memory_space<vmem>> -> memref<1x128xi32, #tpu.memory_space<vmem>>
        %dma_start3A_413 = tpu.memref_squeeze %dma_start3A_412 : memref<1x128xi32, #tpu.memory_space<vmem>> -> memref<128xi32, #tpu.memory_space<vmem>>
        %dma_start3A_414 = arith.constant 0 : i32
        %dma_start3A_415 = arith.constant 0 : i32
        %dma_start3A_416 = tpu.memref_slice %arg9[%dma_start3A_414, %dma_start3A_415] : memref<10240x16xf32, #tpu.memory_space<vmem_shared>> -> memref<10240x16xf32, #tpu.memory_space<vmem_shared>>
        tpu.enqueue_indirect_dma source(%arg8 : memref<128x16xf32, #tpu.memory_space<vmem>>) target(%dma_start3A_416 : memref<10240x16xf32, #tpu.memory_space<vmem_shared>>) offsets(%dma_start3A_413 : memref<128xi32, #tpu.memory_space<vmem>>) semaphore(%arg16 : memref<!tpu.dma_semaphore, #tpu.memory_space<semaphore_mem>>) {add = true}
        %dma_start3A_417 = arith.constant 0 : i32
        %dma_start3A_418 = tpu.memref_slice %arg7[%add3A_410, %dma_start3A_417] : memref<80x128xi32, #tpu.memory_space<vmem>> -> memref<1x128xi32, #tpu.memory_space<vmem>>
        %dma_start3A_419 = tpu.memref_squeeze %dma_start3A_418 : memref<1x128xi32, #tpu.memory_space<vmem>> -> memref<128xi32, #tpu.memory_space<vmem>>
        %dma_start3A_420 = arith.constant 0 : i32
        %dma_start3A_421 = arith.constant 0 : i32
        %dma_start3A_422 = tpu.memref_slice %arg10[%dma_start3A_420, %dma_start3A_421] : memref<10240x16xf32, #tpu.memory_space<vmem_shared>> -> memref<10240x16xf32, #tpu.memory_space<vmem_shared>>
        tpu.enqueue_indirect_dma source(%arg8 : memref<128x16xf32, #tpu.memory_space<vmem>>) target(%dma_start3A_422 : memref<10240x16xf32, #tpu.memory_space<vmem_shared>>) offsets(%dma_start3A_419 : memref<128xi32, #tpu.memory_space<vmem>>) semaphore(%arg24 : memref<!tpu.dma_semaphore, #tpu.memory_space<semaphore_mem>>) {add = true}
      } else {
      }
      %add3A_374 = arith.constant 6 : i32
      %add3A_375 = arith.addi %mul3A_322, %add3A_374 : i32
      %add3A_376 = arith.constant 8 : i32
      %add3A_377 = arith.addi %add3A_375, %add3A_376 : i32
      %lt3A_378 = arith.constant 80 : i32
      %lt3A_379 = arith.cmpi slt, %add3A_377, %lt3A_378 : i32
      %convert_element_type3A_380 = arith.extui %lt3A_379 : i1 to i32
      %cond3A_381 = arith.constant 0 : i32
      %cond3A_382 = arith.cmpi ne, %convert_element_type3A_380, %cond3A_381 : i32
      scf.if %cond3A_382 {
        %dma_wait3A_393 = arith.constant 0 : i32
        %dma_wait3A_394 = arith.constant 0 : i32
        %dma_wait3A_395 = tpu.memref_slice %arg6[%dma_wait3A_393, %dma_wait3A_394] : memref<80x128xi32, #tpu.memory_space<vmem>> -> memref<1x128xi32, #tpu.memory_space<vmem>>
        %dma_wait3A_396 = tpu.memref_squeeze %dma_wait3A_395 : memref<1x128xi32, #tpu.memory_space<vmem>> -> memref<128xi32, #tpu.memory_space<vmem>>
        %dma_wait3A_397 = arith.constant 0 : i32
        %dma_wait3A_398 = arith.constant 0 : i32
        %dma_wait3A_399 = tpu.memref_slice %arg9[%dma_wait3A_397, %dma_wait3A_398] : memref<10240x16xf32, #tpu.memory_space<vmem_shared>> -> memref<10240x16xf32, #tpu.memory_space<vmem_shared>>
        tpu.wait_indirect_dma semaphore(%arg17 : memref<!tpu.dma_semaphore, #tpu.memory_space<semaphore_mem>>) src(%arg8 : memref<128x16xf32, #tpu.memory_space<vmem>>) dst(%dma_wait3A_399 : memref<10240x16xf32, #tpu.memory_space<vmem_shared>>)
        %dma_wait3A_400 = arith.constant 0 : i32
        %dma_wait3A_401 = arith.constant 0 : i32
        %dma_wait3A_402 = tpu.memref_slice %arg7[%dma_wait3A_400, %dma_wait3A_401] : memref<80x128xi32, #tpu.memory_space<vmem>> -> memref<1x128xi32, #tpu.memory_space<vmem>>
        %dma_wait3A_403 = tpu.memref_squeeze %dma_wait3A_402 : memref<1x128xi32, #tpu.memory_space<vmem>> -> memref<128xi32, #tpu.memory_space<vmem>>
        %dma_wait3A_404 = arith.constant 0 : i32
        %dma_wait3A_405 = arith.constant 0 : i32
        %dma_wait3A_406 = tpu.memref_slice %arg10[%dma_wait3A_404, %dma_wait3A_405] : memref<10240x16xf32, #tpu.memory_space<vmem_shared>> -> memref<10240x16xf32, #tpu.memory_space<vmem_shared>>
        tpu.wait_indirect_dma semaphore(%arg25 : memref<!tpu.dma_semaphore, #tpu.memory_space<semaphore_mem>>) src(%arg8 : memref<128x16xf32, #tpu.memory_space<vmem>>) dst(%dma_wait3A_406 : memref<10240x16xf32, #tpu.memory_space<vmem_shared>>)
        %add3A_407 = arith.constant 6 : i32
        %add3A_408 = arith.addi %mul3A_322, %add3A_407 : i32
        %add3A_409 = arith.constant 8 : i32
        %add3A_410 = arith.addi %add3A_408, %add3A_409 : i32
        %dma_start3A_411 = arith.constant 0 : i32
        %dma_start3A_412 = tpu.memref_slice %arg6[%add3A_410, %dma_start3A_411] : memref<80x128xi32, #tpu.memory_space<vmem>> -> memref<1x128xi32, #tpu.memory_space<vmem>>
        %dma_start3A_413 = tpu.memref_squeeze %dma_start3A_412 : memref<1x128xi32, #tpu.memory_space<vmem>> -> memref<128xi32, #tpu.memory_space<vmem>>
        %dma_start3A_414 = arith.constant 0 : i32
        %dma_start3A_415 = arith.constant 0 : i32
        %dma_start3A_416 = tpu.memref_slice %arg9[%dma_start3A_414, %dma_start3A_415] : memref<10240x16xf32, #tpu.memory_space<vmem_shared>> -> memref<10240x16xf32, #tpu.memory_space<vmem_shared>>
        tpu.enqueue_indirect_dma source(%arg8 : memref<128x16xf32, #tpu.memory_space<vmem>>) target(%dma_start3A_416 : memref<10240x16xf32, #tpu.memory_space<vmem_shared>>) offsets(%dma_start3A_413 : memref<128xi32, #tpu.memory_space<vmem>>) semaphore(%arg17 : memref<!tpu.dma_semaphore, #tpu.memory_space<semaphore_mem>>) {add = true}
        %dma_start3A_417 = arith.constant 0 : i32
        %dma_start3A_418 = tpu.memref_slice %arg7[%add3A_410, %dma_start3A_417] : memref<80x128xi32, #tpu.memory_space<vmem>> -> memref<1x128xi32, #tpu.memory_space<vmem>>
        %dma_start3A_419 = tpu.memref_squeeze %dma_start3A_418 : memref<1x128xi32, #tpu.memory_space<vmem>> -> memref<128xi32, #tpu.memory_space<vmem>>
        %dma_start3A_420 = arith.constant 0 : i32
        %dma_start3A_421 = arith.constant 0 : i32
        %dma_start3A_422 = tpu.memref_slice %arg10[%dma_start3A_420, %dma_start3A_421] : memref<10240x16xf32, #tpu.memory_space<vmem_shared>> -> memref<10240x16xf32, #tpu.memory_space<vmem_shared>>
        tpu.enqueue_indirect_dma source(%arg8 : memref<128x16xf32, #tpu.memory_space<vmem>>) target(%dma_start3A_422 : memref<10240x16xf32, #tpu.memory_space<vmem_shared>>) offsets(%dma_start3A_419 : memref<128xi32, #tpu.memory_space<vmem>>) semaphore(%arg25 : memref<!tpu.dma_semaphore, #tpu.memory_space<semaphore_mem>>) {add = true}
      } else {
      }
      %add3A_383 = arith.constant 7 : i32
      %add3A_384 = arith.addi %mul3A_322, %add3A_383 : i32
      %add3A_385 = arith.constant 8 : i32
      %add3A_386 = arith.addi %add3A_384, %add3A_385 : i32
      %lt3A_387 = arith.constant 80 : i32
      %lt3A_388 = arith.cmpi slt, %add3A_386, %lt3A_387 : i32
      %convert_element_type3A_389 = arith.extui %lt3A_388 : i1 to i32
      %cond3A_390 = arith.constant 0 : i32
      %cond3A_391 = arith.cmpi ne, %convert_element_type3A_389, %cond3A_390 : i32
      scf.if %cond3A_391 {
        %dma_wait3A_393 = arith.constant 0 : i32
        %dma_wait3A_394 = arith.constant 0 : i32
        %dma_wait3A_395 = tpu.memref_slice %arg6[%dma_wait3A_393, %dma_wait3A_394] : memref<80x128xi32, #tpu.memory_space<vmem>> -> memref<1x128xi32, #tpu.memory_space<vmem>>
        %dma_wait3A_396 = tpu.memref_squeeze %dma_wait3A_395 : memref<1x128xi32, #tpu.memory_space<vmem>> -> memref<128xi32, #tpu.memory_space<vmem>>
        %dma_wait3A_397 = arith.constant 0 : i32
        %dma_wait3A_398 = arith.constant 0 : i32
        %dma_wait3A_399 = tpu.memref_slice %arg9[%dma_wait3A_397, %dma_wait3A_398] : memref<10240x16xf32, #tpu.memory_space<vmem_shared>> -> memref<10240x16xf32, #tpu.memory_space<vmem_shared>>
        tpu.wait_indirect_dma semaphore(%arg18 : memref<!tpu.dma_semaphore, #tpu.memory_space<semaphore_mem>>) src(%arg8 : memref<128x16xf32, #tpu.memory_space<vmem>>) dst(%dma_wait3A_399 : memref<10240x16xf32, #tpu.memory_space<vmem_shared>>)
        %dma_wait3A_400 = arith.constant 0 : i32
        %dma_wait3A_401 = arith.constant 0 : i32
        %dma_wait3A_402 = tpu.memref_slice %arg7[%dma_wait3A_400, %dma_wait3A_401] : memref<80x128xi32, #tpu.memory_space<vmem>> -> memref<1x128xi32, #tpu.memory_space<vmem>>
        %dma_wait3A_403 = tpu.memref_squeeze %dma_wait3A_402 : memref<1x128xi32, #tpu.memory_space<vmem>> -> memref<128xi32, #tpu.memory_space<vmem>>
        %dma_wait3A_404 = arith.constant 0 : i32
        %dma_wait3A_405 = arith.constant 0 : i32
        %dma_wait3A_406 = tpu.memref_slice %arg10[%dma_wait3A_404, %dma_wait3A_405] : memref<10240x16xf32, #tpu.memory_space<vmem_shared>> -> memref<10240x16xf32, #tpu.memory_space<vmem_shared>>
        tpu.wait_indirect_dma semaphore(%arg26 : memref<!tpu.dma_semaphore, #tpu.memory_space<semaphore_mem>>) src(%arg8 : memref<128x16xf32, #tpu.memory_space<vmem>>) dst(%dma_wait3A_406 : memref<10240x16xf32, #tpu.memory_space<vmem_shared>>)
        %add3A_407 = arith.constant 7 : i32
        %add3A_408 = arith.addi %mul3A_322, %add3A_407 : i32
        %add3A_409 = arith.constant 8 : i32
        %add3A_410 = arith.addi %add3A_408, %add3A_409 : i32
        %dma_start3A_411 = arith.constant 0 : i32
        %dma_start3A_412 = tpu.memref_slice %arg6[%add3A_410, %dma_start3A_411] : memref<80x128xi32, #tpu.memory_space<vmem>> -> memref<1x128xi32, #tpu.memory_space<vmem>>
        %dma_start3A_413 = tpu.memref_squeeze %dma_start3A_412 : memref<1x128xi32, #tpu.memory_space<vmem>> -> memref<128xi32, #tpu.memory_space<vmem>>
        %dma_start3A_414 = arith.constant 0 : i32
        %dma_start3A_415 = arith.constant 0 : i32
        %dma_start3A_416 = tpu.memref_slice %arg9[%dma_start3A_414, %dma_start3A_415] : memref<10240x16xf32, #tpu.memory_space<vmem_shared>> -> memref<10240x16xf32, #tpu.memory_space<vmem_shared>>
        tpu.enqueue_indirect_dma source(%arg8 : memref<128x16xf32, #tpu.memory_space<vmem>>) target(%dma_start3A_416 : memref<10240x16xf32, #tpu.memory_space<vmem_shared>>) offsets(%dma_start3A_413 : memref<128xi32, #tpu.memory_space<vmem>>) semaphore(%arg18 : memref<!tpu.dma_semaphore, #tpu.memory_space<semaphore_mem>>) {add = true}
        %dma_start3A_417 = arith.constant 0 : i32
        %dma_start3A_418 = tpu.memref_slice %arg7[%add3A_410, %dma_start3A_417] : memref<80x128xi32, #tpu.memory_space<vmem>> -> memref<1x128xi32, #tpu.memory_space<vmem>>
        %dma_start3A_419 = tpu.memref_squeeze %dma_start3A_418 : memref<1x128xi32, #tpu.memory_space<vmem>> -> memref<128xi32, #tpu.memory_space<vmem>>
        %dma_start3A_420 = arith.constant 0 : i32
        %dma_start3A_421 = arith.constant 0 : i32
        %dma_start3A_422 = tpu.memref_slice %arg10[%dma_start3A_420, %dma_start3A_421] : memref<10240x16xf32, #tpu.memory_space<vmem_shared>> -> memref<10240x16xf32, #tpu.memory_space<vmem_shared>>
        tpu.enqueue_indirect_dma source(%arg8 : memref<128x16xf32, #tpu.memory_space<vmem>>) target(%dma_start3A_422 : memref<10240x16xf32, #tpu.memory_space<vmem_shared>>) offsets(%dma_start3A_419 : memref<128xi32, #tpu.memory_space<vmem>>) semaphore(%arg26 : memref<!tpu.dma_semaphore, #tpu.memory_space<semaphore_mem>>) {add = true}
      } else {
      }
      %scan3A_392 = arith.constant 0 : i32
      scf.yield %scan3A_392 : i32
    }
    %scan3A_156 = arith.constant 10 : i32
    %dma_wait3A = arith.constant 0 : i32
    %dma_wait3A_157 = arith.constant 0 : i32
    %dma_wait3A_158 = tpu.memref_slice %arg6[%dma_wait3A, %dma_wait3A_157] : memref<80x128xi32, #tpu.memory_space<vmem>> -> memref<1x128xi32, #tpu.memory_space<vmem>>
    %dma_wait3A_159 = tpu.memref_squeeze %dma_wait3A_158 : memref<1x128xi32, #tpu.memory_space<vmem>> -> memref<128xi32, #tpu.memory_space<vmem>>
    %dma_wait3A_160 = arith.constant 0 : i32
    %dma_wait3A_161 = arith.constant 0 : i32
    %dma_wait3A_162 = tpu.memref_slice %arg9[%dma_wait3A_160, %dma_wait3A_161] : memref<10240x16xf32, #tpu.memory_space<vmem_shared>> -> memref<10240x16xf32, #tpu.memory_space<vmem_shared>>
    tpu.wait_indirect_dma semaphore(%arg11 : memref<!tpu.dma_semaphore, #tpu.memory_space<semaphore_mem>>) src(%arg8 : memref<128x16xf32, #tpu.memory_space<vmem>>) dst(%dma_wait3A_162 : memref<10240x16xf32, #tpu.memory_space<vmem_shared>>)
    %dma_wait3A_163 = arith.constant 0 : i32
    %dma_wait3A_164 = arith.constant 0 : i32
    %dma_wait3A_165 = tpu.memref_slice %arg7[%dma_wait3A_163, %dma_wait3A_164] : memref<80x128xi32, #tpu.memory_space<vmem>> -> memref<1x128xi32, #tpu.memory_space<vmem>>
    %dma_wait3A_166 = tpu.memref_squeeze %dma_wait3A_165 : memref<1x128xi32, #tpu.memory_space<vmem>> -> memref<128xi32, #tpu.memory_space<vmem>>
    %dma_wait3A_167 = arith.constant 0 : i32
    %dma_wait3A_168 = arith.constant 0 : i32
    %dma_wait3A_169 = tpu.memref_slice %arg10[%dma_wait3A_167, %dma_wait3A_168] : memref<10240x16xf32, #tpu.memory_space<vmem_shared>> -> memref<10240x16xf32, #tpu.memory_space<vmem_shared>>
    tpu.wait_indirect_dma semaphore(%arg19 : memref<!tpu.dma_semaphore, #tpu.memory_space<semaphore_mem>>) src(%arg8 : memref<128x16xf32, #tpu.memory_space<vmem>>) dst(%dma_wait3A_169 : memref<10240x16xf32, #tpu.memory_space<vmem_shared>>)
    %dma_wait3A_170 = arith.constant 0 : i32
    %dma_wait3A_171 = arith.constant 0 : i32
    %dma_wait3A_172 = tpu.memref_slice %arg6[%dma_wait3A_170, %dma_wait3A_171] : memref<80x128xi32, #tpu.memory_space<vmem>> -> memref<1x128xi32, #tpu.memory_space<vmem>>
    %dma_wait3A_173 = tpu.memref_squeeze %dma_wait3A_172 : memref<1x128xi32, #tpu.memory_space<vmem>> -> memref<128xi32, #tpu.memory_space<vmem>>
    %dma_wait3A_174 = arith.constant 0 : i32
    %dma_wait3A_175 = arith.constant 0 : i32
    %dma_wait3A_176 = tpu.memref_slice %arg9[%dma_wait3A_174, %dma_wait3A_175] : memref<10240x16xf32, #tpu.memory_space<vmem_shared>> -> memref<10240x16xf32, #tpu.memory_space<vmem_shared>>
    tpu.wait_indirect_dma semaphore(%arg12 : memref<!tpu.dma_semaphore, #tpu.memory_space<semaphore_mem>>) src(%arg8 : memref<128x16xf32, #tpu.memory_space<vmem>>) dst(%dma_wait3A_176 : memref<10240x16xf32, #tpu.memory_space<vmem_shared>>)
    %dma_wait3A_177 = arith.constant 0 : i32
    %dma_wait3A_178 = arith.constant 0 : i32
    %dma_wait3A_179 = tpu.memref_slice %arg7[%dma_wait3A_177, %dma_wait3A_178] : memref<80x128xi32, #tpu.memory_space<vmem>> -> memref<1x128xi32, #tpu.memory_space<vmem>>
    %dma_wait3A_180 = tpu.memref_squeeze %dma_wait3A_179 : memref<1x128xi32, #tpu.memory_space<vmem>> -> memref<128xi32, #tpu.memory_space<vmem>>
    %dma_wait3A_181 = arith.constant 0 : i32
    %dma_wait3A_182 = arith.constant 0 : i32
    %dma_wait3A_183 = tpu.memref_slice %arg10[%dma_wait3A_181, %dma_wait3A_182] : memref<10240x16xf32, #tpu.memory_space<vmem_shared>> -> memref<10240x16xf32, #tpu.memory_space<vmem_shared>>
    tpu.wait_indirect_dma semaphore(%arg20 : memref<!tpu.dma_semaphore, #tpu.memory_space<semaphore_mem>>) src(%arg8 : memref<128x16xf32, #tpu.memory_space<vmem>>) dst(%dma_wait3A_183 : memref<10240x16xf32, #tpu.memory_space<vmem_shared>>)
    %dma_wait3A_184 = arith.constant 0 : i32
    %dma_wait3A_185 = arith.constant 0 : i32
    %dma_wait3A_186 = tpu.memref_slice %arg6[%dma_wait3A_184, %dma_wait3A_185] : memref<80x128xi32, #tpu.memory_space<vmem>> -> memref<1x128xi32, #tpu.memory_space<vmem>>
    %dma_wait3A_187 = tpu.memref_squeeze %dma_wait3A_186 : memref<1x128xi32, #tpu.memory_space<vmem>> -> memref<128xi32, #tpu.memory_space<vmem>>
    %dma_wait3A_188 = arith.constant 0 : i32
    %dma_wait3A_189 = arith.constant 0 : i32
    %dma_wait3A_190 = tpu.memref_slice %arg9[%dma_wait3A_188, %dma_wait3A_189] : memref<10240x16xf32, #tpu.memory_space<vmem_shared>> -> memref<10240x16xf32, #tpu.memory_space<vmem_shared>>
    tpu.wait_indirect_dma semaphore(%arg13 : memref<!tpu.dma_semaphore, #tpu.memory_space<semaphore_mem>>) src(%arg8 : memref<128x16xf32, #tpu.memory_space<vmem>>) dst(%dma_wait3A_190 : memref<10240x16xf32, #tpu.memory_space<vmem_shared>>)
    %dma_wait3A_191 = arith.constant 0 : i32
    %dma_wait3A_192 = arith.constant 0 : i32
    %dma_wait3A_193 = tpu.memref_slice %arg7[%dma_wait3A_191, %dma_wait3A_192] : memref<80x128xi32, #tpu.memory_space<vmem>> -> memref<1x128xi32, #tpu.memory_space<vmem>>
    %dma_wait3A_194 = tpu.memref_squeeze %dma_wait3A_193 : memref<1x128xi32, #tpu.memory_space<vmem>> -> memref<128xi32, #tpu.memory_space<vmem>>
    %dma_wait3A_195 = arith.constant 0 : i32
    %dma_wait3A_196 = arith.constant 0 : i32
    %dma_wait3A_197 = tpu.memref_slice %arg10[%dma_wait3A_195, %dma_wait3A_196] : memref<10240x16xf32, #tpu.memory_space<vmem_shared>> -> memref<10240x16xf32, #tpu.memory_space<vmem_shared>>
    tpu.wait_indirect_dma semaphore(%arg21 : memref<!tpu.dma_semaphore, #tpu.memory_space<semaphore_mem>>) src(%arg8 : memref<128x16xf32, #tpu.memory_space<vmem>>) dst(%dma_wait3A_197 : memref<10240x16xf32, #tpu.memory_space<vmem_shared>>)
    %dma_wait3A_198 = arith.constant 0 : i32
    %dma_wait3A_199 = arith.constant 0 : i32
    %dma_wait3A_200 = tpu.memref_slice %arg6[%dma_wait3A_198, %dma_wait3A_199] : memref<80x128xi32, #tpu.memory_space<vmem>> -> memref<1x128xi32, #tpu.memory_space<vmem>>
    %dma_wait3A_201 = tpu.memref_squeeze %dma_wait3A_200 : memref<1x128xi32, #tpu.memory_space<vmem>> -> memref<128xi32, #tpu.memory_space<vmem>>
    %dma_wait3A_202 = arith.constant 0 : i32
    %dma_wait3A_203 = arith.constant 0 : i32
    %dma_wait3A_204 = tpu.memref_slice %arg9[%dma_wait3A_202, %dma_wait3A_203] : memref<10240x16xf32, #tpu.memory_space<vmem_shared>> -> memref<10240x16xf32, #tpu.memory_space<vmem_shared>>
    tpu.wait_indirect_dma semaphore(%arg14 : memref<!tpu.dma_semaphore, #tpu.memory_space<semaphore_mem>>) src(%arg8 : memref<128x16xf32, #tpu.memory_space<vmem>>) dst(%dma_wait3A_204 : memref<10240x16xf32, #tpu.memory_space<vmem_shared>>)
    %dma_wait3A_205 = arith.constant 0 : i32
    %dma_wait3A_206 = arith.constant 0 : i32
    %dma_wait3A_207 = tpu.memref_slice %arg7[%dma_wait3A_205, %dma_wait3A_206] : memref<80x128xi32, #tpu.memory_space<vmem>> -> memref<1x128xi32, #tpu.memory_space<vmem>>
    %dma_wait3A_208 = tpu.memref_squeeze %dma_wait3A_207 : memref<1x128xi32, #tpu.memory_space<vmem>> -> memref<128xi32, #tpu.memory_space<vmem>>
    %dma_wait3A_209 = arith.constant 0 : i32
    %dma_wait3A_210 = arith.constant 0 : i32
    %dma_wait3A_211 = tpu.memref_slice %arg10[%dma_wait3A_209, %dma_wait3A_210] : memref<10240x16xf32, #tpu.memory_space<vmem_shared>> -> memref<10240x16xf32, #tpu.memory_space<vmem_shared>>
    tpu.wait_indirect_dma semaphore(%arg22 : memref<!tpu.dma_semaphore, #tpu.memory_space<semaphore_mem>>) src(%arg8 : memref<128x16xf32, #tpu.memory_space<vmem>>) dst(%dma_wait3A_211 : memref<10240x16xf32, #tpu.memory_space<vmem_shared>>)
    %dma_wait3A_212 = arith.constant 0 : i32
    %dma_wait3A_213 = arith.constant 0 : i32
    %dma_wait3A_214 = tpu.memref_slice %arg6[%dma_wait3A_212, %dma_wait3A_213] : memref<80x128xi32, #tpu.memory_space<vmem>> -> memref<1x128xi32, #tpu.memory_space<vmem>>
    %dma_wait3A_215 = tpu.memref_squeeze %dma_wait3A_214 : memref<1x128xi32, #tpu.memory_space<vmem>> -> memref<128xi32, #tpu.memory_space<vmem>>
    %dma_wait3A_216 = arith.constant 0 : i32
    %dma_wait3A_217 = arith.constant 0 : i32
    %dma_wait3A_218 = tpu.memref_slice %arg9[%dma_wait3A_216, %dma_wait3A_217] : memref<10240x16xf32, #tpu.memory_space<vmem_shared>> -> memref<10240x16xf32, #tpu.memory_space<vmem_shared>>
    tpu.wait_indirect_dma semaphore(%arg15 : memref<!tpu.dma_semaphore, #tpu.memory_space<semaphore_mem>>) src(%arg8 : memref<128x16xf32, #tpu.memory_space<vmem>>) dst(%dma_wait3A_218 : memref<10240x16xf32, #tpu.memory_space<vmem_shared>>)
    %dma_wait3A_219 = arith.constant 0 : i32
    %dma_wait3A_220 = arith.constant 0 : i32
    %dma_wait3A_221 = tpu.memref_slice %arg7[%dma_wait3A_219, %dma_wait3A_220] : memref<80x128xi32, #tpu.memory_space<vmem>> -> memref<1x128xi32, #tpu.memory_space<vmem>>
    %dma_wait3A_222 = tpu.memref_squeeze %dma_wait3A_221 : memref<1x128xi32, #tpu.memory_space<vmem>> -> memref<128xi32, #tpu.memory_space<vmem>>
    %dma_wait3A_223 = arith.constant 0 : i32
    %dma_wait3A_224 = arith.constant 0 : i32
    %dma_wait3A_225 = tpu.memref_slice %arg10[%dma_wait3A_223, %dma_wait3A_224] : memref<10240x16xf32, #tpu.memory_space<vmem_shared>> -> memref<10240x16xf32, #tpu.memory_space<vmem_shared>>
    tpu.wait_indirect_dma semaphore(%arg23 : memref<!tpu.dma_semaphore, #tpu.memory_space<semaphore_mem>>) src(%arg8 : memref<128x16xf32, #tpu.memory_space<vmem>>) dst(%dma_wait3A_225 : memref<10240x16xf32, #tpu.memory_space<vmem_shared>>)
    %dma_wait3A_226 = arith.constant 0 : i32
    %dma_wait3A_227 = arith.constant 0 : i32
    %dma_wait3A_228 = tpu.memref_slice %arg6[%dma_wait3A_226, %dma_wait3A_227] : memref<80x128xi32, #tpu.memory_space<vmem>> -> memref<1x128xi32, #tpu.memory_space<vmem>>
    %dma_wait3A_229 = tpu.memref_squeeze %dma_wait3A_228 : memref<1x128xi32, #tpu.memory_space<vmem>> -> memref<128xi32, #tpu.memory_space<vmem>>
    %dma_wait3A_230 = arith.constant 0 : i32
    %dma_wait3A_231 = arith.constant 0 : i32
    %dma_wait3A_232 = tpu.memref_slice %arg9[%dma_wait3A_230, %dma_wait3A_231] : memref<10240x16xf32, #tpu.memory_space<vmem_shared>> -> memref<10240x16xf32, #tpu.memory_space<vmem_shared>>
    tpu.wait_indirect_dma semaphore(%arg16 : memref<!tpu.dma_semaphore, #tpu.memory_space<semaphore_mem>>) src(%arg8 : memref<128x16xf32, #tpu.memory_space<vmem>>) dst(%dma_wait3A_232 : memref<10240x16xf32, #tpu.memory_space<vmem_shared>>)
    %dma_wait3A_233 = arith.constant 0 : i32
    %dma_wait3A_234 = arith.constant 0 : i32
    %dma_wait3A_235 = tpu.memref_slice %arg7[%dma_wait3A_233, %dma_wait3A_234] : memref<80x128xi32, #tpu.memory_space<vmem>> -> memref<1x128xi32, #tpu.memory_space<vmem>>
    %dma_wait3A_236 = tpu.memref_squeeze %dma_wait3A_235 : memref<1x128xi32, #tpu.memory_space<vmem>> -> memref<128xi32, #tpu.memory_space<vmem>>
    %dma_wait3A_237 = arith.constant 0 : i32
    %dma_wait3A_238 = arith.constant 0 : i32
    %dma_wait3A_239 = tpu.memref_slice %arg10[%dma_wait3A_237, %dma_wait3A_238] : memref<10240x16xf32, #tpu.memory_space<vmem_shared>> -> memref<10240x16xf32, #tpu.memory_space<vmem_shared>>
    tpu.wait_indirect_dma semaphore(%arg24 : memref<!tpu.dma_semaphore, #tpu.memory_space<semaphore_mem>>) src(%arg8 : memref<128x16xf32, #tpu.memory_space<vmem>>) dst(%dma_wait3A_239 : memref<10240x16xf32, #tpu.memory_space<vmem_shared>>)
    %dma_wait3A_240 = arith.constant 0 : i32
    %dma_wait3A_241 = arith.constant 0 : i32
    %dma_wait3A_242 = tpu.memref_slice %arg6[%dma_wait3A_240, %dma_wait3A_241] : memref<80x128xi32, #tpu.memory_space<vmem>> -> memref<1x128xi32, #tpu.memory_space<vmem>>
    %dma_wait3A_243 = tpu.memref_squeeze %dma_wait3A_242 : memref<1x128xi32, #tpu.memory_space<vmem>> -> memref<128xi32, #tpu.memory_space<vmem>>
    %dma_wait3A_244 = arith.constant 0 : i32
    %dma_wait3A_245 = arith.constant 0 : i32
    %dma_wait3A_246 = tpu.memref_slice %arg9[%dma_wait3A_244, %dma_wait3A_245] : memref<10240x16xf32, #tpu.memory_space<vmem_shared>> -> memref<10240x16xf32, #tpu.memory_space<vmem_shared>>
    tpu.wait_indirect_dma semaphore(%arg17 : memref<!tpu.dma_semaphore, #tpu.memory_space<semaphore_mem>>) src(%arg8 : memref<128x16xf32, #tpu.memory_space<vmem>>) dst(%dma_wait3A_246 : memref<10240x16xf32, #tpu.memory_space<vmem_shared>>)
    %dma_wait3A_247 = arith.constant 0 : i32
    %dma_wait3A_248 = arith.constant 0 : i32
    %dma_wait3A_249 = tpu.memref_slice %arg7[%dma_wait3A_247, %dma_wait3A_248] : memref<80x128xi32, #tpu.memory_space<vmem>> -> memref<1x128xi32, #tpu.memory_space<vmem>>
    %dma_wait3A_250 = tpu.memref_squeeze %dma_wait3A_249 : memref<1x128xi32, #tpu.memory_space<vmem>> -> memref<128xi32, #tpu.memory_space<vmem>>
    %dma_wait3A_251 = arith.constant 0 : i32
    %dma_wait3A_252 = arith.constant 0 : i32
    %dma_wait3A_253 = tpu.memref_slice %arg10[%dma_wait3A_251, %dma_wait3A_252] : memref<10240x16xf32, #tpu.memory_space<vmem_shared>> -> memref<10240x16xf32, #tpu.memory_space<vmem_shared>>
    tpu.wait_indirect_dma semaphore(%arg25 : memref<!tpu.dma_semaphore, #tpu.memory_space<semaphore_mem>>) src(%arg8 : memref<128x16xf32, #tpu.memory_space<vmem>>) dst(%dma_wait3A_253 : memref<10240x16xf32, #tpu.memory_space<vmem_shared>>)
    %dma_wait3A_254 = arith.constant 0 : i32
    %dma_wait3A_255 = arith.constant 0 : i32
    %dma_wait3A_256 = tpu.memref_slice %arg6[%dma_wait3A_254, %dma_wait3A_255] : memref<80x128xi32, #tpu.memory_space<vmem>> -> memref<1x128xi32, #tpu.memory_space<vmem>>
    %dma_wait3A_257 = tpu.memref_squeeze %dma_wait3A_256 : memref<1x128xi32, #tpu.memory_space<vmem>> -> memref<128xi32, #tpu.memory_space<vmem>>
    %dma_wait3A_258 = arith.constant 0 : i32
    %dma_wait3A_259 = arith.constant 0 : i32
    %dma_wait3A_260 = tpu.memref_slice %arg9[%dma_wait3A_258, %dma_wait3A_259] : memref<10240x16xf32, #tpu.memory_space<vmem_shared>> -> memref<10240x16xf32, #tpu.memory_space<vmem_shared>>
    tpu.wait_indirect_dma semaphore(%arg18 : memref<!tpu.dma_semaphore, #tpu.memory_space<semaphore_mem>>) src(%arg8 : memref<128x16xf32, #tpu.memory_space<vmem>>) dst(%dma_wait3A_260 : memref<10240x16xf32, #tpu.memory_space<vmem_shared>>)
    %dma_wait3A_261 = arith.constant 0 : i32
    %dma_wait3A_262 = arith.constant 0 : i32
    %dma_wait3A_263 = tpu.memref_slice %arg7[%dma_wait3A_261, %dma_wait3A_262] : memref<80x128xi32, #tpu.memory_space<vmem>> -> memref<1x128xi32, #tpu.memory_space<vmem>>
    %dma_wait3A_264 = tpu.memref_squeeze %dma_wait3A_263 : memref<1x128xi32, #tpu.memory_space<vmem>> -> memref<128xi32, #tpu.memory_space<vmem>>
    %dma_wait3A_265 = arith.constant 0 : i32
    %dma_wait3A_266 = arith.constant 0 : i32
    %dma_wait3A_267 = tpu.memref_slice %arg10[%dma_wait3A_265, %dma_wait3A_266] : memref<10240x16xf32, #tpu.memory_space<vmem_shared>> -> memref<10240x16xf32, #tpu.memory_space<vmem_shared>>
    tpu.wait_indirect_dma semaphore(%arg26 : memref<!tpu.dma_semaphore, #tpu.memory_space<semaphore_mem>>) src(%arg8 : memref<128x16xf32, #tpu.memory_space<vmem>>) dst(%dma_wait3A_267 : memref<10240x16xf32, #tpu.memory_space<vmem_shared>>)
    %barrier3A_268 = arith.constant 0 : index
    tpu.barrier barrier_id(%barrier3A_268)
    %mul3A_269 = arith.constant 640 : i32
    %mul3A_270 = arith.muli %arg1, %mul3A_269 : i32
    %add3A_271 = arith.constant 0 : i32
    %add3A_272 = arith.addi %mul3A_270, %add3A_271 : i32
    "tpu.region"() ({
      %run_scoped3A = tpu.sem_alloc : memref<!tpu.dma_semaphore, #tpu.memory_space<semaphore_mem>>
      %dma_start3A_319 = arith.constant 0 : i32
      %dma_start3A_320 = tpu.memref_slice %arg9[%add3A_272, %dma_start3A_319] : memref<10240x16xf32, #tpu.memory_space<vmem_shared>> -> memref<128x16xf32, #tpu.memory_space<vmem_shared>>
      %dma_start3A_321 = arith.constant 0 : i32
      %dma_start3A_322 = tpu.memref_slice %arg9[%add3A_272, %dma_start3A_321] : memref<10240x16xf32, #tpu.memory_space<vmem_shared>> -> memref<128x16xf32, #tpu.memory_space<vmem_shared>>
      tpu.enqueue_dma source(%dma_start3A_322 : memref<128x16xf32, #tpu.memory_space<vmem_shared>>) target(%arg8 : memref<128x16xf32, #tpu.memory_space<vmem>>) target_semaphore(%run_scoped3A : memref<!tpu.dma_semaphore, #tpu.memory_space<semaphore_mem>>)
      %dma_wait3A_323 = arith.constant 0 : i32
      %dma_wait3A_324 = tpu.memref_slice %arg9[%add3A_272, %dma_wait3A_323] : memref<10240x16xf32, #tpu.memory_space<vmem_shared>> -> memref<128x16xf32, #tpu.memory_space<vmem_shared>>
      %dma_wait3A_325 = arith.constant 0 : i32
      %dma_wait3A_326 = tpu.memref_slice %arg9[%add3A_272, %dma_wait3A_325] : memref<10240x16xf32, #tpu.memory_space<vmem_shared>> -> memref<128x16xf32, #tpu.memory_space<vmem_shared>>
      tpu.wait_dma2 semaphore(%run_scoped3A : memref<!tpu.dma_semaphore, #tpu.memory_space<semaphore_mem>>) src(%dma_wait3A_326 : memref<128x16xf32, #tpu.memory_space<vmem_shared>>) dst(%arg8 : memref<128x16xf32, #tpu.memory_space<vmem>>)
      tpu.yield
    }) : () -> ()
    %mul3A_273 = arith.constant 10240 : i32
    %mul3A_274 = arith.muli %arg0, %mul3A_273 : i32
    %add3A_275 = arith.addi %mul3A_274, %add3A_272 : i32
    "tpu.region"() ({
      %run_scoped3A = tpu.sem_alloc : memref<!tpu.dma_semaphore, #tpu.memory_space<semaphore_mem>>
      %dma_start3A_319 = arith.constant 0 : i32
      %dma_start3A_320 = tpu.memref_slice %arg4[%add3A_275, %dma_start3A_319] : memref<20480x16xf32, #tpu.memory_space<hbm>> -> memref<128x16xf32, #tpu.memory_space<hbm>>
      %dma_start3A_321 = arith.constant 0 : i32
      %dma_start3A_322 = tpu.memref_slice %arg4[%add3A_275, %dma_start3A_321] : memref<20480x16xf32, #tpu.memory_space<hbm>> -> memref<128x16xf32, #tpu.memory_space<hbm>>
      tpu.enqueue_dma source(%arg8 : memref<128x16xf32, #tpu.memory_space<vmem>>) target(%dma_start3A_322 : memref<128x16xf32, #tpu.memory_space<hbm>>) target_semaphore(%run_scoped3A : memref<!tpu.dma_semaphore, #tpu.memory_space<semaphore_mem>>)
      %dma_wait3A_323 = arith.constant 0 : i32
      %dma_wait3A_324 = tpu.memref_slice %arg4[%add3A_275, %dma_wait3A_323] : memref<20480x16xf32, #tpu.memory_space<hbm>> -> memref<128x16xf32, #tpu.memory_space<hbm>>
      %dma_wait3A_325 = arith.constant 0 : i32
      %dma_wait3A_326 = tpu.memref_slice %arg4[%add3A_275, %dma_wait3A_325] : memref<20480x16xf32, #tpu.memory_space<hbm>> -> memref<128x16xf32, #tpu.memory_space<hbm>>
      tpu.wait_dma2 semaphore(%run_scoped3A : memref<!tpu.dma_semaphore, #tpu.memory_space<semaphore_mem>>) src(%arg8 : memref<128x16xf32, #tpu.memory_space<vmem>>) dst(%dma_wait3A_326 : memref<128x16xf32, #tpu.memory_space<hbm>>)
      tpu.yield
    }) : () -> ()
    "tpu.region"() ({
      %run_scoped3A = tpu.sem_alloc : memref<!tpu.dma_semaphore, #tpu.memory_space<semaphore_mem>>
      %dma_start3A_319 = arith.constant 0 : i32
      %dma_start3A_320 = tpu.memref_slice %arg10[%add3A_272, %dma_start3A_319] : memref<10240x16xf32, #tpu.memory_space<vmem_shared>> -> memref<128x16xf32, #tpu.memory_space<vmem_shared>>
      %dma_start3A_321 = arith.constant 0 : i32
      %dma_start3A_322 = tpu.memref_slice %arg10[%add3A_272, %dma_start3A_321] : memref<10240x16xf32, #tpu.memory_space<vmem_shared>> -> memref<128x16xf32, #tpu.memory_space<vmem_shared>>
      tpu.enqueue_dma source(%dma_start3A_322 : memref<128x16xf32, #tpu.memory_space<vmem_shared>>) target(%arg8 : memref<128x16xf32, #tpu.memory_space<vmem>>) target_semaphore(%run_scoped3A : memref<!tpu.dma_semaphore, #tpu.memory_space<semaphore_mem>>)
      %dma_wait3A_323 = arith.constant 0 : i32
      %dma_wait3A_324 = tpu.memref_slice %arg10[%add3A_272, %dma_wait3A_323] : memref<10240x16xf32, #tpu.memory_space<vmem_shared>> -> memref<128x16xf32, #tpu.memory_space<vmem_shared>>
      %dma_wait3A_325 = arith.constant 0 : i32
      %dma_wait3A_326 = tpu.memref_slice %arg10[%add3A_272, %dma_wait3A_325] : memref<10240x16xf32, #tpu.memory_space<vmem_shared>> -> memref<128x16xf32, #tpu.memory_space<vmem_shared>>
      tpu.wait_dma2 semaphore(%run_scoped3A : memref<!tpu.dma_semaphore, #tpu.memory_space<semaphore_mem>>) src(%dma_wait3A_326 : memref<128x16xf32, #tpu.memory_space<vmem_shared>>) dst(%arg8 : memref<128x16xf32, #tpu.memory_space<vmem>>)
      tpu.yield
    }) : () -> ()
    %mul3A_276 = arith.constant 10240 : i32
    %mul3A_277 = arith.muli %arg0, %mul3A_276 : i32
    %add3A_278 = arith.addi %mul3A_277, %add3A_272 : i32
    "tpu.region"() ({
      %run_scoped3A = tpu.sem_alloc : memref<!tpu.dma_semaphore, #tpu.memory_space<semaphore_mem>>
      %dma_start3A_319 = arith.constant 0 : i32
      %dma_start3A_320 = tpu.memref_slice %arg5[%add3A_278, %dma_start3A_319] : memref<20480x16xf32, #tpu.memory_space<hbm>> -> memref<128x16xf32, #tpu.memory_space<hbm>>
      %dma_start3A_321 = arith.constant 0 : i32
      %dma_start3A_322 = tpu.memref_slice %arg5[%add3A_278, %dma_start3A_321] : memref<20480x16xf32, #tpu.memory_space<hbm>> -> memref<128x16xf32, #tpu.memory_space<hbm>>
      tpu.enqueue_dma source(%arg8 : memref<128x16xf32, #tpu.memory_space<vmem>>) target(%dma_start3A_322 : memref<128x16xf32, #tpu.memory_space<hbm>>) target_semaphore(%run_scoped3A : memref<!tpu.dma_semaphore, #tpu.memory_space<semaphore_mem>>)
      %dma_wait3A_323 = arith.constant 0 : i32
      %dma_wait3A_324 = tpu.memref_slice %arg5[%add3A_278, %dma_wait3A_323] : memref<20480x16xf32, #tpu.memory_space<hbm>> -> memref<128x16xf32, #tpu.memory_space<hbm>>
      %dma_wait3A_325 = arith.constant 0 : i32
      %dma_wait3A_326 = tpu.memref_slice %arg5[%add3A_278, %dma_wait3A_325] : memref<20480x16xf32, #tpu.memory_space<hbm>> -> memref<128x16xf32, #tpu.memory_space<hbm>>
      tpu.wait_dma2 semaphore(%run_scoped3A : memref<!tpu.dma_semaphore, #tpu.memory_space<semaphore_mem>>) src(%arg8 : memref<128x16xf32, #tpu.memory_space<vmem>>) dst(%dma_wait3A_326 : memref<128x16xf32, #tpu.memory_space<hbm>>)
      tpu.yield
    }) : () -> ()
    %mul3A_279 = arith.constant 640 : i32
    %mul3A_280 = arith.muli %arg1, %mul3A_279 : i32
    %add3A_281 = arith.constant 128 : i32
    %add3A_282 = arith.addi %mul3A_280, %add3A_281 : i32
    "tpu.region"() ({
      %run_scoped3A = tpu.sem_alloc : memref<!tpu.dma_semaphore, #tpu.memory_space<semaphore_mem>>
      %dma_start3A_319 = arith.constant 0 : i32
      %dma_start3A_320 = tpu.memref_slice %arg9[%add3A_282, %dma_start3A_319] : memref<10240x16xf32, #tpu.memory_space<vmem_shared>> -> memref<128x16xf32, #tpu.memory_space<vmem_shared>>
      %dma_start3A_321 = arith.constant 0 : i32
      %dma_start3A_322 = tpu.memref_slice %arg9[%add3A_282, %dma_start3A_321] : memref<10240x16xf32, #tpu.memory_space<vmem_shared>> -> memref<128x16xf32, #tpu.memory_space<vmem_shared>>
      tpu.enqueue_dma source(%dma_start3A_322 : memref<128x16xf32, #tpu.memory_space<vmem_shared>>) target(%arg8 : memref<128x16xf32, #tpu.memory_space<vmem>>) target_semaphore(%run_scoped3A : memref<!tpu.dma_semaphore, #tpu.memory_space<semaphore_mem>>)
      %dma_wait3A_323 = arith.constant 0 : i32
      %dma_wait3A_324 = tpu.memref_slice %arg9[%add3A_282, %dma_wait3A_323] : memref<10240x16xf32, #tpu.memory_space<vmem_shared>> -> memref<128x16xf32, #tpu.memory_space<vmem_shared>>
      %dma_wait3A_325 = arith.constant 0 : i32
      %dma_wait3A_326 = tpu.memref_slice %arg9[%add3A_282, %dma_wait3A_325] : memref<10240x16xf32, #tpu.memory_space<vmem_shared>> -> memref<128x16xf32, #tpu.memory_space<vmem_shared>>
      tpu.wait_dma2 semaphore(%run_scoped3A : memref<!tpu.dma_semaphore, #tpu.memory_space<semaphore_mem>>) src(%dma_wait3A_326 : memref<128x16xf32, #tpu.memory_space<vmem_shared>>) dst(%arg8 : memref<128x16xf32, #tpu.memory_space<vmem>>)
      tpu.yield
    }) : () -> ()
    %mul3A_283 = arith.constant 10240 : i32
    %mul3A_284 = arith.muli %arg0, %mul3A_283 : i32
    %add3A_285 = arith.addi %mul3A_284, %add3A_282 : i32
    "tpu.region"() ({
      %run_scoped3A = tpu.sem_alloc : memref<!tpu.dma_semaphore, #tpu.memory_space<semaphore_mem>>
      %dma_start3A_319 = arith.constant 0 : i32
      %dma_start3A_320 = tpu.memref_slice %arg4[%add3A_285, %dma_start3A_319] : memref<20480x16xf32, #tpu.memory_space<hbm>> -> memref<128x16xf32, #tpu.memory_space<hbm>>
      %dma_start3A_321 = arith.constant 0 : i32
      %dma_start3A_322 = tpu.memref_slice %arg4[%add3A_285, %dma_start3A_321] : memref<20480x16xf32, #tpu.memory_space<hbm>> -> memref<128x16xf32, #tpu.memory_space<hbm>>
      tpu.enqueue_dma source(%arg8 : memref<128x16xf32, #tpu.memory_space<vmem>>) target(%dma_start3A_322 : memref<128x16xf32, #tpu.memory_space<hbm>>) target_semaphore(%run_scoped3A : memref<!tpu.dma_semaphore, #tpu.memory_space<semaphore_mem>>)
      %dma_wait3A_323 = arith.constant 0 : i32
      %dma_wait3A_324 = tpu.memref_slice %arg4[%add3A_285, %dma_wait3A_323] : memref<20480x16xf32, #tpu.memory_space<hbm>> -> memref<128x16xf32, #tpu.memory_space<hbm>>
      %dma_wait3A_325 = arith.constant 0 : i32
      %dma_wait3A_326 = tpu.memref_slice %arg4[%add3A_285, %dma_wait3A_325] : memref<20480x16xf32, #tpu.memory_space<hbm>> -> memref<128x16xf32, #tpu.memory_space<hbm>>
      tpu.wait_dma2 semaphore(%run_scoped3A : memref<!tpu.dma_semaphore, #tpu.memory_space<semaphore_mem>>) src(%arg8 : memref<128x16xf32, #tpu.memory_space<vmem>>) dst(%dma_wait3A_326 : memref<128x16xf32, #tpu.memory_space<hbm>>)
      tpu.yield
    }) : () -> ()
    "tpu.region"() ({
      %run_scoped3A = tpu.sem_alloc : memref<!tpu.dma_semaphore, #tpu.memory_space<semaphore_mem>>
      %dma_start3A_319 = arith.constant 0 : i32
      %dma_start3A_320 = tpu.memref_slice %arg10[%add3A_282, %dma_start3A_319] : memref<10240x16xf32, #tpu.memory_space<vmem_shared>> -> memref<128x16xf32, #tpu.memory_space<vmem_shared>>
      %dma_start3A_321 = arith.constant 0 : i32
      %dma_start3A_322 = tpu.memref_slice %arg10[%add3A_282, %dma_start3A_321] : memref<10240x16xf32, #tpu.memory_space<vmem_shared>> -> memref<128x16xf32, #tpu.memory_space<vmem_shared>>
      tpu.enqueue_dma source(%dma_start3A_322 : memref<128x16xf32, #tpu.memory_space<vmem_shared>>) target(%arg8 : memref<128x16xf32, #tpu.memory_space<vmem>>) target_semaphore(%run_scoped3A : memref<!tpu.dma_semaphore, #tpu.memory_space<semaphore_mem>>)
      %dma_wait3A_323 = arith.constant 0 : i32
      %dma_wait3A_324 = tpu.memref_slice %arg10[%add3A_282, %dma_wait3A_323] : memref<10240x16xf32, #tpu.memory_space<vmem_shared>> -> memref<128x16xf32, #tpu.memory_space<vmem_shared>>
      %dma_wait3A_325 = arith.constant 0 : i32
      %dma_wait3A_326 = tpu.memref_slice %arg10[%add3A_282, %dma_wait3A_325] : memref<10240x16xf32, #tpu.memory_space<vmem_shared>> -> memref<128x16xf32, #tpu.memory_space<vmem_shared>>
      tpu.wait_dma2 semaphore(%run_scoped3A : memref<!tpu.dma_semaphore, #tpu.memory_space<semaphore_mem>>) src(%dma_wait3A_326 : memref<128x16xf32, #tpu.memory_space<vmem_shared>>) dst(%arg8 : memref<128x16xf32, #tpu.memory_space<vmem>>)
      tpu.yield
    }) : () -> ()
    %mul3A_286 = arith.constant 10240 : i32
    %mul3A_287 = arith.muli %arg0, %mul3A_286 : i32
    %add3A_288 = arith.addi %mul3A_287, %add3A_282 : i32
    "tpu.region"() ({
      %run_scoped3A = tpu.sem_alloc : memref<!tpu.dma_semaphore, #tpu.memory_space<semaphore_mem>>
      %dma_start3A_319 = arith.constant 0 : i32
      %dma_start3A_320 = tpu.memref_slice %arg5[%add3A_288, %dma_start3A_319] : memref<20480x16xf32, #tpu.memory_space<hbm>> -> memref<128x16xf32, #tpu.memory_space<hbm>>
      %dma_start3A_321 = arith.constant 0 : i32
      %dma_start3A_322 = tpu.memref_slice %arg5[%add3A_288, %dma_start3A_321] : memref<20480x16xf32, #tpu.memory_space<hbm>> -> memref<128x16xf32, #tpu.memory_space<hbm>>
      tpu.enqueue_dma source(%arg8 : memref<128x16xf32, #tpu.memory_space<vmem>>) target(%dma_start3A_322 : memref<128x16xf32, #tpu.memory_space<hbm>>) target_semaphore(%run_scoped3A : memref<!tpu.dma_semaphore, #tpu.memory_space<semaphore_mem>>)
      %dma_wait3A_323 = arith.constant 0 : i32
      %dma_wait3A_324 = tpu.memref_slice %arg5[%add3A_288, %dma_wait3A_323] : memref<20480x16xf32, #tpu.memory_space<hbm>> -> memref<128x16xf32, #tpu.memory_space<hbm>>
      %dma_wait3A_325 = arith.constant 0 : i32
      %dma_wait3A_326 = tpu.memref_slice %arg5[%add3A_288, %dma_wait3A_325] : memref<20480x16xf32, #tpu.memory_space<hbm>> -> memref<128x16xf32, #tpu.memory_space<hbm>>
      tpu.wait_dma2 semaphore(%run_scoped3A : memref<!tpu.dma_semaphore, #tpu.memory_space<semaphore_mem>>) src(%arg8 : memref<128x16xf32, #tpu.memory_space<vmem>>) dst(%dma_wait3A_326 : memref<128x16xf32, #tpu.memory_space<hbm>>)
      tpu.yield
    }) : () -> ()
    %mul3A_289 = arith.constant 640 : i32
    %mul3A_290 = arith.muli %arg1, %mul3A_289 : i32
    %add3A_291 = arith.constant 256 : i32
    %add3A_292 = arith.addi %mul3A_290, %add3A_291 : i32
    "tpu.region"() ({
      %run_scoped3A = tpu.sem_alloc : memref<!tpu.dma_semaphore, #tpu.memory_space<semaphore_mem>>
      %dma_start3A_319 = arith.constant 0 : i32
      %dma_start3A_320 = tpu.memref_slice %arg9[%add3A_292, %dma_start3A_319] : memref<10240x16xf32, #tpu.memory_space<vmem_shared>> -> memref<128x16xf32, #tpu.memory_space<vmem_shared>>
      %dma_start3A_321 = arith.constant 0 : i32
      %dma_start3A_322 = tpu.memref_slice %arg9[%add3A_292, %dma_start3A_321] : memref<10240x16xf32, #tpu.memory_space<vmem_shared>> -> memref<128x16xf32, #tpu.memory_space<vmem_shared>>
      tpu.enqueue_dma source(%dma_start3A_322 : memref<128x16xf32, #tpu.memory_space<vmem_shared>>) target(%arg8 : memref<128x16xf32, #tpu.memory_space<vmem>>) target_semaphore(%run_scoped3A : memref<!tpu.dma_semaphore, #tpu.memory_space<semaphore_mem>>)
      %dma_wait3A_323 = arith.constant 0 : i32
      %dma_wait3A_324 = tpu.memref_slice %arg9[%add3A_292, %dma_wait3A_323] : memref<10240x16xf32, #tpu.memory_space<vmem_shared>> -> memref<128x16xf32, #tpu.memory_space<vmem_shared>>
      %dma_wait3A_325 = arith.constant 0 : i32
      %dma_wait3A_326 = tpu.memref_slice %arg9[%add3A_292, %dma_wait3A_325] : memref<10240x16xf32, #tpu.memory_space<vmem_shared>> -> memref<128x16xf32, #tpu.memory_space<vmem_shared>>
      tpu.wait_dma2 semaphore(%run_scoped3A : memref<!tpu.dma_semaphore, #tpu.memory_space<semaphore_mem>>) src(%dma_wait3A_326 : memref<128x16xf32, #tpu.memory_space<vmem_shared>>) dst(%arg8 : memref<128x16xf32, #tpu.memory_space<vmem>>)
      tpu.yield
    }) : () -> ()
    %mul3A_293 = arith.constant 10240 : i32
    %mul3A_294 = arith.muli %arg0, %mul3A_293 : i32
    %add3A_295 = arith.addi %mul3A_294, %add3A_292 : i32
    "tpu.region"() ({
      %run_scoped3A = tpu.sem_alloc : memref<!tpu.dma_semaphore, #tpu.memory_space<semaphore_mem>>
      %dma_start3A_319 = arith.constant 0 : i32
      %dma_start3A_320 = tpu.memref_slice %arg4[%add3A_295, %dma_start3A_319] : memref<20480x16xf32, #tpu.memory_space<hbm>> -> memref<128x16xf32, #tpu.memory_space<hbm>>
      %dma_start3A_321 = arith.constant 0 : i32
      %dma_start3A_322 = tpu.memref_slice %arg4[%add3A_295, %dma_start3A_321] : memref<20480x16xf32, #tpu.memory_space<hbm>> -> memref<128x16xf32, #tpu.memory_space<hbm>>
      tpu.enqueue_dma source(%arg8 : memref<128x16xf32, #tpu.memory_space<vmem>>) target(%dma_start3A_322 : memref<128x16xf32, #tpu.memory_space<hbm>>) target_semaphore(%run_scoped3A : memref<!tpu.dma_semaphore, #tpu.memory_space<semaphore_mem>>)
      %dma_wait3A_323 = arith.constant 0 : i32
      %dma_wait3A_324 = tpu.memref_slice %arg4[%add3A_295, %dma_wait3A_323] : memref<20480x16xf32, #tpu.memory_space<hbm>> -> memref<128x16xf32, #tpu.memory_space<hbm>>
      %dma_wait3A_325 = arith.constant 0 : i32
      %dma_wait3A_326 = tpu.memref_slice %arg4[%add3A_295, %dma_wait3A_325] : memref<20480x16xf32, #tpu.memory_space<hbm>> -> memref<128x16xf32, #tpu.memory_space<hbm>>
      tpu.wait_dma2 semaphore(%run_scoped3A : memref<!tpu.dma_semaphore, #tpu.memory_space<semaphore_mem>>) src(%arg8 : memref<128x16xf32, #tpu.memory_space<vmem>>) dst(%dma_wait3A_326 : memref<128x16xf32, #tpu.memory_space<hbm>>)
      tpu.yield
    }) : () -> ()
    "tpu.region"() ({
      %run_scoped3A = tpu.sem_alloc : memref<!tpu.dma_semaphore, #tpu.memory_space<semaphore_mem>>
      %dma_start3A_319 = arith.constant 0 : i32
      %dma_start3A_320 = tpu.memref_slice %arg10[%add3A_292, %dma_start3A_319] : memref<10240x16xf32, #tpu.memory_space<vmem_shared>> -> memref<128x16xf32, #tpu.memory_space<vmem_shared>>
      %dma_start3A_321 = arith.constant 0 : i32
      %dma_start3A_322 = tpu.memref_slice %arg10[%add3A_292, %dma_start3A_321] : memref<10240x16xf32, #tpu.memory_space<vmem_shared>> -> memref<128x16xf32, #tpu.memory_space<vmem_shared>>
      tpu.enqueue_dma source(%dma_start3A_322 : memref<128x16xf32, #tpu.memory_space<vmem_shared>>) target(%arg8 : memref<128x16xf32, #tpu.memory_space<vmem>>) target_semaphore(%run_scoped3A : memref<!tpu.dma_semaphore, #tpu.memory_space<semaphore_mem>>)
      %dma_wait3A_323 = arith.constant 0 : i32
      %dma_wait3A_324 = tpu.memref_slice %arg10[%add3A_292, %dma_wait3A_323] : memref<10240x16xf32, #tpu.memory_space<vmem_shared>> -> memref<128x16xf32, #tpu.memory_space<vmem_shared>>
      %dma_wait3A_325 = arith.constant 0 : i32
      %dma_wait3A_326 = tpu.memref_slice %arg10[%add3A_292, %dma_wait3A_325] : memref<10240x16xf32, #tpu.memory_space<vmem_shared>> -> memref<128x16xf32, #tpu.memory_space<vmem_shared>>
      tpu.wait_dma2 semaphore(%run_scoped3A : memref<!tpu.dma_semaphore, #tpu.memory_space<semaphore_mem>>) src(%dma_wait3A_326 : memref<128x16xf32, #tpu.memory_space<vmem_shared>>) dst(%arg8 : memref<128x16xf32, #tpu.memory_space<vmem>>)
      tpu.yield
    }) : () -> ()
    %mul3A_296 = arith.constant 10240 : i32
    %mul3A_297 = arith.muli %arg0, %mul3A_296 : i32
    %add3A_298 = arith.addi %mul3A_297, %add3A_292 : i32
    "tpu.region"() ({
      %run_scoped3A = tpu.sem_alloc : memref<!tpu.dma_semaphore, #tpu.memory_space<semaphore_mem>>
      %dma_start3A_319 = arith.constant 0 : i32
      %dma_start3A_320 = tpu.memref_slice %arg5[%add3A_298, %dma_start3A_319] : memref<20480x16xf32, #tpu.memory_space<hbm>> -> memref<128x16xf32, #tpu.memory_space<hbm>>
      %dma_start3A_321 = arith.constant 0 : i32
      %dma_start3A_322 = tpu.memref_slice %arg5[%add3A_298, %dma_start3A_321] : memref<20480x16xf32, #tpu.memory_space<hbm>> -> memref<128x16xf32, #tpu.memory_space<hbm>>
      tpu.enqueue_dma source(%arg8 : memref<128x16xf32, #tpu.memory_space<vmem>>) target(%dma_start3A_322 : memref<128x16xf32, #tpu.memory_space<hbm>>) target_semaphore(%run_scoped3A : memref<!tpu.dma_semaphore, #tpu.memory_space<semaphore_mem>>)
      %dma_wait3A_323 = arith.constant 0 : i32
      %dma_wait3A_324 = tpu.memref_slice %arg5[%add3A_298, %dma_wait3A_323] : memref<20480x16xf32, #tpu.memory_space<hbm>> -> memref<128x16xf32, #tpu.memory_space<hbm>>
      %dma_wait3A_325 = arith.constant 0 : i32
      %dma_wait3A_326 = tpu.memref_slice %arg5[%add3A_298, %dma_wait3A_325] : memref<20480x16xf32, #tpu.memory_space<hbm>> -> memref<128x16xf32, #tpu.memory_space<hbm>>
      tpu.wait_dma2 semaphore(%run_scoped3A : memref<!tpu.dma_semaphore, #tpu.memory_space<semaphore_mem>>) src(%arg8 : memref<128x16xf32, #tpu.memory_space<vmem>>) dst(%dma_wait3A_326 : memref<128x16xf32, #tpu.memory_space<hbm>>)
      tpu.yield
    }) : () -> ()
    %mul3A_299 = arith.constant 640 : i32
    %mul3A_300 = arith.muli %arg1, %mul3A_299 : i32
    %add3A_301 = arith.constant 384 : i32
    %add3A_302 = arith.addi %mul3A_300, %add3A_301 : i32
    "tpu.region"() ({
      %run_scoped3A = tpu.sem_alloc : memref<!tpu.dma_semaphore, #tpu.memory_space<semaphore_mem>>
      %dma_start3A_319 = arith.constant 0 : i32
      %dma_start3A_320 = tpu.memref_slice %arg9[%add3A_302, %dma_start3A_319] : memref<10240x16xf32, #tpu.memory_space<vmem_shared>> -> memref<128x16xf32, #tpu.memory_space<vmem_shared>>
      %dma_start3A_321 = arith.constant 0 : i32
      %dma_start3A_322 = tpu.memref_slice %arg9[%add3A_302, %dma_start3A_321] : memref<10240x16xf32, #tpu.memory_space<vmem_shared>> -> memref<128x16xf32, #tpu.memory_space<vmem_shared>>
      tpu.enqueue_dma source(%dma_start3A_322 : memref<128x16xf32, #tpu.memory_space<vmem_shared>>) target(%arg8 : memref<128x16xf32, #tpu.memory_space<vmem>>) target_semaphore(%run_scoped3A : memref<!tpu.dma_semaphore, #tpu.memory_space<semaphore_mem>>)
      %dma_wait3A_323 = arith.constant 0 : i32
      %dma_wait3A_324 = tpu.memref_slice %arg9[%add3A_302, %dma_wait3A_323] : memref<10240x16xf32, #tpu.memory_space<vmem_shared>> -> memref<128x16xf32, #tpu.memory_space<vmem_shared>>
      %dma_wait3A_325 = arith.constant 0 : i32
      %dma_wait3A_326 = tpu.memref_slice %arg9[%add3A_302, %dma_wait3A_325] : memref<10240x16xf32, #tpu.memory_space<vmem_shared>> -> memref<128x16xf32, #tpu.memory_space<vmem_shared>>
      tpu.wait_dma2 semaphore(%run_scoped3A : memref<!tpu.dma_semaphore, #tpu.memory_space<semaphore_mem>>) src(%dma_wait3A_326 : memref<128x16xf32, #tpu.memory_space<vmem_shared>>) dst(%arg8 : memref<128x16xf32, #tpu.memory_space<vmem>>)
      tpu.yield
    }) : () -> ()
    %mul3A_303 = arith.constant 10240 : i32
    %mul3A_304 = arith.muli %arg0, %mul3A_303 : i32
    %add3A_305 = arith.addi %mul3A_304, %add3A_302 : i32
    "tpu.region"() ({
      %run_scoped3A = tpu.sem_alloc : memref<!tpu.dma_semaphore, #tpu.memory_space<semaphore_mem>>
      %dma_start3A_319 = arith.constant 0 : i32
      %dma_start3A_320 = tpu.memref_slice %arg4[%add3A_305, %dma_start3A_319] : memref<20480x16xf32, #tpu.memory_space<hbm>> -> memref<128x16xf32, #tpu.memory_space<hbm>>
      %dma_start3A_321 = arith.constant 0 : i32
      %dma_start3A_322 = tpu.memref_slice %arg4[%add3A_305, %dma_start3A_321] : memref<20480x16xf32, #tpu.memory_space<hbm>> -> memref<128x16xf32, #tpu.memory_space<hbm>>
      tpu.enqueue_dma source(%arg8 : memref<128x16xf32, #tpu.memory_space<vmem>>) target(%dma_start3A_322 : memref<128x16xf32, #tpu.memory_space<hbm>>) target_semaphore(%run_scoped3A : memref<!tpu.dma_semaphore, #tpu.memory_space<semaphore_mem>>)
      %dma_wait3A_323 = arith.constant 0 : i32
      %dma_wait3A_324 = tpu.memref_slice %arg4[%add3A_305, %dma_wait3A_323] : memref<20480x16xf32, #tpu.memory_space<hbm>> -> memref<128x16xf32, #tpu.memory_space<hbm>>
      %dma_wait3A_325 = arith.constant 0 : i32
      %dma_wait3A_326 = tpu.memref_slice %arg4[%add3A_305, %dma_wait3A_325] : memref<20480x16xf32, #tpu.memory_space<hbm>> -> memref<128x16xf32, #tpu.memory_space<hbm>>
      tpu.wait_dma2 semaphore(%run_scoped3A : memref<!tpu.dma_semaphore, #tpu.memory_space<semaphore_mem>>) src(%arg8 : memref<128x16xf32, #tpu.memory_space<vmem>>) dst(%dma_wait3A_326 : memref<128x16xf32, #tpu.memory_space<hbm>>)
      tpu.yield
    }) : () -> ()
    "tpu.region"() ({
      %run_scoped3A = tpu.sem_alloc : memref<!tpu.dma_semaphore, #tpu.memory_space<semaphore_mem>>
      %dma_start3A_319 = arith.constant 0 : i32
      %dma_start3A_320 = tpu.memref_slice %arg10[%add3A_302, %dma_start3A_319] : memref<10240x16xf32, #tpu.memory_space<vmem_shared>> -> memref<128x16xf32, #tpu.memory_space<vmem_shared>>
      %dma_start3A_321 = arith.constant 0 : i32
      %dma_start3A_322 = tpu.memref_slice %arg10[%add3A_302, %dma_start3A_321] : memref<10240x16xf32, #tpu.memory_space<vmem_shared>> -> memref<128x16xf32, #tpu.memory_space<vmem_shared>>
      tpu.enqueue_dma source(%dma_start3A_322 : memref<128x16xf32, #tpu.memory_space<vmem_shared>>) target(%arg8 : memref<128x16xf32, #tpu.memory_space<vmem>>) target_semaphore(%run_scoped3A : memref<!tpu.dma_semaphore, #tpu.memory_space<semaphore_mem>>)
      %dma_wait3A_323 = arith.constant 0 : i32
      %dma_wait3A_324 = tpu.memref_slice %arg10[%add3A_302, %dma_wait3A_323] : memref<10240x16xf32, #tpu.memory_space<vmem_shared>> -> memref<128x16xf32, #tpu.memory_space<vmem_shared>>
      %dma_wait3A_325 = arith.constant 0 : i32
      %dma_wait3A_326 = tpu.memref_slice %arg10[%add3A_302, %dma_wait3A_325] : memref<10240x16xf32, #tpu.memory_space<vmem_shared>> -> memref<128x16xf32, #tpu.memory_space<vmem_shared>>
      tpu.wait_dma2 semaphore(%run_scoped3A : memref<!tpu.dma_semaphore, #tpu.memory_space<semaphore_mem>>) src(%dma_wait3A_326 : memref<128x16xf32, #tpu.memory_space<vmem_shared>>) dst(%arg8 : memref<128x16xf32, #tpu.memory_space<vmem>>)
      tpu.yield
    }) : () -> ()
    %mul3A_306 = arith.constant 10240 : i32
    %mul3A_307 = arith.muli %arg0, %mul3A_306 : i32
    %add3A_308 = arith.addi %mul3A_307, %add3A_302 : i32
    "tpu.region"() ({
      %run_scoped3A = tpu.sem_alloc : memref<!tpu.dma_semaphore, #tpu.memory_space<semaphore_mem>>
      %dma_start3A_319 = arith.constant 0 : i32
      %dma_start3A_320 = tpu.memref_slice %arg5[%add3A_308, %dma_start3A_319] : memref<20480x16xf32, #tpu.memory_space<hbm>> -> memref<128x16xf32, #tpu.memory_space<hbm>>
      %dma_start3A_321 = arith.constant 0 : i32
      %dma_start3A_322 = tpu.memref_slice %arg5[%add3A_308, %dma_start3A_321] : memref<20480x16xf32, #tpu.memory_space<hbm>> -> memref<128x16xf32, #tpu.memory_space<hbm>>
      tpu.enqueue_dma source(%arg8 : memref<128x16xf32, #tpu.memory_space<vmem>>) target(%dma_start3A_322 : memref<128x16xf32, #tpu.memory_space<hbm>>) target_semaphore(%run_scoped3A : memref<!tpu.dma_semaphore, #tpu.memory_space<semaphore_mem>>)
      %dma_wait3A_323 = arith.constant 0 : i32
      %dma_wait3A_324 = tpu.memref_slice %arg5[%add3A_308, %dma_wait3A_323] : memref<20480x16xf32, #tpu.memory_space<hbm>> -> memref<128x16xf32, #tpu.memory_space<hbm>>
      %dma_wait3A_325 = arith.constant 0 : i32
      %dma_wait3A_326 = tpu.memref_slice %arg5[%add3A_308, %dma_wait3A_325] : memref<20480x16xf32, #tpu.memory_space<hbm>> -> memref<128x16xf32, #tpu.memory_space<hbm>>
      tpu.wait_dma2 semaphore(%run_scoped3A : memref<!tpu.dma_semaphore, #tpu.memory_space<semaphore_mem>>) src(%arg8 : memref<128x16xf32, #tpu.memory_space<vmem>>) dst(%dma_wait3A_326 : memref<128x16xf32, #tpu.memory_space<hbm>>)
      tpu.yield
    }) : () -> ()
    %mul3A_309 = arith.constant 640 : i32
    %mul3A_310 = arith.muli %arg1, %mul3A_309 : i32
    %add3A_311 = arith.constant 512 : i32
    %add3A_312 = arith.addi %mul3A_310, %add3A_311 : i32
    "tpu.region"() ({
      %run_scoped3A = tpu.sem_alloc : memref<!tpu.dma_semaphore, #tpu.memory_space<semaphore_mem>>
      %dma_start3A_319 = arith.constant 0 : i32
      %dma_start3A_320 = tpu.memref_slice %arg9[%add3A_312, %dma_start3A_319] : memref<10240x16xf32, #tpu.memory_space<vmem_shared>> -> memref<128x16xf32, #tpu.memory_space<vmem_shared>>
      %dma_start3A_321 = arith.constant 0 : i32
      %dma_start3A_322 = tpu.memref_slice %arg9[%add3A_312, %dma_start3A_321] : memref<10240x16xf32, #tpu.memory_space<vmem_shared>> -> memref<128x16xf32, #tpu.memory_space<vmem_shared>>
      tpu.enqueue_dma source(%dma_start3A_322 : memref<128x16xf32, #tpu.memory_space<vmem_shared>>) target(%arg8 : memref<128x16xf32, #tpu.memory_space<vmem>>) target_semaphore(%run_scoped3A : memref<!tpu.dma_semaphore, #tpu.memory_space<semaphore_mem>>)
      %dma_wait3A_323 = arith.constant 0 : i32
      %dma_wait3A_324 = tpu.memref_slice %arg9[%add3A_312, %dma_wait3A_323] : memref<10240x16xf32, #tpu.memory_space<vmem_shared>> -> memref<128x16xf32, #tpu.memory_space<vmem_shared>>
      %dma_wait3A_325 = arith.constant 0 : i32
      %dma_wait3A_326 = tpu.memref_slice %arg9[%add3A_312, %dma_wait3A_325] : memref<10240x16xf32, #tpu.memory_space<vmem_shared>> -> memref<128x16xf32, #tpu.memory_space<vmem_shared>>
      tpu.wait_dma2 semaphore(%run_scoped3A : memref<!tpu.dma_semaphore, #tpu.memory_space<semaphore_mem>>) src(%dma_wait3A_326 : memref<128x16xf32, #tpu.memory_space<vmem_shared>>) dst(%arg8 : memref<128x16xf32, #tpu.memory_space<vmem>>)
      tpu.yield
    }) : () -> ()
    %mul3A_313 = arith.constant 10240 : i32
    %mul3A_314 = arith.muli %arg0, %mul3A_313 : i32
    %add3A_315 = arith.addi %mul3A_314, %add3A_312 : i32
    "tpu.region"() ({
      %run_scoped3A = tpu.sem_alloc : memref<!tpu.dma_semaphore, #tpu.memory_space<semaphore_mem>>
      %dma_start3A_319 = arith.constant 0 : i32
      %dma_start3A_320 = tpu.memref_slice %arg4[%add3A_315, %dma_start3A_319] : memref<20480x16xf32, #tpu.memory_space<hbm>> -> memref<128x16xf32, #tpu.memory_space<hbm>>
      %dma_start3A_321 = arith.constant 0 : i32
      %dma_start3A_322 = tpu.memref_slice %arg4[%add3A_315, %dma_start3A_321] : memref<20480x16xf32, #tpu.memory_space<hbm>> -> memref<128x16xf32, #tpu.memory_space<hbm>>
      tpu.enqueue_dma source(%arg8 : memref<128x16xf32, #tpu.memory_space<vmem>>) target(%dma_start3A_322 : memref<128x16xf32, #tpu.memory_space<hbm>>) target_semaphore(%run_scoped3A : memref<!tpu.dma_semaphore, #tpu.memory_space<semaphore_mem>>)
      %dma_wait3A_323 = arith.constant 0 : i32
      %dma_wait3A_324 = tpu.memref_slice %arg4[%add3A_315, %dma_wait3A_323] : memref<20480x16xf32, #tpu.memory_space<hbm>> -> memref<128x16xf32, #tpu.memory_space<hbm>>
      %dma_wait3A_325 = arith.constant 0 : i32
      %dma_wait3A_326 = tpu.memref_slice %arg4[%add3A_315, %dma_wait3A_325] : memref<20480x16xf32, #tpu.memory_space<hbm>> -> memref<128x16xf32, #tpu.memory_space<hbm>>
      tpu.wait_dma2 semaphore(%run_scoped3A : memref<!tpu.dma_semaphore, #tpu.memory_space<semaphore_mem>>) src(%arg8 : memref<128x16xf32, #tpu.memory_space<vmem>>) dst(%dma_wait3A_326 : memref<128x16xf32, #tpu.memory_space<hbm>>)
      tpu.yield
    }) : () -> ()
    "tpu.region"() ({
      %run_scoped3A = tpu.sem_alloc : memref<!tpu.dma_semaphore, #tpu.memory_space<semaphore_mem>>
      %dma_start3A_319 = arith.constant 0 : i32
      %dma_start3A_320 = tpu.memref_slice %arg10[%add3A_312, %dma_start3A_319] : memref<10240x16xf32, #tpu.memory_space<vmem_shared>> -> memref<128x16xf32, #tpu.memory_space<vmem_shared>>
      %dma_start3A_321 = arith.constant 0 : i32
      %dma_start3A_322 = tpu.memref_slice %arg10[%add3A_312, %dma_start3A_321] : memref<10240x16xf32, #tpu.memory_space<vmem_shared>> -> memref<128x16xf32, #tpu.memory_space<vmem_shared>>
      tpu.enqueue_dma source(%dma_start3A_322 : memref<128x16xf32, #tpu.memory_space<vmem_shared>>) target(%arg8 : memref<128x16xf32, #tpu.memory_space<vmem>>) target_semaphore(%run_scoped3A : memref<!tpu.dma_semaphore, #tpu.memory_space<semaphore_mem>>)
      %dma_wait3A_323 = arith.constant 0 : i32
      %dma_wait3A_324 = tpu.memref_slice %arg10[%add3A_312, %dma_wait3A_323] : memref<10240x16xf32, #tpu.memory_space<vmem_shared>> -> memref<128x16xf32, #tpu.memory_space<vmem_shared>>
      %dma_wait3A_325 = arith.constant 0 : i32
      %dma_wait3A_326 = tpu.memref_slice %arg10[%add3A_312, %dma_wait3A_325] : memref<10240x16xf32, #tpu.memory_space<vmem_shared>> -> memref<128x16xf32, #tpu.memory_space<vmem_shared>>
      tpu.wait_dma2 semaphore(%run_scoped3A : memref<!tpu.dma_semaphore, #tpu.memory_space<semaphore_mem>>) src(%dma_wait3A_326 : memref<128x16xf32, #tpu.memory_space<vmem_shared>>) dst(%arg8 : memref<128x16xf32, #tpu.memory_space<vmem>>)
      tpu.yield
    }) : () -> ()
    %mul3A_316 = arith.constant 10240 : i32
    %mul3A_317 = arith.muli %arg0, %mul3A_316 : i32
    %add3A_318 = arith.addi %mul3A_317, %add3A_312 : i32
    "tpu.region"() ({
      %run_scoped3A = tpu.sem_alloc : memref<!tpu.dma_semaphore, #tpu.memory_space<semaphore_mem>>
      %dma_start3A_319 = arith.constant 0 : i32
      %dma_start3A_320 = tpu.memref_slice %arg5[%add3A_318, %dma_start3A_319] : memref<20480x16xf32, #tpu.memory_space<hbm>> -> memref<128x16xf32, #tpu.memory_space<hbm>>
      %dma_start3A_321 = arith.constant 0 : i32
      %dma_start3A_322 = tpu.memref_slice %arg5[%add3A_318, %dma_start3A_321] : memref<20480x16xf32, #tpu.memory_space<hbm>> -> memref<128x16xf32, #tpu.memory_space<hbm>>
      tpu.enqueue_dma source(%arg8 : memref<128x16xf32, #tpu.memory_space<vmem>>) target(%dma_start3A_322 : memref<128x16xf32, #tpu.memory_space<hbm>>) target_semaphore(%run_scoped3A : memref<!tpu.dma_semaphore, #tpu.memory_space<semaphore_mem>>)
      %dma_wait3A_323 = arith.constant 0 : i32
      %dma_wait3A_324 = tpu.memref_slice %arg5[%add3A_318, %dma_wait3A_323] : memref<20480x16xf32, #tpu.memory_space<hbm>> -> memref<128x16xf32, #tpu.memory_space<hbm>>
      %dma_wait3A_325 = arith.constant 0 : i32
      %dma_wait3A_326 = tpu.memref_slice %arg5[%add3A_318, %dma_wait3A_325] : memref<20480x16xf32, #tpu.memory_space<hbm>> -> memref<128x16xf32, #tpu.memory_space<hbm>>
      tpu.wait_dma2 semaphore(%run_scoped3A : memref<!tpu.dma_semaphore, #tpu.memory_space<semaphore_mem>>) src(%arg8 : memref<128x16xf32, #tpu.memory_space<vmem>>) dst(%dma_wait3A_326 : memref<128x16xf32, #tpu.memory_space<hbm>>)
      tpu.yield
    }) : () -> ()
    return
  }
}

#map = affine_map<(d0, d1) -> (0)>
#map1 = affine_map<(d0, d1) -> (0, 0)>
module attributes {stable_mosaic.version = 14 : i64} {
  func.func @gcn_agg_d128_edge(%arg0: i32, %arg1: i32, %arg2: memref<327680xi32, #tpu.memory_space<hbm>>, %arg3: memref<2560x128xi32, #tpu.memory_space<hbm>>, %arg4: memref<10240x128xf32, #tpu.memory_space<hbm>>, %arg5: memref<20480x128xf32, #tpu.memory_space<hbm>>, %arg6: memref<5120xi32, #tpu.memory_space<vmem>>, %arg7: memref<40x128xi32, #tpu.memory_space<vmem>>, %arg8: memref<128x128xf32, #tpu.memory_space<vmem>>, %arg9: memref<128x128xf32, #tpu.memory_space<vmem>>, %arg10: memref<10240x128xf32, #tpu.memory_space<vmem_shared>>, %arg11: memref<!tpu.dma_semaphore, #tpu.memory_space<semaphore_mem>>, %arg12: memref<!tpu.dma_semaphore, #tpu.memory_space<semaphore_mem>>, %arg13: memref<!tpu.dma_semaphore, #tpu.memory_space<semaphore_mem>>, %arg14: memref<!tpu.dma_semaphore, #tpu.memory_space<semaphore_mem>>) attributes {dimension_semantics = [#tpu.dimension_semantics<core_parallel>, #tpu.dimension_semantics<subcore_parallel>], iteration_bounds = array<i64: 2, 16>, scalar_prefetch = 0 : i64, scratch_operands = 9 : i64, tpu.core_type = #tpu.core_type<sc_vector_subcore>, window_params = [{transform_indices = #map}, {transform_indices = #map1}, {transform_indices = #map1}, {transform_indices = #map1}]} {
    %broadcast_in_dim3A = arith.constant 0.000000e+00 : f32
    %broadcast_in_dim3A_0 = vector.broadcast %broadcast_in_dim3A : f32 to vector<16xf32>
    %scan3A = arith.constant 0 : i32
    %scan3A_1 = arith.constant 0 : i32
    %scan3A_2 = arith.constant 128 : i32
    %scan3A_3 = arith.addi %scan3A_1, %scan3A_2 : i32
    %scan3A_4 = arith.constant 1 : i32
    %scan3A_5 = scf.for %scan3A_78 = %scan3A_1 to %scan3A_3 step %scan3A_4 iter_args(%scan3A_79 = %scan3A) -> (i32)  : i32 {
      %swap3A = arith.index_cast %scan3A_78 : i32 to index
      %swap3A_80 = arith.constant 0 : index
      %swap3A_81 = tpu.vector_load %arg8[%swap3A, %swap3A_80] {strides = array<i32>} : memref<128x128xf32, #tpu.memory_space<vmem>>, vector<1x16xf32>,
      %swap3A_82 = vector.shape_cast %swap3A_81 : vector<1x16xf32> to vector<16xf32>
      %swap3A_83 = vector.shape_cast %broadcast_in_dim3A_0 : vector<16xf32> to vector<1x16xf32>
      tpu.vector_store %arg8[%swap3A, %swap3A_80], %swap3A_83 {strides = array<i32>} : memref<128x128xf32, #tpu.memory_space<vmem>>, vector<1x16xf32>,
      %swap3A_84 = arith.index_cast %scan3A_78 : i32 to index
      %swap3A_85 = arith.constant 16 : index
      %swap3A_86 = tpu.vector_load %arg8[%swap3A_84, %swap3A_85] {strides = array<i32>} : memref<128x128xf32, #tpu.memory_space<vmem>>, vector<1x16xf32>,
      %swap3A_87 = vector.shape_cast %swap3A_86 : vector<1x16xf32> to vector<16xf32>
      %swap3A_88 = vector.shape_cast %broadcast_in_dim3A_0 : vector<16xf32> to vector<1x16xf32>
      tpu.vector_store %arg8[%swap3A_84, %swap3A_85], %swap3A_88 {strides = array<i32>} : memref<128x128xf32, #tpu.memory_space<vmem>>, vector<1x16xf32>,
      %swap3A_89 = arith.index_cast %scan3A_78 : i32 to index
      %swap3A_90 = arith.constant 32 : index
      %swap3A_91 = tpu.vector_load %arg8[%swap3A_89, %swap3A_90] {strides = array<i32>} : memref<128x128xf32, #tpu.memory_space<vmem>>, vector<1x16xf32>,
      %swap3A_92 = vector.shape_cast %swap3A_91 : vector<1x16xf32> to vector<16xf32>
      %swap3A_93 = vector.shape_cast %broadcast_in_dim3A_0 : vector<16xf32> to vector<1x16xf32>
      tpu.vector_store %arg8[%swap3A_89, %swap3A_90], %swap3A_93 {strides = array<i32>} : memref<128x128xf32, #tpu.memory_space<vmem>>, vector<1x16xf32>,
      %swap3A_94 = arith.index_cast %scan3A_78 : i32 to index
      %swap3A_95 = arith.constant 48 : index
      %swap3A_96 = tpu.vector_load %arg8[%swap3A_94, %swap3A_95] {strides = array<i32>} : memref<128x128xf32, #tpu.memory_space<vmem>>, vector<1x16xf32>,
      %swap3A_97 = vector.shape_cast %swap3A_96 : vector<1x16xf32> to vector<16xf32>
      %swap3A_98 = vector.shape_cast %broadcast_in_dim3A_0 : vector<16xf32> to vector<1x16xf32>
      tpu.vector_store %arg8[%swap3A_94, %swap3A_95], %swap3A_98 {strides = array<i32>} : memref<128x128xf32, #tpu.memory_space<vmem>>, vector<1x16xf32>,
      %swap3A_99 = arith.index_cast %scan3A_78 : i32 to index
      %swap3A_100 = arith.constant 64 : index
      %swap3A_101 = tpu.vector_load %arg8[%swap3A_99, %swap3A_100] {strides = array<i32>} : memref<128x128xf32, #tpu.memory_space<vmem>>, vector<1x16xf32>,
      %swap3A_102 = vector.shape_cast %swap3A_101 : vector<1x16xf32> to vector<16xf32>
      %swap3A_103 = vector.shape_cast %broadcast_in_dim3A_0 : vector<16xf32> to vector<1x16xf32>
      tpu.vector_store %arg8[%swap3A_99, %swap3A_100], %swap3A_103 {strides = array<i32>} : memref<128x128xf32, #tpu.memory_space<vmem>>, vector<1x16xf32>,
      %swap3A_104 = arith.index_cast %scan3A_78 : i32 to index
      %swap3A_105 = arith.constant 80 : index
      %swap3A_106 = tpu.vector_load %arg8[%swap3A_104, %swap3A_105] {strides = array<i32>} : memref<128x128xf32, #tpu.memory_space<vmem>>, vector<1x16xf32>,
      %swap3A_107 = vector.shape_cast %swap3A_106 : vector<1x16xf32> to vector<16xf32>
      %swap3A_108 = vector.shape_cast %broadcast_in_dim3A_0 : vector<16xf32> to vector<1x16xf32>
      tpu.vector_store %arg8[%swap3A_104, %swap3A_105], %swap3A_108 {strides = array<i32>} : memref<128x128xf32, #tpu.memory_space<vmem>>, vector<1x16xf32>,
      %swap3A_109 = arith.index_cast %scan3A_78 : i32 to index
      %swap3A_110 = arith.constant 96 : index
      %swap3A_111 = tpu.vector_load %arg8[%swap3A_109, %swap3A_110] {strides = array<i32>} : memref<128x128xf32, #tpu.memory_space<vmem>>, vector<1x16xf32>,
      %swap3A_112 = vector.shape_cast %swap3A_111 : vector<1x16xf32> to vector<16xf32>
      %swap3A_113 = vector.shape_cast %broadcast_in_dim3A_0 : vector<16xf32> to vector<1x16xf32>
      tpu.vector_store %arg8[%swap3A_109, %swap3A_110], %swap3A_113 {strides = array<i32>} : memref<128x128xf32, #tpu.memory_space<vmem>>, vector<1x16xf32>,
      %swap3A_114 = arith.index_cast %scan3A_78 : i32 to index
      %swap3A_115 = arith.constant 112 : index
      %swap3A_116 = tpu.vector_load %arg8[%swap3A_114, %swap3A_115] {strides = array<i32>} : memref<128x128xf32, #tpu.memory_space<vmem>>, vector<1x16xf32>,
      %swap3A_117 = vector.shape_cast %swap3A_116 : vector<1x16xf32> to vector<16xf32>
      %swap3A_118 = vector.shape_cast %broadcast_in_dim3A_0 : vector<16xf32> to vector<1x16xf32>
      tpu.vector_store %arg8[%swap3A_114, %swap3A_115], %swap3A_118 {strides = array<i32>} : memref<128x128xf32, #tpu.memory_space<vmem>>, vector<1x16xf32>,
      %scan3A_119 = arith.constant 0 : i32
      scf.yield %scan3A_119 : i32
    }
    %scan3A_6 = arith.constant 128 : i32
    %mul3A = arith.constant 640 : i32
    %mul3A_7 = arith.muli %arg1, %mul3A : i32
    %add3A = arith.constant 0 : i32
    %add3A_8 = arith.addi %mul3A_7, %add3A : i32
    "tpu.region"() ({
      %run_scoped3A = tpu.sem_alloc : memref<!tpu.dma_semaphore, #tpu.memory_space<semaphore_mem>>
      %dma_start3A = arith.constant 0 : i32
      %dma_start3A_78 = tpu.memref_slice %arg10[%add3A_8, %dma_start3A] : memref<10240x128xf32, #tpu.memory_space<vmem_shared>> -> memref<128x128xf32, #tpu.memory_space<vmem_shared>>
      %dma_start3A_79 = arith.constant 0 : i32
      %dma_start3A_80 = tpu.memref_slice %arg10[%add3A_8, %dma_start3A_79] : memref<10240x128xf32, #tpu.memory_space<vmem_shared>> -> memref<128x128xf32, #tpu.memory_space<vmem_shared>>
      tpu.enqueue_dma source(%arg8 : memref<128x128xf32, #tpu.memory_space<vmem>>) target(%dma_start3A_80 : memref<128x128xf32, #tpu.memory_space<vmem_shared>>) target_semaphore(%run_scoped3A : memref<!tpu.dma_semaphore, #tpu.memory_space<semaphore_mem>>)
      %dma_wait3A = arith.constant 0 : i32
      %dma_wait3A_81 = tpu.memref_slice %arg10[%add3A_8, %dma_wait3A] : memref<10240x128xf32, #tpu.memory_space<vmem_shared>> -> memref<128x128xf32, #tpu.memory_space<vmem_shared>>
      %dma_wait3A_82 = arith.constant 0 : i32
      %dma_wait3A_83 = tpu.memref_slice %arg10[%add3A_8, %dma_wait3A_82] : memref<10240x128xf32, #tpu.memory_space<vmem_shared>> -> memref<128x128xf32, #tpu.memory_space<vmem_shared>>
      tpu.wait_dma2 semaphore(%run_scoped3A : memref<!tpu.dma_semaphore, #tpu.memory_space<semaphore_mem>>) src(%arg8 : memref<128x128xf32, #tpu.memory_space<vmem>>) dst(%dma_wait3A_83 : memref<128x128xf32, #tpu.memory_space<vmem_shared>>)
      tpu.yield
    }) : () -> ()
    %mul3A_9 = arith.constant 640 : i32
    %mul3A_10 = arith.muli %arg1, %mul3A_9 : i32
    %add3A_11 = arith.constant 128 : i32
    %add3A_12 = arith.addi %mul3A_10, %add3A_11 : i32
    "tpu.region"() ({
      %run_scoped3A = tpu.sem_alloc : memref<!tpu.dma_semaphore, #tpu.memory_space<semaphore_mem>>
      %dma_start3A = arith.constant 0 : i32
      %dma_start3A_78 = tpu.memref_slice %arg10[%add3A_12, %dma_start3A] : memref<10240x128xf32, #tpu.memory_space<vmem_shared>> -> memref<128x128xf32, #tpu.memory_space<vmem_shared>>
      %dma_start3A_79 = arith.constant 0 : i32
      %dma_start3A_80 = tpu.memref_slice %arg10[%add3A_12, %dma_start3A_79] : memref<10240x128xf32, #tpu.memory_space<vmem_shared>> -> memref<128x128xf32, #tpu.memory_space<vmem_shared>>
      tpu.enqueue_dma source(%arg8 : memref<128x128xf32, #tpu.memory_space<vmem>>) target(%dma_start3A_80 : memref<128x128xf32, #tpu.memory_space<vmem_shared>>) target_semaphore(%run_scoped3A : memref<!tpu.dma_semaphore, #tpu.memory_space<semaphore_mem>>)
      %dma_wait3A = arith.constant 0 : i32
      %dma_wait3A_81 = tpu.memref_slice %arg10[%add3A_12, %dma_wait3A] : memref<10240x128xf32, #tpu.memory_space<vmem_shared>> -> memref<128x128xf32, #tpu.memory_space<vmem_shared>>
      %dma_wait3A_82 = arith.constant 0 : i32
      %dma_wait3A_83 = tpu.memref_slice %arg10[%add3A_12, %dma_wait3A_82] : memref<10240x128xf32, #tpu.memory_space<vmem_shared>> -> memref<128x128xf32, #tpu.memory_space<vmem_shared>>
      tpu.wait_dma2 semaphore(%run_scoped3A : memref<!tpu.dma_semaphore, #tpu.memory_space<semaphore_mem>>) src(%arg8 : memref<128x128xf32, #tpu.memory_space<vmem>>) dst(%dma_wait3A_83 : memref<128x128xf32, #tpu.memory_space<vmem_shared>>)
      tpu.yield
    }) : () -> ()
    %mul3A_13 = arith.constant 640 : i32
    %mul3A_14 = arith.muli %arg1, %mul3A_13 : i32
    %add3A_15 = arith.constant 256 : i32
    %add3A_16 = arith.addi %mul3A_14, %add3A_15 : i32
    "tpu.region"() ({
      %run_scoped3A = tpu.sem_alloc : memref<!tpu.dma_semaphore, #tpu.memory_space<semaphore_mem>>
      %dma_start3A = arith.constant 0 : i32
      %dma_start3A_78 = tpu.memref_slice %arg10[%add3A_16, %dma_start3A] : memref<10240x128xf32, #tpu.memory_space<vmem_shared>> -> memref<128x128xf32, #tpu.memory_space<vmem_shared>>
      %dma_start3A_79 = arith.constant 0 : i32
      %dma_start3A_80 = tpu.memref_slice %arg10[%add3A_16, %dma_start3A_79] : memref<10240x128xf32, #tpu.memory_space<vmem_shared>> -> memref<128x128xf32, #tpu.memory_space<vmem_shared>>
      tpu.enqueue_dma source(%arg8 : memref<128x128xf32, #tpu.memory_space<vmem>>) target(%dma_start3A_80 : memref<128x128xf32, #tpu.memory_space<vmem_shared>>) target_semaphore(%run_scoped3A : memref<!tpu.dma_semaphore, #tpu.memory_space<semaphore_mem>>)
      %dma_wait3A = arith.constant 0 : i32
      %dma_wait3A_81 = tpu.memref_slice %arg10[%add3A_16, %dma_wait3A] : memref<10240x128xf32, #tpu.memory_space<vmem_shared>> -> memref<128x128xf32, #tpu.memory_space<vmem_shared>>
      %dma_wait3A_82 = arith.constant 0 : i32
      %dma_wait3A_83 = tpu.memref_slice %arg10[%add3A_16, %dma_wait3A_82] : memref<10240x128xf32, #tpu.memory_space<vmem_shared>> -> memref<128x128xf32, #tpu.memory_space<vmem_shared>>
      tpu.wait_dma2 semaphore(%run_scoped3A : memref<!tpu.dma_semaphore, #tpu.memory_space<semaphore_mem>>) src(%arg8 : memref<128x128xf32, #tpu.memory_space<vmem>>) dst(%dma_wait3A_83 : memref<128x128xf32, #tpu.memory_space<vmem_shared>>)
      tpu.yield
    }) : () -> ()
    %mul3A_17 = arith.constant 640 : i32
    %mul3A_18 = arith.muli %arg1, %mul3A_17 : i32
    %add3A_19 = arith.constant 384 : i32
    %add3A_20 = arith.addi %mul3A_18, %add3A_19 : i32
    "tpu.region"() ({
      %run_scoped3A = tpu.sem_alloc : memref<!tpu.dma_semaphore, #tpu.memory_space<semaphore_mem>>
      %dma_start3A = arith.constant 0 : i32
      %dma_start3A_78 = tpu.memref_slice %arg10[%add3A_20, %dma_start3A] : memref<10240x128xf32, #tpu.memory_space<vmem_shared>> -> memref<128x128xf32, #tpu.memory_space<vmem_shared>>
      %dma_start3A_79 = arith.constant 0 : i32
      %dma_start3A_80 = tpu.memref_slice %arg10[%add3A_20, %dma_start3A_79] : memref<10240x128xf32, #tpu.memory_space<vmem_shared>> -> memref<128x128xf32, #tpu.memory_space<vmem_shared>>
      tpu.enqueue_dma source(%arg8 : memref<128x128xf32, #tpu.memory_space<vmem>>) target(%dma_start3A_80 : memref<128x128xf32, #tpu.memory_space<vmem_shared>>) target_semaphore(%run_scoped3A : memref<!tpu.dma_semaphore, #tpu.memory_space<semaphore_mem>>)
      %dma_wait3A = arith.constant 0 : i32
      %dma_wait3A_81 = tpu.memref_slice %arg10[%add3A_20, %dma_wait3A] : memref<10240x128xf32, #tpu.memory_space<vmem_shared>> -> memref<128x128xf32, #tpu.memory_space<vmem_shared>>
      %dma_wait3A_82 = arith.constant 0 : i32
      %dma_wait3A_83 = tpu.memref_slice %arg10[%add3A_20, %dma_wait3A_82] : memref<10240x128xf32, #tpu.memory_space<vmem_shared>> -> memref<128x128xf32, #tpu.memory_space<vmem_shared>>
      tpu.wait_dma2 semaphore(%run_scoped3A : memref<!tpu.dma_semaphore, #tpu.memory_space<semaphore_mem>>) src(%arg8 : memref<128x128xf32, #tpu.memory_space<vmem>>) dst(%dma_wait3A_83 : memref<128x128xf32, #tpu.memory_space<vmem_shared>>)
      tpu.yield
    }) : () -> ()
    %mul3A_21 = arith.constant 640 : i32
    %mul3A_22 = arith.muli %arg1, %mul3A_21 : i32
    %add3A_23 = arith.constant 512 : i32
    %add3A_24 = arith.addi %mul3A_22, %add3A_23 : i32
    "tpu.region"() ({
      %run_scoped3A = tpu.sem_alloc : memref<!tpu.dma_semaphore, #tpu.memory_space<semaphore_mem>>
      %dma_start3A = arith.constant 0 : i32
      %dma_start3A_78 = tpu.memref_slice %arg10[%add3A_24, %dma_start3A] : memref<10240x128xf32, #tpu.memory_space<vmem_shared>> -> memref<128x128xf32, #tpu.memory_space<vmem_shared>>
      %dma_start3A_79 = arith.constant 0 : i32
      %dma_start3A_80 = tpu.memref_slice %arg10[%add3A_24, %dma_start3A_79] : memref<10240x128xf32, #tpu.memory_space<vmem_shared>> -> memref<128x128xf32, #tpu.memory_space<vmem_shared>>
      tpu.enqueue_dma source(%arg8 : memref<128x128xf32, #tpu.memory_space<vmem>>) target(%dma_start3A_80 : memref<128x128xf32, #tpu.memory_space<vmem_shared>>) target_semaphore(%run_scoped3A : memref<!tpu.dma_semaphore, #tpu.memory_space<semaphore_mem>>)
      %dma_wait3A = arith.constant 0 : i32
      %dma_wait3A_81 = tpu.memref_slice %arg10[%add3A_24, %dma_wait3A] : memref<10240x128xf32, #tpu.memory_space<vmem_shared>> -> memref<128x128xf32, #tpu.memory_space<vmem_shared>>
      %dma_wait3A_82 = arith.constant 0 : i32
      %dma_wait3A_83 = tpu.memref_slice %arg10[%add3A_24, %dma_wait3A_82] : memref<10240x128xf32, #tpu.memory_space<vmem_shared>> -> memref<128x128xf32, #tpu.memory_space<vmem_shared>>
      tpu.wait_dma2 semaphore(%run_scoped3A : memref<!tpu.dma_semaphore, #tpu.memory_space<semaphore_mem>>) src(%arg8 : memref<128x128xf32, #tpu.memory_space<vmem>>) dst(%dma_wait3A_83 : memref<128x128xf32, #tpu.memory_space<vmem_shared>>)
      tpu.yield
    }) : () -> ()
    %barrier3A = arith.constant 0 : index
    tpu.barrier barrier_id(%barrier3A)
    %mul3A_25 = arith.constant 163840 : i32
    %mul3A_26 = arith.muli %arg0, %mul3A_25 : i32
    %mul3A_27 = arith.constant 10240 : i32
    %mul3A_28 = arith.muli %arg1, %mul3A_27 : i32
    %add3A_29 = arith.addi %mul3A_26, %mul3A_28 : i32
    %mul3A_30 = arith.constant 1280 : i32
    %mul3A_31 = arith.muli %arg0, %mul3A_30 : i32
    %mul3A_32 = arith.constant 80 : i32
    %mul3A_33 = arith.muli %arg1, %mul3A_32 : i32
    %add3A_34 = arith.addi %mul3A_31, %mul3A_33 : i32
    %scan3A_35 = arith.constant 0 : i32
    %scan3A_36 = arith.constant 0 : i32
    %scan3A_37 = arith.constant 2 : i32
    %scan3A_38 = arith.addi %scan3A_36, %scan3A_37 : i32
    %scan3A_39 = arith.constant 1 : i32
    %scan3A_40 = scf.for %scan3A_78 = %scan3A_36 to %scan3A_38 step %scan3A_39 iter_args(%scan3A_79 = %scan3A_35) -> (i32)  : i32 {
      %mul3A_80 = arith.constant 5120 : i32
      %mul3A_81 = arith.muli %scan3A_78, %mul3A_80 : i32
      %add3A_82 = arith.addi %add3A_29, %mul3A_81 : i32
      "tpu.region"() ({
        %run_scoped3A = tpu.sem_alloc : memref<!tpu.dma_semaphore, #tpu.memory_space<semaphore_mem>>
        %dma_start3A_103 = tpu.memref_slice %arg2[%add3A_82] : memref<327680xi32, #tpu.memory_space<hbm>> -> memref<5120xi32, #tpu.memory_space<hbm>>
        %dma_start3A_104 = tpu.memref_slice %arg2[%add3A_82] : memref<327680xi32, #tpu.memory_space<hbm>> -> memref<5120xi32, #tpu.memory_space<hbm>>
        tpu.enqueue_dma source(%dma_start3A_104 : memref<5120xi32, #tpu.memory_space<hbm>>) target(%arg6 : memref<5120xi32, #tpu.memory_space<vmem>>) target_semaphore(%run_scoped3A : memref<!tpu.dma_semaphore, #tpu.memory_space<semaphore_mem>>)
        %dma_wait3A = tpu.memref_slice %arg2[%add3A_82] : memref<327680xi32, #tpu.memory_space<hbm>> -> memref<5120xi32, #tpu.memory_space<hbm>>
        %dma_wait3A_105 = tpu.memref_slice %arg2[%add3A_82] : memref<327680xi32, #tpu.memory_space<hbm>> -> memref<5120xi32, #tpu.memory_space<hbm>>
        tpu.wait_dma2 semaphore(%run_scoped3A : memref<!tpu.dma_semaphore, #tpu.memory_space<semaphore_mem>>) src(%dma_wait3A_105 : memref<5120xi32, #tpu.memory_space<hbm>>) dst(%arg6 : memref<5120xi32, #tpu.memory_space<vmem>>)
        tpu.yield
      }) : () -> ()
      %mul3A_83 = arith.constant 40 : i32
      %mul3A_84 = arith.muli %scan3A_78, %mul3A_83 : i32
      %add3A_85 = arith.addi %add3A_34, %mul3A_84 : i32
      "tpu.region"() ({
        %run_scoped3A = tpu.sem_alloc : memref<!tpu.dma_semaphore, #tpu.memory_space<semaphore_mem>>
        %dma_start3A_103 = arith.constant 0 : i32
        %dma_start3A_104 = tpu.memref_slice %arg3[%add3A_85, %dma_start3A_103] : memref<2560x128xi32, #tpu.memory_space<hbm>> -> memref<40x128xi32, #tpu.memory_space<hbm>>
        %dma_start3A_105 = arith.constant 0 : i32
        %dma_start3A_106 = tpu.memref_slice %arg3[%add3A_85, %dma_start3A_105] : memref<2560x128xi32, #tpu.memory_space<hbm>> -> memref<40x128xi32, #tpu.memory_space<hbm>>
        tpu.enqueue_dma source(%dma_start3A_106 : memref<40x128xi32, #tpu.memory_space<hbm>>) target(%arg7 : memref<40x128xi32, #tpu.memory_space<vmem>>) target_semaphore(%run_scoped3A : memref<!tpu.dma_semaphore, #tpu.memory_space<semaphore_mem>>)
        %dma_wait3A = arith.constant 0 : i32
        %dma_wait3A_107 = tpu.memref_slice %arg3[%add3A_85, %dma_wait3A] : memref<2560x128xi32, #tpu.memory_space<hbm>> -> memref<40x128xi32, #tpu.memory_space<hbm>>
        %dma_wait3A_108 = arith.constant 0 : i32
        %dma_wait3A_109 = tpu.memref_slice %arg3[%add3A_85, %dma_wait3A_108] : memref<2560x128xi32, #tpu.memory_space<hbm>> -> memref<40x128xi32, #tpu.memory_space<hbm>>
        tpu.wait_dma2 semaphore(%run_scoped3A : memref<!tpu.dma_semaphore, #tpu.memory_space<semaphore_mem>>) src(%dma_wait3A_109 : memref<40x128xi32, #tpu.memory_space<hbm>>) dst(%arg7 : memref<40x128xi32, #tpu.memory_space<vmem>>)
        tpu.yield
      }) : () -> ()
      %dma_start3A = arith.constant 0 : i32
      %dma_start3A_86 = tpu.memref_slice %arg6[%dma_start3A] : memref<5120xi32, #tpu.memory_space<vmem>> -> memref<128xi32, #tpu.memory_space<vmem>>
      %dma_start3A_87 = arith.constant 0 : i32
      %dma_start3A_88 = arith.constant 0 : i32
      %dma_start3A_89 = tpu.memref_slice %arg4[%dma_start3A_87, %dma_start3A_88] : memref<10240x128xf32, #tpu.memory_space<hbm>> -> memref<10240x128xf32, #tpu.memory_space<hbm>>
      tpu.enqueue_indirect_dma source(%dma_start3A_89 : memref<10240x128xf32, #tpu.memory_space<hbm>>) target(%arg8 : memref<128x128xf32, #tpu.memory_space<vmem>>) offsets(%dma_start3A_86 : memref<128xi32, #tpu.memory_space<vmem>>) semaphore(%arg11 : memref<!tpu.dma_semaphore, #tpu.memory_space<semaphore_mem>>)
      %dma_start3A_90 = arith.constant 128 : i32
      %dma_start3A_91 = tpu.memref_slice %arg6[%dma_start3A_90] : memref<5120xi32, #tpu.memory_space<vmem>> -> memref<128xi32, #tpu.memory_space<vmem>>
      %dma_start3A_92 = arith.constant 0 : i32
      %dma_start3A_93 = arith.constant 0 : i32
      %dma_start3A_94 = tpu.memref_slice %arg4[%dma_start3A_92, %dma_start3A_93] : memref<10240x128xf32, #tpu.memory_space<hbm>> -> memref<10240x128xf32, #tpu.memory_space<hbm>>
      tpu.enqueue_indirect_dma source(%dma_start3A_94 : memref<10240x128xf32, #tpu.memory_space<hbm>>) target(%arg9 : memref<128x128xf32, #tpu.memory_space<vmem>>) offsets(%dma_start3A_91 : memref<128xi32, #tpu.memory_space<vmem>>) semaphore(%arg12 : memref<!tpu.dma_semaphore, #tpu.memory_space<semaphore_mem>>)
      %scan3A_95 = arith.constant 0 : i32
      %scan3A_96 = arith.constant 0 : i32
      %scan3A_97 = arith.constant 20 : i32
      %scan3A_98 = arith.addi %scan3A_96, %scan3A_97 : i32
      %scan3A_99 = arith.constant 1 : i32
      %scan3A_100 = scf.for %scan3A_103 = %scan3A_96 to %scan3A_98 step %scan3A_99 iter_args(%scan3A_104 = %scan3A_95) -> (i32)  : i32 {
        %mul3A_105 = arith.constant 2 : i32
        %mul3A_106 = arith.muli %mul3A_105, %scan3A_103 : i32
        %dma_wait3A = arith.constant 0 : i32
        %dma_wait3A_107 = tpu.memref_slice %arg6[%dma_wait3A] : memref<5120xi32, #tpu.memory_space<vmem>> -> memref<128xi32, #tpu.memory_space<vmem>>
        %dma_wait3A_108 = arith.constant 0 : i32
        %dma_wait3A_109 = arith.constant 0 : i32
        %dma_wait3A_110 = tpu.memref_slice %arg4[%dma_wait3A_108, %dma_wait3A_109] : memref<10240x128xf32, #tpu.memory_space<hbm>> -> memref<10240x128xf32, #tpu.memory_space<hbm>>
        tpu.wait_indirect_dma semaphore(%arg11 : memref<!tpu.dma_semaphore, #tpu.memory_space<semaphore_mem>>) src(%dma_wait3A_110 : memref<10240x128xf32, #tpu.memory_space<hbm>>) dst(%arg8 : memref<128x128xf32, #tpu.memory_space<vmem>>)
        "tpu.region"() ({
          %run_scoped3A = tpu.sem_alloc : memref<!tpu.dma_semaphore, #tpu.memory_space<semaphore_mem>>
          %dma_start3A_130 = arith.constant 0 : i32
          %dma_start3A_131 = tpu.memref_slice %arg7[%mul3A_106, %dma_start3A_130] : memref<40x128xi32, #tpu.memory_space<vmem>> -> memref<1x128xi32, #tpu.memory_space<vmem>>
          %dma_start3A_132 = tpu.memref_squeeze %dma_start3A_131 : memref<1x128xi32, #tpu.memory_space<vmem>> -> memref<128xi32, #tpu.memory_space<vmem>>
          %dma_start3A_133 = arith.constant 0 : i32
          %dma_start3A_134 = arith.constant 0 : i32
          %dma_start3A_135 = tpu.memref_slice %arg10[%dma_start3A_133, %dma_start3A_134] : memref<10240x128xf32, #tpu.memory_space<vmem_shared>> -> memref<10240x128xf32, #tpu.memory_space<vmem_shared>>
          tpu.enqueue_indirect_dma source(%arg8 : memref<128x128xf32, #tpu.memory_space<vmem>>) target(%dma_start3A_135 : memref<10240x128xf32, #tpu.memory_space<vmem_shared>>) offsets(%dma_start3A_132 : memref<128xi32, #tpu.memory_space<vmem>>) semaphore(%run_scoped3A : memref<!tpu.dma_semaphore, #tpu.memory_space<semaphore_mem>>) {add = true}
          %dma_wait3A_136 = arith.constant 0 : i32
          %dma_wait3A_137 = tpu.memref_slice %arg7[%mul3A_106, %dma_wait3A_136] : memref<40x128xi32, #tpu.memory_space<vmem>> -> memref<1x128xi32, #tpu.memory_space<vmem>>
          %dma_wait3A_138 = tpu.memref_squeeze %dma_wait3A_137 : memref<1x128xi32, #tpu.memory_space<vmem>> -> memref<128xi32, #tpu.memory_space<vmem>>
          %dma_wait3A_139 = arith.constant 0 : i32
          %dma_wait3A_140 = arith.constant 0 : i32
          %dma_wait3A_141 = tpu.memref_slice %arg10[%dma_wait3A_139, %dma_wait3A_140] : memref<10240x128xf32, #tpu.memory_space<vmem_shared>> -> memref<10240x128xf32, #tpu.memory_space<vmem_shared>>
          tpu.wait_indirect_dma semaphore(%run_scoped3A : memref<!tpu.dma_semaphore, #tpu.memory_space<semaphore_mem>>) src(%arg8 : memref<128x128xf32, #tpu.memory_space<vmem>>) dst(%dma_wait3A_141 : memref<10240x128xf32, #tpu.memory_space<vmem_shared>>)
          tpu.yield
        }) : () -> ()
        %add3A_111 = arith.constant 2 : i32
        %add3A_112 = arith.addi %mul3A_106, %add3A_111 : i32
        %lt3A = arith.constant 40 : i32
        %lt3A_113 = arith.cmpi slt, %add3A_112, %lt3A : i32
        %convert_element_type3A = arith.extui %lt3A_113 : i1 to i32
        %cond3A = arith.constant 0 : i32
        %cond3A_114 = arith.cmpi ne, %convert_element_type3A, %cond3A : i32
        scf.if %cond3A_114 {
          %add3A_130 = arith.constant 2 : i32
          %add3A_131 = arith.addi %mul3A_106, %add3A_130 : i32
          %mul3A_132 = arith.constant 128 : i32
          %mul3A_133 = arith.muli %add3A_131, %mul3A_132 : i32
          %dma_start3A_134 = tpu.memref_slice %arg6[%mul3A_133] : memref<5120xi32, #tpu.memory_space<vmem>> -> memref<128xi32, #tpu.memory_space<vmem>>
          %dma_start3A_135 = arith.constant 0 : i32
          %dma_start3A_136 = arith.constant 0 : i32
          %dma_start3A_137 = tpu.memref_slice %arg4[%dma_start3A_135, %dma_start3A_136] : memref<10240x128xf32, #tpu.memory_space<hbm>> -> memref<10240x128xf32, #tpu.memory_space<hbm>>
          tpu.enqueue_indirect_dma source(%dma_start3A_137 : memref<10240x128xf32, #tpu.memory_space<hbm>>) target(%arg8 : memref<128x128xf32, #tpu.memory_space<vmem>>) offsets(%dma_start3A_134 : memref<128xi32, #tpu.memory_space<vmem>>) semaphore(%arg11 : memref<!tpu.dma_semaphore, #tpu.memory_space<semaphore_mem>>)
        } else {
        }
        %dma_wait3A_115 = arith.constant 0 : i32
        %dma_wait3A_116 = tpu.memref_slice %arg6[%dma_wait3A_115] : memref<5120xi32, #tpu.memory_space<vmem>> -> memref<128xi32, #tpu.memory_space<vmem>>
        %dma_wait3A_117 = arith.constant 0 : i32
        %dma_wait3A_118 = arith.constant 0 : i32
        %dma_wait3A_119 = tpu.memref_slice %arg4[%dma_wait3A_117, %dma_wait3A_118] : memref<10240x128xf32, #tpu.memory_space<hbm>> -> memref<10240x128xf32, #tpu.memory_space<hbm>>
        tpu.wait_indirect_dma semaphore(%arg12 : memref<!tpu.dma_semaphore, #tpu.memory_space<semaphore_mem>>) src(%dma_wait3A_119 : memref<10240x128xf32, #tpu.memory_space<hbm>>) dst(%arg9 : memref<128x128xf32, #tpu.memory_space<vmem>>)
        %add3A_120 = arith.constant 1 : i32
        %add3A_121 = arith.addi %mul3A_106, %add3A_120 : i32
        "tpu.region"() ({
          %run_scoped3A = tpu.sem_alloc : memref<!tpu.dma_semaphore, #tpu.memory_space<semaphore_mem>>
          %dma_start3A_130 = arith.constant 0 : i32
          %dma_start3A_131 = tpu.memref_slice %arg7[%add3A_121, %dma_start3A_130] : memref<40x128xi32, #tpu.memory_space<vmem>> -> memref<1x128xi32, #tpu.memory_space<vmem>>
          %dma_start3A_132 = tpu.memref_squeeze %dma_start3A_131 : memref<1x128xi32, #tpu.memory_space<vmem>> -> memref<128xi32, #tpu.memory_space<vmem>>
          %dma_start3A_133 = arith.constant 0 : i32
          %dma_start3A_134 = arith.constant 0 : i32
          %dma_start3A_135 = tpu.memref_slice %arg10[%dma_start3A_133, %dma_start3A_134] : memref<10240x128xf32, #tpu.memory_space<vmem_shared>> -> memref<10240x128xf32, #tpu.memory_space<vmem_shared>>
          tpu.enqueue_indirect_dma source(%arg9 : memref<128x128xf32, #tpu.memory_space<vmem>>) target(%dma_start3A_135 : memref<10240x128xf32, #tpu.memory_space<vmem_shared>>) offsets(%dma_start3A_132 : memref<128xi32, #tpu.memory_space<vmem>>) semaphore(%run_scoped3A : memref<!tpu.dma_semaphore, #tpu.memory_space<semaphore_mem>>) {add = true}
          %dma_wait3A_136 = arith.constant 0 : i32
          %dma_wait3A_137 = tpu.memref_slice %arg7[%add3A_121, %dma_wait3A_136] : memref<40x128xi32, #tpu.memory_space<vmem>> -> memref<1x128xi32, #tpu.memory_space<vmem>>
          %dma_wait3A_138 = tpu.memref_squeeze %dma_wait3A_137 : memref<1x128xi32, #tpu.memory_space<vmem>> -> memref<128xi32, #tpu.memory_space<vmem>>
          %dma_wait3A_139 = arith.constant 0 : i32
          %dma_wait3A_140 = arith.constant 0 : i32
          %dma_wait3A_141 = tpu.memref_slice %arg10[%dma_wait3A_139, %dma_wait3A_140] : memref<10240x128xf32, #tpu.memory_space<vmem_shared>> -> memref<10240x128xf32, #tpu.memory_space<vmem_shared>>
          tpu.wait_indirect_dma semaphore(%run_scoped3A : memref<!tpu.dma_semaphore, #tpu.memory_space<semaphore_mem>>) src(%arg9 : memref<128x128xf32, #tpu.memory_space<vmem>>) dst(%dma_wait3A_141 : memref<10240x128xf32, #tpu.memory_space<vmem_shared>>)
          tpu.yield
        }) : () -> ()
        %add3A_122 = arith.constant 3 : i32
        %add3A_123 = arith.addi %mul3A_106, %add3A_122 : i32
        %lt3A_124 = arith.constant 40 : i32
        %lt3A_125 = arith.cmpi slt, %add3A_123, %lt3A_124 : i32
        %convert_element_type3A_126 = arith.extui %lt3A_125 : i1 to i32
        %cond3A_127 = arith.constant 0 : i32
        %cond3A_128 = arith.cmpi ne, %convert_element_type3A_126, %cond3A_127 : i32
        scf.if %cond3A_128 {
          %add3A_130 = arith.constant 3 : i32
          %add3A_131 = arith.addi %mul3A_106, %add3A_130 : i32
          %mul3A_132 = arith.constant 128 : i32
          %mul3A_133 = arith.muli %add3A_131, %mul3A_132 : i32
          %dma_start3A_134 = tpu.memref_slice %arg6[%mul3A_133] : memref<5120xi32, #tpu.memory_space<vmem>> -> memref<128xi32, #tpu.memory_space<vmem>>
          %dma_start3A_135 = arith.constant 0 : i32
          %dma_start3A_136 = arith.constant 0 : i32
          %dma_start3A_137 = tpu.memref_slice %arg4[%dma_start3A_135, %dma_start3A_136] : memref<10240x128xf32, #tpu.memory_space<hbm>> -> memref<10240x128xf32, #tpu.memory_space<hbm>>
          tpu.enqueue_indirect_dma source(%dma_start3A_137 : memref<10240x128xf32, #tpu.memory_space<hbm>>) target(%arg9 : memref<128x128xf32, #tpu.memory_space<vmem>>) offsets(%dma_start3A_134 : memref<128xi32, #tpu.memory_space<vmem>>) semaphore(%arg12 : memref<!tpu.dma_semaphore, #tpu.memory_space<semaphore_mem>>)
        } else {
        }
        %scan3A_129 = arith.constant 0 : i32
        scf.yield %scan3A_129 : i32
      }
      %scan3A_101 = arith.constant 20 : i32
      %scan3A_102 = arith.constant 0 : i32
      scf.yield %scan3A_102 : i32
    }
    %scan3A_41 = arith.constant 2 : i32
    %barrier3A_42 = arith.constant 0 : index
    tpu.barrier barrier_id(%barrier3A_42)
    %mul3A_43 = arith.constant 640 : i32
    %mul3A_44 = arith.muli %arg1, %mul3A_43 : i32
    %add3A_45 = arith.constant 0 : i32
    %add3A_46 = arith.addi %mul3A_44, %add3A_45 : i32
    "tpu.region"() ({
      %run_scoped3A = tpu.sem_alloc : memref<!tpu.dma_semaphore, #tpu.memory_space<semaphore_mem>>
      %dma_start3A = arith.constant 0 : i32
      %dma_start3A_78 = tpu.memref_slice %arg10[%add3A_46, %dma_start3A] : memref<10240x128xf32, #tpu.memory_space<vmem_shared>> -> memref<128x128xf32, #tpu.memory_space<vmem_shared>>
      %dma_start3A_79 = arith.constant 0 : i32
      %dma_start3A_80 = tpu.memref_slice %arg10[%add3A_46, %dma_start3A_79] : memref<10240x128xf32, #tpu.memory_space<vmem_shared>> -> memref<128x128xf32, #tpu.memory_space<vmem_shared>>
      tpu.enqueue_dma source(%dma_start3A_80 : memref<128x128xf32, #tpu.memory_space<vmem_shared>>) target(%arg8 : memref<128x128xf32, #tpu.memory_space<vmem>>) target_semaphore(%run_scoped3A : memref<!tpu.dma_semaphore, #tpu.memory_space<semaphore_mem>>)
      %dma_wait3A = arith.constant 0 : i32
      %dma_wait3A_81 = tpu.memref_slice %arg10[%add3A_46, %dma_wait3A] : memref<10240x128xf32, #tpu.memory_space<vmem_shared>> -> memref<128x128xf32, #tpu.memory_space<vmem_shared>>
      %dma_wait3A_82 = arith.constant 0 : i32
      %dma_wait3A_83 = tpu.memref_slice %arg10[%add3A_46, %dma_wait3A_82] : memref<10240x128xf32, #tpu.memory_space<vmem_shared>> -> memref<128x128xf32, #tpu.memory_space<vmem_shared>>
      tpu.wait_dma2 semaphore(%run_scoped3A : memref<!tpu.dma_semaphore, #tpu.memory_space<semaphore_mem>>) src(%dma_wait3A_83 : memref<128x128xf32, #tpu.memory_space<vmem_shared>>) dst(%arg8 : memref<128x128xf32, #tpu.memory_space<vmem>>)
      tpu.yield
    }) : () -> ()
    %mul3A_47 = arith.constant 10240 : i32
    %mul3A_48 = arith.muli %arg0, %mul3A_47 : i32
    %add3A_49 = arith.addi %mul3A_48, %add3A_46 : i32
    "tpu.region"() ({
      %run_scoped3A = tpu.sem_alloc : memref<!tpu.dma_semaphore, #tpu.memory_space<semaphore_mem>>
      %dma_start3A = arith.constant 0 : i32
      %dma_start3A_78 = tpu.memref_slice %arg5[%add3A_49, %dma_start3A] : memref<20480x128xf32, #tpu.memory_space<hbm>> -> memref<128x128xf32, #tpu.memory_space<hbm>>
      %dma_start3A_79 = arith.constant 0 : i32
      %dma_start3A_80 = tpu.memref_slice %arg5[%add3A_49, %dma_start3A_79] : memref<20480x128xf32, #tpu.memory_space<hbm>> -> memref<128x128xf32, #tpu.memory_space<hbm>>
      tpu.enqueue_dma source(%arg8 : memref<128x128xf32, #tpu.memory_space<vmem>>) target(%dma_start3A_80 : memref<128x128xf32, #tpu.memory_space<hbm>>) target_semaphore(%run_scoped3A : memref<!tpu.dma_semaphore, #tpu.memory_space<semaphore_mem>>)
      %dma_wait3A = arith.constant 0 : i32
      %dma_wait3A_81 = tpu.memref_slice %arg5[%add3A_49, %dma_wait3A] : memref<20480x128xf32, #tpu.memory_space<hbm>> -> memref<128x128xf32, #tpu.memory_space<hbm>>
      %dma_wait3A_82 = arith.constant 0 : i32
      %dma_wait3A_83 = tpu.memref_slice %arg5[%add3A_49, %dma_wait3A_82] : memref<20480x128xf32, #tpu.memory_space<hbm>> -> memref<128x128xf32, #tpu.memory_space<hbm>>
      tpu.wait_dma2 semaphore(%run_scoped3A : memref<!tpu.dma_semaphore, #tpu.memory_space<semaphore_mem>>) src(%arg8 : memref<128x128xf32, #tpu.memory_space<vmem>>) dst(%dma_wait3A_83 : memref<128x128xf32, #tpu.memory_space<hbm>>)
      tpu.yield
    }) : () -> ()
    %mul3A_50 = arith.constant 640 : i32
    %mul3A_51 = arith.muli %arg1, %mul3A_50 : i32
    %add3A_52 = arith.constant 128 : i32
    %add3A_53 = arith.addi %mul3A_51, %add3A_52 : i32
    "tpu.region"() ({
      %run_scoped3A = tpu.sem_alloc : memref<!tpu.dma_semaphore, #tpu.memory_space<semaphore_mem>>
      %dma_start3A = arith.constant 0 : i32
      %dma_start3A_78 = tpu.memref_slice %arg10[%add3A_53, %dma_start3A] : memref<10240x128xf32, #tpu.memory_space<vmem_shared>> -> memref<128x128xf32, #tpu.memory_space<vmem_shared>>
      %dma_start3A_79 = arith.constant 0 : i32
      %dma_start3A_80 = tpu.memref_slice %arg10[%add3A_53, %dma_start3A_79] : memref<10240x128xf32, #tpu.memory_space<vmem_shared>> -> memref<128x128xf32, #tpu.memory_space<vmem_shared>>
      tpu.enqueue_dma source(%dma_start3A_80 : memref<128x128xf32, #tpu.memory_space<vmem_shared>>) target(%arg8 : memref<128x128xf32, #tpu.memory_space<vmem>>) target_semaphore(%run_scoped3A : memref<!tpu.dma_semaphore, #tpu.memory_space<semaphore_mem>>)
      %dma_wait3A = arith.constant 0 : i32
      %dma_wait3A_81 = tpu.memref_slice %arg10[%add3A_53, %dma_wait3A] : memref<10240x128xf32, #tpu.memory_space<vmem_shared>> -> memref<128x128xf32, #tpu.memory_space<vmem_shared>>
      %dma_wait3A_82 = arith.constant 0 : i32
      %dma_wait3A_83 = tpu.memref_slice %arg10[%add3A_53, %dma_wait3A_82] : memref<10240x128xf32, #tpu.memory_space<vmem_shared>> -> memref<128x128xf32, #tpu.memory_space<vmem_shared>>
      tpu.wait_dma2 semaphore(%run_scoped3A : memref<!tpu.dma_semaphore, #tpu.memory_space<semaphore_mem>>) src(%dma_wait3A_83 : memref<128x128xf32, #tpu.memory_space<vmem_shared>>) dst(%arg8 : memref<128x128xf32, #tpu.memory_space<vmem>>)
      tpu.yield
    }) : () -> ()
    %mul3A_54 = arith.constant 10240 : i32
    %mul3A_55 = arith.muli %arg0, %mul3A_54 : i32
    %add3A_56 = arith.addi %mul3A_55, %add3A_53 : i32
    "tpu.region"() ({
      %run_scoped3A = tpu.sem_alloc : memref<!tpu.dma_semaphore, #tpu.memory_space<semaphore_mem>>
      %dma_start3A = arith.constant 0 : i32
      %dma_start3A_78 = tpu.memref_slice %arg5[%add3A_56, %dma_start3A] : memref<20480x128xf32, #tpu.memory_space<hbm>> -> memref<128x128xf32, #tpu.memory_space<hbm>>
      %dma_start3A_79 = arith.constant 0 : i32
      %dma_start3A_80 = tpu.memref_slice %arg5[%add3A_56, %dma_start3A_79] : memref<20480x128xf32, #tpu.memory_space<hbm>> -> memref<128x128xf32, #tpu.memory_space<hbm>>
      tpu.enqueue_dma source(%arg8 : memref<128x128xf32, #tpu.memory_space<vmem>>) target(%dma_start3A_80 : memref<128x128xf32, #tpu.memory_space<hbm>>) target_semaphore(%run_scoped3A : memref<!tpu.dma_semaphore, #tpu.memory_space<semaphore_mem>>)
      %dma_wait3A = arith.constant 0 : i32
      %dma_wait3A_81 = tpu.memref_slice %arg5[%add3A_56, %dma_wait3A] : memref<20480x128xf32, #tpu.memory_space<hbm>> -> memref<128x128xf32, #tpu.memory_space<hbm>>
      %dma_wait3A_82 = arith.constant 0 : i32
      %dma_wait3A_83 = tpu.memref_slice %arg5[%add3A_56, %dma_wait3A_82] : memref<20480x128xf32, #tpu.memory_space<hbm>> -> memref<128x128xf32, #tpu.memory_space<hbm>>
      tpu.wait_dma2 semaphore(%run_scoped3A : memref<!tpu.dma_semaphore, #tpu.memory_space<semaphore_mem>>) src(%arg8 : memref<128x128xf32, #tpu.memory_space<vmem>>) dst(%dma_wait3A_83 : memref<128x128xf32, #tpu.memory_space<hbm>>)
      tpu.yield
    }) : () -> ()
    %mul3A_57 = arith.constant 640 : i32
    %mul3A_58 = arith.muli %arg1, %mul3A_57 : i32
    %add3A_59 = arith.constant 256 : i32
    %add3A_60 = arith.addi %mul3A_58, %add3A_59 : i32
    "tpu.region"() ({
      %run_scoped3A = tpu.sem_alloc : memref<!tpu.dma_semaphore, #tpu.memory_space<semaphore_mem>>
      %dma_start3A = arith.constant 0 : i32
      %dma_start3A_78 = tpu.memref_slice %arg10[%add3A_60, %dma_start3A] : memref<10240x128xf32, #tpu.memory_space<vmem_shared>> -> memref<128x128xf32, #tpu.memory_space<vmem_shared>>
      %dma_start3A_79 = arith.constant 0 : i32
      %dma_start3A_80 = tpu.memref_slice %arg10[%add3A_60, %dma_start3A_79] : memref<10240x128xf32, #tpu.memory_space<vmem_shared>> -> memref<128x128xf32, #tpu.memory_space<vmem_shared>>
      tpu.enqueue_dma source(%dma_start3A_80 : memref<128x128xf32, #tpu.memory_space<vmem_shared>>) target(%arg8 : memref<128x128xf32, #tpu.memory_space<vmem>>) target_semaphore(%run_scoped3A : memref<!tpu.dma_semaphore, #tpu.memory_space<semaphore_mem>>)
      %dma_wait3A = arith.constant 0 : i32
      %dma_wait3A_81 = tpu.memref_slice %arg10[%add3A_60, %dma_wait3A] : memref<10240x128xf32, #tpu.memory_space<vmem_shared>> -> memref<128x128xf32, #tpu.memory_space<vmem_shared>>
      %dma_wait3A_82 = arith.constant 0 : i32
      %dma_wait3A_83 = tpu.memref_slice %arg10[%add3A_60, %dma_wait3A_82] : memref<10240x128xf32, #tpu.memory_space<vmem_shared>> -> memref<128x128xf32, #tpu.memory_space<vmem_shared>>
      tpu.wait_dma2 semaphore(%run_scoped3A : memref<!tpu.dma_semaphore, #tpu.memory_space<semaphore_mem>>) src(%dma_wait3A_83 : memref<128x128xf32, #tpu.memory_space<vmem_shared>>) dst(%arg8 : memref<128x128xf32, #tpu.memory_space<vmem>>)
      tpu.yield
    }) : () -> ()
    %mul3A_61 = arith.constant 10240 : i32
    %mul3A_62 = arith.muli %arg0, %mul3A_61 : i32
    %add3A_63 = arith.addi %mul3A_62, %add3A_60 : i32
    "tpu.region"() ({
      %run_scoped3A = tpu.sem_alloc : memref<!tpu.dma_semaphore, #tpu.memory_space<semaphore_mem>>
      %dma_start3A = arith.constant 0 : i32
      %dma_start3A_78 = tpu.memref_slice %arg5[%add3A_63, %dma_start3A] : memref<20480x128xf32, #tpu.memory_space<hbm>> -> memref<128x128xf32, #tpu.memory_space<hbm>>
      %dma_start3A_79 = arith.constant 0 : i32
      %dma_start3A_80 = tpu.memref_slice %arg5[%add3A_63, %dma_start3A_79] : memref<20480x128xf32, #tpu.memory_space<hbm>> -> memref<128x128xf32, #tpu.memory_space<hbm>>
      tpu.enqueue_dma source(%arg8 : memref<128x128xf32, #tpu.memory_space<vmem>>) target(%dma_start3A_80 : memref<128x128xf32, #tpu.memory_space<hbm>>) target_semaphore(%run_scoped3A : memref<!tpu.dma_semaphore, #tpu.memory_space<semaphore_mem>>)
      %dma_wait3A = arith.constant 0 : i32
      %dma_wait3A_81 = tpu.memref_slice %arg5[%add3A_63, %dma_wait3A] : memref<20480x128xf32, #tpu.memory_space<hbm>> -> memref<128x128xf32, #tpu.memory_space<hbm>>
      %dma_wait3A_82 = arith.constant 0 : i32
      %dma_wait3A_83 = tpu.memref_slice %arg5[%add3A_63, %dma_wait3A_82] : memref<20480x128xf32, #tpu.memory_space<hbm>> -> memref<128x128xf32, #tpu.memory_space<hbm>>
      tpu.wait_dma2 semaphore(%run_scoped3A : memref<!tpu.dma_semaphore, #tpu.memory_space<semaphore_mem>>) src(%arg8 : memref<128x128xf32, #tpu.memory_space<vmem>>) dst(%dma_wait3A_83 : memref<128x128xf32, #tpu.memory_space<hbm>>)
      tpu.yield
    }) : () -> ()
    %mul3A_64 = arith.constant 640 : i32
    %mul3A_65 = arith.muli %arg1, %mul3A_64 : i32
    %add3A_66 = arith.constant 384 : i32
    %add3A_67 = arith.addi %mul3A_65, %add3A_66 : i32
    "tpu.region"() ({
      %run_scoped3A = tpu.sem_alloc : memref<!tpu.dma_semaphore, #tpu.memory_space<semaphore_mem>>
      %dma_start3A = arith.constant 0 : i32
      %dma_start3A_78 = tpu.memref_slice %arg10[%add3A_67, %dma_start3A] : memref<10240x128xf32, #tpu.memory_space<vmem_shared>> -> memref<128x128xf32, #tpu.memory_space<vmem_shared>>
      %dma_start3A_79 = arith.constant 0 : i32
      %dma_start3A_80 = tpu.memref_slice %arg10[%add3A_67, %dma_start3A_79] : memref<10240x128xf32, #tpu.memory_space<vmem_shared>> -> memref<128x128xf32, #tpu.memory_space<vmem_shared>>
      tpu.enqueue_dma source(%dma_start3A_80 : memref<128x128xf32, #tpu.memory_space<vmem_shared>>) target(%arg8 : memref<128x128xf32, #tpu.memory_space<vmem>>) target_semaphore(%run_scoped3A : memref<!tpu.dma_semaphore, #tpu.memory_space<semaphore_mem>>)
      %dma_wait3A = arith.constant 0 : i32
      %dma_wait3A_81 = tpu.memref_slice %arg10[%add3A_67, %dma_wait3A] : memref<10240x128xf32, #tpu.memory_space<vmem_shared>> -> memref<128x128xf32, #tpu.memory_space<vmem_shared>>
      %dma_wait3A_82 = arith.constant 0 : i32
      %dma_wait3A_83 = tpu.memref_slice %arg10[%add3A_67, %dma_wait3A_82] : memref<10240x128xf32, #tpu.memory_space<vmem_shared>> -> memref<128x128xf32, #tpu.memory_space<vmem_shared>>
      tpu.wait_dma2 semaphore(%run_scoped3A : memref<!tpu.dma_semaphore, #tpu.memory_space<semaphore_mem>>) src(%dma_wait3A_83 : memref<128x128xf32, #tpu.memory_space<vmem_shared>>) dst(%arg8 : memref<128x128xf32, #tpu.memory_space<vmem>>)
      tpu.yield
    }) : () -> ()
    %mul3A_68 = arith.constant 10240 : i32
    %mul3A_69 = arith.muli %arg0, %mul3A_68 : i32
    %add3A_70 = arith.addi %mul3A_69, %add3A_67 : i32
    "tpu.region"() ({
      %run_scoped3A = tpu.sem_alloc : memref<!tpu.dma_semaphore, #tpu.memory_space<semaphore_mem>>
      %dma_start3A = arith.constant 0 : i32
      %dma_start3A_78 = tpu.memref_slice %arg5[%add3A_70, %dma_start3A] : memref<20480x128xf32, #tpu.memory_space<hbm>> -> memref<128x128xf32, #tpu.memory_space<hbm>>
      %dma_start3A_79 = arith.constant 0 : i32
      %dma_start3A_80 = tpu.memref_slice %arg5[%add3A_70, %dma_start3A_79] : memref<20480x128xf32, #tpu.memory_space<hbm>> -> memref<128x128xf32, #tpu.memory_space<hbm>>
      tpu.enqueue_dma source(%arg8 : memref<128x128xf32, #tpu.memory_space<vmem>>) target(%dma_start3A_80 : memref<128x128xf32, #tpu.memory_space<hbm>>) target_semaphore(%run_scoped3A : memref<!tpu.dma_semaphore, #tpu.memory_space<semaphore_mem>>)
      %dma_wait3A = arith.constant 0 : i32
      %dma_wait3A_81 = tpu.memref_slice %arg5[%add3A_70, %dma_wait3A] : memref<20480x128xf32, #tpu.memory_space<hbm>> -> memref<128x128xf32, #tpu.memory_space<hbm>>
      %dma_wait3A_82 = arith.constant 0 : i32
      %dma_wait3A_83 = tpu.memref_slice %arg5[%add3A_70, %dma_wait3A_82] : memref<20480x128xf32, #tpu.memory_space<hbm>> -> memref<128x128xf32, #tpu.memory_space<hbm>>
      tpu.wait_dma2 semaphore(%run_scoped3A : memref<!tpu.dma_semaphore, #tpu.memory_space<semaphore_mem>>) src(%arg8 : memref<128x128xf32, #tpu.memory_space<vmem>>) dst(%dma_wait3A_83 : memref<128x128xf32, #tpu.memory_space<hbm>>)
      tpu.yield
    }) : () -> ()
    %mul3A_71 = arith.constant 640 : i32
    %mul3A_72 = arith.muli %arg1, %mul3A_71 : i32
    %add3A_73 = arith.constant 512 : i32
    %add3A_74 = arith.addi %mul3A_72, %add3A_73 : i32
    "tpu.region"() ({
      %run_scoped3A = tpu.sem_alloc : memref<!tpu.dma_semaphore, #tpu.memory_space<semaphore_mem>>
      %dma_start3A = arith.constant 0 : i32
      %dma_start3A_78 = tpu.memref_slice %arg10[%add3A_74, %dma_start3A] : memref<10240x128xf32, #tpu.memory_space<vmem_shared>> -> memref<128x128xf32, #tpu.memory_space<vmem_shared>>
      %dma_start3A_79 = arith.constant 0 : i32
      %dma_start3A_80 = tpu.memref_slice %arg10[%add3A_74, %dma_start3A_79] : memref<10240x128xf32, #tpu.memory_space<vmem_shared>> -> memref<128x128xf32, #tpu.memory_space<vmem_shared>>
      tpu.enqueue_dma source(%dma_start3A_80 : memref<128x128xf32, #tpu.memory_space<vmem_shared>>) target(%arg8 : memref<128x128xf32, #tpu.memory_space<vmem>>) target_semaphore(%run_scoped3A : memref<!tpu.dma_semaphore, #tpu.memory_space<semaphore_mem>>)
      %dma_wait3A = arith.constant 0 : i32
      %dma_wait3A_81 = tpu.memref_slice %arg10[%add3A_74, %dma_wait3A] : memref<10240x128xf32, #tpu.memory_space<vmem_shared>> -> memref<128x128xf32, #tpu.memory_space<vmem_shared>>
      %dma_wait3A_82 = arith.constant 0 : i32
      %dma_wait3A_83 = tpu.memref_slice %arg10[%add3A_74, %dma_wait3A_82] : memref<10240x128xf32, #tpu.memory_space<vmem_shared>> -> memref<128x128xf32, #tpu.memory_space<vmem_shared>>
      tpu.wait_dma2 semaphore(%run_scoped3A : memref<!tpu.dma_semaphore, #tpu.memory_space<semaphore_mem>>) src(%dma_wait3A_83 : memref<128x128xf32, #tpu.memory_space<vmem_shared>>) dst(%arg8 : memref<128x128xf32, #tpu.memory_space<vmem>>)
      tpu.yield
    }) : () -> ()
    %mul3A_75 = arith.constant 10240 : i32
    %mul3A_76 = arith.muli %arg0, %mul3A_75 : i32
    %add3A_77 = arith.addi %mul3A_76, %add3A_74 : i32
    "tpu.region"() ({
      %run_scoped3A = tpu.sem_alloc : memref<!tpu.dma_semaphore, #tpu.memory_space<semaphore_mem>>
      %dma_start3A = arith.constant 0 : i32
      %dma_start3A_78 = tpu.memref_slice %arg5[%add3A_77, %dma_start3A] : memref<20480x128xf32, #tpu.memory_space<hbm>> -> memref<128x128xf32, #tpu.memory_space<hbm>>
      %dma_start3A_79 = arith.constant 0 : i32
      %dma_start3A_80 = tpu.memref_slice %arg5[%add3A_77, %dma_start3A_79] : memref<20480x128xf32, #tpu.memory_space<hbm>> -> memref<128x128xf32, #tpu.memory_space<hbm>>
      tpu.enqueue_dma source(%arg8 : memref<128x128xf32, #tpu.memory_space<vmem>>) target(%dma_start3A_80 : memref<128x128xf32, #tpu.memory_space<hbm>>) target_semaphore(%run_scoped3A : memref<!tpu.dma_semaphore, #tpu.memory_space<semaphore_mem>>)
      %dma_wait3A = arith.constant 0 : i32
      %dma_wait3A_81 = tpu.memref_slice %arg5[%add3A_77, %dma_wait3A] : memref<20480x128xf32, #tpu.memory_space<hbm>> -> memref<128x128xf32, #tpu.memory_space<hbm>>
      %dma_wait3A_82 = arith.constant 0 : i32
      %dma_wait3A_83 = tpu.memref_slice %arg5[%add3A_77, %dma_wait3A_82] : memref<20480x128xf32, #tpu.memory_space<hbm>> -> memref<128x128xf32, #tpu.memory_space<hbm>>
      tpu.wait_dma2 semaphore(%run_scoped3A : memref<!tpu.dma_semaphore, #tpu.memory_space<semaphore_mem>>) src(%arg8 : memref<128x128xf32, #tpu.memory_space<vmem>>) dst(%dma_wait3A_83 : memref<128x128xf32, #tpu.memory_space<hbm>>)
      tpu.yield
    }) : () -> ()
    return
  }
}

module attributes {stable_mosaic.version = 14 : i64} {
  func.func @_prep_body(%arg0: i32, %arg1: memref<1024x128xf32, #tpu.memory_space<vmem>>, %arg2: memref<1024x1xf32, #tpu.memory_space<vmem>>, %arg3: memref<1024x1xf32, #tpu.memory_space<vmem>>, %arg4: memref<1024x1xf32, #tpu.memory_space<vmem>>, %arg5: memref<1024x1xf32, #tpu.memory_space<vmem>>, %arg6: memref<1024x128xf32, #tpu.memory_space<vmem>>, %arg7: memref<1024x8xf32, #tpu.memory_space<vmem>>, %arg8: memref<1024x8xf32, #tpu.memory_space<vmem>>) attributes {dimension_semantics = [#tpu.dimension_semantics<arbitrary>], iteration_bounds = array<i64: 10>, scalar_prefetch = 0 : i64, scratch_operands = 0 : i64, tpu.core_type = #tpu.core_type<tc>, window_params = [{transform_indices = @transform_0, window_bounds = array<i64: 1024, 128>}, {transform_indices = @transform_1, window_bounds = array<i64: 1024, 1>}, {transform_indices = @transform_2, window_bounds = array<i64: 1024, 1>}, {transform_indices = @transform_3, window_bounds = array<i64: 1024, 1>}, {transform_indices = @transform_4, window_bounds = array<i64: 1024, 1>}, {transform_indices = @transform_5, window_bounds = array<i64: 1024, 128>}, {transform_indices = @transform_6, window_bounds = array<i64: 1024, 8>}, {transform_indices = @transform_7, window_bounds = array<i64: 1024, 8>}]} {
    %get3A = arith.constant 0 : index
    %get3A_0 = arith.constant 0 : index
    %get3A_1 = vector.load %arg2[%get3A, %get3A_0] : memref<1024x1xf32, #tpu.memory_space<vmem>>, vector<1024x1xf32>
    %get3A_2 = arith.constant 0 : index
    %get3A_3 = arith.constant 0 : index
    %get3A_4 = vector.load %arg3[%get3A_2, %get3A_3] : memref<1024x1xf32, #tpu.memory_space<vmem>>, vector<1024x1xf32>
    %add3A = arith.addf %get3A_1, %get3A_4 : vector<1024x1xf32>
    %max3A = arith.constant 1.000000e+00 : f32
    %max3A_5 = vector.broadcast %max3A : f32 to vector<1024x1xf32>
    %max3A_6 = arith.maximumf %add3A, %max3A_5 : vector<1024x1xf32>
    %get3A_7 = arith.constant 0 : index
    %get3A_8 = arith.constant 0 : index
    %get3A_9 = vector.load %arg4[%get3A_7, %get3A_8] : memref<1024x1xf32, #tpu.memory_space<vmem>>, vector<1024x1xf32>
    %get3A_10 = arith.constant 0 : index
    %get3A_11 = arith.constant 0 : index
    %get3A_12 = vector.load %arg5[%get3A_10, %get3A_11] : memref<1024x1xf32, #tpu.memory_space<vmem>>, vector<1024x1xf32>
    %add3A_13 = arith.addf %get3A_9, %get3A_12 : vector<1024x1xf32>
    %max3A_14 = arith.constant 1.000000e+00 : f32
    %max3A_15 = vector.broadcast %max3A_14 : f32 to vector<1024x1xf32>
    %max3A_16 = arith.maximumf %add3A_13, %max3A_15 : vector<1024x1xf32>
    %rsqrt3A = math.rsqrt %max3A_6 : vector<1024x1xf32>
    %rsqrt3A_17 = math.rsqrt %max3A_16 : vector<1024x1xf32>
    %get3A_18 = arith.constant 0 : index
    %get3A_19 = arith.constant 0 : index
    %get3A_20 = vector.load %arg1[%get3A_18, %get3A_19] : memref<1024x128xf32, #tpu.memory_space<vmem>>, vector<1024x128xf32>
    %mul3A = vector.broadcast %rsqrt3A : vector<1024x1xf32> to vector<1024x128xf32>
    %mul3A_21 = arith.mulf %get3A_20, %mul3A : vector<1024x128xf32>
    %swap3A = arith.constant 0 : index
    %swap3A_22 = arith.constant 0 : index
    %swap3A_23 = vector.load %arg6[%swap3A, %swap3A_22] : memref<1024x128xf32, #tpu.memory_space<vmem>>, vector<1024x128xf32>
    tpu.vector_store %arg6[%swap3A, %swap3A_22], %mul3A_21 {strides = array<i32>} : memref<1024x128xf32, #tpu.memory_space<vmem>>, vector<1024x128xf32>,
    %broadcast_in_dim3A = vector.shape_cast %rsqrt3A : vector<1024x1xf32> to vector<1024x1xf32>
    %broadcast_in_dim3A_24 = vector.broadcast %broadcast_in_dim3A : vector<1024x1xf32> to vector<1024x8xf32>
    %swap3A_25 = arith.constant 0 : index
    %swap3A_26 = arith.constant 0 : index
    %swap3A_27 = vector.load %arg7[%swap3A_25, %swap3A_26] : memref<1024x8xf32, #tpu.memory_space<vmem>>, vector<1024x8xf32>
    tpu.vector_store %arg7[%swap3A_25, %swap3A_26], %broadcast_in_dim3A_24 {strides = array<i32>} : memref<1024x8xf32, #tpu.memory_space<vmem>>, vector<1024x8xf32>,
    %broadcast_in_dim3A_28 = vector.shape_cast %rsqrt3A_17 : vector<1024x1xf32> to vector<1024x1xf32>
    %broadcast_in_dim3A_29 = vector.broadcast %broadcast_in_dim3A_28 : vector<1024x1xf32> to vector<1024x8xf32>
    %swap3A_30 = arith.constant 0 : index
    %swap3A_31 = arith.constant 0 : index
    %swap3A_32 = vector.load %arg8[%swap3A_30, %swap3A_31] : memref<1024x8xf32, #tpu.memory_space<vmem>>, vector<1024x8xf32>
    tpu.vector_store %arg8[%swap3A_30, %swap3A_31], %broadcast_in_dim3A_29 {strides = array<i32>} : memref<1024x8xf32, #tpu.memory_space<vmem>>, vector<1024x8xf32>,
    return
  }
  func.func @transform_0(%arg0: i32) -> (i32, i32) {
    %c0_i32 = arith.constant 0 : i32
    %c0_i32_0 = arith.constant 0 : i32
    return %arg0, %c0_i32 : i32, i32
  }
  func.func @transform_1(%arg0: i32) -> (i32, i32) {
    %c0_i32 = arith.constant 0 : i32
    %c0_i32_0 = arith.constant 0 : i32
    return %arg0, %c0_i32 : i32, i32
  }
  func.func @transform_2(%arg0: i32) -> (i32, i32) {
    %c0_i32 = arith.constant 0 : i32
    %c0_i32_0 = arith.constant 0 : i32
    return %arg0, %c0_i32 : i32, i32
  }
  func.func @transform_3(%arg0: i32) -> (i32, i32) {
    %c0_i32 = arith.constant 0 : i32
    %c0_i32_0 = arith.constant 0 : i32
    return %arg0, %c0_i32 : i32, i32
  }
  func.func @transform_4(%arg0: i32) -> (i32, i32) {
    %c0_i32 = arith.constant 0 : i32
    %c0_i32_0 = arith.constant 0 : i32
    return %arg0, %c0_i32 : i32, i32
  }
  func.func @transform_5(%arg0: i32) -> (i32, i32) {
    %c0_i32 = arith.constant 0 : i32
    %c0_i32_0 = arith.constant 0 : i32
    return %arg0, %c0_i32 : i32, i32
  }
  func.func @transform_6(%arg0: i32) -> (i32, i32) {
    %c0_i32 = arith.constant 0 : i32
    %c0_i32_0 = arith.constant 0 : i32
    return %arg0, %c0_i32 : i32, i32
  }
  func.func @transform_7(%arg0: i32) -> (i32, i32) {
    %c0_i32 = arith.constant 0 : i32
    %c0_i32_0 = arith.constant 0 : i32
    return %arg0, %c0_i32 : i32, i32
  }
}

module attributes {stable_mosaic.version = 14 : i64} {
  func.func @_l1_body(%arg0: i32, %arg1: i32, %arg2: memref<1024x128xf32, #tpu.memory_space<vmem>>, %arg3: memref<1024x128xf32, #tpu.memory_space<vmem>>, %arg4: memref<128x128xf32, #tpu.memory_space<vmem>>, %arg5: memref<1x128xf32, #tpu.memory_space<vmem>>, %arg6: memref<1x128xf32, #tpu.memory_space<vmem>>, %arg7: memref<1x128xf32, #tpu.memory_space<vmem>>, %arg8: memref<1024x8xf32, #tpu.memory_space<vmem>>, %arg9: memref<1024x8xf32, #tpu.memory_space<vmem>>, %arg10: memref<1024x128xf32, #tpu.memory_space<vmem>>) attributes {dimension_semantics = [#tpu.dimension_semantics<arbitrary>, #tpu.dimension_semantics<arbitrary>], iteration_bounds = array<i64: 2, 10>, scalar_prefetch = 0 : i64, scratch_operands = 0 : i64, tpu.core_type = #tpu.core_type<tc>, window_params = [{transform_indices = @transform_0, window_bounds = array<i64: 1024, 128>}, {transform_indices = @transform_1, window_bounds = array<i64: 1024, 128>}, {transform_indices = @transform_2, window_bounds = array<i64: 128, 128>}, {transform_indices = @transform_3, window_bounds = array<i64: 1, 128>}, {transform_indices = @transform_4, window_bounds = array<i64: 1, 128>}, {transform_indices = @transform_5, window_bounds = array<i64: 1, 128>}, {transform_indices = @transform_6, window_bounds = array<i64: 1024, 8>}, {transform_indices = @transform_7, window_bounds = array<i64: 1024, 8>}, {transform_indices = @transform_8, window_bounds = array<i64: 1024, 128>}]} {
    %get3A = arith.constant 0 : index
    %get3A_0 = arith.constant 0 : index
    %get3A_1 = vector.load %arg2[%get3A, %get3A_0] : memref<1024x128xf32, #tpu.memory_space<vmem>>, vector<1024x128xf32>
    %get3A_2 = arith.constant 0 : index
    %get3A_3 = arith.constant 0 : index
    %get3A_4 = vector.load %arg3[%get3A_2, %get3A_3] : memref<1024x128xf32, #tpu.memory_space<vmem>>, vector<1024x128xf32>
    %add3A = arith.addf %get3A_1, %get3A_4 : vector<1024x128xf32>
    %get3A_5 = arith.constant 0 : index
    %get3A_6 = arith.constant 0 : index
    %get3A_7 = vector.load %arg4[%get3A_5, %get3A_6] : memref<128x128xf32, #tpu.memory_space<vmem>>, vector<128x128xf32>
    %dot_general3A = arith.constant dense<0.000000e+00> : vector<1024x128xf32>
    %dot_general3A_8 = tpu.matmul %add3A, %get3A_7, %dot_general3A {dimension_numbers = #tpu.dot_dimension_numbers<[1], [0], [0], [1], [0, 0, 1, 1], [], []>, transpose_lhs_hint = false} : vector<1024x128xf32>, vector<128x128xf32>, vector<1024x128xf32> -> vector<1024x128xf32>
    %get3A_9 = arith.constant 0 : index
    %get3A_10 = arith.constant 0 : index
    %get3A_11 = vector.load %arg8[%get3A_9, %get3A_10] : memref<1024x8xf32, #tpu.memory_space<vmem>>, vector<1024x1xf32>
    %mul3A = vector.broadcast %get3A_11 : vector<1024x1xf32> to vector<1024x128xf32>
    %mul3A_12 = arith.mulf %dot_general3A_8, %mul3A : vector<1024x128xf32>
    %get3A_13 = arith.constant 0 : index
    %get3A_14 = arith.constant 0 : index
    %get3A_15 = vector.load %arg5[%get3A_13, %get3A_14] : memref<1x128xf32, #tpu.memory_space<vmem>>, vector<1x128xf32>
    %add3A_16 = vector.broadcast %get3A_15 : vector<1x128xf32> to vector<1024x128xf32>
    %add3A_17 = arith.addf %mul3A_12, %add3A_16 : vector<1024x128xf32>
    %mul3A_18 = arith.constant 0.999994993 : f32
    %mul3A_19 = vector.broadcast %mul3A_18 : f32 to vector<1024x128xf32>
    %mul3A_20 = arith.mulf %add3A_17, %mul3A_19 : vector<1024x128xf32>
    %get3A_21 = arith.constant 0 : index
    %get3A_22 = arith.constant 0 : index
    %get3A_23 = vector.load %arg6[%get3A_21, %get3A_22] : memref<1x128xf32, #tpu.memory_space<vmem>>, vector<1x128xf32>
    %mul3A_24 = vector.broadcast %get3A_23 : vector<1x128xf32> to vector<1024x128xf32>
    %mul3A_25 = arith.mulf %mul3A_20, %mul3A_24 : vector<1024x128xf32>
    %get3A_26 = arith.constant 0 : index
    %get3A_27 = arith.constant 0 : index
    %get3A_28 = vector.load %arg7[%get3A_26, %get3A_27] : memref<1x128xf32, #tpu.memory_space<vmem>>, vector<1x128xf32>
    %add3A_29 = vector.broadcast %get3A_28 : vector<1x128xf32> to vector<1024x128xf32>
    %add3A_30 = arith.addf %mul3A_25, %add3A_29 : vector<1024x128xf32>
    %max3A = arith.constant 0.000000e+00 : f32
    %max3A_31 = vector.broadcast %max3A : f32 to vector<1024x128xf32>
    %max3A_32 = arith.maximumf %add3A_30, %max3A_31 : vector<1024x128xf32>
    %get3A_33 = arith.constant 0 : index
    %get3A_34 = arith.constant 0 : index
    %get3A_35 = vector.load %arg9[%get3A_33, %get3A_34] : memref<1024x8xf32, #tpu.memory_space<vmem>>, vector<1024x1xf32>
    %mul3A_36 = vector.broadcast %get3A_35 : vector<1024x1xf32> to vector<1024x128xf32>
    %mul3A_37 = arith.mulf %max3A_32, %mul3A_36 : vector<1024x128xf32>
    %swap3A = arith.constant 0 : index
    %swap3A_38 = arith.constant 0 : index
    %swap3A_39 = vector.load %arg10[%swap3A, %swap3A_38] : memref<1024x128xf32, #tpu.memory_space<vmem>>, vector<1024x128xf32>
    tpu.vector_store %arg10[%swap3A, %swap3A_38], %mul3A_37 {strides = array<i32>} : memref<1024x128xf32, #tpu.memory_space<vmem>>, vector<1024x128xf32>,
    return
  }
  func.func @transform_0(%arg0: i32, %arg1: i32) -> (i32, i32) {
    %c0_i32 = arith.constant 0 : i32
    %c0_i32_0 = arith.constant 0 : i32
    return %arg1, %c0_i32 : i32, i32
  }
  func.func @transform_1(%arg0: i32, %arg1: i32) -> (i32, i32) {
    %add3A = arith.constant 10 : i32
    %add3A_0 = arith.addi %add3A, %arg1 : i32
    %c0_i32 = arith.constant 0 : i32
    %c0_i32_1 = arith.constant 0 : i32
    return %add3A_0, %c0_i32 : i32, i32
  }
  func.func @transform_2(%arg0: i32, %arg1: i32) -> (i32, i32) {
    %c0_i32 = arith.constant 0 : i32
    %c0_i32_0 = arith.constant 0 : i32
    return %c0_i32, %arg0 : i32, i32
  }
  func.func @transform_3(%arg0: i32, %arg1: i32) -> (i32, i32) {
    %c0_i32 = arith.constant 0 : i32
    %c0_i32_0 = arith.constant 0 : i32
    return %c0_i32, %arg0 : i32, i32
  }
  func.func @transform_4(%arg0: i32, %arg1: i32) -> (i32, i32) {
    %c0_i32 = arith.constant 0 : i32
    %c0_i32_0 = arith.constant 0 : i32
    return %c0_i32, %arg0 : i32, i32
  }
  func.func @transform_5(%arg0: i32, %arg1: i32) -> (i32, i32) {
    %c0_i32 = arith.constant 0 : i32
    %c0_i32_0 = arith.constant 0 : i32
    return %c0_i32, %arg0 : i32, i32
  }
  func.func @transform_6(%arg0: i32, %arg1: i32) -> (i32, i32) {
    %c0_i32 = arith.constant 0 : i32
    %c0_i32_0 = arith.constant 0 : i32
    return %arg1, %c0_i32 : i32, i32
  }
  func.func @transform_7(%arg0: i32, %arg1: i32) -> (i32, i32) {
    %c0_i32 = arith.constant 0 : i32
    %c0_i32_0 = arith.constant 0 : i32
    return %arg1, %c0_i32 : i32, i32
  }
  func.func @transform_8(%arg0: i32, %arg1: i32) -> (i32, i32) {
    %mul3A = arith.constant 10 : i32
    %mul3A_0 = arith.muli %arg0, %mul3A : i32
    %add3A = arith.addi %mul3A_0, %arg1 : i32
    %c0_i32 = arith.constant 0 : i32
    %c0_i32_1 = arith.constant 0 : i32
    return %add3A, %c0_i32 : i32, i32
  }
}

module attributes {stable_mosaic.version = 14 : i64} {
  func.func @_l2_body(%arg0: i32, %arg1: memref<1024x128xf32, #tpu.memory_space<vmem>>, %arg2: memref<1024x128xf32, #tpu.memory_space<vmem>>, %arg3: memref<128x256xf32, #tpu.memory_space<vmem>>, %arg4: memref<128x256xf32, #tpu.memory_space<vmem>>, %arg5: memref<1x256xf32, #tpu.memory_space<vmem>>, %arg6: memref<1x256xf32, #tpu.memory_space<vmem>>, %arg7: memref<1x256xf32, #tpu.memory_space<vmem>>, %arg8: memref<256x48xf32, #tpu.memory_space<vmem>>, %arg9: memref<1024x8xf32, #tpu.memory_space<vmem>>, %arg10: memref<1024x8xf32, #tpu.memory_space<vmem>>, %arg11: memref<1024x48xf32, #tpu.memory_space<vmem>>) attributes {dimension_semantics = [#tpu.dimension_semantics<arbitrary>], iteration_bounds = array<i64: 10>, scalar_prefetch = 0 : i64, scratch_operands = 0 : i64, tpu.core_type = #tpu.core_type<tc>, window_params = [{transform_indices = @transform_0, window_bounds = array<i64: 1024, 128>}, {transform_indices = @transform_1, window_bounds = array<i64: 1024, 128>}, {pipeline_mode = #tpu.pipeline_mode<synchronous>, transform_indices = @transform_2, window_bounds = array<i64: 128, 256>}, {pipeline_mode = #tpu.pipeline_mode<synchronous>, transform_indices = @transform_3, window_bounds = array<i64: 128, 256>}, {pipeline_mode = #tpu.pipeline_mode<synchronous>, transform_indices = @transform_4, window_bounds = array<i64: 1, 256>}, {pipeline_mode = #tpu.pipeline_mode<synchronous>, transform_indices = @transform_5, window_bounds = array<i64: 1, 256>}, {pipeline_mode = #tpu.pipeline_mode<synchronous>, transform_indices = @transform_6, window_bounds = array<i64: 1, 256>}, {pipeline_mode = #tpu.pipeline_mode<synchronous>, transform_indices = @transform_7, window_bounds = array<i64: 256, 48>}, {transform_indices = @transform_8, window_bounds = array<i64: 1024, 8>}, {transform_indices = @transform_9, window_bounds = array<i64: 1024, 8>}, {transform_indices = @transform_10, window_bounds = array<i64: 1024, 48>}]} {
    %get3A = arith.constant 0 : index
    %get3A_0 = arith.constant 0 : index
    %get3A_1 = vector.load %arg1[%get3A, %get3A_0] : memref<1024x128xf32, #tpu.memory_space<vmem>>, vector<1024x128xf32>
    %get3A_2 = arith.constant 0 : index
    %get3A_3 = arith.constant 0 : index
    %get3A_4 = vector.load %arg3[%get3A_2, %get3A_3] : memref<128x256xf32, #tpu.memory_space<vmem>>, vector<128x256xf32>
    %dot_general3A = arith.constant dense<0.000000e+00> : vector<1024x256xf32>
    %dot_general3A_5 = tpu.matmul %get3A_1, %get3A_4, %dot_general3A {dimension_numbers = #tpu.dot_dimension_numbers<[1], [0], [0], [1], [0, 0, 1, 1], [], []>, transpose_lhs_hint = false} : vector<1024x128xf32>, vector<128x256xf32>, vector<1024x256xf32> -> vector<1024x256xf32>
    %get3A_6 = arith.constant 0 : index
    %get3A_7 = arith.constant 0 : index
    %get3A_8 = vector.load %arg2[%get3A_6, %get3A_7] : memref<1024x128xf32, #tpu.memory_space<vmem>>, vector<1024x128xf32>
    %get3A_9 = arith.constant 0 : index
    %get3A_10 = arith.constant 0 : index
    %get3A_11 = vector.load %arg4[%get3A_9, %get3A_10] : memref<128x256xf32, #tpu.memory_space<vmem>>, vector<128x256xf32>
    %dot_general3A_12 = arith.constant dense<0.000000e+00> : vector<1024x256xf32>
    %dot_general3A_13 = tpu.matmul %get3A_8, %get3A_11, %dot_general3A_12 {dimension_numbers = #tpu.dot_dimension_numbers<[1], [0], [0], [1], [0, 0, 1, 1], [], []>, transpose_lhs_hint = false} : vector<1024x128xf32>, vector<128x256xf32>, vector<1024x256xf32> -> vector<1024x256xf32>
    %add3A = arith.addf %dot_general3A_5, %dot_general3A_13 : vector<1024x256xf32>
    %get3A_14 = arith.constant 0 : index
    %get3A_15 = arith.constant 0 : index
    %get3A_16 = vector.load %arg9[%get3A_14, %get3A_15] : memref<1024x8xf32, #tpu.memory_space<vmem>>, vector<1024x1xf32>
    %mul3A = vector.broadcast %get3A_16 : vector<1024x1xf32> to vector<1024x256xf32>
    %mul3A_17 = arith.mulf %add3A, %mul3A : vector<1024x256xf32>
    %get3A_18 = arith.constant 0 : index
    %get3A_19 = arith.constant 0 : index
    %get3A_20 = vector.load %arg5[%get3A_18, %get3A_19] : memref<1x256xf32, #tpu.memory_space<vmem>>, vector<1x256xf32>
    %add3A_21 = vector.broadcast %get3A_20 : vector<1x256xf32> to vector<1024x256xf32>
    %add3A_22 = arith.addf %mul3A_17, %add3A_21 : vector<1024x256xf32>
    %mul3A_23 = arith.constant 0.999994993 : f32
    %mul3A_24 = vector.broadcast %mul3A_23 : f32 to vector<1024x256xf32>
    %mul3A_25 = arith.mulf %add3A_22, %mul3A_24 : vector<1024x256xf32>
    %get3A_26 = arith.constant 0 : index
    %get3A_27 = arith.constant 0 : index
    %get3A_28 = vector.load %arg6[%get3A_26, %get3A_27] : memref<1x256xf32, #tpu.memory_space<vmem>>, vector<1x256xf32>
    %mul3A_29 = vector.broadcast %get3A_28 : vector<1x256xf32> to vector<1024x256xf32>
    %mul3A_30 = arith.mulf %mul3A_25, %mul3A_29 : vector<1024x256xf32>
    %get3A_31 = arith.constant 0 : index
    %get3A_32 = arith.constant 0 : index
    %get3A_33 = vector.load %arg7[%get3A_31, %get3A_32] : memref<1x256xf32, #tpu.memory_space<vmem>>, vector<1x256xf32>
    %add3A_34 = vector.broadcast %get3A_33 : vector<1x256xf32> to vector<1024x256xf32>
    %add3A_35 = arith.addf %mul3A_30, %add3A_34 : vector<1024x256xf32>
    %max3A = arith.constant 0.000000e+00 : f32
    %max3A_36 = vector.broadcast %max3A : f32 to vector<1024x256xf32>
    %max3A_37 = arith.maximumf %add3A_35, %max3A_36 : vector<1024x256xf32>
    %get3A_38 = arith.constant 0 : index
    %get3A_39 = arith.constant 0 : index
    %get3A_40 = vector.load %arg10[%get3A_38, %get3A_39] : memref<1024x8xf32, #tpu.memory_space<vmem>>, vector<1024x1xf32>
    %mul3A_41 = vector.broadcast %get3A_40 : vector<1024x1xf32> to vector<1024x256xf32>
    %mul3A_42 = arith.mulf %max3A_37, %mul3A_41 : vector<1024x256xf32>
    %get3A_43 = arith.constant 0 : index
    %get3A_44 = arith.constant 0 : index
    %get3A_45 = vector.load %arg8[%get3A_43, %get3A_44] : memref<256x48xf32, #tpu.memory_space<vmem>>, vector<256x48xf32>
    %dot_general3A_46 = arith.constant dense<0.000000e+00> : vector<1024x48xf32>
    %dot_general3A_47 = tpu.matmul %mul3A_42, %get3A_45, %dot_general3A_46 {dimension_numbers = #tpu.dot_dimension_numbers<[1], [0], [0], [1], [0, 0, 1, 1], [], []>, transpose_lhs_hint = false} : vector<1024x256xf32>, vector<256x48xf32>, vector<1024x48xf32> -> vector<1024x48xf32>
    %swap3A = arith.constant 0 : index
    %swap3A_48 = arith.constant 0 : index
    %swap3A_49 = vector.load %arg11[%swap3A, %swap3A_48] : memref<1024x48xf32, #tpu.memory_space<vmem>>, vector<1024x48xf32>
    tpu.vector_store %arg11[%swap3A, %swap3A_48], %dot_general3A_47 {strides = array<i32>} : memref<1024x48xf32, #tpu.memory_space<vmem>>, vector<1024x48xf32>,
    return
  }
  func.func @transform_0(%arg0: i32) -> (i32, i32) {
    %c0_i32 = arith.constant 0 : i32
    %c0_i32_0 = arith.constant 0 : i32
    return %arg0, %c0_i32 : i32, i32
  }
  func.func @transform_1(%arg0: i32) -> (i32, i32) {
    %add3A = arith.constant 10 : i32
    %add3A_0 = arith.addi %add3A, %arg0 : i32
    %c0_i32 = arith.constant 0 : i32
    %c0_i32_1 = arith.constant 0 : i32
    return %add3A_0, %c0_i32 : i32, i32
  }
  func.func @transform_2(%arg0: i32) -> (i32, i32) {
    %c0_i32 = arith.constant 0 : i32
    %c0_i32_0 = arith.constant 0 : i32
    %c0_i32_1 = arith.constant 0 : i32
    return %c0_i32, %c0_i32_0 : i32, i32
  }
  func.func @transform_3(%arg0: i32) -> (i32, i32) {
    %c0_i32 = arith.constant 0 : i32
    %c0_i32_0 = arith.constant 0 : i32
    %c0_i32_1 = arith.constant 0 : i32
    return %c0_i32, %c0_i32_0 : i32, i32
  }
  func.func @transform_4(%arg0: i32) -> (i32, i32) {
    %c0_i32 = arith.constant 0 : i32
    %c0_i32_0 = arith.constant 0 : i32
    %c0_i32_1 = arith.constant 0 : i32
    return %c0_i32, %c0_i32_0 : i32, i32
  }
  func.func @transform_5(%arg0: i32) -> (i32, i32) {
    %c0_i32 = arith.constant 0 : i32
    %c0_i32_0 = arith.constant 0 : i32
    %c0_i32_1 = arith.constant 0 : i32
    return %c0_i32, %c0_i32_0 : i32, i32
  }
  func.func @transform_6(%arg0: i32) -> (i32, i32) {
    %c0_i32 = arith.constant 0 : i32
    %c0_i32_0 = arith.constant 0 : i32
    %c0_i32_1 = arith.constant 0 : i32
    return %c0_i32, %c0_i32_0 : i32, i32
  }
  func.func @transform_7(%arg0: i32) -> (i32, i32) {
    %c0_i32 = arith.constant 0 : i32
    %c0_i32_0 = arith.constant 0 : i32
    %c0_i32_1 = arith.constant 0 : i32
    return %c0_i32, %c0_i32_0 : i32, i32
  }
  func.func @transform_8(%arg0: i32) -> (i32, i32) {
    %c0_i32 = arith.constant 0 : i32
    %c0_i32_0 = arith.constant 0 : i32
    return %arg0, %c0_i32 : i32, i32
  }
  func.func @transform_9(%arg0: i32) -> (i32, i32) {
    %c0_i32 = arith.constant 0 : i32
    %c0_i32_0 = arith.constant 0 : i32
    return %arg0, %c0_i32 : i32, i32
  }
  func.func @transform_10(%arg0: i32) -> (i32, i32) {
    %c0_i32 = arith.constant 0 : i32
    %c0_i32_0 = arith.constant 0 : i32
    return %arg0, %c0_i32 : i32, i32
  }
}

module attributes {stable_mosaic.version = 14 : i64} {
  func.func @_final_body(%arg0: i32, %arg1: memref<1024x48xf32, #tpu.memory_space<vmem>>, %arg2: memref<1024x48xf32, #tpu.memory_space<vmem>>, %arg3: memref<1x48xf32, #tpu.memory_space<vmem>>, %arg4: memref<1024x8xf32, #tpu.memory_space<vmem>>, %arg5: memref<1024x40xf32, #tpu.memory_space<vmem>>) attributes {dimension_semantics = [#tpu.dimension_semantics<arbitrary>], iteration_bounds = array<i64: 10>, scalar_prefetch = 0 : i64, scratch_operands = 0 : i64, tpu.core_type = #tpu.core_type<tc>, window_params = [{transform_indices = @transform_0, window_bounds = array<i64: 1024, 48>}, {transform_indices = @transform_1, window_bounds = array<i64: 1024, 48>}, {pipeline_mode = #tpu.pipeline_mode<synchronous>, transform_indices = @transform_2, window_bounds = array<i64: 1, 48>}, {transform_indices = @transform_3, window_bounds = array<i64: 1024, 8>}, {transform_indices = @transform_4, window_bounds = array<i64: 1024, 40>}]} {
    %get3A = arith.constant 0 : index
    %get3A_0 = arith.constant 0 : index
    %get3A_1 = vector.load %arg1[%get3A, %get3A_0] : memref<1024x48xf32, #tpu.memory_space<vmem>>, vector<1024x48xf32>
    %get3A_2 = arith.constant 0 : index
    %get3A_3 = arith.constant 0 : index
    %get3A_4 = vector.load %arg2[%get3A_2, %get3A_3] : memref<1024x48xf32, #tpu.memory_space<vmem>>, vector<1024x48xf32>
    %add3A = arith.addf %get3A_1, %get3A_4 : vector<1024x48xf32>
    %get3A_5 = arith.constant 0 : index
    %get3A_6 = arith.constant 0 : index
    %get3A_7 = vector.load %arg4[%get3A_5, %get3A_6] : memref<1024x8xf32, #tpu.memory_space<vmem>>, vector<1024x1xf32>
    %mul3A = vector.broadcast %get3A_7 : vector<1024x1xf32> to vector<1024x48xf32>
    %mul3A_8 = arith.mulf %add3A, %mul3A : vector<1024x48xf32>
    %get3A_9 = arith.constant 0 : index
    %get3A_10 = arith.constant 0 : index
    %get3A_11 = vector.load %arg3[%get3A_9, %get3A_10] : memref<1x48xf32, #tpu.memory_space<vmem>>, vector<1x48xf32>
    %add3A_12 = vector.broadcast %get3A_11 : vector<1x48xf32> to vector<1024x48xf32>
    %add3A_13 = arith.addf %mul3A_8, %add3A_12 : vector<1024x48xf32>
    %slice3A = vector.extract_strided_slice %add3A_13 {offsets = [0, 0], sizes = [1024, 40], strides = [1, 1]} : vector<1024x48xf32> to vector<1024x40xf32>
    %reduce_max3A = arith.constant dense<0xFF800000> : vector<1024xf32>
    %reduce_max3A_14 = vector.multi_reduction <maximumf>, %slice3A, %reduce_max3A [1] : vector<1024x40xf32> to vector<1024xf32>
    %broadcast_in_dim3A = vector.shape_cast %reduce_max3A_14 : vector<1024xf32> to vector<1024x1xf32>
    %sub3A = vector.broadcast %broadcast_in_dim3A : vector<1024x1xf32> to vector<1024x40xf32>
    %sub3A_15 = arith.subf %slice3A, %sub3A : vector<1024x40xf32>
    %exp3A = math.exp %sub3A_15 : vector<1024x40xf32>
    %reduce_sum3A = arith.constant dense<0.000000e+00> : vector<1024xf32>
    %reduce_sum3A_16 = vector.multi_reduction <add>, %exp3A, %reduce_sum3A [1] : vector<1024x40xf32> to vector<1024xf32>
    %broadcast_in_dim3A_17 = vector.shape_cast %reduce_sum3A_16 : vector<1024xf32> to vector<1024x1xf32>
    %sub3A_18 = vector.broadcast %broadcast_in_dim3A : vector<1024x1xf32> to vector<1024x40xf32>
    %sub3A_19 = arith.subf %slice3A, %sub3A_18 : vector<1024x40xf32>
    %log3A = math.log %broadcast_in_dim3A_17 : vector<1024x1xf32>
    %sub3A_20 = vector.broadcast %log3A : vector<1024x1xf32> to vector<1024x40xf32>
    %sub3A_21 = arith.subf %sub3A_19, %sub3A_20 : vector<1024x40xf32>
    %swap3A = arith.constant 0 : index
    %swap3A_22 = arith.constant 0 : index
    %swap3A_23 = vector.load %arg5[%swap3A, %swap3A_22] : memref<1024x40xf32, #tpu.memory_space<vmem>>, vector<1024x40xf32>
    tpu.vector_store %arg5[%swap3A, %swap3A_22], %sub3A_21 {strides = array<i32>} : memref<1024x40xf32, #tpu.memory_space<vmem>>, vector<1024x40xf32>,
    return
  }
  func.func @transform_0(%arg0: i32) -> (i32, i32) {
    %c0_i32 = arith.constant 0 : i32
    %c0_i32_0 = arith.constant 0 : i32
    return %arg0, %c0_i32 : i32, i32
  }
  func.func @transform_1(%arg0: i32) -> (i32, i32) {
    %add3A = arith.constant 10 : i32
    %add3A_0 = arith.addi %add3A, %arg0 : i32
    %c0_i32 = arith.constant 0 : i32
    %c0_i32_1 = arith.constant 0 : i32
    return %add3A_0, %c0_i32 : i32, i32
  }
  func.func @transform_2(%arg0: i32) -> (i32, i32) {
    %c0_i32 = arith.constant 0 : i32
    %c0_i32_0 = arith.constant 0 : i32
    %c0_i32_1 = arith.constant 0 : i32
    return %c0_i32, %c0_i32_0 : i32, i32
  }
  func.func @transform_3(%arg0: i32) -> (i32, i32) {
    %c0_i32 = arith.constant 0 : i32
    %c0_i32_0 = arith.constant 0 : i32
    return %arg0, %c0_i32 : i32, i32
  }
  func.func @transform_4(%arg0: i32) -> (i32, i32) {
    %c0_i32 = arith.constant 0 : i32
    %c0_i32_0 = arith.constant 0 : i32
    return %arg0, %c0_i32 : i32, i32
  }
}

</mosaic_0001>

<sc_bundles>
// kernel: gcn_agg_d128_col.3.cloned.1.call-start
scs
__scs_entry_jumppad:
0x0: {  	(pc) =	sbr.rel $0x88, $3  }
0x1: {  	(tag) =	ssettag $0x0;
	lr =	simm.s32 $0x1  }
0x2: {  	[smem:$0x3F95] =	sst lr;
	_ =	strace $0xD0000000  }
0x3: {  	_ = 	snop  }
0x4: {  	_ = 	snop  }
0x5: {  	_ = 	snop  }
0x6: {  	_ = 	snop  }
0x7: {  	_ = 	snop  }
__scs_overlays_trampoline_lowered:
0x8: {  	[smem:$0x3FA4] =	sst s0  }
0x9: {  	[smem:$0x3FA5] =	sst s1  }
0xa: {  	[smem:$0x3FA6] =	sst s2  }
0xb: {  	[smem:$0x3FA7] =	sst s3  }
0xc: {  	[smem:$0x3FA8] =	sst s4  }
0xd: {  	[smem:$0x3FA9] =	sst s5  }
0xe: {  	[smem:$0x3FAA] =	sst s6  }
0xf: {  	[smem:$0x3FAB] =	sst s7  }
0x10: {  	[smem:$0x3FAC] =	sst s8  }
0x11: {  	[smem:$0x3FAD] =	sst s9;
	s0 =	simm.s32 @!p0 $0x0  }
0x12: {  	s1 =	sld [smem:$0x3F93];
	s0 =	simm.s32 @p0 $0x1  }
0x13: {  	[smem:$0x3FAE] =	sst s0;
	s0 =	simm.s32 @!p1 $0x0  }
0x14: {  	s2 =	sld [smem:$0x3F92];
	s0 =	simm.s32 @p1 $0x1  }
0x15: {  	[smem:$0x3FAF] =	sst s0;
	s0 =	simm.s32 @!p2 $0x0  }
0x16: {  	s3 =	sld [smem:$0x3FDB];
	s0 =	simm.s32 @p2 $0x1  }
0x17: {  	s4 =	simm.s32 $0x1BF5;
	[smem:$0x3FB1] =	sst s0  }
0x18: {  	s0 =	sld [smem:$0x3F94];
	_ =	swait.ge [sflag:s4], $0x0  }
0x19: {  	s7 =	sld [smem:$0x3F95]  }
0x1a: {  	s8 =	sadd.s32 $0xFFFFE003, lr  }
0x1b: {  	s9 =	sadd.s32 $0xFFFFFEF7, lr;
	s5 =	simm.s32 $0xFFFFFFFF;
	p2 =	slt.u32 s8, $0xFFFFF086  }
0x1c: {  	p1 =	slt.u32 s9, $0xF7A;
	s5 =	simm.s32 @!p2 $0x0  }
0x1d: {  	s5 =	simm.s32 @p1 $0x1;
	p0 =	seq.s32 s7, s2  }
0x1e: {  	s7 =	smul.u32 @!p0 $0xF7A, s2;
	p2 =	seq.s32 @!p0 s5, $0x0  }
0x1f: {  	s9 =	smul.u32 $0xF7A, s1;
	s8 =	simm.s32 @!p0 $0x1BF5;
	p2 =	por !p2, p0  }
0x20: {  	[sflag:s8] =	ssyncset.s32 @!p0 $0xFFFFF086;
	s6 =	sadd.s32 @!p0 s3, s7;
	s7 =	simm.s32 @!p0 $0x108  }
0x21: {  	s3 =	sadd.s32 s3, s9;
	s6 =	sadd.s32 @!p0 $0x88, s6;
	s7 =	simm.s32 @p2 $0x1082  }
0x22: {  	[simem:s7], [sflag:s8] =	dma.local @!p0 [hbm:s6], $0xF7A  }
0x23: {  	s9 =	sor.u32 $0xD0000000, s2;
	s6 =	simm.s32 $0x108;
	_ =	swait.ge @!p0 [sflag:s8], $0x0  }
0x24: {  	s3 =	sadd.s32 $0x88, s3;
	s6 =	simm.s32 @!p1 $0x1082;
	[sflag:s4] =	ssyncset.s32 $0xFFFFF086  }
0x25: {  	[simem:s6], [sflag:s4] =	dma.local [hbm:s3], $0xF7A  }
0x26: {  	[smem:$0x3F95] =	sst s1;
	(tag) =	ssettag s2;
	_ =	strace s9  }
0x27: {  	s1 =	sld [smem:$0x3FA5]  }
0x28: {  	s2 =	sld [smem:$0x3FA6]  }
0x29: {  	s4 =	sld [smem:$0x3FA8]  }
0x2a: {  	p0 =	seq.s32 s5, $0x0;
	s5 =	sld [smem:$0x3FA9]  }
0x2b: {  	s6 =	sld [smem:$0x3FAA]  }
0x2c: {  	s7 =	sld [smem:$0x3FAB]  }
0x2d: {  	s3 =	simm.s32 $0x108;
	s8 =	sld [smem:$0x3FAC]  }
0x2e: {  	s3 =	simm.s32 @!p0 $0x1082;
	s9 =	sld [smem:$0x3FAD]  }
0x2f: {  	lr =	sadd.s32 s0, s3;
	s0 =	sld [smem:$0x3FA4]  }
0x30: {  	s3 =	sld [smem:$0x3FA7]  }
0x31: {  	[smem:$0x3FB0] =	sst s10  }
0x32: {  	s10 =	sld [smem:$0x3FAE];
	_ =	sdelay $0x3  }
0x33: {  	p0 =	seq.s32 s10, $0x1;
	s10 =	sld [smem:$0x3FB0];
	_ =	sdelay $0x3  }
0x34: {  	[smem:$0x3FB0] =	sst s10  }
0x35: {  	s10 =	sld [smem:$0x3FAF];
	_ =	sdelay $0x3  }
0x36: {  	p1 =	seq.s32 s10, $0x1;
	s10 =	sld [smem:$0x3FB0];
	_ =	sdelay $0x3  }
0x37: {  	[smem:$0x3FB0] =	sst s10  }
0x38: {  	s10 =	sld [smem:$0x3FB1]  }
0x39: {  	_ = 	snop;
	(pc) =	sbr.ind lr, $3  }
0x3a: {  	_ = 	snop  }
0x3b: {  	_ = 	snop  }
0x3c: {  	p2 =	seq.s32 s10, $0x1;
	s10 =	sld [smem:$0x3FB0]  }
0x3d: {  	_ =	shalt  }
0x3e: {  	_ =	shalt  }
0x3f: {  	_ =	shalt  }
0x40: {  	_ =	shalt  }
0x41: {  	_ =	shalt  }
0x42: {  	_ =	shalt  }
0x43: {  	_ =	shalt  }
0x44: {  	_ =	shalt  }
0x45: {  	_ =	shalt  }
0x46: {  	_ =	shalt  }
0x47: {  	_ =	shalt  }
0x48: {  	_ =	shalt  }
0x49: {  	_ =	shalt  }
0x4a: {  	_ =	shalt  }
0x4b: {  	_ =	shalt  }
0x4c: {  	_ =	shalt  }
0x4d: {  	_ =	shalt  }
0x4e: {  	_ =	shalt  }
0x4f: {  	_ =	shalt  }
0x50: {  	_ =	shalt  }
0x51: {  	_ =	shalt  }
0x52: {  	_ =	shalt  }
0x53: {  	_ =	shalt  }
0x54: {  	_ =	shalt  }
0x55: {  	_ =	shalt  }
0x56: {  	_ =	shalt  }
0x57: {  	_ =	shalt  }
0x58: {  	_ =	shalt  }
0x59: {  	_ =	shalt  }
0x5a: {  	_ =	shalt  }
0x5b: {  	_ =	shalt  }
0x5c: {  	_ =	shalt  }
0x5d: {  	_ =	shalt  }
0x5e: {  	_ =	shalt  }
0x5f: {  	_ =	shalt  }
0x60: {  	_ =	shalt  }
0x61: {  	_ =	shalt  }
0x62: {  	_ =	shalt  }
0x63: {  	_ =	shalt  }
0x64: {  	_ =	shalt  }
0x65: {  	_ =	shalt  }
0x66: {  	_ =	shalt  }
0x67: {  	_ =	shalt  }
0x68: {  	_ =	shalt  }
0x69: {  	_ =	shalt  }
0x6a: {  	_ =	shalt  }
0x6b: {  	_ =	shalt  }
0x6c: {  	_ =	shalt  }
0x6d: {  	_ =	shalt  }
0x6e: {  	_ =	shalt  }
0x6f: {  	_ =	shalt  }
0x70: {  	_ =	shalt  }
0x71: {  	_ =	shalt  }
0x72: {  	_ =	shalt  }
0x73: {  	_ =	shalt  }
0x74: {  	_ =	shalt  }
0x75: {  	_ =	shalt  }
0x76: {  	_ =	shalt  }
0x77: {  	_ =	shalt  }
0x78: {  	_ =	shalt  }
0x79: {  	_ =	shalt  }
0x7a: {  	_ =	shalt  }
0x7b: {  	_ =	shalt  }
0x7c: {  	_ =	shalt  }
0x7d: {  	_ =	shalt  }
0x7e: {  	_ =	shalt  }
0x7f: {  	_ =	shalt  }
0x80: {  	_ =	shalt  }
0x81: {  	_ =	shalt  }
0x82: {  	_ =	shalt  }
0x83: {  	_ =	shalt  }
0x84: {  	_ =	shalt  }
0x85: {  	_ =	shalt  }
0x86: {  	_ =	shalt  }
0x87: {  	_ =	shalt  }
.Lfunc_end0:
.L_simem_size_0:
called_computation.2_lowered:
.L_overlay_start_0:
0x88: {  	s2 =	sld [smem:$0x3FD9]  }
0x89: {  	s3 =	sld [smem:$0x3FFE];
	_ =	sdelay $0x1  }
0x8a: {  	s1 =	srdreg.scid  }
0x8b: {  	s0 =	sand.u32 $0x1, s1  }
0x8c: {  	s16 =	sshll.u32 s0, $0xA;
	s2 =	sadd.s32 s3, s2  }
0x8d: {  	s2 =	sadd.s32 s2, s16  }
0x8e: {  	[smem:$0x3FBC] =	sst s2  }
0x8f: {  	_ = 	snop  }
0x90: {  	(tm) =	ssettm $0x1  }
0x91: {  	s17 =	sld [smem:$0x3FFB];
	_ =	sdelay $0x3  }
0x92: {  	_ =	strace s17  }
0x93: {  	s2 =	sld [smem:$0x3FFC];
	_ =	sdelay $0x3  }
0x94: {  	_ =	strace s2  }
0x95: {  	s2 =	sld [smem:$0x3FFD];
	_ =	sdelay $0x3  }
0x96: {  	_ =	strace s2  }
0x97: {  	_ =	strace $0x8FFFFFFF  }
0x98: {  	s18 =	sld [smem:$0x3FDB];
	_ =	sdelay $0x1  }
0x99: {  	s19 =	simm.s32 $_scs_section_size  }
0x9a: {  	s4 =	simm.s32 $_size__tile_overlayer_lowered;
	s5 =	simm.s32 $_tile_overlayer_lowered  }
0x9b: {  	s22 =	simm.s32 $0x1BFF;
	s21 =	sshll.u32 s5, $0x1;
	s2 =	sadd.s32 s19, s18  }
0x9c: {  	s6 =	simm.s32 $0x0;
	s20 =	sshll.u32 s4, $0x1;
	s4 =	sadd.s32 s21, s2  }
0x9d: {  	[timem:s6], [sflag:s22] =	dma.local [hbm:s4], s20  }
0x9e: {  	_ =	swait.ge [sflag:s22], s20  }
0x9f: {  	s3 =	ssub.s32 $0x0, s20;
	[sflag:s22] =	ssyncset.done $0x0  }
0xa0: {  	[sflag:s22] =	ssyncadd.s32 s3;
	_ =	sdelay $0x1  }
0xa1: {  	s23 =	simm.s32 $0x1B8B  }
0xa2: {  	_ =	swait.ge [sflag:s23], $0x1  }
0xa3: {  	[sflag:s23] =	ssyncset.done $0x0  }
0xa4: {  	s25 =	simm.s32 $0x1B8E;
	s24 =	sld [smem:$0x3FFE];
	[sflag:s23] =	ssyncadd.s32 $0xFFFFFFFF  }
0xa5: {  	s26 =	simm.s32 $execute0_lowered;
	[smem:$0x3FD2] =	sst s25  }
0xa6: {  	s4 =	sshll.u32 s26, $0x1;
	_ =	strace $0x8000004C;
	[dreg:$0x1] =	wrdreg $0xFFFFFFFF  }
0xa7: {  	s28 =	simm.s32 $_size_execute0_lowered;
	s2 =	sadd.s32 s2, s4;
	[dreg:$0x0] =	wrdreg $0x0  }
0xa8: {  	s4 =	sshll.u32 s28, $0x1;
	[dreg:$0x2] =	wrdreg s2  }
0xa9: {  	[dreg:$0x3] =	wrdreg s4  }
0xaa: {  	[dreg:$0x4] =	wrdreg $0xC0  }
0xab: {  	_ =	task [dreg:s6], $0x5FFFF  }
0xac: {  	[dreg:$0x1] =	wrdreg $0xFFFFFFFF  }
0xad: {  	[dreg:$0x0] =	wrdreg $0x60  }
0xae: {  	[dreg:$0x2] =	wrdreg s24  }
0xaf: {  	[dreg:$0x3] =	wrdreg $0xA8000  }
0xb0: {  	[dreg:$0x4] =	wrdreg $0x9  }
0xb1: {  	_ =	task.clear_ibuf [dreg:s6], $0x5FFFF;
	_ =	strace $0x9000004C  }
0xb2: {  	s29 =	simm.s32 $0x9;
	_ =	strace $0x8000004E  }
0xb3: {  	_ =	swait.ge [sflag:s29], $0x1  }
0xb4: {  	[sflag:s29] =	ssyncadd.s32 $0xFFFFFFFF  }
0xb5: {  	_ =	strace $0x9000004E  }
0xb6: {  	_ =	sfence  }
0xb7: {  	s30 =	sld [smem:$0x0];
	_ =	sdelay $0x2  }
0xb8: {  	s31 =	sshll.u32 s1, $0xD;
	s1 =	sshrl.u32 s1, $0x2  }
0xb9: {  	s3 =	sand.u32 $0x4000, s31;
	s1 =	sadd.s32 s1, s30  }
0xba: {  	s0 =	sor.u32 s3, s0;
	s1 =	sshll.u32 s1, $0x11  }
0xbb: {  	s0 =	sor.u32 s1, s0  }
0xbc: {  	s0 =	sadd.s32 $0x8F2B, s0  }
0xbd: {  	[sflag:s0] =	ssyncadd.remote.s32 $0x1  }
0xbe: {  	_ =	sfence.sel $0xFFFF  }
0xbf: {  	[dreg:$0x0] =	wrdreg $0xFFFFFFFF;
	(pc) =	sbr.abs _section_cstart, $3  }
0xc0: {  	[dreg:$0x1] =	wrdreg $0xFFFFFFFF  }
0xc1: {  	_ =	task.clear_ibuf [dreg:s6], $0x2FFFF;
	_ =	strace $0x9FFFFFFF  }
0xc2: {  	(tm) =	ssettm $0x7FFFFFFF  }
0xc3: {  	_ =	shalt  }
tec
execute0_lowered:
.L_overlay_start_1:
0x0: {  	(tag) =	ssettag $0x1  }
0x1: {  	s0 =	rddreg [dreg:$0x0]  }
0x2: {  	s1 =	rddreg [dreg:$0x1];
	s3 =	simm.s32 $0x0;
	s21 =	stileid.u32  }
0x3: {  	s2 =	srdreg.scid;
	s28 =	simm.s32 $0x2700;
	s12 =	smul.u32 $0x280, s21  }
0x4: {  	s29 =	simm.s32 $0x2780;
	s30 =	simm.s32 $0x0;
	s8 =	smul.u32 $0x50000, s21  }
0x5: {  	s31 =	simm.s32 $0x0;
	[smem:$0x7FF] =	sst s3;
	s18 =	smul.u32 $0x5000, s21  }
0x6: {  	s4 =	sadd.s32 $0xAC600, s0;
	s2 =	sand.u32 $0x1, s2;
	s21 =	smul.u32 $0xA0, s21  }
0x7: {  	s5 =	sadd.s32 $0x98600, s0;
	s6 =	sadd.s32 $0x20600, s0;
	s15 =	smul.u32 $0x50000, s2  }
0x8: {  	s0 =	sadd.s32 $0xC0600, s0;
	s7 =	ssub.s32 $0x2, s2;
	s20 =	smul.u32 $0x2800, s2  }
0x9: {  	_ =	strace $0x8000004D;
	s2 =	smul.u32 $0xA00, s2;
	s9 =	sshrl.u32 s7, $0x1  }
0xa: {  	s22 =	sshrl.u32 s8, $0x2;
	s13 =	sadd.s32 $0x80, s12;
	s16 =	sadd.s32 $0x100, s12  }
0xb: {  	s17 =	sadd.s32 $0x180, s12;
	s19 =	sadd.s32 $0x200, s12;
	s14 =	ssub.s32 s7, s9  }
0xc: {  	s7 =	sadd.s32 s22, s1;
	s23 =	sshll.u32 s13, $0x7;
	s24 =	sshll.u32 s16, $0x7  }
0xd: {  	s10 =	sshll.u32 s17, $0x7;
	s11 =	sshll.u32 s19, $0x7;
	s22 =	sadd.s32 s12, s20  }
0xe: {  	s12 =	sadd.s32 s18, s15;
	s26 =	sadd.s32 s20, s13;
	s13 =	sadd.s32 s21, s2  }
0xf: {  	s8 =	sadd.s32 s23, s1;
	s9 =	sadd.s32 s24, s1;
	s10 =	sadd.s32 s10, s1  }
0x10: {  	s11 =	sadd.s32 s11, s1;
	s25 =	sshll.u32 s22, $0x4;
	s22 =	sshll.u32 s26, $0x4  }
0x11: {  	s23 =	sadd.s32 s20, s16;
	s24 =	sadd.s32 s20, s17;
	s21 =	sadd.s32 s0, s25  }
0x12: {  	s2 =	sadd.s32 s0, s22;
	s17 =	sshll.u32 s24, $0x4;
	s25 =	sadd.s32 s20, s19  }
0x13: {  	s19 =	smax.u32 s14, $0x1;
	s20 =	simm.s32 $0x2800;
	[dreg:$0x3] =	wrdreg s21  }
0x14: {  	s22 =	simm.s32 $0x1400;
	s24 =	simm.s32 $0x6800;
	[dreg:$0x4] =	wrdreg s2  }
0x15: {  	s2 =	sshll.u32 s23, $0x4;
	s17 =	sadd.s32 s0, s17;
	s26 =	sshll.u32 s25, $0x4  }
0x16: {  	s21 =	simm.s32 $0x3;
	s23 =	simm.s32 $0x80;
	s25 =	simm.s32 $0x1  }
0x17: {  	v0 =	vimm.f32 $0.0e+00;
	s16 =	sadd.s32 s0, s2;
	s18 =	sadd.s32 s0, s26;
	s26 =	simm.s32 $0x2  }
.LBB2_1:
0x18: {  	s0 =	simm.s32 $0x0;
	s2 =	simm.s32 $0x200  }
.LBB2_2:
0x19: {  	p0 =	sne.s32 s2, $0xFE00;
	[tilespmem:s0+$0x2870] =	vst v0  }
0x1a: {  	[tilespmem:s0+$0x2800] =	vst v0  }
0x1b: {  	[tilespmem:s0+$0x2810] =	vst v0  }
.Ltmp0:
0x1c: {  	[tilespmem:s0+$0x2820] =	vst v0;
	(pc) =	sbr.rel @p0 .LBB2_2-.Ltmp0, $4  }
0x1d: {  	[tilespmem:s0+$0x2830] =	vst v0  }
0x1e: {  	[tilespmem:s0+$0x2840] =	vst v0  }
0x1f: {  	[tilespmem:s0+$0x2850] =	vst v0  }
0x20: {  	[tilespmem:s0+$0x2860] =	vst v0;
	s0 =	sshra.s32 s2, $0x2;
	s2 =	sadd.s32 $0x200, s2  }
0x21: {  	[tilespmem:s0+$0x2870] =	vst v0  }
0x22: {  	[tilespmem:s0+$0x2800] =	vst v0  }
0x23: {  	[tilespmem:s0+$0x2810] =	vst v0  }
0x24: {  	[tilespmem:s0+$0x2820] =	vst v0  }
0x25: {  	[tilespmem:s0+$0x2830] =	vst v0  }
0x26: {  	[tilespmem:s0+$0x2840] =	vst v0  }
0x27: {  	[tilespmem:s0+$0x2850] =	vst v0  }
0x28: {  	[tilespmem:s0+$0x2860] =	vst v0  }
0x29: {  	[spmem:s7] =	stream.linear.scatter [tilespmem:s20], [sflag:$0x3], $0x4000, $0x38;
	[tilespmem:$0x1E800] =	vst v63  }
0x2a: {  	_ =	swait.ge [sflag:s21], $0x4000  }
0x2b: {  	[sflag:s21] =	ssyncset.done $0x0  }
0x2c: {  	[sflag:s21] =	ssyncadd.s32 $0xFFFFC000  }
0x2d: {  	[spmem:s8] =	stream.linear.scatter [tilespmem:s20], [sflag:$0x3], $0x4000, $0x38;
	[tilespmem:$0x1E800] =	vst v63  }
0x2e: {  	_ =	swait.ge [sflag:s21], $0x4000  }
0x2f: {  	[sflag:s21] =	ssyncset.done $0x0  }
0x30: {  	[sflag:s21] =	ssyncadd.s32 $0xFFFFC000  }
0x31: {  	[spmem:s9] =	stream.linear.scatter [tilespmem:s20], [sflag:$0x3], $0x4000, $0x38;
	[tilespmem:$0x1E800] =	vst v63  }
0x32: {  	_ =	swait.ge [sflag:s21], $0x4000  }
0x33: {  	[sflag:s21] =	ssyncset.done $0x0  }
0x34: {  	[sflag:s21] =	ssyncadd.s32 $0xFFFFC000  }
0x35: {  	[spmem:s10] =	stream.linear.scatter [tilespmem:s20], [sflag:$0x3], $0x4000, $0x38;
	[tilespmem:$0x1E800] =	vst v63  }
0x36: {  	_ =	swait.ge [sflag:s21], $0x4000  }
0x37: {  	[sflag:s21] =	ssyncset.done $0x0  }
0x38: {  	[sflag:s21] =	ssyncadd.s32 $0xFFFFC000  }
0x39: {  	[spmem:s11] =	stream.linear.scatter [tilespmem:s20], [sflag:$0x3], $0x4000, $0x38;
	[tilespmem:$0x1E800] =	vst v63  }
0x3a: {  	_ =	swait.ge [sflag:s21], $0x4000  }
0x3b: {  	[sflag:s21] =	ssyncset.done $0x0  }
0x3c: {  	[sflag:s21] =	ssyncadd.s32 $0xFFFFC000  }
0x3d: {  	s0 =	simm.s32 $0x0;
	[bflag:$0x0] =	sbarrier.arrive $0xFFFF  }
.LBB2_4:
0x3e: {  	s2 =	smul.u32 $0x1400, s0;
	_ =	sdelay $0x1  }
0x3f: {  	s2 =	sadd.s32 s2, s12  }
0x40: {  	s2 =	sshrl.u32 s2, $0x3  }
0x41: {  	s14 =	smul.u32 $0x28, s0;
	s2 =	sadd.s32 s4, s2  }
0x42: {  	[tilespmem:s31], [sflag:$0x3] =	stream.linear.gather [hbm4b:s2+s31], $0x1400, $0x38;
	[tilespmem:$0x1E800] =	vst v63  }
0x43: {  	s14 =	sadd.s32 s14, s13;
	_ =	swait.ge [sflag:s21], $0x1400  }
0x44: {  	s2 =	sshll.u32 s14, $0x4;
	[sflag:s21] =	ssyncset.done $0x0  }
0x45: {  	s2 =	sadd.s32 s5, s2;
	[sflag:s21] =	ssyncadd.s32 $0xFFFFEC00  }
0x46: {  	[tilespmem:s22], [sflag:$0x3] =	stream.linear.gather [hbm4b:s2+s31], $0x1400, $0x38;
	[tilespmem:$0x1E800] =	vst v63  }
0x47: {  	_ =	swait.ge [sflag:s21], $0x1400  }
0x48: {  	[sflag:s21] =	ssyncset.done $0x0  }
0x49: {  	[sflag:s21] =	ssyncadd.s32 $0xFFFFEC00  }
0x4a: {  	[tilespmem:s20], [sflag:$0x1] =	stream.indirect.gather [hbm4b:s6+s23], $0x80, s31, s23, $0xb8;
	[tilespmem:$0x1E800] =	vst v63  }
0x4b: {  	_ = 	snop  }
0x4c: {  	[tilespmem:s24], [sflag:$0x2] =	stream.indirect.gather [hbm4b:s6+s23], $0x80, s23, s23, $0xb8;
	[tilespmem:$0x1E800] =	vst v63  }
0x4d: {  	_ =	swait.ge [sflag:s25], $0x4000  }
0x4e: {  	[sflag:s25] =	ssyncset.done $0x0  }
0x4f: {  	s15 =	simm.s32 $0x1400;
	[sflag:s25] =	ssyncadd.s32 $0xFFFFC000  }
0x50: {  	[spmem:s1] =	stream.indirect.scatter.add.f32 [tilespmem:s20], [sflag:$0x3], $0x80, s15, s23, $0xb8;
	[tilespmem:$0x1E800] =	vst v63  }
0x51: {  	_ =	swait.ge [sflag:s21], $0x4000  }
0x52: {  	[sflag:s21] =	ssyncset.done $0x0  }
0x53: {  	s14 =	simm.s32 $0x100;
	[sflag:s21] =	ssyncadd.s32 $0xFFFFC000  }
0x54: {  	[tilespmem:s20], [sflag:$0x1] =	stream.indirect.gather [hbm4b:s6+s23], $0x80, s14, s23, $0xb8;
	[tilespmem:$0x1E800] =	vst v63  }
0x55: {  	_ =	swait.ge [sflag:s26], $0x4000  }
0x56: {  	[sflag:s26] =	ssyncset.done $0x0  }
0x57: {  	s15 =	simm.s32 $0x1480;
	[sflag:s26] =	ssyncadd.s32 $0xFFFFC000  }
0x58: {  	[spmem:s1] =	stream.indirect.scatter.add.f32 [tilespmem:s24], [sflag:$0x3], $0x80, s15, s23, $0xb8;
	[tilespmem:$0x1E800] =	vst v63  }
0x59: {  	_ =	swait.ge [sflag:s21], $0x4000  }
0x5a: {  	[sflag:s21] =	ssyncset.done $0x0  }
0x5b: {  	s2 =	simm.s32 $0x400;
	s14 =	simm.s32 $0x180;
	[sflag:s21] =	ssyncadd.s32 $0xFFFFC000  }
.LBB2_5:
0x5c: {  	[tilespmem:s24], [sflag:$0x2] =	stream.indirect.gather [hbm4b:s6+s23], $0x80, s14, s23, $0xb8;
	[tilespmem:$0x1E800] =	vst v63  }
0x5d: {  	s14 =	smov.u32 s2  }
0x5e: {  	p0 =	sne.s32 s2, $0x4800;
	s2 =	sadd.s32 $0x400, s2;
	_ =	swait.ge [sflag:s25], $0x4000  }
0x5f: {  	s14 =	sshra.s32 s14, $0x2;
	[sflag:s25] =	ssyncset.done $0x0  }
0x60: {  	s15 =	sadd.s32 $0x1400, s14;
	[sflag:s25] =	ssyncadd.s32 $0xFFFFC000  }
0x61: {  	[spmem:s1] =	stream.indirect.scatter.add.f32 [tilespmem:s20], [sflag:$0x3], $0x80, s15, s23, $0xb8;
	[tilespmem:$0x1E800] =	vst v63  }
0x62: {  	_ =	swait.ge [sflag:s21], $0x4000  }
0x63: {  	[sflag:s21] =	ssyncset.done $0x0  }
0x64: {  	s15 =	sadd.s32 $0x100, s14;
	[sflag:s21] =	ssyncadd.s32 $0xFFFFC000  }
0x65: {  	[tilespmem:s20], [sflag:$0x1] =	stream.indirect.gather [hbm4b:s6+s23], $0x80, s15, s23, $0xb8;
	[tilespmem:$0x1E800] =	vst v63  }
0x66: {  	_ =	swait.ge [sflag:s26], $0x4000  }
0x67: {  	[sflag:s26] =	ssyncset.done $0x0  }
.Ltmp1:
0x68: {  	s15 =	sadd.s32 $0x1480, s14;
	[sflag:s26] =	ssyncadd.s32 $0xFFFFC000;
	(pc) =	sbr.rel @p0 .LBB2_5-.Ltmp1, $4  }
0x69: {  	[spmem:s1] =	stream.indirect.scatter.add.f32 [tilespmem:s24], [sflag:$0x3], $0x80, s15, s23, $0xb8;
	[tilespmem:$0x1E800] =	vst v63  }
0x6a: {  	_ =	swait.ge [sflag:s21], $0x4000  }
0x6b: {  	[sflag:s21] =	ssyncset.done $0x0  }
0x6c: {  	s14 =	sadd.s32 $0x180, s14;
	[sflag:s21] =	ssyncadd.s32 $0xFFFFC000  }
0x6d: {  	[tilespmem:s24], [sflag:$0x2] =	stream.indirect.gather [hbm4b:s6+s23], $0x80, s14, s23, $0xb8;
	[tilespmem:$0x1E800] =	vst v63  }
0x6e: {  	_ =	swait.ge [sflag:s25], $0x4000  }
0x6f: {  	[sflag:s25] =	ssyncset.done $0x0  }
0x70: {  	[sflag:s25] =	ssyncadd.s32 $0xFFFFC000  }
0x71: {  	[spmem:s1] =	stream.indirect.scatter.add.f32 [tilespmem:s20], [sflag:$0x3], $0x80, s28, s23, $0xb8;
	[tilespmem:$0x1E800] =	vst v63  }
0x72: {  	_ =	swait.ge [sflag:s21], $0x4000  }
0x73: {  	[sflag:s21] =	ssyncset.done $0x0  }
0x74: {  	[sflag:s21] =	ssyncadd.s32 $0xFFFFC000  }
0x75: {  	s0 =	sadd.s32 $0x1, s0;
	_ =	swait.ge [sflag:s26], $0x4000  }
0x76: {  	p0 =	sne.s32 s0, $0x4;
	[sflag:s26] =	ssyncset.done $0x0  }
.Ltmp2:
0x77: {  	[sflag:s26] =	ssyncadd.s32 $0xFFFFC000;
	(pc) =	sbr.rel @p0 .LBB2_4-.Ltmp2, $4  }
0x78: {  	[spmem:s1] =	stream.indirect.scatter.add.f32 [tilespmem:s24], [sflag:$0x3], $0x80, s29, s23, $0xb8;
	[tilespmem:$0x1E800] =	vst v63  }
0x79: {  	_ =	swait.ge [sflag:s21], $0x4000  }
0x7a: {  	[sflag:s21] =	ssyncset.done $0x0  }
0x7b: {  	[sflag:s21] =	ssyncadd.s32 $0xFFFFC000  }
0x7c: {  	[bflag:$0x0] =	sbarrier.arrive $0xFFFF  }
0x7d: {  	[tilespmem:s20], [sflag:$0x3] =	stream.linear.gather [spmem:s7], $0x4000, $0x38;
	[tilespmem:$0x1E800] =	vst v63  }
0x7e: {  	_ =	swait.ge [sflag:s21], $0x4000  }
0x7f: {  	[sflag:s21] =	ssyncset.done $0x0  }
0x80: {  	s0 =	rddreg [dreg:$0x3];
	[sflag:s21] =	ssyncadd.s32 $0xFFFFC000  }
0x81: {  	[hbm4b:s0+s3] =	stream.linear.scatter [tilespmem:s20], [sflag:$0x3], $0x4000, $0x38;
	[tilespmem:$0x1E800] =	vst v63  }
0x82: {  	_ =	swait.ge [sflag:s21], $0x4000  }
0x83: {  	[sflag:s21] =	ssyncset.done $0x0  }
0x84: {  	[sflag:s21] =	ssyncadd.s32 $0xFFFFC000  }
0x85: {  	[tilespmem:s20], [sflag:$0x3] =	stream.linear.gather [spmem:s8], $0x4000, $0x38;
	[tilespmem:$0x1E800] =	vst v63  }
0x86: {  	_ =	swait.ge [sflag:s21], $0x4000  }
0x87: {  	[sflag:s21] =	ssyncset.done $0x0  }
0x88: {  	s15 =	rddreg [dreg:$0x4];
	[sflag:s21] =	ssyncadd.s32 $0xFFFFC000  }
0x89: {  	[hbm4b:s15+s3] =	stream.linear.scatter [tilespmem:s20], [sflag:$0x3], $0x4000, $0x38;
	[tilespmem:$0x1E800] =	vst v63  }
0x8a: {  	_ =	swait.ge [sflag:s21], $0x4000  }
0x8b: {  	[sflag:s21] =	ssyncset.done $0x0  }
0x8c: {  	[sflag:s21] =	ssyncadd.s32 $0xFFFFC000  }
0x8d: {  	[tilespmem:s20], [sflag:$0x3] =	stream.linear.gather [spmem:s9], $0x4000, $0x38;
	[tilespmem:$0x1E800] =	vst v63  }
0x8e: {  	_ =	swait.ge [sflag:s21], $0x4000  }
0x8f: {  	[sflag:s21] =	ssyncset.done $0x0  }
0x90: {  	[sflag:s21] =	ssyncadd.s32 $0xFFFFC000  }
0x91: {  	[hbm4b:s16+s3] =	stream.linear.scatter [tilespmem:s20], [sflag:$0x3], $0x4000, $0x38;
	[tilespmem:$0x1E800] =	vst v63  }
0x92: {  	_ =	swait.ge [sflag:s21], $0x4000  }
0x93: {  	[sflag:s21] =	ssyncset.done $0x0  }
0x94: {  	[sflag:s21] =	ssyncadd.s32 $0xFFFFC000  }
0x95: {  	[tilespmem:s20], [sflag:$0x3] =	stream.linear.gather [spmem:s10], $0x4000, $0x38;
	[tilespmem:$0x1E800] =	vst v63  }
0x96: {  	_ =	swait.ge [sflag:s21], $0x4000  }
0x97: {  	[sflag:s21] =	ssyncset.done $0x0  }
0x98: {  	[sflag:s21] =	ssyncadd.s32 $0xFFFFC000  }
0x99: {  	[hbm4b:s17+s3] =	stream.linear.scatter [tilespmem:s20], [sflag:$0x3], $0x4000, $0x38;
	[tilespmem:$0x1E800] =	vst v63  }
0x9a: {  	_ =	swait.ge [sflag:s21], $0x4000  }
0x9b: {  	[sflag:s21] =	ssyncset.done $0x0  }
0x9c: {  	[sflag:s21] =	ssyncadd.s32 $0xFFFFC000  }
0x9d: {  	[tilespmem:s20], [sflag:$0x3] =	stream.linear.gather [spmem:s11], $0x4000, $0x38;
	[tilespmem:$0x1E800] =	vst v63  }
0x9e: {  	s30 =	sadd.s32 $0x1, s30;
	_ =	swait.ge [sflag:s21], $0x4000  }
0x9f: {  	p0 =	sne.s32 s30, s19;
	[sflag:s21] =	ssyncset.done $0x0  }
.Ltmp3:
0xa0: {  	[sflag:s21] =	ssyncadd.s32 $0xFFFFC000;
	(pc) =	sbr.rel @p0 .LBB2_1-.Ltmp3, $4  }
0xa1: {  	[hbm4b:s18+s3] =	stream.linear.scatter [tilespmem:s20], [sflag:$0x3], $0x4000, $0x38;
	[tilespmem:$0x1E800] =	vst v63  }
0xa2: {  	_ =	swait.ge [sflag:s21], $0x4000  }
0xa3: {  	[sflag:s21] =	ssyncset.done $0x0  }
0xa4: {  	[sflag:s21] =	ssyncadd.s32 $0xFFFFC000  }
0xa5: {  	_ =	sfence.sel $0x180000  }
0xa6: {  	[bflag:$0x0] =	sbarrier.arrive $0xFFFF  }
0xa7: {  	_ =	strace $0x9000004D  }
0xa8: {  	s0 =	stileid.u32;
	[bflag:$0x2] =	sbarrier.arrive $0xFFFF  }
0xa9: {  	p0 =	sne.s32 s0, $0x0;
	s0 =	rddreg [dreg:$0x2]  }
0xaa: {  	s0 =	sadd.s32 @!p0 $0x100000, s0  }
0xab: {  	[sflag:s0] =	ssyncadd.tile.s32 @!p0 $0x1;
	_ =	shalt  }
.Lfunc_end2:
_tile_overlayer_lowered:
.L_overlay_start_2:
0xac: {  	(tag) =	ssettag $0x2  }
0xad: {  	s0 =	rddreg [dreg:$0x0];
	s2 =	stileid.u32  }
0xae: {  	s1 =	rddreg [dreg:$0x1];
	p0 =	sne.s32 s2, $0x0  }
0xaf: {  	s3 =	rddreg [dreg:$0x2];
	[bflag:$0x3] =	sbarrier.arrive $0xFFFF;
	s2 =	simm.s32 @!p0 $0x1C03  }
0xb0: {  	[timem:s3], [sflag:s2] =	dma.local @!p0 [hbm:s0], s1  }
0xb1: {  	s0 =	simm.s32 @!p0 $0x3  }
0xb2: {  	_ =	swait.ge @!p0 [sflag:s0], s1  }
0xb3: {  	s1 =	ssub.s32 @!p0 $0x0, s1;
	[sflag:s0] =	ssyncset.done @!p0 $0x0  }
0xb4: {  	[sflag:s0] =	ssyncadd.s32 @!p0 s1  }
0xb5: {  	[bflag:$0x3] =	sbarrier.arrive $0xFFFF  }
0xb6: {  	_ =	shalt  }

// kernel: gcn_agg_d128_edge.3.cloned.1.call-start
scs
__scs_entry_jumppad:
0x0: {  	(pc) =	sbr.rel $0x88, $3  }
0x1: {  	(tag) =	ssettag $0x0;
	lr =	simm.s32 $0x1  }
0x2: {  	[smem:$0x3F95] =	sst lr;
	_ =	strace $0xD0000000  }
0x3: {  	_ = 	snop  }
0x4: {  	_ = 	snop  }
0x5: {  	_ = 	snop  }
0x6: {  	_ = 	snop  }
0x7: {  	_ = 	snop  }
__scs_overlays_trampoline_lowered:
0x8: {  	[smem:$0x3FA4] =	sst s0  }
0x9: {  	[smem:$0x3FA5] =	sst s1  }
0xa: {  	[smem:$0x3FA6] =	sst s2  }
0xb: {  	[smem:$0x3FA7] =	sst s3  }
0xc: {  	[smem:$0x3FA8] =	sst s4  }
0xd: {  	[smem:$0x3FA9] =	sst s5  }
0xe: {  	[smem:$0x3FAA] =	sst s6  }
0xf: {  	[smem:$0x3FAB] =	sst s7  }
0x10: {  	[smem:$0x3FAC] =	sst s8  }
0x11: {  	[smem:$0x3FAD] =	sst s9;
	s0 =	simm.s32 @!p0 $0x0  }
0x12: {  	s1 =	sld [smem:$0x3F93];
	s0 =	simm.s32 @p0 $0x1  }
0x13: {  	[smem:$0x3FAE] =	sst s0;
	s0 =	simm.s32 @!p1 $0x0  }
0x14: {  	s2 =	sld [smem:$0x3F92];
	s0 =	simm.s32 @p1 $0x1  }
0x15: {  	[smem:$0x3FAF] =	sst s0;
	s0 =	simm.s32 @!p2 $0x0  }
0x16: {  	s3 =	sld [smem:$0x3FDB];
	s0 =	simm.s32 @p2 $0x1  }
0x17: {  	s4 =	simm.s32 $0x1BF5;
	[smem:$0x3FB1] =	sst s0  }
0x18: {  	s0 =	sld [smem:$0x3F94];
	_ =	swait.ge [sflag:s4], $0x0  }
0x19: {  	s7 =	sld [smem:$0x3F95]  }
0x1a: {  	s8 =	sadd.s32 $0xFFFFE003, lr  }
0x1b: {  	s9 =	sadd.s32 $0xFFFFFEF7, lr;
	s5 =	simm.s32 $0xFFFFFFFF;
	p2 =	slt.u32 s8, $0xFFFFF086  }
0x1c: {  	p1 =	slt.u32 s9, $0xF7A;
	s5 =	simm.s32 @!p2 $0x0  }
0x1d: {  	s5 =	simm.s32 @p1 $0x1;
	p0 =	seq.s32 s7, s2  }
0x1e: {  	s7 =	smul.u32 @!p0 $0xF7A, s2;
	p2 =	seq.s32 @!p0 s5, $0x0  }
0x1f: {  	s9 =	smul.u32 $0xF7A, s1;
	s8 =	simm.s32 @!p0 $0x1BF5;
	p2 =	por !p2, p0  }
0x20: {  	[sflag:s8] =	ssyncset.s32 @!p0 $0xFFFFF086;
	s6 =	sadd.s32 @!p0 s3, s7;
	s7 =	simm.s32 @!p0 $0x108  }
0x21: {  	s3 =	sadd.s32 s3, s9;
	s6 =	sadd.s32 @!p0 $0x88, s6;
	s7 =	simm.s32 @p2 $0x1082  }
0x22: {  	[simem:s7], [sflag:s8] =	dma.local @!p0 [hbm:s6], $0xF7A  }
0x23: {  	s9 =	sor.u32 $0xD0000000, s2;
	s6 =	simm.s32 $0x108;
	_ =	swait.ge @!p0 [sflag:s8], $0x0  }
0x24: {  	s3 =	sadd.s32 $0x88, s3;
	s6 =	simm.s32 @!p1 $0x1082;
	[sflag:s4] =	ssyncset.s32 $0xFFFFF086  }
0x25: {  	[simem:s6], [sflag:s4] =	dma.local [hbm:s3], $0xF7A  }
0x26: {  	[smem:$0x3F95] =	sst s1;
	(tag) =	ssettag s2;
	_ =	strace s9  }
0x27: {  	s1 =	sld [smem:$0x3FA5]  }
0x28: {  	s2 =	sld [smem:$0x3FA6]  }
0x29: {  	s4 =	sld [smem:$0x3FA8]  }
0x2a: {  	p0 =	seq.s32 s5, $0x0;
	s5 =	sld [smem:$0x3FA9]  }
0x2b: {  	s6 =	sld [smem:$0x3FAA]  }
0x2c: {  	s7 =	sld [smem:$0x3FAB]  }
0x2d: {  	s3 =	simm.s32 $0x108;
	s8 =	sld [smem:$0x3FAC]  }
0x2e: {  	s3 =	simm.s32 @!p0 $0x1082;
	s9 =	sld [smem:$0x3FAD]  }
0x2f: {  	lr =	sadd.s32 s0, s3;
	s0 =	sld [smem:$0x3FA4]  }
0x30: {  	s3 =	sld [smem:$0x3FA7]  }
0x31: {  	[smem:$0x3FB0] =	sst s10  }
0x32: {  	s10 =	sld [smem:$0x3FAE];
	_ =	sdelay $0x3  }
0x33: {  	p0 =	seq.s32 s10, $0x1;
	s10 =	sld [smem:$0x3FB0];
	_ =	sdelay $0x3  }
0x34: {  	[smem:$0x3FB0] =	sst s10  }
0x35: {  	s10 =	sld [smem:$0x3FAF];
	_ =	sdelay $0x3  }
0x36: {  	p1 =	seq.s32 s10, $0x1;
	s10 =	sld [smem:$0x3FB0];
	_ =	sdelay $0x3  }
0x37: {  	[smem:$0x3FB0] =	sst s10  }
0x38: {  	s10 =	sld [smem:$0x3FB1]  }
0x39: {  	_ = 	snop;
	(pc) =	sbr.ind lr, $3  }
0x3a: {  	_ = 	snop  }
0x3b: {  	_ = 	snop  }
0x3c: {  	p2 =	seq.s32 s10, $0x1;
	s10 =	sld [smem:$0x3FB0]  }
0x3d: {  	_ =	shalt  }
0x3e: {  	_ =	shalt  }
0x3f: {  	_ =	shalt  }
0x40: {  	_ =	shalt  }
0x41: {  	_ =	shalt  }
0x42: {  	_ =	shalt  }
0x43: {  	_ =	shalt  }
0x44: {  	_ =	shalt  }
0x45: {  	_ =	shalt  }
0x46: {  	_ =	shalt  }
0x47: {  	_ =	shalt  }
0x48: {  	_ =	shalt  }
0x49: {  	_ =	shalt  }
0x4a: {  	_ =	shalt  }
0x4b: {  	_ =	shalt  }
0x4c: {  	_ =	shalt  }
0x4d: {  	_ =	shalt  }
0x4e: {  	_ =	shalt  }
0x4f: {  	_ =	shalt  }
0x50: {  	_ =	shalt  }
0x51: {  	_ =	shalt  }
0x52: {  	_ =	shalt  }
0x53: {  	_ =	shalt  }
0x54: {  	_ =	shalt  }
0x55: {  	_ =	shalt  }
0x56: {  	_ =	shalt  }
0x57: {  	_ =	shalt  }
0x58: {  	_ =	shalt  }
0x59: {  	_ =	shalt  }
0x5a: {  	_ =	shalt  }
0x5b: {  	_ =	shalt  }
0x5c: {  	_ =	shalt  }
0x5d: {  	_ =	shalt  }
0x5e: {  	_ =	shalt  }
0x5f: {  	_ =	shalt  }
0x60: {  	_ =	shalt  }
0x61: {  	_ =	shalt  }
0x62: {  	_ =	shalt  }
0x63: {  	_ =	shalt  }
0x64: {  	_ =	shalt  }
0x65: {  	_ =	shalt  }
0x66: {  	_ =	shalt  }
0x67: {  	_ =	shalt  }
0x68: {  	_ =	shalt  }
0x69: {  	_ =	shalt  }
0x6a: {  	_ =	shalt  }
0x6b: {  	_ =	shalt  }
0x6c: {  	_ =	shalt  }
0x6d: {  	_ =	shalt  }
0x6e: {  	_ =	shalt  }
0x6f: {  	_ =	shalt  }
0x70: {  	_ =	shalt  }
0x71: {  	_ =	shalt  }
0x72: {  	_ =	shalt  }
0x73: {  	_ =	shalt  }
0x74: {  	_ =	shalt  }
0x75: {  	_ =	shalt  }
0x76: {  	_ =	shalt  }
0x77: {  	_ =	shalt  }
0x78: {  	_ =	shalt  }
0x79: {  	_ =	shalt  }
0x7a: {  	_ =	shalt  }
0x7b: {  	_ =	shalt  }
0x7c: {  	_ =	shalt  }
0x7d: {  	_ =	shalt  }
0x7e: {  	_ =	shalt  }
0x7f: {  	_ =	shalt  }
0x80: {  	_ =	shalt  }
0x81: {  	_ =	shalt  }
0x82: {  	_ =	shalt  }
0x83: {  	_ =	shalt  }
0x84: {  	_ =	shalt  }
0x85: {  	_ =	shalt  }
0x86: {  	_ =	shalt  }
0x87: {  	_ =	shalt  }
.Lfunc_end0:
.L_simem_size_0:
called_computation.1_lowered:
.L_overlay_start_0:
0x88: {  	s2 =	sld [smem:$0x3FD9]  }
0x89: {  	s3 =	sld [smem:$0x3FFE];
	_ =	sdelay $0x1  }
0x8a: {  	s1 =	srdreg.scid  }
0x8b: {  	s0 =	sand.u32 $0x1, s1  }
0x8c: {  	s16 =	sshll.u32 s0, $0xA;
	s2 =	sadd.s32 s3, s2  }
0x8d: {  	s2 =	sadd.s32 s2, s16  }
0x8e: {  	[smem:$0x3FBC] =	sst s2  }
0x8f: {  	_ = 	snop  }
0x90: {  	(tm) =	ssettm $0x1  }
0x91: {  	s17 =	sld [smem:$0x3FFB];
	_ =	sdelay $0x3  }
0x92: {  	_ =	strace s17  }
0x93: {  	s2 =	sld [smem:$0x3FFC];
	_ =	sdelay $0x3  }
0x94: {  	_ =	strace s2  }
0x95: {  	s2 =	sld [smem:$0x3FFD];
	_ =	sdelay $0x3  }
0x96: {  	_ =	strace s2  }
0x97: {  	_ =	strace $0x8FFFFFFF  }
0x98: {  	s18 =	sld [smem:$0x3FDB];
	_ =	sdelay $0x1  }
0x99: {  	s19 =	simm.s32 $_scs_section_size  }
0x9a: {  	s4 =	simm.s32 $_size__tile_overlayer_lowered;
	s5 =	simm.s32 $_tile_overlayer_lowered  }
0x9b: {  	s22 =	simm.s32 $0x1BFF;
	s21 =	sshll.u32 s5, $0x1;
	s2 =	sadd.s32 s19, s18  }
0x9c: {  	s6 =	simm.s32 $0x0;
	s20 =	sshll.u32 s4, $0x1;
	s4 =	sadd.s32 s21, s2  }
0x9d: {  	[timem:s6], [sflag:s22] =	dma.local [hbm:s4], s20  }
0x9e: {  	_ =	swait.ge [sflag:s22], s20  }
0x9f: {  	s3 =	ssub.s32 $0x0, s20;
	[sflag:s22] =	ssyncset.done $0x0  }
0xa0: {  	[sflag:s22] =	ssyncadd.s32 s3;
	_ =	sdelay $0x1  }
0xa1: {  	s23 =	simm.s32 $0x1B8B  }
0xa2: {  	_ =	swait.ge [sflag:s23], $0x1  }
0xa3: {  	[sflag:s23] =	ssyncset.done $0x0  }
0xa4: {  	s25 =	simm.s32 $0x1B8E;
	s24 =	sld [smem:$0x3FFE];
	[sflag:s23] =	ssyncadd.s32 $0xFFFFFFFF  }
0xa5: {  	s26 =	simm.s32 $execute0_lowered;
	[smem:$0x3FD2] =	sst s25  }
0xa6: {  	s4 =	sshll.u32 s26, $0x1;
	_ =	strace $0x80000049;
	[dreg:$0x1] =	wrdreg $0xFFFFFFFF  }
0xa7: {  	s28 =	simm.s32 $_size_execute0_lowered;
	s2 =	sadd.s32 s2, s4;
	[dreg:$0x0] =	wrdreg $0x0  }
0xa8: {  	s4 =	sshll.u32 s28, $0x1;
	[dreg:$0x2] =	wrdreg s2  }
0xa9: {  	[dreg:$0x3] =	wrdreg s4  }
0xaa: {  	[dreg:$0x4] =	wrdreg $0xC0  }
0xab: {  	_ =	task [dreg:s6], $0x5FFFF  }
0xac: {  	[dreg:$0x1] =	wrdreg $0xFFFFFFFF  }
0xad: {  	[dreg:$0x0] =	wrdreg $0x60  }
0xae: {  	[dreg:$0x2] =	wrdreg s24  }
0xaf: {  	[dreg:$0x3] =	wrdreg $0xA8000  }
0xb0: {  	[dreg:$0x4] =	wrdreg $0x9  }
0xb1: {  	_ =	task.clear_ibuf [dreg:s6], $0x5FFFF;
	_ =	strace $0x90000049  }
0xb2: {  	s29 =	simm.s32 $0x9;
	_ =	strace $0x8000004B  }
0xb3: {  	_ =	swait.ge [sflag:s29], $0x1  }
0xb4: {  	[sflag:s29] =	ssyncadd.s32 $0xFFFFFFFF  }
0xb5: {  	_ =	strace $0x9000004B  }
0xb6: {  	_ =	sfence  }
0xb7: {  	s30 =	sld [smem:$0x0];
	_ =	sdelay $0x2  }
0xb8: {  	s31 =	sshll.u32 s1, $0xD;
	s1 =	sshrl.u32 s1, $0x2  }
0xb9: {  	s3 =	sand.u32 $0x4000, s31;
	s1 =	sadd.s32 s1, s30  }
0xba: {  	s0 =	sor.u32 s3, s0;
	s1 =	sshll.u32 s1, $0x11  }
0xbb: {  	s0 =	sor.u32 s1, s0  }
0xbc: {  	s0 =	sadd.s32 $0x8F2B, s0  }
0xbd: {  	[sflag:s0] =	ssyncadd.remote.s32 $0x1  }
0xbe: {  	_ =	sfence.sel $0xFFFF  }
0xbf: {  	[dreg:$0x0] =	wrdreg $0xFFFFFFFF;
	(pc) =	sbr.abs _section_cstart, $3  }
0xc0: {  	[dreg:$0x1] =	wrdreg $0xFFFFFFFF  }
0xc1: {  	_ =	task.clear_ibuf [dreg:s6], $0x2FFFF;
	_ =	strace $0x9FFFFFFF  }
0xc2: {  	(tm) =	ssettm $0x7FFFFFFF  }
0xc3: {  	_ =	shalt  }
tec
execute0_lowered:
.L_overlay_start_1:
0x0: {  	(tag) =	ssettag $0x1  }
0x1: {  	s0 =	srdreg.scid;
	s20 =	stileid.u32  }
0x2: {  	s6 =	rddreg [dreg:$0x0];
	s5 =	smul.u32 $0x2800, s20  }
0x3: {  	s2 =	rddreg [dreg:$0x1];
	s3 =	simm.s32 $0x0;
	s8 =	smul.u32 $0x50, s20  }
0x4: {  	s28 =	simm.s32 $0x2700;
	s29 =	simm.s32 $0x2780;
	s22 =	smul.u32 $0x50000, s20  }
0x5: {  	s30 =	simm.s32 $0x0;
	s1 =	sand.u32 $0x1, s0;
	s9 =	smul.u32 $0x280, s20  }
0x6: {  	[smem:$0x7FF] =	sst s3;
	s14 =	sadd.s32 $0x48600, s6;
	s4 =	smul.u32 $0x28000, s1  }
0x7: {  	s7 =	smul.u32 $0x500, s1;
	_ =	strace $0x8000004A;
	s23 =	ssub.s32 $0x2, s1  }
0x8: {  	s1 =	smul.u32 $0x2800, s1;
	s24 =	sshrl.u32 s23, $0x1;
	s10 =	sadd.s32 $0x80, s9  }
0x9: {  	s12 =	sadd.s32 $0x100, s9;
	s13 =	sadd.s32 $0x180, s9;
	s16 =	sadd.s32 $0x200, s9  }
0xa: {  	s4 =	sadd.s32 s5, s4;
	s21 =	sadd.s32 s8, s7;
	s15 =	ssub.s32 s23, s24  }
0xb: {  	s25 =	sshll.u32 s10, $0x7;
	s26 =	sshll.u32 s12, $0x7;
	s31 =	sshll.u32 s13, $0x7  }
0xc: {  	s9 =	sadd.s32 s9, s1;
	s10 =	sadd.s32 s1, s10;
	s11 =	sshll.u32 s16, $0x7  }
0xd: {  	s12 =	sadd.s32 s1, s12;
	s13 =	sadd.s32 s1, s13;
	s1 =	sadd.s32 s1, s16  }
0xe: {  	s23 =	simm.s32 $0x80;
	s24 =	simm.s32 $0x6800;
	s4 =	sshrl.u32 s4, $0x3  }
0xf: {  	s5 =	sshll.u32 s21, $0x4;
	s7 =	sadd.s32 s26, s2;
	s8 =	sadd.s32 s31, s2  }
0x10: {  	s17 =	sshll.u32 s9, $0x4;
	s20 =	sshll.u32 s10, $0x4;
	s9 =	sadd.s32 s11, s2  }
0x11: {  	s12 =	sshll.u32 s12, $0x4;
	s13 =	sshll.u32 s13, $0x4;
	s1 =	sshll.u32 s1, $0x4  }
0x12: {  	s15 =	smax.u32 s15, $0x1;
	s21 =	simm.s32 $0x3;
	s26 =	simm.s32 $0x2  }
0x13: {  	s18 =	sadd.s32 s4, s6;
	s19 =	sadd.s32 s5, s6;
	s4 =	sadd.s32 $0x20600, s6  }
0x14: {  	s5 =	sshrl.u32 s22, $0x2;
	s6 =	sadd.s32 s25, s2;
	s10 =	sadd.s32 s14, s17  }
0x15: {  	s11 =	sadd.s32 s14, s20;
	s12 =	sadd.s32 s14, s12;
	s13 =	sadd.s32 s14, s13  }
0x16: {  	s14 =	sadd.s32 s14, s1;
	s20 =	simm.s32 $0x2800;
	s22 =	simm.s32 $0x1400  }
0x17: {  	s25 =	simm.s32 $0x1;
	s5 =	sadd.s32 s5, s2;
	s16 =	sadd.s32 $0xC600, s18  }
0x18: {  	v0 =	vimm.f32 $0.0e+00;
	s17 =	sadd.s32 $0x16600, s19;
	s18 =	sadd.s32 $0xC880, s18;
	s19 =	sadd.s32 $0x16880, s19  }
.LBB2_1:
0x19: {  	s31 =	simm.s32 $0x0;
	s1 =	simm.s32 $0x200  }
.LBB2_2:
0x1a: {  	p0 =	sne.s32 s1, $0xFE00;
	[tilespmem:s31+$0x2870] =	vst v0  }
0x1b: {  	[tilespmem:s31+$0x2800] =	vst v0  }
0x1c: {  	[tilespmem:s31+$0x2810] =	vst v0  }
.Ltmp0:
0x1d: {  	[tilespmem:s31+$0x2820] =	vst v0;
	(pc) =	sbr.rel @p0 .LBB2_2-.Ltmp0, $4  }
0x1e: {  	[tilespmem:s31+$0x2830] =	vst v0  }
0x1f: {  	[tilespmem:s31+$0x2840] =	vst v0  }
0x20: {  	[tilespmem:s31+$0x2850] =	vst v0  }
0x21: {  	[tilespmem:s31+$0x2860] =	vst v0;
	s31 =	sshra.s32 s1, $0x2;
	s1 =	sadd.s32 $0x200, s1  }
0x22: {  	[tilespmem:s31+$0x2870] =	vst v0  }
0x23: {  	[tilespmem:s31+$0x2800] =	vst v0  }
0x24: {  	[tilespmem:s31+$0x2810] =	vst v0  }
0x25: {  	[tilespmem:s31+$0x2820] =	vst v0  }
0x26: {  	[tilespmem:s31+$0x2830] =	vst v0  }
0x27: {  	[tilespmem:s31+$0x2840] =	vst v0  }
0x28: {  	[tilespmem:s31+$0x2850] =	vst v0  }
0x29: {  	[tilespmem:s31+$0x2860] =	vst v0  }
0x2a: {  	[spmem:s5] =	stream.linear.scatter [tilespmem:s20], [sflag:$0x3], $0x4000, $0x38;
	[tilespmem:$0x1E800] =	vst v63  }
0x2b: {  	_ =	swait.ge [sflag:s21], $0x4000  }
0x2c: {  	[sflag:s21] =	ssyncset.done $0x0  }
0x2d: {  	[sflag:s21] =	ssyncadd.s32 $0xFFFFC000  }
0x2e: {  	[spmem:s6] =	stream.linear.scatter [tilespmem:s20], [sflag:$0x3], $0x4000, $0x38;
	[tilespmem:$0x1E800] =	vst v63  }
0x2f: {  	_ =	swait.ge [sflag:s21], $0x4000  }
0x30: {  	[sflag:s21] =	ssyncset.done $0x0  }
0x31: {  	[sflag:s21] =	ssyncadd.s32 $0xFFFFC000  }
0x32: {  	[spmem:s7] =	stream.linear.scatter [tilespmem:s20], [sflag:$0x3], $0x4000, $0x38;
	[tilespmem:$0x1E800] =	vst v63  }
0x33: {  	_ =	swait.ge [sflag:s21], $0x4000  }
0x34: {  	[sflag:s21] =	ssyncset.done $0x0  }
0x35: {  	[sflag:s21] =	ssyncadd.s32 $0xFFFFC000  }
0x36: {  	[spmem:s8] =	stream.linear.scatter [tilespmem:s20], [sflag:$0x3], $0x4000, $0x38;
	[tilespmem:$0x1E800] =	vst v63  }
0x37: {  	_ =	swait.ge [sflag:s21], $0x4000  }
0x38: {  	[sflag:s21] =	ssyncset.done $0x0  }
0x39: {  	[sflag:s21] =	ssyncadd.s32 $0xFFFFC000  }
0x3a: {  	[spmem:s9] =	stream.linear.scatter [tilespmem:s20], [sflag:$0x3], $0x4000, $0x38;
	[tilespmem:$0x1E800] =	vst v63  }
0x3b: {  	_ =	swait.ge [sflag:s21], $0x4000  }
0x3c: {  	[sflag:s21] =	ssyncset.done $0x0  }
0x3d: {  	[sflag:s21] =	ssyncadd.s32 $0xFFFFC000  }
0x3e: {  	s1 =	simm.s32 $0x0;
	[bflag:$0x0] =	sbarrier.arrive $0xFFFF  }
0x3f: {  	[tilespmem:s1], [sflag:$0x3] =	stream.linear.gather [hbm4b:s16+s1], $0x1400, $0x38;
	[tilespmem:$0x1E800] =	vst v63  }
0x40: {  	_ =	swait.ge [sflag:s21], $0x1400  }
0x41: {  	[sflag:s21] =	ssyncset.done $0x0  }
0x42: {  	[sflag:s21] =	ssyncadd.s32 $0xFFFFEC00  }
0x43: {  	[tilespmem:s22], [sflag:$0x3] =	stream.linear.gather [hbm4b:s17+s1], $0x1400, $0x38;
	[tilespmem:$0x1E800] =	vst v63  }
0x44: {  	_ =	swait.ge [sflag:s21], $0x1400  }
0x45: {  	[sflag:s21] =	ssyncset.done $0x0  }
0x46: {  	[sflag:s21] =	ssyncadd.s32 $0xFFFFEC00  }
0x47: {  	[tilespmem:s20], [sflag:$0x1] =	stream.indirect.gather [hbm4b:s4+s23], $0x80, s1, s23, $0xb8;
	[tilespmem:$0x1E800] =	vst v63  }
0x48: {  	_ = 	snop  }
0x49: {  	[tilespmem:s24], [sflag:$0x2] =	stream.indirect.gather [hbm4b:s4+s23], $0x80, s23, s23, $0xb8;
	[tilespmem:$0x1E800] =	vst v63  }
0x4a: {  	_ =	swait.ge [sflag:s25], $0x4000  }
0x4b: {  	[sflag:s25] =	ssyncset.done $0x0  }
0x4c: {  	s0 =	simm.s32 $0x1400;
	[sflag:s25] =	ssyncadd.s32 $0xFFFFC000  }
0x4d: {  	[spmem:s2] =	stream.indirect.scatter.add.f32 [tilespmem:s20], [sflag:$0x3], $0x80, s0, s23, $0xb8;
	[tilespmem:$0x1E800] =	vst v63  }
0x4e: {  	_ =	swait.ge [sflag:s21], $0x4000  }
0x4f: {  	[sflag:s21] =	ssyncset.done $0x0  }
0x50: {  	s0 =	simm.s32 $0x100;
	[sflag:s21] =	ssyncadd.s32 $0xFFFFC000  }
0x51: {  	[tilespmem:s20], [sflag:$0x1] =	stream.indirect.gather [hbm4b:s4+s23], $0x80, s0, s23, $0xb8;
	[tilespmem:$0x1E800] =	vst v63  }
0x52: {  	_ =	swait.ge [sflag:s26], $0x4000  }
0x53: {  	[sflag:s26] =	ssyncset.done $0x0  }
0x54: {  	s0 =	simm.s32 $0x1480;
	[sflag:s26] =	ssyncadd.s32 $0xFFFFC000  }
0x55: {  	[spmem:s2] =	stream.indirect.scatter.add.f32 [tilespmem:s24], [sflag:$0x3], $0x80, s0, s23, $0xb8;
	[tilespmem:$0x1E800] =	vst v63  }
0x56: {  	_ =	swait.ge [sflag:s21], $0x4000  }
0x57: {  	[sflag:s21] =	ssyncset.done $0x0  }
0x58: {  	s31 =	simm.s32 $0x400;
	s1 =	simm.s32 $0x180;
	[sflag:s21] =	ssyncadd.s32 $0xFFFFC000  }
.LBB2_4:
0x59: {  	[tilespmem:s24], [sflag:$0x2] =	stream.indirect.gather [hbm4b:s4+s23], $0x80, s1, s23, $0xb8;
	[tilespmem:$0x1E800] =	vst v63  }
0x5a: {  	s1 =	smov.u32 s31  }
0x5b: {  	p0 =	sne.s32 s31, $0x4800;
	s31 =	sadd.s32 $0x400, s31;
	_ =	swait.ge [sflag:s25], $0x4000  }
0x5c: {  	s1 =	sshra.s32 s1, $0x2;
	[sflag:s25] =	ssyncset.done $0x0  }
0x5d: {  	s0 =	sadd.s32 $0x1400, s1;
	[sflag:s25] =	ssyncadd.s32 $0xFFFFC000  }
0x5e: {  	[spmem:s2] =	stream.indirect.scatter.add.f32 [tilespmem:s20], [sflag:$0x3], $0x80, s0, s23, $0xb8;
	[tilespmem:$0x1E800] =	vst v63  }
0x5f: {  	_ =	swait.ge [sflag:s21], $0x4000  }
0x60: {  	[sflag:s21] =	ssyncset.done $0x0  }
0x61: {  	s0 =	sadd.s32 $0x100, s1;
	[sflag:s21] =	ssyncadd.s32 $0xFFFFC000  }
0x62: {  	[tilespmem:s20], [sflag:$0x1] =	stream.indirect.gather [hbm4b:s4+s23], $0x80, s0, s23, $0xb8;
	[tilespmem:$0x1E800] =	vst v63  }
0x63: {  	_ =	swait.ge [sflag:s26], $0x4000  }
0x64: {  	[sflag:s26] =	ssyncset.done $0x0  }
.Ltmp1:
0x65: {  	s0 =	sadd.s32 $0x1480, s1;
	[sflag:s26] =	ssyncadd.s32 $0xFFFFC000;
	(pc) =	sbr.rel @p0 .LBB2_4-.Ltmp1, $4  }
0x66: {  	[spmem:s2] =	stream.indirect.scatter.add.f32 [tilespmem:s24], [sflag:$0x3], $0x80, s0, s23, $0xb8;
	[tilespmem:$0x1E800] =	vst v63  }
0x67: {  	_ =	swait.ge [sflag:s21], $0x4000  }
0x68: {  	[sflag:s21] =	ssyncset.done $0x0  }
0x69: {  	s1 =	sadd.s32 $0x180, s1;
	[sflag:s21] =	ssyncadd.s32 $0xFFFFC000  }
0x6a: {  	[tilespmem:s24], [sflag:$0x2] =	stream.indirect.gather [hbm4b:s4+s23], $0x80, s1, s23, $0xb8;
	[tilespmem:$0x1E800] =	vst v63  }
0x6b: {  	_ =	swait.ge [sflag:s25], $0x4000  }
0x6c: {  	[sflag:s25] =	ssyncset.done $0x0  }
0x6d: {  	[sflag:s25] =	ssyncadd.s32 $0xFFFFC000  }
0x6e: {  	[spmem:s2] =	stream.indirect.scatter.add.f32 [tilespmem:s20], [sflag:$0x3], $0x80, s28, s23, $0xb8;
	[tilespmem:$0x1E800] =	vst v63  }
0x6f: {  	_ =	swait.ge [sflag:s21], $0x4000  }
0x70: {  	[sflag:s21] =	ssyncset.done $0x0  }
0x71: {  	[sflag:s21] =	ssyncadd.s32 $0xFFFFC000  }
0x72: {  	_ =	swait.ge [sflag:s26], $0x4000  }
0x73: {  	[sflag:s26] =	ssyncset.done $0x0  }
0x74: {  	[sflag:s26] =	ssyncadd.s32 $0xFFFFC000  }
0x75: {  	[spmem:s2] =	stream.indirect.scatter.add.f32 [tilespmem:s24], [sflag:$0x3], $0x80, s29, s23, $0xb8;
	[tilespmem:$0x1E800] =	vst v63  }
0x76: {  	_ =	swait.ge [sflag:s21], $0x4000  }
0x77: {  	[sflag:s21] =	ssyncset.done $0x0  }
0x78: {  	s0 =	simm.s32 $0x0;
	[sflag:s21] =	ssyncadd.s32 $0xFFFFC000  }
0x79: {  	[tilespmem:s0], [sflag:$0x3] =	stream.linear.gather [hbm4b:s18+s0], $0x1400, $0x38;
	[tilespmem:$0x1E800] =	vst v63  }
0x7a: {  	_ =	swait.ge [sflag:s21], $0x1400  }
0x7b: {  	[sflag:s21] =	ssyncset.done $0x0  }
0x7c: {  	[sflag:s21] =	ssyncadd.s32 $0xFFFFEC00  }
0x7d: {  	[tilespmem:s22], [sflag:$0x3] =	stream.linear.gather [hbm4b:s19+s0], $0x1400, $0x38;
	[tilespmem:$0x1E800] =	vst v63  }
0x7e: {  	_ =	swait.ge [sflag:s21], $0x1400  }
0x7f: {  	[sflag:s21] =	ssyncset.done $0x0  }
0x80: {  	[sflag:s21] =	ssyncadd.s32 $0xFFFFEC00  }
0x81: {  	[tilespmem:s20], [sflag:$0x1] =	stream.indirect.gather [hbm4b:s4+s23], $0x80, s0, s23, $0xb8;
	[tilespmem:$0x1E800] =	vst v63  }
0x82: {  	_ = 	snop  }
0x83: {  	[tilespmem:s24], [sflag:$0x2] =	stream.indirect.gather [hbm4b:s4+s23], $0x80, s23, s23, $0xb8;
	[tilespmem:$0x1E800] =	vst v63  }
0x84: {  	_ =	swait.ge [sflag:s25], $0x4000  }
0x85: {  	[sflag:s25] =	ssyncset.done $0x0  }
0x86: {  	s1 =	simm.s32 $0x1400;
	[sflag:s25] =	ssyncadd.s32 $0xFFFFC000  }
0x87: {  	[spmem:s2] =	stream.indirect.scatter.add.f32 [tilespmem:s20], [sflag:$0x3], $0x80, s1, s23, $0xb8;
	[tilespmem:$0x1E800] =	vst v63  }
0x88: {  	_ =	swait.ge [sflag:s21], $0x4000  }
0x89: {  	[sflag:s21] =	ssyncset.done $0x0  }
0x8a: {  	s1 =	simm.s32 $0x100;
	[sflag:s21] =	ssyncadd.s32 $0xFFFFC000  }
0x8b: {  	[tilespmem:s20], [sflag:$0x1] =	stream.indirect.gather [hbm4b:s4+s23], $0x80, s1, s23, $0xb8;
	[tilespmem:$0x1E800] =	vst v63  }
0x8c: {  	_ =	swait.ge [sflag:s26], $0x4000  }
0x8d: {  	[sflag:s26] =	ssyncset.done $0x0  }
0x8e: {  	s1 =	simm.s32 $0x1480;
	[sflag:s26] =	ssyncadd.s32 $0xFFFFC000  }
0x8f: {  	[spmem:s2] =	stream.indirect.scatter.add.f32 [tilespmem:s24], [sflag:$0x3], $0x80, s1, s23, $0xb8;
	[tilespmem:$0x1E800] =	vst v63  }
0x90: {  	_ =	swait.ge [sflag:s21], $0x4000  }
0x91: {  	[sflag:s21] =	ssyncset.done $0x0  }
0x92: {  	s31 =	simm.s32 $0x400;
	s1 =	simm.s32 $0x180;
	[sflag:s21] =	ssyncadd.s32 $0xFFFFC000  }
.LBB2_6:
0x93: {  	[tilespmem:s24], [sflag:$0x2] =	stream.indirect.gather [hbm4b:s4+s23], $0x80, s1, s23, $0xb8;
	[tilespmem:$0x1E800] =	vst v63  }
0x94: {  	s0 =	smov.u32 s31  }
0x95: {  	p0 =	sne.s32 s31, $0x4800;
	s31 =	sadd.s32 $0x400, s31;
	_ =	swait.ge [sflag:s25], $0x4000  }
0x96: {  	s0 =	sshra.s32 s0, $0x2;
	[sflag:s25] =	ssyncset.done $0x0  }
0x97: {  	s1 =	sadd.s32 $0x1400, s0;
	[sflag:s25] =	ssyncadd.s32 $0xFFFFC000  }
0x98: {  	[spmem:s2] =	stream.indirect.scatter.add.f32 [tilespmem:s20], [sflag:$0x3], $0x80, s1, s23, $0xb8;
	[tilespmem:$0x1E800] =	vst v63  }
0x99: {  	_ =	swait.ge [sflag:s21], $0x4000  }
0x9a: {  	[sflag:s21] =	ssyncset.done $0x0  }
0x9b: {  	s1 =	sadd.s32 $0x100, s0;
	[sflag:s21] =	ssyncadd.s32 $0xFFFFC000  }
0x9c: {  	[tilespmem:s20], [sflag:$0x1] =	stream.indirect.gather [hbm4b:s4+s23], $0x80, s1, s23, $0xb8;
	[tilespmem:$0x1E800] =	vst v63  }
0x9d: {  	_ =	swait.ge [sflag:s26], $0x4000  }
0x9e: {  	[sflag:s26] =	ssyncset.done $0x0  }
.Ltmp2:
0x9f: {  	s1 =	sadd.s32 $0x1480, s0;
	[sflag:s26] =	ssyncadd.s32 $0xFFFFC000;
	(pc) =	sbr.rel @p0 .LBB2_6-.Ltmp2, $4  }
0xa0: {  	[spmem:s2] =	stream.indirect.scatter.add.f32 [tilespmem:s24], [sflag:$0x3], $0x80, s1, s23, $0xb8;
	[tilespmem:$0x1E800] =	vst v63  }
0xa1: {  	_ =	swait.ge [sflag:s21], $0x4000  }
0xa2: {  	[sflag:s21] =	ssyncset.done $0x0  }
0xa3: {  	s1 =	sadd.s32 $0x180, s0;
	[sflag:s21] =	ssyncadd.s32 $0xFFFFC000  }
0xa4: {  	[tilespmem:s24], [sflag:$0x2] =	stream.indirect.gather [hbm4b:s4+s23], $0x80, s1, s23, $0xb8;
	[tilespmem:$0x1E800] =	vst v63  }
0xa5: {  	_ =	swait.ge [sflag:s25], $0x4000  }
0xa6: {  	[sflag:s25] =	ssyncset.done $0x0  }
0xa7: {  	[sflag:s25] =	ssyncadd.s32 $0xFFFFC000  }
0xa8: {  	[spmem:s2] =	stream.indirect.scatter.add.f32 [tilespmem:s20], [sflag:$0x3], $0x80, s28, s23, $0xb8;
	[tilespmem:$0x1E800] =	vst v63  }
0xa9: {  	_ =	swait.ge [sflag:s21], $0x4000  }
0xaa: {  	[sflag:s21] =	ssyncset.done $0x0  }
0xab: {  	[sflag:s21] =	ssyncadd.s32 $0xFFFFC000  }
0xac: {  	_ =	swait.ge [sflag:s26], $0x4000  }
0xad: {  	[sflag:s26] =	ssyncset.done $0x0  }
0xae: {  	[sflag:s26] =	ssyncadd.s32 $0xFFFFC000  }
0xaf: {  	[spmem:s2] =	stream.indirect.scatter.add.f32 [tilespmem:s24], [sflag:$0x3], $0x80, s29, s23, $0xb8;
	[tilespmem:$0x1E800] =	vst v63  }
0xb0: {  	_ =	swait.ge [sflag:s21], $0x4000  }
0xb1: {  	[sflag:s21] =	ssyncset.done $0x0  }
0xb2: {  	[sflag:s21] =	ssyncadd.s32 $0xFFFFC000  }
0xb3: {  	[bflag:$0x0] =	sbarrier.arrive $0xFFFF  }
0xb4: {  	[tilespmem:s20], [sflag:$0x3] =	stream.linear.gather [spmem:s5], $0x4000, $0x38;
	[tilespmem:$0x1E800] =	vst v63  }
0xb5: {  	_ =	swait.ge [sflag:s21], $0x4000  }
0xb6: {  	[sflag:s21] =	ssyncset.done $0x0  }
0xb7: {  	[sflag:s21] =	ssyncadd.s32 $0xFFFFC000  }
0xb8: {  	[hbm4b:s10+s3] =	stream.linear.scatter [tilespmem:s20], [sflag:$0x3], $0x4000, $0x38;
	[tilespmem:$0x1E800] =	vst v63  }
0xb9: {  	_ =	swait.ge [sflag:s21], $0x4000  }
0xba: {  	[sflag:s21] =	ssyncset.done $0x0  }
0xbb: {  	[sflag:s21] =	ssyncadd.s32 $0xFFFFC000  }
0xbc: {  	[tilespmem:s20], [sflag:$0x3] =	stream.linear.gather [spmem:s6], $0x4000, $0x38;
	[tilespmem:$0x1E800] =	vst v63  }
0xbd: {  	_ =	swait.ge [sflag:s21], $0x4000  }
0xbe: {  	[sflag:s21] =	ssyncset.done $0x0  }
0xbf: {  	[sflag:s21] =	ssyncadd.s32 $0xFFFFC000  }
0xc0: {  	[hbm4b:s11+s3] =	stream.linear.scatter [tilespmem:s20], [sflag:$0x3], $0x4000, $0x38;
	[tilespmem:$0x1E800] =	vst v63  }
0xc1: {  	_ =	swait.ge [sflag:s21], $0x4000  }
0xc2: {  	[sflag:s21] =	ssyncset.done $0x0  }
0xc3: {  	[sflag:s21] =	ssyncadd.s32 $0xFFFFC000  }
0xc4: {  	[tilespmem:s20], [sflag:$0x3] =	stream.linear.gather [spmem:s7], $0x4000, $0x38;
	[tilespmem:$0x1E800] =	vst v63  }
0xc5: {  	_ =	swait.ge [sflag:s21], $0x4000  }
0xc6: {  	[sflag:s21] =	ssyncset.done $0x0  }
0xc7: {  	[sflag:s21] =	ssyncadd.s32 $0xFFFFC000  }
0xc8: {  	[hbm4b:s12+s3] =	stream.linear.scatter [tilespmem:s20], [sflag:$0x3], $0x4000, $0x38;
	[tilespmem:$0x1E800] =	vst v63  }
0xc9: {  	_ =	swait.ge [sflag:s21], $0x4000  }
0xca: {  	[sflag:s21] =	ssyncset.done $0x0  }
0xcb: {  	[sflag:s21] =	ssyncadd.s32 $0xFFFFC000  }
0xcc: {  	[tilespmem:s20], [sflag:$0x3] =	stream.linear.gather [spmem:s8], $0x4000, $0x38;
	[tilespmem:$0x1E800] =	vst v63  }
0xcd: {  	_ =	swait.ge [sflag:s21], $0x4000  }
0xce: {  	[sflag:s21] =	ssyncset.done $0x0  }
0xcf: {  	[sflag:s21] =	ssyncadd.s32 $0xFFFFC000  }
0xd0: {  	[hbm4b:s13+s3] =	stream.linear.scatter [tilespmem:s20], [sflag:$0x3], $0x4000, $0x38;
	[tilespmem:$0x1E800] =	vst v63  }
0xd1: {  	_ =	swait.ge [sflag:s21], $0x4000  }
0xd2: {  	[sflag:s21] =	ssyncset.done $0x0  }
0xd3: {  	[sflag:s21] =	ssyncadd.s32 $0xFFFFC000  }
0xd4: {  	[tilespmem:s20], [sflag:$0x3] =	stream.linear.gather [spmem:s9], $0x4000, $0x38;
	[tilespmem:$0x1E800] =	vst v63  }
0xd5: {  	s30 =	sadd.s32 $0x1, s30;
	_ =	swait.ge [sflag:s21], $0x4000  }
0xd6: {  	p0 =	sne.s32 s30, s15;
	[sflag:s21] =	ssyncset.done $0x0  }
.Ltmp3:
0xd7: {  	[sflag:s21] =	ssyncadd.s32 $0xFFFFC000;
	(pc) =	sbr.rel @p0 .LBB2_1-.Ltmp3, $4  }
0xd8: {  	[hbm4b:s14+s3] =	stream.linear.scatter [tilespmem:s20], [sflag:$0x3], $0x4000, $0x38;
	[tilespmem:$0x1E800] =	vst v63  }
0xd9: {  	_ =	swait.ge [sflag:s21], $0x4000  }
0xda: {  	[sflag:s21] =	ssyncset.done $0x0  }
0xdb: {  	[sflag:s21] =	ssyncadd.s32 $0xFFFFC000  }
0xdc: {  	_ =	sfence.sel $0x180000  }
0xdd: {  	[bflag:$0x0] =	sbarrier.arrive $0xFFFF  }
0xde: {  	_ =	strace $0x9000004A  }
0xdf: {  	s0 =	stileid.u32;
	[bflag:$0x2] =	sbarrier.arrive $0xFFFF  }
0xe0: {  	p0 =	sne.s32 s0, $0x0;
	s0 =	rddreg [dreg:$0x2]  }
0xe1: {  	s0 =	sadd.s32 @!p0 $0x100000, s0  }
0xe2: {  	[sflag:s0] =	ssyncadd.tile.s32 @!p0 $0x1;
	_ =	shalt  }
.Lfunc_end2:
_tile_overlayer_lowered:
.L_overlay_start_2:
0xe3: {  	(tag) =	ssettag $0x2  }
0xe4: {  	s0 =	rddreg [dreg:$0x0];
	s2 =	stileid.u32  }
0xe5: {  	s1 =	rddreg [dreg:$0x1];
	p0 =	sne.s32 s2, $0x0  }
0xe6: {  	s3 =	rddreg [dreg:$0x2];
	[bflag:$0x3] =	sbarrier.arrive $0xFFFF;
	s2 =	simm.s32 @!p0 $0x1C03  }
0xe7: {  	[timem:s3], [sflag:s2] =	dma.local @!p0 [hbm:s0], s1  }
0xe8: {  	s0 =	simm.s32 @!p0 $0x3  }
0xe9: {  	_ =	swait.ge @!p0 [sflag:s0], s1  }
0xea: {  	s1 =	ssub.s32 @!p0 $0x0, s1;
	[sflag:s0] =	ssyncset.done @!p0 $0x0  }
0xeb: {  	[sflag:s0] =	ssyncadd.s32 @!p0 s1  }
0xec: {  	[bflag:$0x3] =	sbarrier.arrive $0xFFFF  }
0xed: {  	_ =	shalt  }

// kernel: gcn_agg_d48_edge.3.cloned.1.call-start
scs
__scs_entry_jumppad:
0x0: {  	(pc) =	sbr.rel $0x88, $3  }
0x1: {  	(tag) =	ssettag $0x0;
	lr =	simm.s32 $0x1  }
0x2: {  	[smem:$0x3F95] =	sst lr;
	_ =	strace $0xD0000000  }
0x3: {  	_ = 	snop  }
0x4: {  	_ = 	snop  }
0x5: {  	_ = 	snop  }
0x6: {  	_ = 	snop  }
0x7: {  	_ = 	snop  }
__scs_overlays_trampoline_lowered:
0x8: {  	[smem:$0x3FA4] =	sst s0  }
0x9: {  	[smem:$0x3FA5] =	sst s1  }
0xa: {  	[smem:$0x3FA6] =	sst s2  }
0xb: {  	[smem:$0x3FA7] =	sst s3  }
0xc: {  	[smem:$0x3FA8] =	sst s4  }
0xd: {  	[smem:$0x3FA9] =	sst s5  }
0xe: {  	[smem:$0x3FAA] =	sst s6  }
0xf: {  	[smem:$0x3FAB] =	sst s7  }
0x10: {  	[smem:$0x3FAC] =	sst s8  }
0x11: {  	[smem:$0x3FAD] =	sst s9;
	s0 =	simm.s32 @!p0 $0x0  }
0x12: {  	s1 =	sld [smem:$0x3F93];
	s0 =	simm.s32 @p0 $0x1  }
0x13: {  	[smem:$0x3FAE] =	sst s0;
	s0 =	simm.s32 @!p1 $0x0  }
0x14: {  	s2 =	sld [smem:$0x3F92];
	s0 =	simm.s32 @p1 $0x1  }
0x15: {  	[smem:$0x3FAF] =	sst s0;
	s0 =	simm.s32 @!p2 $0x0  }
0x16: {  	s3 =	sld [smem:$0x3FDB];
	s0 =	simm.s32 @p2 $0x1  }
0x17: {  	s4 =	simm.s32 $0x1BF5;
	[smem:$0x3FB1] =	sst s0  }
0x18: {  	s0 =	sld [smem:$0x3F94];
	_ =	swait.ge [sflag:s4], $0x0  }
0x19: {  	s7 =	sld [smem:$0x3F95]  }
0x1a: {  	s8 =	sadd.s32 $0xFFFFE003, lr  }
0x1b: {  	s9 =	sadd.s32 $0xFFFFFEF7, lr;
	s5 =	simm.s32 $0xFFFFFFFF;
	p2 =	slt.u32 s8, $0xFFFFF086  }
0x1c: {  	p1 =	slt.u32 s9, $0xF7A;
	s5 =	simm.s32 @!p2 $0x0  }
0x1d: {  	s5 =	simm.s32 @p1 $0x1;
	p0 =	seq.s32 s7, s2  }
0x1e: {  	s7 =	smul.u32 @!p0 $0xF7A, s2;
	p2 =	seq.s32 @!p0 s5, $0x0  }
0x1f: {  	s9 =	smul.u32 $0xF7A, s1;
	s8 =	simm.s32 @!p0 $0x1BF5;
	p2 =	por !p2, p0  }
0x20: {  	[sflag:s8] =	ssyncset.s32 @!p0 $0xFFFFF086;
	s6 =	sadd.s32 @!p0 s3, s7;
	s7 =	simm.s32 @!p0 $0x108  }
0x21: {  	s3 =	sadd.s32 s3, s9;
	s6 =	sadd.s32 @!p0 $0x88, s6;
	s7 =	simm.s32 @p2 $0x1082  }
0x22: {  	[simem:s7], [sflag:s8] =	dma.local @!p0 [hbm:s6], $0xF7A  }
0x23: {  	s9 =	sor.u32 $0xD0000000, s2;
	s6 =	simm.s32 $0x108;
	_ =	swait.ge @!p0 [sflag:s8], $0x0  }
0x24: {  	s3 =	sadd.s32 $0x88, s3;
	s6 =	simm.s32 @!p1 $0x1082;
	[sflag:s4] =	ssyncset.s32 $0xFFFFF086  }
0x25: {  	[simem:s6], [sflag:s4] =	dma.local [hbm:s3], $0xF7A  }
0x26: {  	[smem:$0x3F95] =	sst s1;
	(tag) =	ssettag s2;
	_ =	strace s9  }
0x27: {  	s1 =	sld [smem:$0x3FA5]  }
0x28: {  	s2 =	sld [smem:$0x3FA6]  }
0x29: {  	s4 =	sld [smem:$0x3FA8]  }
0x2a: {  	p0 =	seq.s32 s5, $0x0;
	s5 =	sld [smem:$0x3FA9]  }
0x2b: {  	s6 =	sld [smem:$0x3FAA]  }
0x2c: {  	s7 =	sld [smem:$0x3FAB]  }
0x2d: {  	s3 =	simm.s32 $0x108;
	s8 =	sld [smem:$0x3FAC]  }
0x2e: {  	s3 =	simm.s32 @!p0 $0x1082;
	s9 =	sld [smem:$0x3FAD]  }
0x2f: {  	lr =	sadd.s32 s0, s3;
	s0 =	sld [smem:$0x3FA4]  }
0x30: {  	s3 =	sld [smem:$0x3FA7]  }
0x31: {  	[smem:$0x3FB0] =	sst s10  }
0x32: {  	s10 =	sld [smem:$0x3FAE];
	_ =	sdelay $0x3  }
0x33: {  	p0 =	seq.s32 s10, $0x1;
	s10 =	sld [smem:$0x3FB0];
	_ =	sdelay $0x3  }
0x34: {  	[smem:$0x3FB0] =	sst s10  }
0x35: {  	s10 =	sld [smem:$0x3FAF];
	_ =	sdelay $0x3  }
0x36: {  	p1 =	seq.s32 s10, $0x1;
	s10 =	sld [smem:$0x3FB0];
	_ =	sdelay $0x3  }
0x37: {  	[smem:$0x3FB0] =	sst s10  }
0x38: {  	s10 =	sld [smem:$0x3FB1]  }
0x39: {  	_ = 	snop;
	(pc) =	sbr.ind lr, $3  }
0x3a: {  	_ = 	snop  }
0x3b: {  	_ = 	snop  }
0x3c: {  	p2 =	seq.s32 s10, $0x1;
	s10 =	sld [smem:$0x3FB0]  }
0x3d: {  	_ =	shalt  }
0x3e: {  	_ =	shalt  }
0x3f: {  	_ =	shalt  }
0x40: {  	_ =	shalt  }
0x41: {  	_ =	shalt  }
0x42: {  	_ =	shalt  }
0x43: {  	_ =	shalt  }
0x44: {  	_ =	shalt  }
0x45: {  	_ =	shalt  }
0x46: {  	_ =	shalt  }
0x47: {  	_ =	shalt  }
0x48: {  	_ =	shalt  }
0x49: {  	_ =	shalt  }
0x4a: {  	_ =	shalt  }
0x4b: {  	_ =	shalt  }
0x4c: {  	_ =	shalt  }
0x4d: {  	_ =	shalt  }
0x4e: {  	_ =	shalt  }
0x4f: {  	_ =	shalt  }
0x50: {  	_ =	shalt  }
0x51: {  	_ =	shalt  }
0x52: {  	_ =	shalt  }
0x53: {  	_ =	shalt  }
0x54: {  	_ =	shalt  }
0x55: {  	_ =	shalt  }
0x56: {  	_ =	shalt  }
0x57: {  	_ =	shalt  }
0x58: {  	_ =	shalt  }
0x59: {  	_ =	shalt  }
0x5a: {  	_ =	shalt  }
0x5b: {  	_ =	shalt  }
0x5c: {  	_ =	shalt  }
0x5d: {  	_ =	shalt  }
0x5e: {  	_ =	shalt  }
0x5f: {  	_ =	shalt  }
0x60: {  	_ =	shalt  }
0x61: {  	_ =	shalt  }
0x62: {  	_ =	shalt  }
0x63: {  	_ =	shalt  }
0x64: {  	_ =	shalt  }
0x65: {  	_ =	shalt  }
0x66: {  	_ =	shalt  }
0x67: {  	_ =	shalt  }
0x68: {  	_ =	shalt  }
0x69: {  	_ =	shalt  }
0x6a: {  	_ =	shalt  }
0x6b: {  	_ =	shalt  }
0x6c: {  	_ =	shalt  }
0x6d: {  	_ =	shalt  }
0x6e: {  	_ =	shalt  }
0x6f: {  	_ =	shalt  }
0x70: {  	_ =	shalt  }
0x71: {  	_ =	shalt  }
0x72: {  	_ =	shalt  }
0x73: {  	_ =	shalt  }
0x74: {  	_ =	shalt  }
0x75: {  	_ =	shalt  }
0x76: {  	_ =	shalt  }
0x77: {  	_ =	shalt  }
0x78: {  	_ =	shalt  }
0x79: {  	_ =	shalt  }
0x7a: {  	_ =	shalt  }
0x7b: {  	_ =	shalt  }
0x7c: {  	_ =	shalt  }
0x7d: {  	_ =	shalt  }
0x7e: {  	_ =	shalt  }
0x7f: {  	_ =	shalt  }
0x80: {  	_ =	shalt  }
0x81: {  	_ =	shalt  }
0x82: {  	_ =	shalt  }
0x83: {  	_ =	shalt  }
0x84: {  	_ =	shalt  }
0x85: {  	_ =	shalt  }
0x86: {  	_ =	shalt  }
0x87: {  	_ =	shalt  }
.Lfunc_end0:
.L_simem_size_0:
called_computation.3_lowered:
.L_overlay_start_0:
0x88: {  	s2 =	sld [smem:$0x3FD9]  }
0x89: {  	s3 =	sld [smem:$0x3FFE];
	_ =	sdelay $0x1  }
0x8a: {  	s1 =	srdreg.scid  }
0x8b: {  	s0 =	sand.u32 $0x1, s1  }
0x8c: {  	s16 =	sshll.u32 s0, $0xA;
	s2 =	sadd.s32 s3, s2  }
0x8d: {  	s2 =	sadd.s32 s2, s16  }
0x8e: {  	[smem:$0x3FBC] =	sst s2  }
0x8f: {  	_ = 	snop  }
0x90: {  	(tm) =	ssettm $0x1  }
0x91: {  	s17 =	sld [smem:$0x3FFB];
	_ =	sdelay $0x3  }
0x92: {  	_ =	strace s17  }
0x93: {  	s2 =	sld [smem:$0x3FFC];
	_ =	sdelay $0x3  }
0x94: {  	_ =	strace s2  }
0x95: {  	s2 =	sld [smem:$0x3FFD];
	_ =	sdelay $0x3  }
0x96: {  	_ =	strace s2  }
0x97: {  	_ =	strace $0x8FFFFFFF  }
0x98: {  	s18 =	sld [smem:$0x3FDB];
	_ =	sdelay $0x1  }
0x99: {  	s19 =	simm.s32 $_scs_section_size  }
0x9a: {  	s4 =	simm.s32 $_size__tile_overlayer_lowered;
	s5 =	simm.s32 $_tile_overlayer_lowered  }
0x9b: {  	s22 =	simm.s32 $0x1BFF;
	s21 =	sshll.u32 s5, $0x1;
	s2 =	sadd.s32 s19, s18  }
0x9c: {  	s6 =	simm.s32 $0x0;
	s20 =	sshll.u32 s4, $0x1;
	s4 =	sadd.s32 s21, s2  }
0x9d: {  	[timem:s6], [sflag:s22] =	dma.local [hbm:s4], s20  }
0x9e: {  	_ =	swait.ge [sflag:s22], s20  }
0x9f: {  	s3 =	ssub.s32 $0x0, s20;
	[sflag:s22] =	ssyncset.done $0x0  }
0xa0: {  	[sflag:s22] =	ssyncadd.s32 s3;
	_ =	sdelay $0x1  }
0xa1: {  	s23 =	simm.s32 $0x1B8B  }
0xa2: {  	_ =	swait.ge [sflag:s23], $0x1  }
0xa3: {  	[sflag:s23] =	ssyncset.done $0x0  }
0xa4: {  	s25 =	simm.s32 $0x1B8E;
	s24 =	sld [smem:$0x3FFE];
	[sflag:s23] =	ssyncadd.s32 $0xFFFFFFFF  }
0xa5: {  	s26 =	simm.s32 $execute0_lowered;
	[smem:$0x3FD2] =	sst s25  }
0xa6: {  	s4 =	sshll.u32 s26, $0x1;
	_ =	strace $0x8000004F;
	[dreg:$0x1] =	wrdreg $0xFFFFFFFF  }
0xa7: {  	s28 =	simm.s32 $_size_execute0_lowered;
	s2 =	sadd.s32 s2, s4;
	[dreg:$0x0] =	wrdreg $0x0  }
0xa8: {  	s4 =	sshll.u32 s28, $0x1;
	[dreg:$0x2] =	wrdreg s2  }
0xa9: {  	[dreg:$0x3] =	wrdreg s4  }
0xaa: {  	[dreg:$0x4] =	wrdreg $0xC0  }
0xab: {  	_ =	task [dreg:s6], $0x5FFFF  }
0xac: {  	[dreg:$0x1] =	wrdreg $0xFFFFFFFF  }
0xad: {  	[dreg:$0x0] =	wrdreg $0x60  }
0xae: {  	[dreg:$0x2] =	wrdreg s24  }
0xaf: {  	[dreg:$0x3] =	wrdreg $0x110000  }
0xb0: {  	[dreg:$0x4] =	wrdreg $0x9  }
0xb1: {  	_ =	task.clear_ibuf [dreg:s6], $0x5FFFF;
	_ =	strace $0x9000004F  }
0xb2: {  	s29 =	simm.s32 $0x9;
	_ =	strace $0x80000051  }
0xb3: {  	_ =	swait.ge [sflag:s29], $0x1  }
0xb4: {  	[sflag:s29] =	ssyncadd.s32 $0xFFFFFFFF  }
0xb5: {  	_ =	strace $0x90000051  }
0xb6: {  	_ =	sfence  }
0xb7: {  	s30 =	sld [smem:$0x0];
	_ =	sdelay $0x2  }
0xb8: {  	s31 =	sshll.u32 s1, $0xD;
	s1 =	sshrl.u32 s1, $0x2  }
0xb9: {  	s3 =	sand.u32 $0x4000, s31;
	s1 =	sadd.s32 s1, s30  }
0xba: {  	s0 =	sor.u32 s3, s0;
	s1 =	sshll.u32 s1, $0x11  }
0xbb: {  	s0 =	sor.u32 s1, s0  }
0xbc: {  	s0 =	sadd.s32 $0x8F2B, s0  }
0xbd: {  	[sflag:s0] =	ssyncadd.remote.s32 $0x1  }
0xbe: {  	_ =	sfence.sel $0xFFFF  }
0xbf: {  	[dreg:$0x0] =	wrdreg $0xFFFFFFFF;
	(pc) =	sbr.abs _section_cstart, $3  }
0xc0: {  	[dreg:$0x1] =	wrdreg $0xFFFFFFFF  }
0xc1: {  	_ =	task.clear_ibuf [dreg:s6], $0x2FFFF;
	_ =	strace $0x9FFFFFFF  }
0xc2: {  	(tm) =	ssettm $0x7FFFFFFF  }
0xc3: {  	_ =	shalt  }
tec
execute0_lowered:
.L_overlay_start_1:
0x0: {  	(tag) =	ssettag $0x1  }
0x1: {  	s7 =	stileid.u32  }
0x2: {  	s0 =	srdreg.scid;
	s4 =	smul.u32 $0x2800, s7  }
0x3: {  	s1 =	rddreg [dreg:$0x0];
	s11 =	smul.u32 $0x500, s7  }
0x4: {  	s2 =	rddreg [dreg:$0x1];
	s6 =	simm.s32 $0x0;
	s13 =	smul.u32 $0x280, s7  }
0x5: {  	s29 =	simm.s32 $0xB000;
	s0 =	sand.u32 $0x1, s0;
	s7 =	smul.u32 $0x1E000, s7  }
0x6: {  	s31 =	simm.s32 $0xC800;
	s28 =	simm.s32 $0x2;
	s3 =	smul.u32 $0x28000, s0  }
0x7: {  	s30 =	simm.s32 $0x3;
	[smem:$0x7FF] =	sst s6;
	s5 =	smul.u32 $0x5000, s0  }
0x8: {  	_ =	strace $0x80000050;
	s8 =	ssub.s32 $0x2, s0;
	s0 =	smul.u32 $0x2800, s0  }
0x9: {  	s9 =	sadd.s32 $0x80, s13;
	s10 =	sshrl.u32 s8, $0x1;
	s16 =	sadd.s32 $0xC000, s7  }
0xa: {  	s18 =	sadd.s32 $0x12000, s7;
	s3 =	sadd.s32 s4, s3;
	s12 =	sadd.s32 s11, s5  }
0xb: {  	s4 =	sadd.s32 $0x20600, s1;
	s11 =	sshrl.u32 s7, $0x2;
	s8 =	ssub.s32 s8, s10  }
0xc: {  	s17 =	sshrl.u32 s16, $0x2;
	s19 =	sshrl.u32 s18, $0x2;
	s5 =	sadd.s32 s13, s0  }
0xd: {  	s7 =	sadd.s32 $0x18000, s7;
	s0 =	sadd.s32 s0, s9;
	s18 =	simm.s32 $0x5000  }
0xe: {  	s13 =	simm.s32 $0x8;
	s16 =	simm.s32 $0xB;
	s3 =	sshrl.u32 s3, $0x3  }
0xf: {  	s6 =	sadd.s32 s12, s1;
	s12 =	smul.u32 $0xC0, s9;
	s14 =	sadd.s32 s11, s2  }
0x10: {  	s5 =	smul.u32 $0x6, s5;
	s20 =	sadd.s32 s19, s2;
	s7 =	sshrl.u32 s7, $0x2  }
0x11: {  	s0 =	smul.u32 $0x6, s0;
	s26 =	smax.u32 s8, $0x1;
	s19 =	simm.s32 $0x11  }
0x12: {  	s11 =	simm.s32 $0xD;
	s8 =	simm.s32 $0x0;
	[dreg:$0x3] =	wrdreg s14  }
0x13: {  	s3 =	sadd.s32 s3, s1;
	s1 =	sadd.s32 $0x2F600, s1;
	[dreg:$0x6] =	wrdreg s20  }
0x14: {  	s7 =	sadd.s32 s7, s2;
	s22 =	sadd.s32 $0x16600, s6;
	[dreg:$0xf] =	wrdreg s26  }
0x15: {  	s26 =	simm.s32 $0x9800;
	s20 =	simm.s32 $0x5;
	s14 =	simm.s32 $0x9  }
0x16: {  	s6 =	simm.s32 $0xF;
	s15 =	sshrl.u32 s12, $0x2;
	[dreg:$0x7] =	wrdreg s7  }
0x17: {  	s3 =	sadd.s32 $0xC600, s3;
	s21 =	sadd.s32 s1, s5;
	[dreg:$0xa] =	wrdreg s22  }
0x18: {  	s0 =	sadd.s32 s1, s0;
	s22 =	simm.s32 $0x6800;
	[dreg:$0x8] =	wrdreg s3  }
0x19: {  	s1 =	simm.s32 $0x4;
	s12 =	simm.s32 $0x7;
	[dreg:$0xb] =	wrdreg s0  }
0x1a: {  	s5 =	simm.s32 $0xE;
	s10 =	sadd.s32 s15, s2;
	[dreg:$0x9] =	wrdreg s21  }
0x1b: {  	s7 =	simm.s32 $0x10;
	s23 =	sadd.s32 $0x600, s21;
	[dreg:$0x4] =	wrdreg s10  }
0x1c: {  	s24 =	sadd.s32 $0x900, s21;
	s25 =	sadd.s32 $0xC00, s21;
	[dreg:$0xc] =	wrdreg s23  }
0x1d: {  	s21 =	simm.s32 $0x80;
	s0 =	simm.s32 $0xE000;
	[dreg:$0xd] =	wrdreg s24  }
0x1e: {  	s15 =	simm.s32 $0xA;
	s10 =	sadd.s32 s17, s2;
	[dreg:$0xe] =	wrdreg s25  }
0x1f: {  	s24 =	simm.s32 $0x8000;
	s23 =	simm.s32 $0xF800;
	s25 =	simm.s32 $0x1  }
0x20: {  	v0 =	vimm.f32 $0.0e+00;
	s17 =	simm.s32 $0xC;
	[dreg:$0x5] =	wrdreg s10;
	s10 =	simm.s32 $0x6  }
.LBB2_1:
0x21: {  	[dreg:$0x10] =	wrdreg s8;
	s3 =	simm.s32 $0xC0;
	s9 =	simm.s32 $0x0  }
.LBB2_2:
0x22: {  	p0 =	sne.s32 s3, $0x5F40;
	[tilespmem:s9+$0x5020] =	vst v0;
	s8 =	smov.u32 s3;
	s3 =	sadd.s32 $0xC0, s3  }
.Ltmp0:
0x23: {  	[tilespmem:s9+$0x5000] =	vst v0;
	(pc) =	sbr.rel @p0 .LBB2_2-.Ltmp0, $2  }
0x24: {  	[tilespmem:s9+$0x5010] =	vst v0;
	_ =	sdelay $0x2  }
0x25: {  	s9 =	sshra.s32 s8, $0x2  }
0x26: {  	[tilespmem:s9+$0x5020] =	vst v0  }
0x27: {  	[tilespmem:s9+$0x5000] =	vst v0  }
0x28: {  	[tilespmem:s9+$0x5010] =	vst v0;
	s3 =	rddreg [dreg:$0x3]  }
0x29: {  	[spmem:s3] =	stream.linear.scatter [tilespmem:s18], [sflag:$0x11], $0x1800, $0x38;
	[tilespmem:$0x18800] =	vst v63  }
0x2a: {  	_ =	swait.ge [sflag:s19], $0x1800  }
0x2b: {  	[sflag:s19] =	ssyncset.done $0x0  }
0x2c: {  	s9 =	rddreg [dreg:$0x4];
	[sflag:s19] =	ssyncadd.s32 $0xFFFFE800  }
0x2d: {  	[spmem:s9] =	stream.linear.scatter [tilespmem:s18], [sflag:$0x11], $0x1800, $0x38;
	[tilespmem:$0x18800] =	vst v63  }
0x2e: {  	_ =	swait.ge [sflag:s19], $0x1800  }
0x2f: {  	[sflag:s19] =	ssyncset.done $0x0  }
0x30: {  	s8 =	rddreg [dreg:$0x5];
	[sflag:s19] =	ssyncadd.s32 $0xFFFFE800  }
0x31: {  	[spmem:s8] =	stream.linear.scatter [tilespmem:s18], [sflag:$0x11], $0x1800, $0x38;
	[tilespmem:$0x18800] =	vst v63  }
0x32: {  	_ =	swait.ge [sflag:s19], $0x1800  }
0x33: {  	[sflag:s19] =	ssyncset.done $0x0  }
0x34: {  	s9 =	rddreg [dreg:$0x6];
	[sflag:s19] =	ssyncadd.s32 $0xFFFFE800  }
0x35: {  	[spmem:s9] =	stream.linear.scatter [tilespmem:s18], [sflag:$0x11], $0x1800, $0x38;
	[tilespmem:$0x18800] =	vst v63  }
0x36: {  	_ =	swait.ge [sflag:s19], $0x1800  }
0x37: {  	[sflag:s19] =	ssyncset.done $0x0  }
0x38: {  	s8 =	rddreg [dreg:$0x7];
	[sflag:s19] =	ssyncadd.s32 $0xFFFFE800  }
0x39: {  	[spmem:s8] =	stream.linear.scatter [tilespmem:s18], [sflag:$0x11], $0x1800, $0x38;
	[tilespmem:$0x18800] =	vst v63  }
0x3a: {  	_ =	swait.ge [sflag:s19], $0x1800  }
0x3b: {  	[sflag:s19] =	ssyncset.done $0x0  }
0x3c: {  	[sflag:s19] =	ssyncadd.s32 $0xFFFFE800  }
0x3d: {  	[bflag:$0x0] =	sbarrier.arrive $0xFFFF  }
0x3e: {  	s3 =	simm.s32 $0x0;
	s8 =	rddreg [dreg:$0x8]  }
0x3f: {  	[tilespmem:s3], [sflag:$0x11] =	stream.linear.gather [hbm4b:s8+s3], $0x2800, $0x38;
	[tilespmem:$0x18800] =	vst v63  }
0x40: {  	_ =	swait.ge [sflag:s19], $0x2800  }
0x41: {  	[sflag:s19] =	ssyncset.done $0x0  }
0x42: {  	s9 =	simm.s32 $0x2800;
	s8 =	rddreg [dreg:$0xa];
	[sflag:s19] =	ssyncadd.s32 $0xFFFFD800  }
0x43: {  	[tilespmem:s9], [sflag:$0x11] =	stream.linear.gather [hbm4b:s8+s3], $0x2800, $0x38;
	[tilespmem:$0x18800] =	vst v63  }
0x44: {  	_ =	swait.ge [sflag:s19], $0x2800  }
0x45: {  	[sflag:s19] =	ssyncset.done $0x0  }
0x46: {  	[sflag:s19] =	ssyncadd.s32 $0xFFFFD800  }
0x47: {  	[tilespmem:s18], [sflag:$0x1] =	stream.indirect.gather [hbm4b:s4+s21], $0x30, s3, s21, $0xb8;
	[tilespmem:$0x18800] =	vst v63  }
0x48: {  	_ = 	snop  }
0x49: {  	[tilespmem:s22], [sflag:$0x2] =	stream.indirect.gather [hbm4b:s4+s21], $0x30, s21, s21, $0xb8;
	[tilespmem:$0x18800] =	vst v63  }
0x4a: {  	s9 =	simm.s32 $0x100  }
0x4b: {  	[tilespmem:s24], [sflag:$0x3] =	stream.indirect.gather [hbm4b:s4+s21], $0x30, s9, s21, $0xb8;
	[tilespmem:$0x18800] =	vst v63  }
0x4c: {  	s8 =	simm.s32 $0x180  }
0x4d: {  	[tilespmem:s26], [sflag:$0x4] =	stream.indirect.gather [hbm4b:s4+s21], $0x30, s8, s21, $0xb8;
	[tilespmem:$0x18800] =	vst v63  }
0x4e: {  	s9 =	simm.s32 $0x200  }
0x4f: {  	[tilespmem:s29], [sflag:$0x5] =	stream.indirect.gather [hbm4b:s4+s21], $0x30, s9, s21, $0xb8;
	[tilespmem:$0x18800] =	vst v63  }
0x50: {  	s8 =	simm.s32 $0x280  }
0x51: {  	[tilespmem:s31], [sflag:$0x6] =	stream.indirect.gather [hbm4b:s4+s21], $0x30, s8, s21, $0xb8;
	[tilespmem:$0x18800] =	vst v63  }
0x52: {  	s9 =	simm.s32 $0x300  }
0x53: {  	[tilespmem:s0], [sflag:$0x7] =	stream.indirect.gather [hbm4b:s4+s21], $0x30, s9, s21, $0xb8;
	[tilespmem:$0x18800] =	vst v63  }
0x54: {  	s8 =	simm.s32 $0x380  }
0x55: {  	[tilespmem:s23], [sflag:$0x8] =	stream.indirect.gather [hbm4b:s4+s21], $0x30, s8, s21, $0xb8;
	[tilespmem:$0x18800] =	vst v63  }
0x56: {  	_ =	swait.ge [sflag:s25], $0x1800  }
0x57: {  	[sflag:s25] =	ssyncset.done $0x0  }
0x58: {  	s9 =	simm.s32 $0x2800;
	[sflag:s25] =	ssyncadd.s32 $0xFFFFE800  }
0x59: {  	[spmem:s2] =	stream.indirect.scatter.add.f32 [tilespmem:s18], [sflag:$0x9], $0x30, s9, s21, $0xb8;
	[tilespmem:$0x18800] =	vst v63  }
0x5a: {  	_ =	swait.ge [sflag:s28], $0x1800  }
0x5b: {  	[sflag:s28] =	ssyncset.done $0x0  }
0x5c: {  	s8 =	simm.s32 $0x2880;
	[sflag:s28] =	ssyncadd.s32 $0xFFFFE800  }
0x5d: {  	[spmem:s2] =	stream.indirect.scatter.add.f32 [tilespmem:s22], [sflag:$0xA], $0x30, s8, s21, $0xb8;
	[tilespmem:$0x18800] =	vst v63  }
0x5e: {  	_ =	swait.ge [sflag:s30], $0x1800  }
0x5f: {  	[sflag:s30] =	ssyncset.done $0x0  }
0x60: {  	s9 =	simm.s32 $0x2900;
	[sflag:s30] =	ssyncadd.s32 $0xFFFFE800  }
0x61: {  	[spmem:s2] =	stream.indirect.scatter.add.f32 [tilespmem:s24], [sflag:$0xB], $0x30, s9, s21, $0xb8;
	[tilespmem:$0x18800] =	vst v63  }
0x62: {  	_ =	swait.ge [sflag:s1], $0x1800  }
0x63: {  	[sflag:s1] =	ssyncset.done $0x0  }
0x64: {  	s8 =	simm.s32 $0x2980;
	[sflag:s1] =	ssyncadd.s32 $0xFFFFE800  }
0x65: {  	[spmem:s2] =	stream.indirect.scatter.add.f32 [tilespmem:s26], [sflag:$0xC], $0x30, s8, s21, $0xb8;
	[tilespmem:$0x18800] =	vst v63  }
0x66: {  	_ =	swait.ge [sflag:s20], $0x1800  }
0x67: {  	[sflag:s20] =	ssyncset.done $0x0  }
0x68: {  	s9 =	simm.s32 $0x2A00;
	[sflag:s20] =	ssyncadd.s32 $0xFFFFE800  }
0x69: {  	[spmem:s2] =	stream.indirect.scatter.add.f32 [tilespmem:s29], [sflag:$0xD], $0x30, s9, s21, $0xb8;
	[tilespmem:$0x18800] =	vst v63  }
0x6a: {  	_ =	swait.ge [sflag:s10], $0x1800  }
0x6b: {  	[sflag:s10] =	ssyncset.done $0x0  }
0x6c: {  	s8 =	simm.s32 $0x2A80;
	[sflag:s10] =	ssyncadd.s32 $0xFFFFE800  }
0x6d: {  	[spmem:s2] =	stream.indirect.scatter.add.f32 [tilespmem:s31], [sflag:$0xE], $0x30, s8, s21, $0xb8;
	[tilespmem:$0x18800] =	vst v63  }
0x6e: {  	_ =	swait.ge [sflag:s12], $0x1800  }
0x6f: {  	[sflag:s12] =	ssyncset.done $0x0  }
0x70: {  	s9 =	simm.s32 $0x2B00;
	[sflag:s12] =	ssyncadd.s32 $0xFFFFE800  }
0x71: {  	[spmem:s2] =	stream.indirect.scatter.add.f32 [tilespmem:s0], [sflag:$0xF], $0x30, s9, s21, $0xb8;
	[tilespmem:$0x18800] =	vst v63  }
0x72: {  	_ =	swait.ge [sflag:s13], $0x1800  }
0x73: {  	[sflag:s13] =	ssyncset.done $0x0  }
0x74: {  	s8 =	simm.s32 $0x2B80;
	[sflag:s13] =	ssyncadd.s32 $0xFFFFE800  }
0x75: {  	[spmem:s2] =	stream.indirect.scatter.add.f32 [tilespmem:s23], [sflag:$0x10], $0x30, s8, s21, $0xb8;
	[tilespmem:$0x18800] =	vst v63  }
0x76: {  	_ =	swait.ge [sflag:s14], $0x1800  }
0x77: {  	[sflag:s14] =	ssyncset.done $0x0  }
0x78: {  	s9 =	simm.s32 $0x400;
	[sflag:s14] =	ssyncadd.s32 $0xFFFFE800  }
0x79: {  	[tilespmem:s18], [sflag:$0x1] =	stream.indirect.gather [hbm4b:s4+s21], $0x30, s9, s21, $0xb8;
	[tilespmem:$0x18800] =	vst v63  }
0x7a: {  	_ =	swait.ge [sflag:s15], $0x1800  }
0x7b: {  	[sflag:s15] =	ssyncset.done $0x0  }
0x7c: {  	s8 =	simm.s32 $0x480;
	[sflag:s15] =	ssyncadd.s32 $0xFFFFE800  }
0x7d: {  	[tilespmem:s22], [sflag:$0x2] =	stream.indirect.gather [hbm4b:s4+s21], $0x30, s8, s21, $0xb8;
	[tilespmem:$0x18800] =	vst v63  }
0x7e: {  	_ =	swait.ge [sflag:s16], $0x1800  }
0x7f: {  	[sflag:s16] =	ssyncset.done $0x0  }
0x80: {  	s9 =	simm.s32 $0x500;
	[sflag:s16] =	ssyncadd.s32 $0xFFFFE800  }
0x81: {  	[tilespmem:s24], [sflag:$0x3] =	stream.indirect.gather [hbm4b:s4+s21], $0x30, s9, s21, $0xb8;
	[tilespmem:$0x18800] =	vst v63  }
0x82: {  	_ =	swait.ge [sflag:s17], $0x1800  }
0x83: {  	[sflag:s17] =	ssyncset.done $0x0  }
0x84: {  	s8 =	simm.s32 $0x580;
	[sflag:s17] =	ssyncadd.s32 $0xFFFFE800  }
0x85: {  	[tilespmem:s26], [sflag:$0x4] =	stream.indirect.gather [hbm4b:s4+s21], $0x30, s8, s21, $0xb8;
	[tilespmem:$0x18800] =	vst v63  }
0x86: {  	_ =	swait.ge [sflag:s11], $0x1800  }
0x87: {  	[sflag:s11] =	ssyncset.done $0x0  }
0x88: {  	s9 =	simm.s32 $0x600;
	[sflag:s11] =	ssyncadd.s32 $0xFFFFE800  }
0x89: {  	[tilespmem:s29], [sflag:$0x5] =	stream.indirect.gather [hbm4b:s4+s21], $0x30, s9, s21, $0xb8;
	[tilespmem:$0x18800] =	vst v63  }
0x8a: {  	_ =	swait.ge [sflag:s5], $0x1800  }
0x8b: {  	[sflag:s5] =	ssyncset.done $0x0  }
0x8c: {  	s8 =	simm.s32 $0x680;
	[sflag:s5] =	ssyncadd.s32 $0xFFFFE800  }
0x8d: {  	[tilespmem:s31], [sflag:$0x6] =	stream.indirect.gather [hbm4b:s4+s21], $0x30, s8, s21, $0xb8;
	[tilespmem:$0x18800] =	vst v63  }
0x8e: {  	_ =	swait.ge [sflag:s6], $0x1800  }
0x8f: {  	[sflag:s6] =	ssyncset.done $0x0  }
0x90: {  	s9 =	simm.s32 $0x700;
	[sflag:s6] =	ssyncadd.s32 $0xFFFFE800  }
0x91: {  	[tilespmem:s0], [sflag:$0x7] =	stream.indirect.gather [hbm4b:s4+s21], $0x30, s9, s21, $0xb8;
	[tilespmem:$0x18800] =	vst v63  }
0x92: {  	_ =	swait.ge [sflag:s7], $0x1800  }
0x93: {  	[sflag:s7] =	ssyncset.done $0x0  }
0x94: {  	s3 =	simm.s32 $0x780;
	s9 =	simm.s32 $0x1000;
	[sflag:s7] =	ssyncadd.s32 $0xFFFFE800  }
.LBB2_4:
0x95: {  	[tilespmem:s23], [sflag:$0x8] =	stream.indirect.gather [hbm4b:s4+s21], $0x30, s3, s21, $0xb8;
	[tilespmem:$0x18800] =	vst v63  }
0x96: {  	s3 =	smov.u32 s9  }
0x97: {  	p0 =	sne.s32 s9, $0x8000;
	s9 =	sadd.s32 $0x1000, s9;
	_ =	swait.ge [sflag:s25], $0x1800  }
0x98: {  	s3 =	sshra.s32 s3, $0x2;
	[sflag:s25] =	ssyncset.done $0x0  }
0x99: {  	s8 =	sadd.s32 $0x2800, s3;
	[sflag:s25] =	ssyncadd.s32 $0xFFFFE800  }
0x9a: {  	[spmem:s2] =	stream.indirect.scatter.add.f32 [tilespmem:s18], [sflag:$0x9], $0x30, s8, s21, $0xb8;
	[tilespmem:$0x18800] =	vst v63  }
0x9b: {  	_ =	swait.ge [sflag:s28], $0x1800  }
0x9c: {  	[sflag:s28] =	ssyncset.done $0x0  }
0x9d: {  	s8 =	sadd.s32 $0x2880, s3;
	[sflag:s28] =	ssyncadd.s32 $0xFFFFE800  }
0x9e: {  	[spmem:s2] =	stream.indirect.scatter.add.f32 [tilespmem:s22], [sflag:$0xA], $0x30, s8, s21, $0xb8;
	[tilespmem:$0x18800] =	vst v63  }
0x9f: {  	_ =	swait.ge [sflag:s30], $0x1800  }
0xa0: {  	[sflag:s30] =	ssyncset.done $0x0  }
0xa1: {  	s8 =	sadd.s32 $0x2900, s3;
	[sflag:s30] =	ssyncadd.s32 $0xFFFFE800  }
0xa2: {  	[spmem:s2] =	stream.indirect.scatter.add.f32 [tilespmem:s24], [sflag:$0xB], $0x30, s8, s21, $0xb8;
	[tilespmem:$0x18800] =	vst v63  }
0xa3: {  	_ =	swait.ge [sflag:s1], $0x1800  }
0xa4: {  	[sflag:s1] =	ssyncset.done $0x0  }
0xa5: {  	s8 =	sadd.s32 $0x2980, s3;
	[sflag:s1] =	ssyncadd.s32 $0xFFFFE800  }
0xa6: {  	[spmem:s2] =	stream.indirect.scatter.add.f32 [tilespmem:s26], [sflag:$0xC], $0x30, s8, s21, $0xb8;
	[tilespmem:$0x18800] =	vst v63  }
0xa7: {  	_ =	swait.ge [sflag:s20], $0x1800  }
0xa8: {  	[sflag:s20] =	ssyncset.done $0x0  }
0xa9: {  	s8 =	sadd.s32 $0x2A00, s3;
	[sflag:s20] =	ssyncadd.s32 $0xFFFFE800  }
0xaa: {  	[spmem:s2] =	stream.indirect.scatter.add.f32 [tilespmem:s29], [sflag:$0xD], $0x30, s8, s21, $0xb8;
	[tilespmem:$0x18800] =	vst v63  }
0xab: {  	_ =	swait.ge [sflag:s10], $0x1800  }
0xac: {  	[sflag:s10] =	ssyncset.done $0x0  }
0xad: {  	s8 =	sadd.s32 $0x2A80, s3;
	[sflag:s10] =	ssyncadd.s32 $0xFFFFE800  }
0xae: {  	[spmem:s2] =	stream.indirect.scatter.add.f32 [tilespmem:s31], [sflag:$0xE], $0x30, s8, s21, $0xb8;
	[tilespmem:$0x18800] =	vst v63  }
0xaf: {  	_ =	swait.ge [sflag:s12], $0x1800  }
0xb0: {  	[sflag:s12] =	ssyncset.done $0x0  }
0xb1: {  	s8 =	sadd.s32 $0x2B00, s3;
	[sflag:s12] =	ssyncadd.s32 $0xFFFFE800  }
0xb2: {  	[spmem:s2] =	stream.indirect.scatter.add.f32 [tilespmem:s0], [sflag:$0xF], $0x30, s8, s21, $0xb8;
	[tilespmem:$0x18800] =	vst v63  }
0xb3: {  	_ =	swait.ge [sflag:s13], $0x1800  }
0xb4: {  	[sflag:s13] =	ssyncset.done $0x0  }
0xb5: {  	s8 =	sadd.s32 $0x2B80, s3;
	[sflag:s13] =	ssyncadd.s32 $0xFFFFE800  }
0xb6: {  	[spmem:s2] =	stream.indirect.scatter.add.f32 [tilespmem:s23], [sflag:$0x10], $0x30, s8, s21, $0xb8;
	[tilespmem:$0x18800] =	vst v63  }
0xb7: {  	_ =	swait.ge [sflag:s14], $0x1800  }
0xb8: {  	[sflag:s14] =	ssyncset.done $0x0  }
0xb9: {  	s8 =	sadd.s32 $0x400, s3;
	[sflag:s14] =	ssyncadd.s32 $0xFFFFE800  }
0xba: {  	[tilespmem:s18], [sflag:$0x1] =	stream.indirect.gather [hbm4b:s4+s21], $0x30, s8, s21, $0xb8;
	[tilespmem:$0x18800] =	vst v63  }
0xbb: {  	_ =	swait.ge [sflag:s15], $0x1800  }
0xbc: {  	[sflag:s15] =	ssyncset.done $0x0  }
0xbd: {  	s8 =	sadd.s32 $0x480, s3;
	[sflag:s15] =	ssyncadd.s32 $0xFFFFE800  }
0xbe: {  	[tilespmem:s22], [sflag:$0x2] =	stream.indirect.gather [hbm4b:s4+s21], $0x30, s8, s21, $0xb8;
	[tilespmem:$0x18800] =	vst v63  }
0xbf: {  	_ =	swait.ge [sflag:s16], $0x1800  }
0xc0: {  	[sflag:s16] =	ssyncset.done $0x0  }
0xc1: {  	s8 =	sadd.s32 $0x500, s3;
	[sflag:s16] =	ssyncadd.s32 $0xFFFFE800  }
0xc2: {  	[tilespmem:s24], [sflag:$0x3] =	stream.indirect.gather [hbm4b:s4+s21], $0x30, s8, s21, $0xb8;
	[tilespmem:$0x18800] =	vst v63  }
0xc3: {  	_ =	swait.ge [sflag:s17], $0x1800  }
0xc4: {  	[sflag:s17] =	ssyncset.done $0x0  }
0xc5: {  	s8 =	sadd.s32 $0x580, s3;
	[sflag:s17] =	ssyncadd.s32 $0xFFFFE800  }
0xc6: {  	[tilespmem:s26], [sflag:$0x4] =	stream.indirect.gather [hbm4b:s4+s21], $0x30, s8, s21, $0xb8;
	[tilespmem:$0x18800] =	vst v63  }
0xc7: {  	_ =	swait.ge [sflag:s11], $0x1800  }
0xc8: {  	[sflag:s11] =	ssyncset.done $0x0  }
0xc9: {  	s8 =	sadd.s32 $0x600, s3;
	[sflag:s11] =	ssyncadd.s32 $0xFFFFE800  }
0xca: {  	[tilespmem:s29], [sflag:$0x5] =	stream.indirect.gather [hbm4b:s4+s21], $0x30, s8, s21, $0xb8;
	[tilespmem:$0x18800] =	vst v63  }
0xcb: {  	_ =	swait.ge [sflag:s5], $0x1800  }
0xcc: {  	[sflag:s5] =	ssyncset.done $0x0  }
0xcd: {  	s8 =	sadd.s32 $0x680, s3;
	[sflag:s5] =	ssyncadd.s32 $0xFFFFE800  }
0xce: {  	[tilespmem:s31], [sflag:$0x6] =	stream.indirect.gather [hbm4b:s4+s21], $0x30, s8, s21, $0xb8;
	[tilespmem:$0x18800] =	vst v63  }
0xcf: {  	_ =	swait.ge [sflag:s6], $0x1800  }
0xd0: {  	[sflag:s6] =	ssyncset.done $0x0  }
.Ltmp1:
0xd1: {  	s8 =	sadd.s32 $0x700, s3;
	[sflag:s6] =	ssyncadd.s32 $0xFFFFE800;
	(pc) =	sbr.rel @p0 .LBB2_4-.Ltmp1, $4  }
0xd2: {  	[tilespmem:s0], [sflag:$0x7] =	stream.indirect.gather [hbm4b:s4+s21], $0x30, s8, s21, $0xb8;
	[tilespmem:$0x18800] =	vst v63  }
0xd3: {  	_ =	swait.ge [sflag:s7], $0x1800  }
0xd4: {  	[sflag:s7] =	ssyncset.done $0x0  }
0xd5: {  	s3 =	sadd.s32 $0x780, s3;
	[sflag:s7] =	ssyncadd.s32 $0xFFFFE800  }
0xd6: {  	[tilespmem:s23], [sflag:$0x8] =	stream.indirect.gather [hbm4b:s4+s21], $0x30, s3, s21, $0xb8;
	[tilespmem:$0x18800] =	vst v63  }
0xd7: {  	_ =	swait.ge [sflag:s25], $0x1800  }
0xd8: {  	[sflag:s25] =	ssyncset.done $0x0  }
0xd9: {  	s8 =	simm.s32 $0x4C00;
	[sflag:s25] =	ssyncadd.s32 $0xFFFFE800  }
0xda: {  	[spmem:s2] =	stream.indirect.scatter.add.f32 [tilespmem:s18], [sflag:$0x9], $0x30, s8, s21, $0xb8;
	[tilespmem:$0x18800] =	vst v63  }
0xdb: {  	_ =	swait.ge [sflag:s28], $0x1800  }
0xdc: {  	[sflag:s28] =	ssyncset.done $0x0  }
0xdd: {  	s9 =	simm.s32 $0x4C80;
	[sflag:s28] =	ssyncadd.s32 $0xFFFFE800  }
0xde: {  	[spmem:s2] =	stream.indirect.scatter.add.f32 [tilespmem:s22], [sflag:$0xA], $0x30, s9, s21, $0xb8;
	[tilespmem:$0x18800] =	vst v63  }
0xdf: {  	_ =	swait.ge [sflag:s30], $0x1800  }
0xe0: {  	[sflag:s30] =	ssyncset.done $0x0  }
0xe1: {  	s8 =	simm.s32 $0x4D00;
	[sflag:s30] =	ssyncadd.s32 $0xFFFFE800  }
0xe2: {  	[spmem:s2] =	stream.indirect.scatter.add.f32 [tilespmem:s24], [sflag:$0xB], $0x30, s8, s21, $0xb8;
	[tilespmem:$0x18800] =	vst v63  }
0xe3: {  	_ =	swait.ge [sflag:s1], $0x1800  }
0xe4: {  	[sflag:s1] =	ssyncset.done $0x0  }
0xe5: {  	s9 =	simm.s32 $0x4D80;
	[sflag:s1] =	ssyncadd.s32 $0xFFFFE800  }
0xe6: {  	[spmem:s2] =	stream.indirect.scatter.add.f32 [tilespmem:s26], [sflag:$0xC], $0x30, s9, s21, $0xb8;
	[tilespmem:$0x18800] =	vst v63  }
0xe7: {  	_ =	swait.ge [sflag:s20], $0x1800  }
0xe8: {  	[sflag:s20] =	ssyncset.done $0x0  }
0xe9: {  	s8 =	simm.s32 $0x4E00;
	[sflag:s20] =	ssyncadd.s32 $0xFFFFE800  }
0xea: {  	[spmem:s2] =	stream.indirect.scatter.add.f32 [tilespmem:s29], [sflag:$0xD], $0x30, s8, s21, $0xb8;
	[tilespmem:$0x18800] =	vst v63  }
0xeb: {  	_ =	swait.ge [sflag:s10], $0x1800  }
0xec: {  	[sflag:s10] =	ssyncset.done $0x0  }
0xed: {  	s9 =	simm.s32 $0x4E80;
	[sflag:s10] =	ssyncadd.s32 $0xFFFFE800  }
0xee: {  	[spmem:s2] =	stream.indirect.scatter.add.f32 [tilespmem:s31], [sflag:$0xE], $0x30, s9, s21, $0xb8;
	[tilespmem:$0x18800] =	vst v63  }
0xef: {  	_ =	swait.ge [sflag:s12], $0x1800  }
0xf0: {  	[sflag:s12] =	ssyncset.done $0x0  }
0xf1: {  	s8 =	simm.s32 $0x4F00;
	[sflag:s12] =	ssyncadd.s32 $0xFFFFE800  }
0xf2: {  	[spmem:s2] =	stream.indirect.scatter.add.f32 [tilespmem:s0], [sflag:$0xF], $0x30, s8, s21, $0xb8;
	[tilespmem:$0x18800] =	vst v63  }
0xf3: {  	_ =	swait.ge [sflag:s13], $0x1800  }
0xf4: {  	[sflag:s13] =	ssyncset.done $0x0  }
0xf5: {  	s9 =	simm.s32 $0x4F80;
	[sflag:s13] =	ssyncadd.s32 $0xFFFFE800  }
0xf6: {  	[spmem:s2] =	stream.indirect.scatter.add.f32 [tilespmem:s23], [sflag:$0x10], $0x30, s9, s21, $0xb8;
	[tilespmem:$0x18800] =	vst v63  }
0xf7: {  	_ =	swait.ge [sflag:s14], $0x1800  }
0xf8: {  	[sflag:s14] =	ssyncset.done $0x0  }
0xf9: {  	[sflag:s14] =	ssyncadd.s32 $0xFFFFE800  }
0xfa: {  	_ =	swait.ge [sflag:s15], $0x1800  }
0xfb: {  	[sflag:s15] =	ssyncset.done $0x0  }
0xfc: {  	[sflag:s15] =	ssyncadd.s32 $0xFFFFE800  }
0xfd: {  	_ =	swait.ge [sflag:s16], $0x1800  }
0xfe: {  	[sflag:s16] =	ssyncset.done $0x0  }
0xff: {  	[sflag:s16] =	ssyncadd.s32 $0xFFFFE800  }
0x100: {  	_ =	swait.ge [sflag:s17], $0x1800  }
0x101: {  	[sflag:s17] =	ssyncset.done $0x0  }
0x102: {  	[sflag:s17] =	ssyncadd.s32 $0xFFFFE800  }
0x103: {  	_ =	swait.ge [sflag:s11], $0x1800  }
0x104: {  	[sflag:s11] =	ssyncset.done $0x0  }
0x105: {  	[sflag:s11] =	ssyncadd.s32 $0xFFFFE800  }
0x106: {  	_ =	swait.ge [sflag:s5], $0x1800  }
0x107: {  	[sflag:s5] =	ssyncset.done $0x0  }
0x108: {  	[sflag:s5] =	ssyncadd.s32 $0xFFFFE800  }
0x109: {  	_ =	swait.ge [sflag:s6], $0x1800  }
0x10a: {  	[sflag:s6] =	ssyncset.done $0x0  }
0x10b: {  	[sflag:s6] =	ssyncadd.s32 $0xFFFFE800  }
0x10c: {  	_ =	swait.ge [sflag:s7], $0x1800  }
0x10d: {  	[sflag:s7] =	ssyncset.done $0x0  }
0x10e: {  	[sflag:s7] =	ssyncadd.s32 $0xFFFFE800  }
0x10f: {  	[bflag:$0x0] =	sbarrier.arrive $0xFFFF  }
0x110: {  	s8 =	rddreg [dreg:$0x3]  }
0x111: {  	[tilespmem:s18], [sflag:$0x11] =	stream.linear.gather [spmem:s8], $0x1800, $0x38;
	[tilespmem:$0x18800] =	vst v63  }
0x112: {  	_ =	swait.ge [sflag:s19], $0x1800  }
0x113: {  	[sflag:s19] =	ssyncset.done $0x0  }
0x114: {  	s3 =	simm.s32 $0x0;
	s8 =	rddreg [dreg:$0x9];
	[sflag:s19] =	ssyncadd.s32 $0xFFFFE800  }
0x115: {  	[hbm4b:s8+s3] =	stream.linear.scatter [tilespmem:s18], [sflag:$0x11], $0x1800, $0x38;
	[tilespmem:$0x18800] =	vst v63  }
0x116: {  	_ =	swait.ge [sflag:s19], $0x1800  }
0x117: {  	[sflag:s19] =	ssyncset.done $0x0  }
0x118: {  	s9 =	rddreg [dreg:$0x4];
	[sflag:s19] =	ssyncadd.s32 $0xFFFFE800  }
0x119: {  	[tilespmem:s18], [sflag:$0x11] =	stream.linear.gather [spmem:s9], $0x1800, $0x38;
	[tilespmem:$0x18800] =	vst v63  }
0x11a: {  	_ =	swait.ge [sflag:s19], $0x1800  }
0x11b: {  	[sflag:s19] =	ssyncset.done $0x0  }
0x11c: {  	s9 =	rddreg [dreg:$0xb];
	[sflag:s19] =	ssyncadd.s32 $0xFFFFE800  }
0x11d: {  	[hbm4b:s9+s3] =	stream.linear.scatter [tilespmem:s18], [sflag:$0x11], $0x1800, $0x38;
	[tilespmem:$0x18800] =	vst v63  }
0x11e: {  	_ =	swait.ge [sflag:s19], $0x1800  }
0x11f: {  	[sflag:s19] =	ssyncset.done $0x0  }
0x120: {  	s9 =	rddreg [dreg:$0x5];
	[sflag:s19] =	ssyncadd.s32 $0xFFFFE800  }
0x121: {  	[tilespmem:s18], [sflag:$0x11] =	stream.linear.gather [spmem:s9], $0x1800, $0x38;
	[tilespmem:$0x18800] =	vst v63  }
0x122: {  	_ =	swait.ge [sflag:s19], $0x1800  }
0x123: {  	[sflag:s19] =	ssyncset.done $0x0  }
0x124: {  	s9 =	rddreg [dreg:$0xc];
	[sflag:s19] =	ssyncadd.s32 $0xFFFFE800  }
0x125: {  	[hbm4b:s9+s3] =	stream.linear.scatter [tilespmem:s18], [sflag:$0x11], $0x1800, $0x38;
	[tilespmem:$0x18800] =	vst v63  }
0x126: {  	_ =	swait.ge [sflag:s19], $0x1800  }
0x127: {  	[sflag:s19] =	ssyncset.done $0x0  }
0x128: {  	s9 =	rddreg [dreg:$0x6];
	[sflag:s19] =	ssyncadd.s32 $0xFFFFE800  }
0x129: {  	[tilespmem:s18], [sflag:$0x11] =	stream.linear.gather [spmem:s9], $0x1800, $0x38;
	[tilespmem:$0x18800] =	vst v63  }
0x12a: {  	_ =	swait.ge [sflag:s19], $0x1800  }
0x12b: {  	[sflag:s19] =	ssyncset.done $0x0  }
0x12c: {  	s9 =	rddreg [dreg:$0xd];
	[sflag:s19] =	ssyncadd.s32 $0xFFFFE800  }
0x12d: {  	[hbm4b:s9+s3] =	stream.linear.scatter [tilespmem:s18], [sflag:$0x11], $0x1800, $0x38;
	[tilespmem:$0x18800] =	vst v63  }
0x12e: {  	_ =	swait.ge [sflag:s19], $0x1800  }
0x12f: {  	[sflag:s19] =	ssyncset.done $0x0  }
0x130: {  	s9 =	rddreg [dreg:$0x7];
	[sflag:s19] =	ssyncadd.s32 $0xFFFFE800  }
0x131: {  	[tilespmem:s18], [sflag:$0x11] =	stream.linear.gather [spmem:s9], $0x1800, $0x38;
	[tilespmem:$0x18800] =	vst v63  }
0x132: {  	_ =	swait.ge [sflag:s19], $0x1800  }
0x133: {  	[sflag:s19] =	ssyncset.done $0x0  }
0x134: {  	s9 =	rddreg [dreg:$0xe];
	[sflag:s19] =	ssyncadd.s32 $0xFFFFE800  }
0x135: {  	[hbm4b:s9+s3] =	stream.linear.scatter [tilespmem:s18], [sflag:$0x11], $0x1800, $0x38;
	[tilespmem:$0x18800] =	vst v63  }
0x136: {  	_ =	swait.ge [sflag:s19], $0x1800  }
0x137: {  	s3 =	rddreg [dreg:$0x10]  }
0x138: {  	s9 =	rddreg [dreg:$0xf];
	s8 =	sadd.s32 $0x1, s3  }
0x139: {  	p0 =	sne.s32 s8, s9  }
.Ltmp2:
0x13a: {  	_ = 	snop;
	(pc) =	sbr.rel @p0 .LBB2_1-.Ltmp2, $3  }
0x13b: {  	_ =	sdelay $0x1  }
0x13c: {  	[sflag:s19] =	ssyncset.done $0x0  }
0x13d: {  	[sflag:s19] =	ssyncadd.s32 $0xFFFFE800  }
0x13e: {  	_ =	sfence.sel $0x180000  }
0x13f: {  	[bflag:$0x0] =	sbarrier.arrive $0xFFFF  }
0x140: {  	_ =	strace $0x90000050  }
0x141: {  	s0 =	stileid.u32;
	[bflag:$0x2] =	sbarrier.arrive $0xFFFF  }
0x142: {  	p0 =	sne.s32 s0, $0x0;
	s0 =	rddreg [dreg:$0x2]  }
0x143: {  	s0 =	sadd.s32 @!p0 $0x100000, s0  }
0x144: {  	[sflag:s0] =	ssyncadd.tile.s32 @!p0 $0x1;
	_ =	shalt  }
.Lfunc_end2:
_tile_overlayer_lowered:
.L_overlay_start_2:
0x145: {  	(tag) =	ssettag $0x2  }
0x146: {  	s0 =	rddreg [dreg:$0x0];
	s2 =	stileid.u32  }
0x147: {  	s1 =	rddreg [dreg:$0x1];
	p0 =	sne.s32 s2, $0x0  }
0x148: {  	s3 =	rddreg [dreg:$0x2];
	[bflag:$0x3] =	sbarrier.arrive $0xFFFF;
	s2 =	simm.s32 @!p0 $0x1C11  }
0x149: {  	[timem:s3], [sflag:s2] =	dma.local @!p0 [hbm:s0], s1  }
0x14a: {  	s0 =	simm.s32 @!p0 $0x11  }
0x14b: {  	_ =	swait.ge @!p0 [sflag:s0], s1  }
0x14c: {  	s1 =	ssub.s32 @!p0 $0x0, s1;
	[sflag:s0] =	ssyncset.done @!p0 $0x0  }
0x14d: {  	[sflag:s0] =	ssyncadd.s32 @!p0 s1  }
0x14e: {  	[bflag:$0x3] =	sbarrier.arrive $0xFFFF  }
0x14f: {  	_ =	shalt  }

// kernel: gcn_degrees.3.cloned.1.call-start
scs
__scs_entry_jumppad:
0x0: {  	(pc) =	sbr.rel $0x88, $3  }
0x1: {  	(tag) =	ssettag $0x0;
	lr =	simm.s32 $0x1  }
0x2: {  	[smem:$0x3F95] =	sst lr;
	_ =	strace $0xD0000000  }
0x3: {  	_ = 	snop  }
0x4: {  	_ = 	snop  }
0x5: {  	_ = 	snop  }
0x6: {  	_ = 	snop  }
0x7: {  	_ = 	snop  }
__scs_overlays_trampoline_lowered:
0x8: {  	[smem:$0x3FA4] =	sst s0  }
0x9: {  	[smem:$0x3FA5] =	sst s1  }
0xa: {  	[smem:$0x3FA6] =	sst s2  }
0xb: {  	[smem:$0x3FA7] =	sst s3  }
0xc: {  	[smem:$0x3FA8] =	sst s4  }
0xd: {  	[smem:$0x3FA9] =	sst s5  }
0xe: {  	[smem:$0x3FAA] =	sst s6  }
0xf: {  	[smem:$0x3FAB] =	sst s7  }
0x10: {  	[smem:$0x3FAC] =	sst s8  }
0x11: {  	[smem:$0x3FAD] =	sst s9;
	s0 =	simm.s32 @!p0 $0x0  }
0x12: {  	s1 =	sld [smem:$0x3F93];
	s0 =	simm.s32 @p0 $0x1  }
0x13: {  	[smem:$0x3FAE] =	sst s0;
	s0 =	simm.s32 @!p1 $0x0  }
0x14: {  	s2 =	sld [smem:$0x3F92];
	s0 =	simm.s32 @p1 $0x1  }
0x15: {  	[smem:$0x3FAF] =	sst s0;
	s0 =	simm.s32 @!p2 $0x0  }
0x16: {  	s3 =	sld [smem:$0x3FDB];
	s0 =	simm.s32 @p2 $0x1  }
0x17: {  	s4 =	simm.s32 $0x1BF5;
	[smem:$0x3FB1] =	sst s0  }
0x18: {  	s0 =	sld [smem:$0x3F94];
	_ =	swait.ge [sflag:s4], $0x0  }
0x19: {  	s7 =	sld [smem:$0x3F95]  }
0x1a: {  	s8 =	sadd.s32 $0xFFFFE003, lr  }
0x1b: {  	s9 =	sadd.s32 $0xFFFFFEF7, lr;
	s5 =	simm.s32 $0xFFFFFFFF;
	p2 =	slt.u32 s8, $0xFFFFF086  }
0x1c: {  	p1 =	slt.u32 s9, $0xF7A;
	s5 =	simm.s32 @!p2 $0x0  }
0x1d: {  	s5 =	simm.s32 @p1 $0x1;
	p0 =	seq.s32 s7, s2  }
0x1e: {  	s7 =	smul.u32 @!p0 $0xF7A, s2;
	p2 =	seq.s32 @!p0 s5, $0x0  }
0x1f: {  	s9 =	smul.u32 $0xF7A, s1;
	s8 =	simm.s32 @!p0 $0x1BF5;
	p2 =	por !p2, p0  }
0x20: {  	[sflag:s8] =	ssyncset.s32 @!p0 $0xFFFFF086;
	s6 =	sadd.s32 @!p0 s3, s7;
	s7 =	simm.s32 @!p0 $0x108  }
0x21: {  	s3 =	sadd.s32 s3, s9;
	s6 =	sadd.s32 @!p0 $0x88, s6;
	s7 =	simm.s32 @p2 $0x1082  }
0x22: {  	[simem:s7], [sflag:s8] =	dma.local @!p0 [hbm:s6], $0xF7A  }
0x23: {  	s9 =	sor.u32 $0xD0000000, s2;
	s6 =	simm.s32 $0x108;
	_ =	swait.ge @!p0 [sflag:s8], $0x0  }
0x24: {  	s3 =	sadd.s32 $0x88, s3;
	s6 =	simm.s32 @!p1 $0x1082;
	[sflag:s4] =	ssyncset.s32 $0xFFFFF086  }
0x25: {  	[simem:s6], [sflag:s4] =	dma.local [hbm:s3], $0xF7A  }
0x26: {  	[smem:$0x3F95] =	sst s1;
	(tag) =	ssettag s2;
	_ =	strace s9  }
0x27: {  	s1 =	sld [smem:$0x3FA5]  }
0x28: {  	s2 =	sld [smem:$0x3FA6]  }
0x29: {  	s4 =	sld [smem:$0x3FA8]  }
0x2a: {  	p0 =	seq.s32 s5, $0x0;
	s5 =	sld [smem:$0x3FA9]  }
0x2b: {  	s6 =	sld [smem:$0x3FAA]  }
0x2c: {  	s7 =	sld [smem:$0x3FAB]  }
0x2d: {  	s3 =	simm.s32 $0x108;
	s8 =	sld [smem:$0x3FAC]  }
0x2e: {  	s3 =	simm.s32 @!p0 $0x1082;
	s9 =	sld [smem:$0x3FAD]  }
0x2f: {  	lr =	sadd.s32 s0, s3;
	s0 =	sld [smem:$0x3FA4]  }
0x30: {  	s3 =	sld [smem:$0x3FA7]  }
0x31: {  	[smem:$0x3FB0] =	sst s10  }
0x32: {  	s10 =	sld [smem:$0x3FAE];
	_ =	sdelay $0x3  }
0x33: {  	p0 =	seq.s32 s10, $0x1;
	s10 =	sld [smem:$0x3FB0];
	_ =	sdelay $0x3  }
0x34: {  	[smem:$0x3FB0] =	sst s10  }
0x35: {  	s10 =	sld [smem:$0x3FAF];
	_ =	sdelay $0x3  }
0x36: {  	p1 =	seq.s32 s10, $0x1;
	s10 =	sld [smem:$0x3FB0];
	_ =	sdelay $0x3  }
0x37: {  	[smem:$0x3FB0] =	sst s10  }
0x38: {  	s10 =	sld [smem:$0x3FB1]  }
0x39: {  	_ = 	snop;
	(pc) =	sbr.ind lr, $3  }
0x3a: {  	_ = 	snop  }
0x3b: {  	_ = 	snop  }
0x3c: {  	p2 =	seq.s32 s10, $0x1;
	s10 =	sld [smem:$0x3FB0]  }
0x3d: {  	_ =	shalt  }
0x3e: {  	_ =	shalt  }
0x3f: {  	_ =	shalt  }
0x40: {  	_ =	shalt  }
0x41: {  	_ =	shalt  }
0x42: {  	_ =	shalt  }
0x43: {  	_ =	shalt  }
0x44: {  	_ =	shalt  }
0x45: {  	_ =	shalt  }
0x46: {  	_ =	shalt  }
0x47: {  	_ =	shalt  }
0x48: {  	_ =	shalt  }
0x49: {  	_ =	shalt  }
0x4a: {  	_ =	shalt  }
0x4b: {  	_ =	shalt  }
0x4c: {  	_ =	shalt  }
0x4d: {  	_ =	shalt  }
0x4e: {  	_ =	shalt  }
0x4f: {  	_ =	shalt  }
0x50: {  	_ =	shalt  }
0x51: {  	_ =	shalt  }
0x52: {  	_ =	shalt  }
0x53: {  	_ =	shalt  }
0x54: {  	_ =	shalt  }
0x55: {  	_ =	shalt  }
0x56: {  	_ =	shalt  }
0x57: {  	_ =	shalt  }
0x58: {  	_ =	shalt  }
0x59: {  	_ =	shalt  }
0x5a: {  	_ =	shalt  }
0x5b: {  	_ =	shalt  }
0x5c: {  	_ =	shalt  }
0x5d: {  	_ =	shalt  }
0x5e: {  	_ =	shalt  }
0x5f: {  	_ =	shalt  }
0x60: {  	_ =	shalt  }
0x61: {  	_ =	shalt  }
0x62: {  	_ =	shalt  }
0x63: {  	_ =	shalt  }
0x64: {  	_ =	shalt  }
0x65: {  	_ =	shalt  }
0x66: {  	_ =	shalt  }
0x67: {  	_ =	shalt  }
0x68: {  	_ =	shalt  }
0x69: {  	_ =	shalt  }
0x6a: {  	_ =	shalt  }
0x6b: {  	_ =	shalt  }
0x6c: {  	_ =	shalt  }
0x6d: {  	_ =	shalt  }
0x6e: {  	_ =	shalt  }
0x6f: {  	_ =	shalt  }
0x70: {  	_ =	shalt  }
0x71: {  	_ =	shalt  }
0x72: {  	_ =	shalt  }
0x73: {  	_ =	shalt  }
0x74: {  	_ =	shalt  }
0x75: {  	_ =	shalt  }
0x76: {  	_ =	shalt  }
0x77: {  	_ =	shalt  }
0x78: {  	_ =	shalt  }
0x79: {  	_ =	shalt  }
0x7a: {  	_ =	shalt  }
0x7b: {  	_ =	shalt  }
0x7c: {  	_ =	shalt  }
0x7d: {  	_ =	shalt  }
0x7e: {  	_ =	shalt  }
0x7f: {  	_ =	shalt  }
0x80: {  	_ =	shalt  }
0x81: {  	_ =	shalt  }
0x82: {  	_ =	shalt  }
0x83: {  	_ =	shalt  }
0x84: {  	_ =	shalt  }
0x85: {  	_ =	shalt  }
0x86: {  	_ =	shalt  }
0x87: {  	_ =	shalt  }
.Lfunc_end0:
.L_simem_size_0:
called_computation_lowered:
.L_overlay_start_0:
0x88: {  	s2 =	sld [smem:$0x3FD9]  }
0x89: {  	s3 =	sld [smem:$0x3FFE];
	_ =	sdelay $0x1  }
0x8a: {  	s1 =	srdreg.scid  }
0x8b: {  	s0 =	sand.u32 $0x1, s1  }
0x8c: {  	s16 =	sshll.u32 s0, $0xA;
	s2 =	sadd.s32 s3, s2  }
0x8d: {  	s2 =	sadd.s32 s2, s16  }
0x8e: {  	[smem:$0x3FBC] =	sst s2  }
0x8f: {  	_ = 	snop  }
0x90: {  	(tm) =	ssettm $0x1  }
0x91: {  	s17 =	sld [smem:$0x3FFB];
	_ =	sdelay $0x3  }
0x92: {  	_ =	strace s17  }
0x93: {  	s2 =	sld [smem:$0x3FFC];
	_ =	sdelay $0x3  }
0x94: {  	_ =	strace s2  }
0x95: {  	s2 =	sld [smem:$0x3FFD];
	_ =	sdelay $0x3  }
0x96: {  	_ =	strace s2  }
0x97: {  	_ =	strace $0x8FFFFFFF  }
0x98: {  	s18 =	sld [smem:$0x3FDB];
	_ =	sdelay $0x1  }
0x99: {  	s19 =	simm.s32 $_scs_section_size  }
0x9a: {  	s4 =	simm.s32 $_size__tile_overlayer_lowered;
	s5 =	simm.s32 $_tile_overlayer_lowered  }
0x9b: {  	s22 =	simm.s32 $0x1BFF;
	s21 =	sshll.u32 s5, $0x1;
	s2 =	sadd.s32 s19, s18  }
0x9c: {  	s6 =	simm.s32 $0x0;
	s20 =	sshll.u32 s4, $0x1;
	s4 =	sadd.s32 s21, s2  }
0x9d: {  	[timem:s6], [sflag:s22] =	dma.local [hbm:s4], s20  }
0x9e: {  	_ =	swait.ge [sflag:s22], s20  }
0x9f: {  	s3 =	ssub.s32 $0x0, s20;
	[sflag:s22] =	ssyncset.done $0x0  }
0xa0: {  	[sflag:s22] =	ssyncadd.s32 s3;
	_ =	sdelay $0x1  }
0xa1: {  	s23 =	simm.s32 $0x1B8B  }
0xa2: {  	_ =	swait.ge [sflag:s23], $0x1  }
0xa3: {  	[sflag:s23] =	ssyncset.done $0x0  }
0xa4: {  	s25 =	simm.s32 $0x1B8E;
	s24 =	sld [smem:$0x3FFE];
	[sflag:s23] =	ssyncadd.s32 $0xFFFFFFFF  }
0xa5: {  	s26 =	simm.s32 $execute0_lowered;
	[smem:$0x3FD2] =	sst s25  }
0xa6: {  	s4 =	sshll.u32 s26, $0x1;
	_ =	strace $0x80000046;
	[dreg:$0x1] =	wrdreg $0xFFFFFFFF  }
0xa7: {  	s28 =	simm.s32 $_size_execute0_lowered;
	s2 =	sadd.s32 s2, s4;
	[dreg:$0x0] =	wrdreg $0x0  }
0xa8: {  	s4 =	sshll.u32 s28, $0x1;
	[dreg:$0x2] =	wrdreg s2  }
0xa9: {  	[dreg:$0x3] =	wrdreg s4  }
0xaa: {  	[dreg:$0x4] =	wrdreg $0xC0  }
0xab: {  	_ =	task [dreg:s6], $0x5FFFF  }
0xac: {  	[dreg:$0x1] =	wrdreg $0xFFFFFFFF  }
0xad: {  	[dreg:$0x0] =	wrdreg $0x60  }
0xae: {  	[dreg:$0x2] =	wrdreg s24  }
0xaf: {  	[dreg:$0x3] =	wrdreg $0x58000  }
0xb0: {  	[dreg:$0x4] =	wrdreg $0x80000  }
0xb1: {  	[dreg:$0x5] =	wrdreg $0x9  }
0xb2: {  	_ =	task.clear_ibuf [dreg:s6], $0x6FFFF;
	_ =	strace $0x90000046  }
0xb3: {  	s29 =	simm.s32 $0x9;
	_ =	strace $0x80000048  }
0xb4: {  	_ =	swait.ge [sflag:s29], $0x1  }
0xb5: {  	[sflag:s29] =	ssyncadd.s32 $0xFFFFFFFF  }
0xb6: {  	_ =	strace $0x90000048  }
0xb7: {  	_ =	sfence  }
0xb8: {  	s30 =	sld [smem:$0x0];
	_ =	sdelay $0x2  }
0xb9: {  	s31 =	sshll.u32 s1, $0xD;
	s1 =	sshrl.u32 s1, $0x2  }
0xba: {  	s3 =	sand.u32 $0x4000, s31;
	s1 =	sadd.s32 s1, s30  }
0xbb: {  	s0 =	sor.u32 s3, s0;
	s1 =	sshll.u32 s1, $0x11  }
0xbc: {  	s0 =	sor.u32 s1, s0  }
0xbd: {  	s0 =	sadd.s32 $0x8F2B, s0  }
0xbe: {  	[sflag:s0] =	ssyncadd.remote.s32 $0x1  }
0xbf: {  	_ =	sfence.sel $0xFFFF  }
0xc0: {  	[dreg:$0x0] =	wrdreg $0xFFFFFFFF;
	(pc) =	sbr.abs _section_cstart, $3  }
0xc1: {  	[dreg:$0x1] =	wrdreg $0xFFFFFFFF  }
0xc2: {  	_ =	task.clear_ibuf [dreg:s6], $0x2FFFF;
	_ =	strace $0x9FFFFFFF  }
0xc3: {  	(tm) =	ssettm $0x7FFFFFFF  }
tec
execute0_lowered:
.L_overlay_start_1:
0x0: {  	(tag) =	ssettag $0x1  }
0x1: {  	s0 =	rddreg [dreg:$0x0]  }
0x2: {  	s1 =	srdreg.scid;
	s2 =	rddreg [dreg:$0x1]  }
0x3: {  	s10 =	stileid.u32;
	s3 =	rddreg [dreg:$0x2]  }
0x4: {  	s4 =	simm.s32 $0x0;
	s29 =	simm.s32 $0x5000;
	s6 =	smul.u32 $0x50, s10  }
0x5: {  	s30 =	simm.s32 $0x11;
	s31 =	simm.s32 $0xE;
	s7 =	smul.u32 $0x2800, s10  }
0x6: {  	s28 =	simm.s32 $0x8;
	s1 =	sand.u32 $0x1, s1;
	s11 =	smul.u32 $0x280, s10  }
0x7: {  	[smem:$0x7FF] =	sst s4;
	s8 =	sadd.s32 $0x20600, s0;
	s5 =	smul.u32 $0x500, s1  }
0x8: {  	_ =	strace $0x80000047;
	s16 =	ssub.s32 $0x2, s1;
	s1 =	smul.u32 $0x2800, s1  }
0x9: {  	s9 =	sshrl.u32 s16, $0x1;
	s17 =	sadd.s32 s7, s2;
	s7 =	sadd.s32 s7, s3  }
0xa: {  	s18 =	sadd.s32 $0x80, s11;
	s12 =	sadd.s32 $0x100, s11;
	s22 =	sadd.s32 $0x180, s11  }
0xb: {  	s5 =	sadd.s32 s6, s5;
	s6 =	ssub.s32 s16, s9;
	[dreg:$0x4] =	wrdreg s17  }
0xc: {  	[dreg:$0x5] =	wrdreg s7;
	s19 =	sshll.u32 s18, $0x4;
	s20 =	sshll.u32 s12, $0x4  }
0xd: {  	s14 =	sadd.s32 s11, s1;
	s15 =	sshll.u32 s22, $0x4;
	s7 =	sadd.s32 s1, s18  }
0xe: {  	s11 =	sadd.s32 $0x200, s11;
	s12 =	sadd.s32 s1, s12;
	s5 =	sshll.u32 s5, $0x4  }
0xf: {  	s13 =	sadd.s32 s19, s2;
	s9 =	sadd.s32 s19, s3;
	s21 =	sadd.s32 s20, s2  }
0x10: {  	s10 =	sadd.s32 s20, s3;
	s14 =	sshll.u32 s14, $0x1;
	s7 =	sshll.u32 s7, $0x1  }
0x11: {  	s26 =	sshll.u32 s12, $0x1;
	s19 =	sshll.u32 s11, $0x4;
	[dreg:$0x6] =	wrdreg s13  }
0x12: {  	s5 =	sadd.s32 s5, s0;
	s0 =	sadd.s32 $0x2A600, s0;
	[dreg:$0x7] =	wrdreg s21  }
0x13: {  	[dreg:$0x8] =	wrdreg s10;
	s23 =	sadd.s32 s8, s14;
	s25 =	sadd.s32 s8, s7  }
0x14: {  	s13 =	sadd.s32 s1, s22;
	s1 =	sadd.s32 s1, s11;
	s21 =	sadd.s32 s15, s2  }
0x15: {  	s22 =	sadd.s32 s15, s3;
	s11 =	simm.s32 $0x9;
	[dreg:$0x9] =	wrdreg s23  }
0x16: {  	s15 =	simm.s32 $0xB;
	s24 =	sadd.s32 s0, s14;
	[dreg:$0xb] =	wrdreg s25  }
0x17: {  	s7 =	sadd.s32 s0, s7;
	s14 =	sadd.s32 s8, s26;
	s12 =	sshll.u32 s13, $0x1  }
0x18: {  	s1 =	sshll.u32 s1, $0x1;
	s23 =	sadd.s32 s19, s2;
	[dreg:$0xa] =	wrdreg s24  }
0x19: {  	s20 =	sadd.s32 $0xC600, s5;
	s25 =	sadd.s32 $0x16600, s5;
	[dreg:$0xc] =	wrdreg s7  }
0x1a: {  	s13 =	simm.s32 $0xA;
	s5 =	simm.s32 $0x10;
	[dreg:$0xd] =	wrdreg s14  }
0x1b: {  	s7 =	sadd.s32 s0, s26;
	s16 =	sadd.s32 s8, s12;
	[dreg:$0x13] =	wrdreg s20  }
0x1c: {  	s17 =	sadd.s32 s0, s12;
	s18 =	sadd.s32 s8, s1;
	[dreg:$0x14] =	wrdreg s25  }
0x1d: {  	s0 =	sadd.s32 s0, s1;
	s24 =	sadd.s32 s19, s3;
	[dreg:$0xe] =	wrdreg s7  }
0x1e: {  	s26 =	smax.u32 s6, $0x1;
	s1 =	simm.s32 $0x80;
	[dreg:$0xf] =	wrdreg s16  }
0x1f: {  	s12 =	simm.s32 $0x2;
	s14 =	simm.s32 $0x3;
	[dreg:$0x10] =	wrdreg s17  }
0x20: {  	s19 =	simm.s32 $0xD;
	s20 =	simm.s32 $0x6;
	[dreg:$0x11] =	wrdreg s18  }
0x21: {  	s25 =	simm.s32 $0x7;
	s6 =	simm.s32 $0x0;
	[dreg:$0x12] =	wrdreg s0  }
0x22: {  	[dreg:$0x15] =	wrdreg s26;
	s0 =	simm.s32 $0x1;
	s16 =	simm.s32 $0x4  }
0x23: {  	v0 =	vimm.f32 $0.0e+00;
	v1 =	vimm.f32 $1.000000000e+00;
	s17 =	simm.s32 $0xC;
	s18 =	simm.s32 $0x5;
	s26 =	simm.s32 $0xF  }
.LBB2_1:
0x24: {  	s7 =	simm.s32 $0x40;
	s8 =	simm.s32 $0x0  }
.LBB2_2:
0x25: {  	p0 =	sne.s32 s7, $0x1FC0;
	[tilespmem:s8+$0x5000] =	vst v0;
	s8 =	smov.u32 s7;
	s7 =	sadd.s32 $0x40, s7  }
.Ltmp0:
0x26: {  	(pc) =	sbr.rel @p0 .LBB2_2-.Ltmp0, $2  }
0x27: {  	_ =	sdelay $0x2  }
0x28: {  	s8 =	sshra.s32 s8, $0x2  }
0x29: {  	[tilespmem:s8+$0x5000] =	vst v0;
	s7 =	rddreg [dreg:$0x4]  }
0x2a: {  	[spmem:s7] =	stream.linear.scatter [tilespmem:s29], [sflag:$0x11], $0x800, $0x38;
	[tilespmem:$0xA800] =	vst v63  }
0x2b: {  	_ =	swait.ge [sflag:s30], $0x800  }
0x2c: {  	[sflag:s30] =	ssyncset.done $0x0  }
0x2d: {  	s8 =	rddreg [dreg:$0x5];
	[sflag:s30] =	ssyncadd.s32 $0xFFFFF800  }
0x2e: {  	[spmem:s8] =	stream.linear.scatter [tilespmem:s29], [sflag:$0x11], $0x800, $0x38;
	[tilespmem:$0xA800] =	vst v63  }
0x2f: {  	_ =	swait.ge [sflag:s30], $0x800  }
0x30: {  	[sflag:s30] =	ssyncset.done $0x0  }
0x31: {  	s10 =	rddreg [dreg:$0x6];
	[sflag:s30] =	ssyncadd.s32 $0xFFFFF800  }
0x32: {  	[spmem:s10] =	stream.linear.scatter [tilespmem:s29], [sflag:$0x11], $0x800, $0x38;
	[tilespmem:$0xA800] =	vst v63  }
0x33: {  	_ =	swait.ge [sflag:s30], $0x800  }
0x34: {  	[sflag:s30] =	ssyncset.done $0x0  }
0x35: {  	[sflag:s30] =	ssyncadd.s32 $0xFFFFF800  }
0x36: {  	[spmem:s9] =	stream.linear.scatter [tilespmem:s29], [sflag:$0x11], $0x800, $0x38;
	[tilespmem:$0xA800] =	vst v63  }
0x37: {  	_ =	swait.ge [sflag:s30], $0x800  }
0x38: {  	[sflag:s30] =	ssyncset.done $0x0  }
0x39: {  	s8 =	rddreg [dreg:$0x7];
	[sflag:s30] =	ssyncadd.s32 $0xFFFFF800  }
0x3a: {  	[spmem:s8] =	stream.linear.scatter [tilespmem:s29], [sflag:$0x11], $0x800, $0x38;
	[tilespmem:$0xA800] =	vst v63  }
0x3b: {  	_ =	swait.ge [sflag:s30], $0x800  }
0x3c: {  	[sflag:s30] =	ssyncset.done $0x0  }
0x3d: {  	s10 =	smov.u32 s9;
	s9 =	rddreg [dreg:$0x8];
	[sflag:s30] =	ssyncadd.s32 $0xFFFFF800  }
0x3e: {  	[spmem:s9] =	stream.linear.scatter [tilespmem:s29], [sflag:$0x11], $0x800, $0x38;
	[tilespmem:$0xA800] =	vst v63  }
0x3f: {  	_ =	swait.ge [sflag:s30], $0x800  }
0x40: {  	[sflag:s30] =	ssyncset.done $0x0  }
0x41: {  	[sflag:s30] =	ssyncadd.s32 $0xFFFFF800  }
0x42: {  	[spmem:s21] =	stream.linear.scatter [tilespmem:s29], [sflag:$0x11], $0x800, $0x38;
	[tilespmem:$0xA800] =	vst v63  }
0x43: {  	_ =	swait.ge [sflag:s30], $0x800  }
0x44: {  	[sflag:s30] =	ssyncset.done $0x0  }
0x45: {  	[sflag:s30] =	ssyncadd.s32 $0xFFFFF800  }
0x46: {  	[spmem:s22] =	stream.linear.scatter [tilespmem:s29], [sflag:$0x11], $0x800, $0x38;
	[tilespmem:$0xA800] =	vst v63  }
0x47: {  	_ =	swait.ge [sflag:s30], $0x800  }
0x48: {  	[sflag:s30] =	ssyncset.done $0x0  }
0x49: {  	[sflag:s30] =	ssyncadd.s32 $0xFFFFF800  }
0x4a: {  	[spmem:s23] =	stream.linear.scatter [tilespmem:s29], [sflag:$0x11], $0x800, $0x38;
	[tilespmem:$0xA800] =	vst v63  }
0x4b: {  	_ =	swait.ge [sflag:s30], $0x800  }
0x4c: {  	[sflag:s30] =	ssyncset.done $0x0  }
0x4d: {  	[sflag:s30] =	ssyncadd.s32 $0xFFFFF800  }
0x4e: {  	[spmem:s24] =	stream.linear.scatter [tilespmem:s29], [sflag:$0x11], $0x800, $0x38;
	[tilespmem:$0xA800] =	vst v63  }
0x4f: {  	_ =	swait.ge [sflag:s30], $0x800  }
0x50: {  	[sflag:s30] =	ssyncset.done $0x0  }
0x51: {  	s7 =	simm.s32 $0x40;
	s8 =	simm.s32 $0x0;
	[sflag:s30] =	ssyncadd.s32 $0xFFFFF800  }
.LBB2_4:
0x52: {  	p0 =	sne.s32 s7, $0x1FC0;
	[tilespmem:s8+$0x5000] =	vst v1;
	s8 =	smov.u32 s7;
	s7 =	sadd.s32 $0x40, s7  }
.Ltmp1:
0x53: {  	(pc) =	sbr.rel @p0 .LBB2_4-.Ltmp1, $2  }
0x54: {  	_ =	sdelay $0x2  }
0x55: {  	s8 =	sshra.s32 s8, $0x2  }
0x56: {  	[tilespmem:s8+$0x5000] =	vst v1;
	s7 =	simm.s32 $0x0;
	s9 =	rddreg [dreg:$0x13]  }
0x57: {  	[tilespmem:s7], [sflag:$0x11] =	stream.linear.gather [hbm4b:s9+s7], $0x2800, $0x38;
	[tilespmem:$0xA800] =	vst v63  }
0x58: {  	_ =	swait.ge [sflag:s30], $0x2800  }
0x59: {  	[sflag:s30] =	ssyncset.done $0x0  }
0x5a: {  	s9 =	simm.s32 $0x2800;
	s8 =	rddreg [dreg:$0x14];
	[sflag:s30] =	ssyncadd.s32 $0xFFFFD800  }
0x5b: {  	[tilespmem:s9], [sflag:$0x11] =	stream.linear.gather [hbm4b:s8+s7], $0x2800, $0x38;
	[tilespmem:$0xA800] =	vst v63  }
0x5c: {  	_ =	swait.ge [sflag:s30], $0x2800  }
0x5d: {  	[sflag:s30] =	ssyncset.done $0x0  }
0x5e: {  	[sflag:s30] =	ssyncadd.s32 $0xFFFFD800  }
0x5f: {  	[bflag:$0x0] =	sbarrier.arrive $0xFFFF  }
0x60: {  	[spmem:s2] =	stream.indirect.scatter.add.f32 [tilespmem:s29], [sflag:$0x1], $0x10, s7, s1, $0xb8;
	[tilespmem:$0xA800] =	vst v63  }
0x61: {  	_ = 	snop  }
0x62: {  	[spmem:s3] =	stream.indirect.scatter.add.f32 [tilespmem:s29], [sflag:$0x9], $0x10, s9, s1, $0xb8;
	[tilespmem:$0xA800] =	vst v63  }
0x63: {  	_ = 	snop  }
0x64: {  	[spmem:s2] =	stream.indirect.scatter.add.f32 [tilespmem:s29], [sflag:$0x2], $0x10, s1, s1, $0xb8;
	[tilespmem:$0xA800] =	vst v63  }
0x65: {  	s8 =	simm.s32 $0x2880  }
0x66: {  	[spmem:s3] =	stream.indirect.scatter.add.f32 [tilespmem:s29], [sflag:$0xA], $0x10, s8, s1, $0xb8;
	[tilespmem:$0xA800] =	vst v63  }
0x67: {  	s9 =	simm.s32 $0x100  }
0x68: {  	[spmem:s2] =	stream.indirect.scatter.add.f32 [tilespmem:s29], [sflag:$0x3], $0x10, s9, s1, $0xb8;
	[tilespmem:$0xA800] =	vst v63  }
0x69: {  	s8 =	simm.s32 $0x2900  }
0x6a: {  	[spmem:s3] =	stream.indirect.scatter.add.f32 [tilespmem:s29], [sflag:$0xB], $0x10, s8, s1, $0xb8;
	[tilespmem:$0xA800] =	vst v63  }
0x6b: {  	s9 =	simm.s32 $0x180  }
0x6c: {  	[spmem:s2] =	stream.indirect.scatter.add.f32 [tilespmem:s29], [sflag:$0x4], $0x10, s9, s1, $0xb8;
	[tilespmem:$0xA800] =	vst v63  }
0x6d: {  	s8 =	simm.s32 $0x2980  }
0x6e: {  	[spmem:s3] =	stream.indirect.scatter.add.f32 [tilespmem:s29], [sflag:$0xC], $0x10, s8, s1, $0xb8;
	[tilespmem:$0xA800] =	vst v63  }
0x6f: {  	s9 =	simm.s32 $0x200  }
0x70: {  	[spmem:s2] =	stream.indirect.scatter.add.f32 [tilespmem:s29], [sflag:$0x5], $0x10, s9, s1, $0xb8;
	[tilespmem:$0xA800] =	vst v63  }
0x71: {  	s8 =	simm.s32 $0x2A00  }
0x72: {  	[spmem:s3] =	stream.indirect.scatter.add.f32 [tilespmem:s29], [sflag:$0xD], $0x10, s8, s1, $0xb8;
	[tilespmem:$0xA800] =	vst v63  }
0x73: {  	s9 =	simm.s32 $0x280  }
0x74: {  	[spmem:s2] =	stream.indirect.scatter.add.f32 [tilespmem:s29], [sflag:$0x6], $0x10, s9, s1, $0xb8;
	[tilespmem:$0xA800] =	vst v63  }
0x75: {  	s8 =	simm.s32 $0x2A80  }
0x76: {  	[spmem:s3] =	stream.indirect.scatter.add.f32 [tilespmem:s29], [sflag:$0xE], $0x10, s8, s1, $0xb8;
	[tilespmem:$0xA800] =	vst v63  }
0x77: {  	s9 =	simm.s32 $0x300  }
0x78: {  	[spmem:s2] =	stream.indirect.scatter.add.f32 [tilespmem:s29], [sflag:$0x7], $0x10, s9, s1, $0xb8;
	[tilespmem:$0xA800] =	vst v63  }
0x79: {  	s8 =	simm.s32 $0x2B00  }
0x7a: {  	[spmem:s3] =	stream.indirect.scatter.add.f32 [tilespmem:s29], [sflag:$0xF], $0x10, s8, s1, $0xb8;
	[tilespmem:$0xA800] =	vst v63  }
0x7b: {  	s9 =	simm.s32 $0x380  }
0x7c: {  	[spmem:s2] =	stream.indirect.scatter.add.f32 [tilespmem:s29], [sflag:$0x8], $0x10, s9, s1, $0xb8;
	[tilespmem:$0xA800] =	vst v63  }
0x7d: {  	s8 =	simm.s32 $0x2B80  }
0x7e: {  	[spmem:s3] =	stream.indirect.scatter.add.f32 [tilespmem:s29], [sflag:$0x10], $0x10, s8, s1, $0xb8;
	[tilespmem:$0xA800] =	vst v63  }
0x7f: {  	_ =	swait.ge [sflag:s0], $0x800  }
0x80: {  	[sflag:s0] =	ssyncset.done $0x0  }
0x81: {  	[sflag:s0] =	ssyncadd.s32 $0xFFFFF800  }
0x82: {  	_ =	swait.ge [sflag:s11], $0x800  }
0x83: {  	[sflag:s11] =	ssyncset.done $0x0  }
0x84: {  	s9 =	simm.s32 $0x400;
	[sflag:s11] =	ssyncadd.s32 $0xFFFFF800  }
0x85: {  	[spmem:s2] =	stream.indirect.scatter.add.f32 [tilespmem:s29], [sflag:$0x1], $0x10, s9, s1, $0xb8;
	[tilespmem:$0xA800] =	vst v63  }
0x86: {  	s8 =	simm.s32 $0x2C00  }
0x87: {  	[spmem:s3] =	stream.indirect.scatter.add.f32 [tilespmem:s29], [sflag:$0x9], $0x10, s8, s1, $0xb8;
	[tilespmem:$0xA800] =	vst v63  }
0x88: {  	_ =	swait.ge [sflag:s12], $0x800  }
0x89: {  	[sflag:s12] =	ssyncset.done $0x0  }
0x8a: {  	[sflag:s12] =	ssyncadd.s32 $0xFFFFF800  }
0x8b: {  	_ =	swait.ge [sflag:s13], $0x800  }
0x8c: {  	[sflag:s13] =	ssyncset.done $0x0  }
0x8d: {  	s9 =	simm.s32 $0x480;
	[sflag:s13] =	ssyncadd.s32 $0xFFFFF800  }
0x8e: {  	[spmem:s2] =	stream.indirect.scatter.add.f32 [tilespmem:s29], [sflag:$0x2], $0x10, s9, s1, $0xb8;
	[tilespmem:$0xA800] =	vst v63  }
0x8f: {  	s8 =	simm.s32 $0x2C80  }
0x90: {  	[spmem:s3] =	stream.indirect.scatter.add.f32 [tilespmem:s29], [sflag:$0xA], $0x10, s8, s1, $0xb8;
	[tilespmem:$0xA800] =	vst v63  }
0x91: {  	_ =	swait.ge [sflag:s14], $0x800  }
0x92: {  	[sflag:s14] =	ssyncset.done $0x0  }
0x93: {  	[sflag:s14] =	ssyncadd.s32 $0xFFFFF800  }
0x94: {  	_ =	swait.ge [sflag:s15], $0x800  }
0x95: {  	[sflag:s15] =	ssyncset.done $0x0  }
0x96: {  	s9 =	simm.s32 $0x500;
	[sflag:s15] =	ssyncadd.s32 $0xFFFFF800  }
0x97: {  	[spmem:s2] =	stream.indirect.scatter.add.f32 [tilespmem:s29], [sflag:$0x3], $0x10, s9, s1, $0xb8;
	[tilespmem:$0xA800] =	vst v63  }
0x98: {  	s8 =	simm.s32 $0x2D00  }
0x99: {  	[spmem:s3] =	stream.indirect.scatter.add.f32 [tilespmem:s29], [sflag:$0xB], $0x10, s8, s1, $0xb8;
	[tilespmem:$0xA800] =	vst v63  }
0x9a: {  	_ =	swait.ge [sflag:s16], $0x800  }
0x9b: {  	[sflag:s16] =	ssyncset.done $0x0  }
0x9c: {  	[sflag:s16] =	ssyncadd.s32 $0xFFFFF800  }
0x9d: {  	_ =	swait.ge [sflag:s17], $0x800  }
0x9e: {  	[sflag:s17] =	ssyncset.done $0x0  }
0x9f: {  	s9 =	simm.s32 $0x580;
	[sflag:s17] =	ssyncadd.s32 $0xFFFFF800  }
0xa0: {  	[spmem:s2] =	stream.indirect.scatter.add.f32 [tilespmem:s29], [sflag:$0x4], $0x10, s9, s1, $0xb8;
	[tilespmem:$0xA800] =	vst v63  }
0xa1: {  	s8 =	simm.s32 $0x2D80  }
0xa2: {  	[spmem:s3] =	stream.indirect.scatter.add.f32 [tilespmem:s29], [sflag:$0xC], $0x10, s8, s1, $0xb8;
	[tilespmem:$0xA800] =	vst v63  }
0xa3: {  	_ =	swait.ge [sflag:s18], $0x800  }
0xa4: {  	[sflag:s18] =	ssyncset.done $0x0  }
0xa5: {  	[sflag:s18] =	ssyncadd.s32 $0xFFFFF800  }
0xa6: {  	_ =	swait.ge [sflag:s19], $0x800  }
0xa7: {  	[sflag:s19] =	ssyncset.done $0x0  }
0xa8: {  	s9 =	simm.s32 $0x600;
	[sflag:s19] =	ssyncadd.s32 $0xFFFFF800  }
0xa9: {  	[spmem:s2] =	stream.indirect.scatter.add.f32 [tilespmem:s29], [sflag:$0x5], $0x10, s9, s1, $0xb8;
	[tilespmem:$0xA800] =	vst v63  }
0xaa: {  	s8 =	simm.s32 $0x2E00  }
0xab: {  	[spmem:s3] =	stream.indirect.scatter.add.f32 [tilespmem:s29], [sflag:$0xD], $0x10, s8, s1, $0xb8;
	[tilespmem:$0xA800] =	vst v63  }
0xac: {  	_ =	swait.ge [sflag:s20], $0x800  }
0xad: {  	[sflag:s20] =	ssyncset.done $0x0  }
0xae: {  	[sflag:s20] =	ssyncadd.s32 $0xFFFFF800  }
0xaf: {  	_ =	swait.ge [sflag:s31], $0x800  }
0xb0: {  	[sflag:s31] =	ssyncset.done $0x0  }
0xb1: {  	s9 =	simm.s32 $0x680;
	[sflag:s31] =	ssyncadd.s32 $0xFFFFF800  }
0xb2: {  	[spmem:s2] =	stream.indirect.scatter.add.f32 [tilespmem:s29], [sflag:$0x6], $0x10, s9, s1, $0xb8;
	[tilespmem:$0xA800] =	vst v63  }
0xb3: {  	s8 =	simm.s32 $0x2E80  }
0xb4: {  	[spmem:s3] =	stream.indirect.scatter.add.f32 [tilespmem:s29], [sflag:$0xE], $0x10, s8, s1, $0xb8;
	[tilespmem:$0xA800] =	vst v63  }
0xb5: {  	_ =	swait.ge [sflag:s25], $0x800  }
0xb6: {  	[sflag:s25] =	ssyncset.done $0x0  }
0xb7: {  	[sflag:s25] =	ssyncadd.s32 $0xFFFFF800  }
0xb8: {  	_ =	swait.ge [sflag:s26], $0x800  }
0xb9: {  	[sflag:s26] =	ssyncset.done $0x0  }
0xba: {  	s9 =	simm.s32 $0x700;
	[sflag:s26] =	ssyncadd.s32 $0xFFFFF800  }
0xbb: {  	[spmem:s2] =	stream.indirect.scatter.add.f32 [tilespmem:s29], [sflag:$0x7], $0x10, s9, s1, $0xb8;
	[tilespmem:$0xA800] =	vst v63  }
0xbc: {  	s8 =	simm.s32 $0x2F00  }
0xbd: {  	[spmem:s3] =	stream.indirect.scatter.add.f32 [tilespmem:s29], [sflag:$0xF], $0x10, s8, s1, $0xb8;
	[tilespmem:$0xA800] =	vst v63  }
0xbe: {  	_ =	swait.ge [sflag:s28], $0x800  }
0xbf: {  	[sflag:s28] =	ssyncset.done $0x0  }
0xc0: {  	[sflag:s28] =	ssyncadd.s32 $0xFFFFF800  }
0xc1: {  	_ =	swait.ge [sflag:s5], $0x800  }
0xc2: {  	s7 =	simm.s32 $0x1000;
	[sflag:s5] =	ssyncset.done $0x0  }
0xc3: {  	s9 =	simm.s32 $0x780;
	s8 =	simm.s32 $0x2F80;
	[sflag:s5] =	ssyncadd.s32 $0xFFFFF800  }
0xc4: {  	[spmem:s2] =	stream.indirect.scatter.add.f32 [tilespmem:s29], [sflag:$0x8], $0x10, s9, s1, $0xb8;
	[tilespmem:$0xA800] =	vst v63  }
.LBB2_6:
0xc5: {  	[spmem:s3] =	stream.indirect.scatter.add.f32 [tilespmem:s29], [sflag:$0x10], $0x10, s8, s1, $0xb8;
	[tilespmem:$0xA800] =	vst v63  }
0xc6: {  	s8 =	smov.u32 s7  }
0xc7: {  	p0 =	sne.s32 s7, $0x8000;
	s7 =	sadd.s32 $0x1000, s7;
	_ =	swait.ge [sflag:s0], $0x800  }
0xc8: {  	[sflag:s0] =	ssyncset.done $0x0  }
0xc9: {  	[sflag:s0] =	ssyncadd.s32 $0xFFFFF800  }
0xca: {  	_ =	swait.ge [sflag:s11], $0x800  }
0xcb: {  	s8 =	sshra.s32 s8, $0x2;
	[sflag:s11] =	ssyncset.done $0x0  }
0xcc: {  	s9 =	sadd.s32 $0x400, s8;
	[sflag:s11] =	ssyncadd.s32 $0xFFFFF800  }
0xcd: {  	[spmem:s2] =	stream.indirect.scatter.add.f32 [tilespmem:s29], [sflag:$0x1], $0x10, s9, s1, $0xb8;
	[tilespmem:$0xA800] =	vst v63  }
0xce: {  	s9 =	sadd.s32 $0x2C00, s8  }
0xcf: {  	[spmem:s3] =	stream.indirect.scatter.add.f32 [tilespmem:s29], [sflag:$0x9], $0x10, s9, s1, $0xb8;
	[tilespmem:$0xA800] =	vst v63  }
0xd0: {  	_ =	swait.ge [sflag:s12], $0x800  }
0xd1: {  	[sflag:s12] =	ssyncset.done $0x0  }
0xd2: {  	[sflag:s12] =	ssyncadd.s32 $0xFFFFF800  }
0xd3: {  	_ =	swait.ge [sflag:s13], $0x800  }
0xd4: {  	[sflag:s13] =	ssyncset.done $0x0  }
0xd5: {  	s9 =	sadd.s32 $0x480, s8;
	[sflag:s13] =	ssyncadd.s32 $0xFFFFF800  }
0xd6: {  	[spmem:s2] =	stream.indirect.scatter.add.f32 [tilespmem:s29], [sflag:$0x2], $0x10, s9, s1, $0xb8;
	[tilespmem:$0xA800] =	vst v63  }
0xd7: {  	s9 =	sadd.s32 $0x2C80, s8  }
0xd8: {  	[spmem:s3] =	stream.indirect.scatter.add.f32 [tilespmem:s29], [sflag:$0xA], $0x10, s9, s1, $0xb8;
	[tilespmem:$0xA800] =	vst v63  }
0xd9: {  	_ =	swait.ge [sflag:s14], $0x800  }
0xda: {  	[sflag:s14] =	ssyncset.done $0x0  }
0xdb: {  	[sflag:s14] =	ssyncadd.s32 $0xFFFFF800  }
0xdc: {  	_ =	swait.ge [sflag:s15], $0x800  }
0xdd: {  	[sflag:s15] =	ssyncset.done $0x0  }
0xde: {  	s9 =	sadd.s32 $0x500, s8;
	[sflag:s15] =	ssyncadd.s32 $0xFFFFF800  }
0xdf: {  	[spmem:s2] =	stream.indirect.scatter.add.f32 [tilespmem:s29], [sflag:$0x3], $0x10, s9, s1, $0xb8;
	[tilespmem:$0xA800] =	vst v63  }
0xe0: {  	s9 =	sadd.s32 $0x2D00, s8  }
0xe1: {  	[spmem:s3] =	stream.indirect.scatter.add.f32 [tilespmem:s29], [sflag:$0xB], $0x10, s9, s1, $0xb8;
	[tilespmem:$0xA800] =	vst v63  }
0xe2: {  	_ =	swait.ge [sflag:s16], $0x800  }
0xe3: {  	[sflag:s16] =	ssyncset.done $0x0  }
0xe4: {  	[sflag:s16] =	ssyncadd.s32 $0xFFFFF800  }
0xe5: {  	_ =	swait.ge [sflag:s17], $0x800  }
0xe6: {  	[sflag:s17] =	ssyncset.done $0x0  }
0xe7: {  	s9 =	sadd.s32 $0x580, s8;
	[sflag:s17] =	ssyncadd.s32 $0xFFFFF800  }
0xe8: {  	[spmem:s2] =	stream.indirect.scatter.add.f32 [tilespmem:s29], [sflag:$0x4], $0x10, s9, s1, $0xb8;
	[tilespmem:$0xA800] =	vst v63  }
0xe9: {  	s9 =	sadd.s32 $0x2D80, s8  }
0xea: {  	[spmem:s3] =	stream.indirect.scatter.add.f32 [tilespmem:s29], [sflag:$0xC], $0x10, s9, s1, $0xb8;
	[tilespmem:$0xA800] =	vst v63  }
0xeb: {  	_ =	swait.ge [sflag:s18], $0x800  }
0xec: {  	[sflag:s18] =	ssyncset.done $0x0  }
0xed: {  	[sflag:s18] =	ssyncadd.s32 $0xFFFFF800  }
0xee: {  	_ =	swait.ge [sflag:s19], $0x800  }
0xef: {  	[sflag:s19] =	ssyncset.done $0x0  }
0xf0: {  	s9 =	sadd.s32 $0x600, s8;
	[sflag:s19] =	ssyncadd.s32 $0xFFFFF800  }
0xf1: {  	[spmem:s2] =	stream.indirect.scatter.add.f32 [tilespmem:s29], [sflag:$0x5], $0x10, s9, s1, $0xb8;
	[tilespmem:$0xA800] =	vst v63  }
0xf2: {  	s9 =	sadd.s32 $0x2E00, s8  }
0xf3: {  	[spmem:s3] =	stream.indirect.scatter.add.f32 [tilespmem:s29], [sflag:$0xD], $0x10, s9, s1, $0xb8;
	[tilespmem:$0xA800] =	vst v63  }
0xf4: {  	_ =	swait.ge [sflag:s20], $0x800  }
0xf5: {  	[sflag:s20] =	ssyncset.done $0x0  }
0xf6: {  	[sflag:s20] =	ssyncadd.s32 $0xFFFFF800  }
0xf7: {  	_ =	swait.ge [sflag:s31], $0x800  }
0xf8: {  	[sflag:s31] =	ssyncset.done $0x0  }
0xf9: {  	s9 =	sadd.s32 $0x680, s8;
	[sflag:s31] =	ssyncadd.s32 $0xFFFFF800  }
0xfa: {  	[spmem:s2] =	stream.indirect.scatter.add.f32 [tilespmem:s29], [sflag:$0x6], $0x10, s9, s1, $0xb8;
	[tilespmem:$0xA800] =	vst v63  }
0xfb: {  	s9 =	sadd.s32 $0x2E80, s8  }
0xfc: {  	[spmem:s3] =	stream.indirect.scatter.add.f32 [tilespmem:s29], [sflag:$0xE], $0x10, s9, s1, $0xb8;
	[tilespmem:$0xA800] =	vst v63  }
0xfd: {  	_ =	swait.ge [sflag:s25], $0x800  }
0xfe: {  	[sflag:s25] =	ssyncset.done $0x0  }
0xff: {  	[sflag:s25] =	ssyncadd.s32 $0xFFFFF800  }
0x100: {  	_ =	swait.ge [sflag:s26], $0x800  }
0x101: {  	[sflag:s26] =	ssyncset.done $0x0  }
0x102: {  	s9 =	sadd.s32 $0x700, s8;
	[sflag:s26] =	ssyncadd.s32 $0xFFFFF800  }
0x103: {  	[spmem:s2] =	stream.indirect.scatter.add.f32 [tilespmem:s29], [sflag:$0x7], $0x10, s9, s1, $0xb8;
	[tilespmem:$0xA800] =	vst v63  }
0x104: {  	s9 =	sadd.s32 $0x2F00, s8  }
0x105: {  	[spmem:s3] =	stream.indirect.scatter.add.f32 [tilespmem:s29], [sflag:$0xF], $0x10, s9, s1, $0xb8;
	[tilespmem:$0xA800] =	vst v63  }
0x106: {  	_ =	swait.ge [sflag:s28], $0x800  }
0x107: {  	[sflag:s28] =	ssyncset.done $0x0  }
0x108: {  	[sflag:s28] =	ssyncadd.s32 $0xFFFFF800  }
.Ltmp2:
0x109: {  	_ =	swait.ge [sflag:s5], $0x800;
	(pc) =	sbr.rel @p0 .LBB2_6-.Ltmp2, $4  }
0x10a: {  	[sflag:s5] =	ssyncset.done $0x0  }
0x10b: {  	s9 =	sadd.s32 $0x780, s8;
	[sflag:s5] =	ssyncadd.s32 $0xFFFFF800  }
0x10c: {  	[spmem:s2] =	stream.indirect.scatter.add.f32 [tilespmem:s29], [sflag:$0x8], $0x10, s9, s1, $0xb8;
	[tilespmem:$0xA800] =	vst v63  }
0x10d: {  	s8 =	sadd.s32 $0x2F80, s8  }
0x10e: {  	[spmem:s3] =	stream.indirect.scatter.add.f32 [tilespmem:s29], [sflag:$0x10], $0x10, s8, s1, $0xb8;
	[tilespmem:$0xA800] =	vst v63  }
0x10f: {  	_ =	swait.ge [sflag:s0], $0x800  }
0x110: {  	[sflag:s0] =	ssyncset.done $0x0  }
0x111: {  	[sflag:s0] =	ssyncadd.s32 $0xFFFFF800  }
0x112: {  	_ =	swait.ge [sflag:s11], $0x800  }
0x113: {  	[sflag:s11] =	ssyncset.done $0x0  }
0x114: {  	[sflag:s11] =	ssyncadd.s32 $0xFFFFF800  }
0x115: {  	_ =	swait.ge [sflag:s12], $0x800  }
0x116: {  	[sflag:s12] =	ssyncset.done $0x0  }
0x117: {  	[sflag:s12] =	ssyncadd.s32 $0xFFFFF800  }
0x118: {  	_ =	swait.ge [sflag:s13], $0x800  }
0x119: {  	[sflag:s13] =	ssyncset.done $0x0  }
0x11a: {  	[sflag:s13] =	ssyncadd.s32 $0xFFFFF800  }
0x11b: {  	_ =	swait.ge [sflag:s14], $0x800  }
0x11c: {  	[sflag:s14] =	ssyncset.done $0x0  }
0x11d: {  	[sflag:s14] =	ssyncadd.s32 $0xFFFFF800  }
0x11e: {  	_ =	swait.ge [sflag:s15], $0x800  }
0x11f: {  	[sflag:s15] =	ssyncset.done $0x0  }
0x120: {  	[sflag:s15] =	ssyncadd.s32 $0xFFFFF800  }
0x121: {  	_ =	swait.ge [sflag:s16], $0x800  }
0x122: {  	[sflag:s16] =	ssyncset.done $0x0  }
0x123: {  	[sflag:s16] =	ssyncadd.s32 $0xFFFFF800  }
0x124: {  	_ =	swait.ge [sflag:s17], $0x800  }
0x125: {  	[sflag:s17] =	ssyncset.done $0x0  }
0x126: {  	[sflag:s17] =	ssyncadd.s32 $0xFFFFF800  }
0x127: {  	_ =	swait.ge [sflag:s18], $0x800  }
0x128: {  	[sflag:s18] =	ssyncset.done $0x0  }
0x129: {  	[sflag:s18] =	ssyncadd.s32 $0xFFFFF800  }
0x12a: {  	_ =	swait.ge [sflag:s19], $0x800  }
0x12b: {  	[sflag:s19] =	ssyncset.done $0x0  }
0x12c: {  	[sflag:s19] =	ssyncadd.s32 $0xFFFFF800  }
0x12d: {  	_ =	swait.ge [sflag:s20], $0x800  }
0x12e: {  	[sflag:s20] =	ssyncset.done $0x0  }
0x12f: {  	[sflag:s20] =	ssyncadd.s32 $0xFFFFF800  }
0x130: {  	_ =	swait.ge [sflag:s31], $0x800  }
0x131: {  	[sflag:s31] =	ssyncset.done $0x0  }
0x132: {  	[sflag:s31] =	ssyncadd.s32 $0xFFFFF800  }
0x133: {  	_ =	swait.ge [sflag:s25], $0x800  }
0x134: {  	[sflag:s25] =	ssyncset.done $0x0  }
0x135: {  	[sflag:s25] =	ssyncadd.s32 $0xFFFFF800  }
0x136: {  	_ =	swait.ge [sflag:s26], $0x800  }
0x137: {  	[sflag:s26] =	ssyncset.done $0x0  }
0x138: {  	[sflag:s26] =	ssyncadd.s32 $0xFFFFF800  }
0x139: {  	_ =	swait.ge [sflag:s28], $0x800  }
0x13a: {  	[sflag:s28] =	ssyncset.done $0x0  }
0x13b: {  	[sflag:s28] =	ssyncadd.s32 $0xFFFFF800  }
0x13c: {  	_ =	swait.ge [sflag:s5], $0x800  }
0x13d: {  	[sflag:s5] =	ssyncset.done $0x0  }
0x13e: {  	[sflag:s5] =	ssyncadd.s32 $0xFFFFF800  }
0x13f: {  	[bflag:$0x0] =	sbarrier.arrive $0xFFFF  }
0x140: {  	s7 =	rddreg [dreg:$0x4]  }
0x141: {  	[tilespmem:s29], [sflag:$0x11] =	stream.linear.gather [spmem:s7], $0x800, $0x38;
	[tilespmem:$0xA800] =	vst v63  }
0x142: {  	_ =	swait.ge [sflag:s30], $0x800  }
0x143: {  	[sflag:s30] =	ssyncset.done $0x0  }
0x144: {  	s9 =	rddreg [dreg:$0x9];
	[sflag:s30] =	ssyncadd.s32 $0xFFFFF800  }
0x145: {  	[hbm4b:s9+s4] =	stream.linear.scatter [tilespmem:s29], [sflag:$0x11], $0x800, $0x38;
	[tilespmem:$0xA800] =	vst v63  }
0x146: {  	_ =	swait.ge [sflag:s30], $0x800  }
0x147: {  	[sflag:s30] =	ssyncset.done $0x0  }
0x148: {  	s8 =	rddreg [dreg:$0x5];
	[sflag:s30] =	ssyncadd.s32 $0xFFFFF800  }
0x149: {  	[tilespmem:s29], [sflag:$0x11] =	stream.linear.gather [spmem:s8], $0x800, $0x38;
	[tilespmem:$0xA800] =	vst v63  }
0x14a: {  	_ =	swait.ge [sflag:s30], $0x800  }
0x14b: {  	[sflag:s30] =	ssyncset.done $0x0  }
0x14c: {  	s9 =	rddreg [dreg:$0xa];
	[sflag:s30] =	ssyncadd.s32 $0xFFFFF800  }
0x14d: {  	[hbm4b:s9+s4] =	stream.linear.scatter [tilespmem:s29], [sflag:$0x11], $0x800, $0x38;
	[tilespmem:$0xA800] =	vst v63  }
0x14e: {  	_ =	swait.ge [sflag:s30], $0x800  }
0x14f: {  	[sflag:s30] =	ssyncset.done $0x0  }
0x150: {  	s8 =	rddreg [dreg:$0x6];
	[sflag:s30] =	ssyncadd.s32 $0xFFFFF800  }
0x151: {  	[tilespmem:s29], [sflag:$0x11] =	stream.linear.gather [spmem:s8], $0x800, $0x38;
	[tilespmem:$0xA800] =	vst v63  }
0x152: {  	_ =	swait.ge [sflag:s30], $0x800  }
0x153: {  	[sflag:s30] =	ssyncset.done $0x0  }
0x154: {  	s9 =	rddreg [dreg:$0xb];
	[sflag:s30] =	ssyncadd.s32 $0xFFFFF800  }
0x155: {  	[hbm4b:s9+s4] =	stream.linear.scatter [tilespmem:s29], [sflag:$0x11], $0x800, $0x38;
	[tilespmem:$0xA800] =	vst v63  }
0x156: {  	_ =	swait.ge [sflag:s30], $0x800  }
0x157: {  	[sflag:s30] =	ssyncset.done $0x0  }
0x158: {  	[sflag:s30] =	ssyncadd.s32 $0xFFFFF800  }
0x159: {  	[tilespmem:s29], [sflag:$0x11] =	stream.linear.gather [spmem:s10], $0x800, $0x38;
	[tilespmem:$0xA800] =	vst v63  }
0x15a: {  	_ =	swait.ge [sflag:s30], $0x800  }
0x15b: {  	[sflag:s30] =	ssyncset.done $0x0  }
0x15c: {  	s8 =	rddreg [dreg:$0xc];
	[sflag:s30] =	ssyncadd.s32 $0xFFFFF800  }
0x15d: {  	[hbm4b:s8+s4] =	stream.linear.scatter [tilespmem:s29], [sflag:$0x11], $0x800, $0x38;
	[tilespmem:$0xA800] =	vst v63  }
0x15e: {  	_ =	swait.ge [sflag:s30], $0x800  }
0x15f: {  	[sflag:s30] =	ssyncset.done $0x0  }
0x160: {  	s9 =	smov.u32 s10;
	s10 =	rddreg [dreg:$0x7];
	[sflag:s30] =	ssyncadd.s32 $0xFFFFF800  }
0x161: {  	[tilespmem:s29], [sflag:$0x11] =	stream.linear.gather [spmem:s10], $0x800, $0x38;
	[tilespmem:$0xA800] =	vst v63  }
0x162: {  	_ =	swait.ge [sflag:s30], $0x800  }
0x163: {  	[sflag:s30] =	ssyncset.done $0x0  }
0x164: {  	s8 =	rddreg [dreg:$0xd];
	[sflag:s30] =	ssyncadd.s32 $0xFFFFF800  }
0x165: {  	[hbm4b:s8+s4] =	stream.linear.scatter [tilespmem:s29], [sflag:$0x11], $0x800, $0x38;
	[tilespmem:$0xA800] =	vst v63  }
0x166: {  	_ =	swait.ge [sflag:s30], $0x800  }
0x167: {  	[sflag:s30] =	ssyncset.done $0x0  }
0x168: {  	s10 =	rddreg [dreg:$0x8];
	[sflag:s30] =	ssyncadd.s32 $0xFFFFF800  }
0x169: {  	[tilespmem:s29], [sflag:$0x11] =	stream.linear.gather [spmem:s10], $0x800, $0x38;
	[tilespmem:$0xA800] =	vst v63  }
0x16a: {  	_ =	swait.ge [sflag:s30], $0x800  }
0x16b: {  	[sflag:s30] =	ssyncset.done $0x0  }
0x16c: {  	s8 =	rddreg [dreg:$0xe];
	[sflag:s30] =	ssyncadd.s32 $0xFFFFF800  }
0x16d: {  	[hbm4b:s8+s4] =	stream.linear.scatter [tilespmem:s29], [sflag:$0x11], $0x800, $0x38;
	[tilespmem:$0xA800] =	vst v63  }
0x16e: {  	_ =	swait.ge [sflag:s30], $0x800  }
0x16f: {  	[sflag:s30] =	ssyncset.done $0x0  }
0x170: {  	[sflag:s30] =	ssyncadd.s32 $0xFFFFF800  }
0x171: {  	[tilespmem:s29], [sflag:$0x11] =	stream.linear.gather [spmem:s21], $0x800, $0x38;
	[tilespmem:$0xA800] =	vst v63  }
0x172: {  	_ =	swait.ge [sflag:s30], $0x800  }
0x173: {  	[sflag:s30] =	ssyncset.done $0x0  }
0x174: {  	s10 =	rddreg [dreg:$0xf];
	[sflag:s30] =	ssyncadd.s32 $0xFFFFF800  }
0x175: {  	[hbm4b:s10+s4] =	stream.linear.scatter [tilespmem:s29], [sflag:$0x11], $0x800, $0x38;
	[tilespmem:$0xA800] =	vst v63  }
0x176: {  	_ =	swait.ge [sflag:s30], $0x800  }
0x177: {  	[sflag:s30] =	ssyncset.done $0x0  }
0x178: {  	[sflag:s30] =	ssyncadd.s32 $0xFFFFF800  }
0x179: {  	[tilespmem:s29], [sflag:$0x11] =	stream.linear.gather [spmem:s22], $0x800, $0x38;
	[tilespmem:$0xA800] =	vst v63  }
0x17a: {  	_ =	swait.ge [sflag:s30], $0x800  }
0x17b: {  	[sflag:s30] =	ssyncset.done $0x0  }
0x17c: {  	s8 =	rddreg [dreg:$0x10];
	[sflag:s30] =	ssyncadd.s32 $0xFFFFF800  }
0x17d: {  	[hbm4b:s8+s4] =	stream.linear.scatter [tilespmem:s29], [sflag:$0x11], $0x800, $0x38;
	[tilespmem:$0xA800] =	vst v63  }
0x17e: {  	_ =	swait.ge [sflag:s30], $0x800  }
0x17f: {  	[sflag:s30] =	ssyncset.done $0x0  }
0x180: {  	[sflag:s30] =	ssyncadd.s32 $0xFFFFF800  }
0x181: {  	[tilespmem:s29], [sflag:$0x11] =	stream.linear.gather [spmem:s23], $0x800, $0x38;
	[tilespmem:$0xA800] =	vst v63  }
0x182: {  	_ =	swait.ge [sflag:s30], $0x800  }
0x183: {  	[sflag:s30] =	ssyncset.done $0x0  }
0x184: {  	s10 =	rddreg [dreg:$0x11];
	[sflag:s30] =	ssyncadd.s32 $0xFFFFF800  }
0x185: {  	[hbm4b:s10+s4] =	stream.linear.scatter [tilespmem:s29], [sflag:$0x11], $0x800, $0x38;
	[tilespmem:$0xA800] =	vst v63  }
0x186: {  	_ =	swait.ge [sflag:s30], $0x800  }
0x187: {  	[sflag:s30] =	ssyncset.done $0x0  }
0x188: {  	[sflag:s30] =	ssyncadd.s32 $0xFFFFF800  }
0x189: {  	[tilespmem:s29], [sflag:$0x11] =	stream.linear.gather [spmem:s24], $0x800, $0x38;
	[tilespmem:$0xA800] =	vst v63  }
0x18a: {  	_ =	swait.ge [sflag:s30], $0x800  }
0x18b: {  	[sflag:s30] =	ssyncset.done $0x0  }
0x18c: {  	s8 =	rddreg [dreg:$0x12];
	[sflag:s30] =	ssyncadd.s32 $0xFFFFF800  }
0x18d: {  	[hbm4b:s8+s4] =	stream.linear.scatter [tilespmem:s29], [sflag:$0x11], $0x800, $0x38;
	[tilespmem:$0xA800] =	vst v63  }
0x18e: {  	_ =	swait.ge [sflag:s30], $0x800  }
0x18f: {  	s6 =	sadd.s32 $0x1, s6;
	s10 =	rddreg [dreg:$0x15]  }
0x190: {  	p0 =	sne.s32 s6, s10  }
.Ltmp3:
0x191: {  	_ = 	snop;
	(pc) =	sbr.rel @p0 .LBB2_1-.Ltmp3, $3  }
0x192: {  	_ =	sdelay $0x1  }
0x193: {  	[sflag:s30] =	ssyncset.done $0x0  }
0x194: {  	[sflag:s30] =	ssyncadd.s32 $0xFFFFF800  }
0x195: {  	_ =	sfence.sel $0x180000  }
0x196: {  	[bflag:$0x0] =	sbarrier.arrive $0xFFFF  }
0x197: {  	_ =	strace $0x90000047  }
0x198: {  	s0 =	stileid.u32;
	[bflag:$0x2] =	sbarrier.arrive $0xFFFF  }
0x199: {  	p0 =	sne.s32 s0, $0x0;
	s0 =	rddreg [dreg:$0x3]  }
0x19a: {  	s0 =	sadd.s32 @!p0 $0x100000, s0  }
0x19b: {  	[sflag:s0] =	ssyncadd.tile.s32 @!p0 $0x1;
	_ =	shalt  }
.Lfunc_end2:
_tile_overlayer_lowered:
.L_overlay_start_2:
0x19c: {  	(tag) =	ssettag $0x2  }
0x19d: {  	s0 =	rddreg [dreg:$0x0];
	s2 =	stileid.u32  }
0x19e: {  	s1 =	rddreg [dreg:$0x1];
	p0 =	sne.s32 s2, $0x0  }
0x19f: {  	s3 =	rddreg [dreg:$0x2];
	[bflag:$0x3] =	sbarrier.arrive $0xFFFF;
	s2 =	simm.s32 @!p0 $0x1C11  }
0x1a0: {  	[timem:s3], [sflag:s2] =	dma.local @!p0 [hbm:s0], s1  }
0x1a1: {  	s0 =	simm.s32 @!p0 $0x11  }
0x1a2: {  	_ =	swait.ge @!p0 [sflag:s0], s1  }
0x1a3: {  	s1 =	ssub.s32 @!p0 $0x0, s1;
	[sflag:s0] =	ssyncset.done @!p0 $0x0  }
0x1a4: {  	[sflag:s0] =	ssyncadd.s32 @!p0 s1  }
0x1a5: {  	[bflag:$0x3] =	sbarrier.arrive $0xFFFF  }
0x1a6: {  	_ =	shalt  }

</sc_bundles>
